<compile_context>
chip_gen: v7x
topology: tpu7x:2x2x1
jax: 0.10.2.dev20260603
libtpu: 0.0.44.dev20260713+nightly
codegen_flags: <defaults>
</compile_context>

<pallas_src>
import functools

import jax
import jax.numpy as jnp
from jax import lax
from jax.experimental import pallas as pl
from jax.experimental.pallas import tpu as pltpu
from jax.experimental.pallas import tpu_sc as plsc

_BINS = (-1.1503, -0.6745, -0.3186, 0.0, 0.3186, 0.6745, 1.1503)

_N = 32768
_LANES = 16
_SUB = 8
_LD = 1024
_ROUND = 8
_RELEM = _ROUND * _SUB
_NBUF = 12


def _bucketize(v):
    acc = (v > _BINS[0]).astype(jnp.int32)
    for b in _BINS[1:]:
        acc = acc + (v > b).astype(jnp.int32)
    return acc


def _sc_kernel(bpw: int, x_hbm, out_hbm, buf0, buf1, buf2, buf3, buf4,
               buf5, buf6, buf7, buf8, buf9, buf10, buf11, res_v,
               sem0, sem1, sem2, sem3, sem4, sem5, sem6, sem7, sem8,
               sem9, sem10, sem11, out_sem):
    nc = plsc.get_sparse_core_info().num_cores
    wid = lax.axis_index("s") * nc + lax.axis_index("c")
    base = pl.multiple_of(wid * bpw, bpw)
    blk0 = pl.multiple_of(wid * (bpw // _SUB), bpw // _SUB)

    lanes = lax.iota(jnp.int32, _LANES)
    zeros = lanes * 0
    n_blocks = bpw // _SUB

    bufs = (buf0, buf1, buf2, buf3, buf4, buf5, buf6, buf7, buf8, buf9,
            buf10, buf11)
    sems = (sem0, sem1, sem2, sem3, sem4, sem5, sem6, sem7, sem8, sem9,
            sem10, sem11)

    def fire(rnd):
        return pltpu.async_copy(
            x_hbm.at[pl.ds(blk0 + rnd * _ROUND, _ROUND), :, pl.ds(0, 128)],
            bufs[rnd % _NBUF], sems[rnd % _NBUF])

    n_rounds = n_blocks // _ROUND
    depth = min(_NBUF - 1, n_rounds)
    cps = [None] * _NBUF
    for rnd in range(depth):
        cps[rnd % _NBUF] = fire(rnd)
    out_cps = []
    for rnd in range(n_rounds):
        if rnd + depth < n_rounds:
            cps[(rnd + depth) % _NBUF] = fire(rnd + depth)
        cps[rnd % _NBUF].wait()
        buf = bufs[rnd % _NBUF]
        for g in range(_RELEM // _LANES):
            e = g * _LANES + lanes
            v = plsc.load_gather(
                buf, [lax.shift_right_logical(e, 3),
                      lax.bitwise_and(e, _SUB - 1), zeros])
            res_v[pl.ds(rnd * _RELEM + g * _LANES, _LANES)] = _bucketize(v)
        out_cps.append(
            pltpu.async_copy(
                res_v.at[pl.ds(rnd * _RELEM, _RELEM)],
                out_hbm.at[pl.ds(base + rnd * _RELEM, _RELEM)], out_sem))
    for cp in out_cps:
        cp.wait()


def kernel(x):
    info = plsc.get_sparse_core_info()
    n_workers = info.num_cores * info.num_subcores
    bpw = _N // n_workers

    x3 = x.reshape(_N * 2 // _SUB, _SUB, _LD)

    mesh = plsc.VectorSubcoreMesh(core_axis_name="c", subcore_axis_name="s")
    k = functools.partial(
        pl.kernel,
        mesh=mesh,
        compiler_params=pltpu.CompilerParams(needs_layout_passes=False),
        out_type=jax.ShapeDtypeStruct((_N,), jnp.int32),
        scratch_types=[
            pltpu.VMEM((_ROUND, _SUB, 128), jnp.float32),
            pltpu.VMEM((_ROUND, _SUB, 128), jnp.float32),
            pltpu.VMEM((_ROUND, _SUB, 128), jnp.float32),
            pltpu.VMEM((_ROUND, _SUB, 128), jnp.float32),
            pltpu.VMEM((_ROUND, _SUB, 128), jnp.float32),
            pltpu.VMEM((_ROUND, _SUB, 128), jnp.float32),
            pltpu.VMEM((_ROUND, _SUB, 128), jnp.float32),
            pltpu.VMEM((_ROUND, _SUB, 128), jnp.float32),
            pltpu.VMEM((_ROUND, _SUB, 128), jnp.float32),
            pltpu.VMEM((_ROUND, _SUB, 128), jnp.float32),
            pltpu.VMEM((_ROUND, _SUB, 128), jnp.float32),
            pltpu.VMEM((_ROUND, _SUB, 128), jnp.float32),
            pltpu.VMEM((bpw,), jnp.int32),
            pltpu.SemaphoreType.DMA,
            pltpu.SemaphoreType.DMA,
            pltpu.SemaphoreType.DMA,
            pltpu.SemaphoreType.DMA,
            pltpu.SemaphoreType.DMA,
            pltpu.SemaphoreType.DMA,
            pltpu.SemaphoreType.DMA,
            pltpu.SemaphoreType.DMA,
            pltpu.SemaphoreType.DMA,
            pltpu.SemaphoreType.DMA,
            pltpu.SemaphoreType.DMA,
            pltpu.SemaphoreType.DMA,
            pltpu.SemaphoreType.DMA,
        ],
    )(functools.partial(_sc_kernel, bpw))

    return k(x3)

# --- scband reference (transcript-rebuilt; emitter-appended) ---
"""Pipeline reference for scband-dispatch-by-variable-25872882991253 (READ-ONLY COPY).

The authoritative reference and input builder live on the scoring server;
editing this copy changes nothing except your own understanding.
"""

import jax, jax.numpy as jnp
import numpy as np

BINS = [-1.1503, -0.6745, -0.3186, 0.0, 0.3186, 0.6745, 1.1503]
VARIABLE = 0
INDEX = 0

def setup_inputs(seed: int = 0) -> dict:
    key = jax.random.key(seed)
    x = jax.random.normal(key, (2, 32768, 1024), dtype=jnp.float32)
    return {"x": x}

def reference(x):
    # get_binning_variable: x[variable][..., index]
    y = x[VARIABLE][..., INDEX]
    # bucketize(y, bins): result += (y > boundary) for each boundary
    result = jnp.zeros(y.shape, dtype=jnp.int32)
    for boundary in BINS:
        result = result + (y > boundary).astype(jnp.int32)
    return result

if __name__ == "__main__":
    import jax
    _d = setup_inputs()
    print(jax.jit(kernel)(*tuple(_d.values())))

</pallas_src>

<mosaic_0001>
#map = affine_map<(d0, d1) -> (0, 0, 0)>
#map1 = affine_map<(d0, d1) -> (0)>
module attributes {stable_mosaic.version = 14 : i64} {
  func.func @_sc_kernel(%arg0: i32, %arg1: i32, %arg2: memref<8192x8x1024xf32, #tpu.memory_space<hbm>>, %arg3: memref<32768xi32, #tpu.memory_space<hbm>>, %arg4: memref<8x8x128xf32, #tpu.memory_space<vmem>>, %arg5: memref<8x8x128xf32, #tpu.memory_space<vmem>>, %arg6: memref<8x8x128xf32, #tpu.memory_space<vmem>>, %arg7: memref<8x8x128xf32, #tpu.memory_space<vmem>>, %arg8: memref<8x8x128xf32, #tpu.memory_space<vmem>>, %arg9: memref<8x8x128xf32, #tpu.memory_space<vmem>>, %arg10: memref<8x8x128xf32, #tpu.memory_space<vmem>>, %arg11: memref<8x8x128xf32, #tpu.memory_space<vmem>>, %arg12: memref<8x8x128xf32, #tpu.memory_space<vmem>>, %arg13: memref<8x8x128xf32, #tpu.memory_space<vmem>>, %arg14: memref<8x8x128xf32, #tpu.memory_space<vmem>>, %arg15: memref<8x8x128xf32, #tpu.memory_space<vmem>>, %arg16: memref<1024xi32, #tpu.memory_space<vmem>>, %arg17: memref<!tpu.dma_semaphore, #tpu.memory_space<semaphore_mem>>, %arg18: memref<!tpu.dma_semaphore, #tpu.memory_space<semaphore_mem>>, %arg19: memref<!tpu.dma_semaphore, #tpu.memory_space<semaphore_mem>>, %arg20: memref<!tpu.dma_semaphore, #tpu.memory_space<semaphore_mem>>, %arg21: memref<!tpu.dma_semaphore, #tpu.memory_space<semaphore_mem>>, %arg22: memref<!tpu.dma_semaphore, #tpu.memory_space<semaphore_mem>>, %arg23: memref<!tpu.dma_semaphore, #tpu.memory_space<semaphore_mem>>, %arg24: memref<!tpu.dma_semaphore, #tpu.memory_space<semaphore_mem>>, %arg25: memref<!tpu.dma_semaphore, #tpu.memory_space<semaphore_mem>>, %arg26: memref<!tpu.dma_semaphore, #tpu.memory_space<semaphore_mem>>, %arg27: memref<!tpu.dma_semaphore, #tpu.memory_space<semaphore_mem>>, %arg28: memref<!tpu.dma_semaphore, #tpu.memory_space<semaphore_mem>>, %arg29: memref<!tpu.dma_semaphore, #tpu.memory_space<semaphore_mem>>) attributes {dimension_semantics = [#tpu.dimension_semantics<core_parallel>, #tpu.dimension_semantics<subcore_parallel>], iteration_bounds = array<i64: 2, 16>, scalar_prefetch = 0 : i64, scratch_operands = 26 : i64, tpu.core_type = #tpu.core_type<sc_vector_subcore>, window_params = [{transform_indices = #map}, {transform_indices = #map1}]} {
    %mul3A = arith.constant 2 : i32
    %mul3A_0 = arith.muli %arg1, %mul3A : i32
    %add3A = arith.addi %mul3A_0, %arg0 : i32
    %mul3A_1 = arith.constant 1024 : i32
    %mul3A_2 = arith.muli %add3A, %mul3A_1 : i32
    %multiple_of3A = tpu.assume_multiple %mul3A_2, 1024 : i32
    %mul3A_3 = arith.constant 128 : i32
    %mul3A_4 = arith.muli %add3A, %mul3A_3 : i32
    %multiple_of3A_5 = tpu.assume_multiple %mul3A_4, 128 : i32
    %iota3A = tpu.iota {dimensions = array<i32: 0>} : vector<16xi32>
    %mul3A_6 = arith.constant 0 : i32
    %mul3A_7 = vector.broadcast %mul3A_6 : i32 to vector<16xi32>
    %mul3A_8 = arith.muli %iota3A, %mul3A_7 : vector<16xi32>
    %add3A_9 = arith.constant 0 : i32
    %add3A_10 = arith.addi %multiple_of3A_5, %add3A_9 : i32
    %dma_start3A = arith.constant 0 : i32
    %dma_start3A_11 = arith.constant 0 : i32
    %dma_start3A_12 = tpu.memref_slice %arg2[%add3A_10, %dma_start3A, %dma_start3A_11] : memref<8192x8x1024xf32, #tpu.memory_space<hbm>> -> memref<8x8x128xf32, #tpu.memory_space<hbm>>
    %dma_start3A_13 = arith.constant 0 : i32
    %dma_start3A_14 = arith.constant 0 : i32
    %dma_start3A_15 = tpu.memref_slice %arg2[%add3A_10, %dma_start3A_13, %dma_start3A_14] : memref<8192x8x1024xf32, #tpu.memory_space<hbm>> -> memref<8x8x128xf32, #tpu.memory_space<hbm>>
    tpu.enqueue_dma source(%dma_start3A_15 : memref<8x8x128xf32, #tpu.memory_space<hbm>>) target(%arg4 : memref<8x8x128xf32, #tpu.memory_space<vmem>>) target_semaphore(%arg17 : memref<!tpu.dma_semaphore, #tpu.memory_space<semaphore_mem>>)
    %add3A_16 = arith.constant 8 : i32
    %add3A_17 = arith.addi %multiple_of3A_5, %add3A_16 : i32
    %dma_start3A_18 = arith.constant 0 : i32
    %dma_start3A_19 = arith.constant 0 : i32
    %dma_start3A_20 = tpu.memref_slice %arg2[%add3A_17, %dma_start3A_18, %dma_start3A_19] : memref<8192x8x1024xf32, #tpu.memory_space<hbm>> -> memref<8x8x128xf32, #tpu.memory_space<hbm>>
    %dma_start3A_21 = arith.constant 0 : i32
    %dma_start3A_22 = arith.constant 0 : i32
    %dma_start3A_23 = tpu.memref_slice %arg2[%add3A_17, %dma_start3A_21, %dma_start3A_22] : memref<8192x8x1024xf32, #tpu.memory_space<hbm>> -> memref<8x8x128xf32, #tpu.memory_space<hbm>>
    tpu.enqueue_dma source(%dma_start3A_23 : memref<8x8x128xf32, #tpu.memory_space<hbm>>) target(%arg5 : memref<8x8x128xf32, #tpu.memory_space<vmem>>) target_semaphore(%arg18 : memref<!tpu.dma_semaphore, #tpu.memory_space<semaphore_mem>>)
    %add3A_24 = arith.constant 16 : i32
    %add3A_25 = arith.addi %multiple_of3A_5, %add3A_24 : i32
    %dma_start3A_26 = arith.constant 0 : i32
    %dma_start3A_27 = arith.constant 0 : i32
    %dma_start3A_28 = tpu.memref_slice %arg2[%add3A_25, %dma_start3A_26, %dma_start3A_27] : memref<8192x8x1024xf32, #tpu.memory_space<hbm>> -> memref<8x8x128xf32, #tpu.memory_space<hbm>>
    %dma_start3A_29 = arith.constant 0 : i32
    %dma_start3A_30 = arith.constant 0 : i32
    %dma_start3A_31 = tpu.memref_slice %arg2[%add3A_25, %dma_start3A_29, %dma_start3A_30] : memref<8192x8x1024xf32, #tpu.memory_space<hbm>> -> memref<8x8x128xf32, #tpu.memory_space<hbm>>
    tpu.enqueue_dma source(%dma_start3A_31 : memref<8x8x128xf32, #tpu.memory_space<hbm>>) target(%arg6 : memref<8x8x128xf32, #tpu.memory_space<vmem>>) target_semaphore(%arg19 : memref<!tpu.dma_semaphore, #tpu.memory_space<semaphore_mem>>)
    %add3A_32 = arith.constant 24 : i32
    %add3A_33 = arith.addi %multiple_of3A_5, %add3A_32 : i32
    %dma_start3A_34 = arith.constant 0 : i32
    %dma_start3A_35 = arith.constant 0 : i32
    %dma_start3A_36 = tpu.memref_slice %arg2[%add3A_33, %dma_start3A_34, %dma_start3A_35] : memref<8192x8x1024xf32, #tpu.memory_space<hbm>> -> memref<8x8x128xf32, #tpu.memory_space<hbm>>
    %dma_start3A_37 = arith.constant 0 : i32
    %dma_start3A_38 = arith.constant 0 : i32
    %dma_start3A_39 = tpu.memref_slice %arg2[%add3A_33, %dma_start3A_37, %dma_start3A_38] : memref<8192x8x1024xf32, #tpu.memory_space<hbm>> -> memref<8x8x128xf32, #tpu.memory_space<hbm>>
    tpu.enqueue_dma source(%dma_start3A_39 : memref<8x8x128xf32, #tpu.memory_space<hbm>>) target(%arg7 : memref<8x8x128xf32, #tpu.memory_space<vmem>>) target_semaphore(%arg20 : memref<!tpu.dma_semaphore, #tpu.memory_space<semaphore_mem>>)
    %add3A_40 = arith.constant 32 : i32
    %add3A_41 = arith.addi %multiple_of3A_5, %add3A_40 : i32
    %dma_start3A_42 = arith.constant 0 : i32
    %dma_start3A_43 = arith.constant 0 : i32
    %dma_start3A_44 = tpu.memref_slice %arg2[%add3A_41, %dma_start3A_42, %dma_start3A_43] : memref<8192x8x1024xf32, #tpu.memory_space<hbm>> -> memref<8x8x128xf32, #tpu.memory_space<hbm>>
    %dma_start3A_45 = arith.constant 0 : i32
    %dma_start3A_46 = arith.constant 0 : i32
    %dma_start3A_47 = tpu.memref_slice %arg2[%add3A_41, %dma_start3A_45, %dma_start3A_46] : memref<8192x8x1024xf32, #tpu.memory_space<hbm>> -> memref<8x8x128xf32, #tpu.memory_space<hbm>>
    tpu.enqueue_dma source(%dma_start3A_47 : memref<8x8x128xf32, #tpu.memory_space<hbm>>) target(%arg8 : memref<8x8x128xf32, #tpu.memory_space<vmem>>) target_semaphore(%arg21 : memref<!tpu.dma_semaphore, #tpu.memory_space<semaphore_mem>>)
    %add3A_48 = arith.constant 40 : i32
    %add3A_49 = arith.addi %multiple_of3A_5, %add3A_48 : i32
    %dma_start3A_50 = arith.constant 0 : i32
    %dma_start3A_51 = arith.constant 0 : i32
    %dma_start3A_52 = tpu.memref_slice %arg2[%add3A_49, %dma_start3A_50, %dma_start3A_51] : memref<8192x8x1024xf32, #tpu.memory_space<hbm>> -> memref<8x8x128xf32, #tpu.memory_space<hbm>>
    %dma_start3A_53 = arith.constant 0 : i32
    %dma_start3A_54 = arith.constant 0 : i32
    %dma_start3A_55 = tpu.memref_slice %arg2[%add3A_49, %dma_start3A_53, %dma_start3A_54] : memref<8192x8x1024xf32, #tpu.memory_space<hbm>> -> memref<8x8x128xf32, #tpu.memory_space<hbm>>
    tpu.enqueue_dma source(%dma_start3A_55 : memref<8x8x128xf32, #tpu.memory_space<hbm>>) target(%arg9 : memref<8x8x128xf32, #tpu.memory_space<vmem>>) target_semaphore(%arg22 : memref<!tpu.dma_semaphore, #tpu.memory_space<semaphore_mem>>)
    %add3A_56 = arith.constant 48 : i32
    %add3A_57 = arith.addi %multiple_of3A_5, %add3A_56 : i32
    %dma_start3A_58 = arith.constant 0 : i32
    %dma_start3A_59 = arith.constant 0 : i32
    %dma_start3A_60 = tpu.memref_slice %arg2[%add3A_57, %dma_start3A_58, %dma_start3A_59] : memref<8192x8x1024xf32, #tpu.memory_space<hbm>> -> memref<8x8x128xf32, #tpu.memory_space<hbm>>
    %dma_start3A_61 = arith.constant 0 : i32
    %dma_start3A_62 = arith.constant 0 : i32
    %dma_start3A_63 = tpu.memref_slice %arg2[%add3A_57, %dma_start3A_61, %dma_start3A_62] : memref<8192x8x1024xf32, #tpu.memory_space<hbm>> -> memref<8x8x128xf32, #tpu.memory_space<hbm>>
    tpu.enqueue_dma source(%dma_start3A_63 : memref<8x8x128xf32, #tpu.memory_space<hbm>>) target(%arg10 : memref<8x8x128xf32, #tpu.memory_space<vmem>>) target_semaphore(%arg23 : memref<!tpu.dma_semaphore, #tpu.memory_space<semaphore_mem>>)
    %add3A_64 = arith.constant 56 : i32
    %add3A_65 = arith.addi %multiple_of3A_5, %add3A_64 : i32
    %dma_start3A_66 = arith.constant 0 : i32
    %dma_start3A_67 = arith.constant 0 : i32
    %dma_start3A_68 = tpu.memref_slice %arg2[%add3A_65, %dma_start3A_66, %dma_start3A_67] : memref<8192x8x1024xf32, #tpu.memory_space<hbm>> -> memref<8x8x128xf32, #tpu.memory_space<hbm>>
    %dma_start3A_69 = arith.constant 0 : i32
    %dma_start3A_70 = arith.constant 0 : i32
    %dma_start3A_71 = tpu.memref_slice %arg2[%add3A_65, %dma_start3A_69, %dma_start3A_70] : memref<8192x8x1024xf32, #tpu.memory_space<hbm>> -> memref<8x8x128xf32, #tpu.memory_space<hbm>>
    tpu.enqueue_dma source(%dma_start3A_71 : memref<8x8x128xf32, #tpu.memory_space<hbm>>) target(%arg11 : memref<8x8x128xf32, #tpu.memory_space<vmem>>) target_semaphore(%arg24 : memref<!tpu.dma_semaphore, #tpu.memory_space<semaphore_mem>>)
    %add3A_72 = arith.constant 64 : i32
    %add3A_73 = arith.addi %multiple_of3A_5, %add3A_72 : i32
    %dma_start3A_74 = arith.constant 0 : i32
    %dma_start3A_75 = arith.constant 0 : i32
    %dma_start3A_76 = tpu.memref_slice %arg2[%add3A_73, %dma_start3A_74, %dma_start3A_75] : memref<8192x8x1024xf32, #tpu.memory_space<hbm>> -> memref<8x8x128xf32, #tpu.memory_space<hbm>>
    %dma_start3A_77 = arith.constant 0 : i32
    %dma_start3A_78 = arith.constant 0 : i32
    %dma_start3A_79 = tpu.memref_slice %arg2[%add3A_73, %dma_start3A_77, %dma_start3A_78] : memref<8192x8x1024xf32, #tpu.memory_space<hbm>> -> memref<8x8x128xf32, #tpu.memory_space<hbm>>
    tpu.enqueue_dma source(%dma_start3A_79 : memref<8x8x128xf32, #tpu.memory_space<hbm>>) target(%arg12 : memref<8x8x128xf32, #tpu.memory_space<vmem>>) target_semaphore(%arg25 : memref<!tpu.dma_semaphore, #tpu.memory_space<semaphore_mem>>)
    %add3A_80 = arith.constant 72 : i32
    %add3A_81 = arith.addi %multiple_of3A_5, %add3A_80 : i32
    %dma_start3A_82 = arith.constant 0 : i32
    %dma_start3A_83 = arith.constant 0 : i32
    %dma_start3A_84 = tpu.memref_slice %arg2[%add3A_81, %dma_start3A_82, %dma_start3A_83] : memref<8192x8x1024xf32, #tpu.memory_space<hbm>> -> memref<8x8x128xf32, #tpu.memory_space<hbm>>
    %dma_start3A_85 = arith.constant 0 : i32
    %dma_start3A_86 = arith.constant 0 : i32
    %dma_start3A_87 = tpu.memref_slice %arg2[%add3A_81, %dma_start3A_85, %dma_start3A_86] : memref<8192x8x1024xf32, #tpu.memory_space<hbm>> -> memref<8x8x128xf32, #tpu.memory_space<hbm>>
    tpu.enqueue_dma source(%dma_start3A_87 : memref<8x8x128xf32, #tpu.memory_space<hbm>>) target(%arg13 : memref<8x8x128xf32, #tpu.memory_space<vmem>>) target_semaphore(%arg26 : memref<!tpu.dma_semaphore, #tpu.memory_space<semaphore_mem>>)
    %add3A_88 = arith.constant 80 : i32
    %add3A_89 = arith.addi %multiple_of3A_5, %add3A_88 : i32
    %dma_start3A_90 = arith.constant 0 : i32
    %dma_start3A_91 = arith.constant 0 : i32
    %dma_start3A_92 = tpu.memref_slice %arg2[%add3A_89, %dma_start3A_90, %dma_start3A_91] : memref<8192x8x1024xf32, #tpu.memory_space<hbm>> -> memref<8x8x128xf32, #tpu.memory_space<hbm>>
    %dma_start3A_93 = arith.constant 0 : i32
    %dma_start3A_94 = arith.constant 0 : i32
    %dma_start3A_95 = tpu.memref_slice %arg2[%add3A_89, %dma_start3A_93, %dma_start3A_94] : memref<8192x8x1024xf32, #tpu.memory_space<hbm>> -> memref<8x8x128xf32, #tpu.memory_space<hbm>>
    tpu.enqueue_dma source(%dma_start3A_95 : memref<8x8x128xf32, #tpu.memory_space<hbm>>) target(%arg14 : memref<8x8x128xf32, #tpu.memory_space<vmem>>) target_semaphore(%arg27 : memref<!tpu.dma_semaphore, #tpu.memory_space<semaphore_mem>>)
    %add3A_96 = arith.constant 88 : i32
    %add3A_97 = arith.addi %multiple_of3A_5, %add3A_96 : i32
    %dma_start3A_98 = arith.constant 0 : i32
    %dma_start3A_99 = arith.constant 0 : i32
    %dma_start3A_100 = tpu.memref_slice %arg2[%add3A_97, %dma_start3A_98, %dma_start3A_99] : memref<8192x8x1024xf32, #tpu.memory_space<hbm>> -> memref<8x8x128xf32, #tpu.memory_space<hbm>>
    %dma_start3A_101 = arith.constant 0 : i32
    %dma_start3A_102 = arith.constant 0 : i32
    %dma_start3A_103 = tpu.memref_slice %arg2[%add3A_97, %dma_start3A_101, %dma_start3A_102] : memref<8192x8x1024xf32, #tpu.memory_space<hbm>> -> memref<8x8x128xf32, #tpu.memory_space<hbm>>
    tpu.enqueue_dma source(%dma_start3A_103 : memref<8x8x128xf32, #tpu.memory_space<hbm>>) target(%arg15 : memref<8x8x128xf32, #tpu.memory_space<vmem>>) target_semaphore(%arg28 : memref<!tpu.dma_semaphore, #tpu.memory_space<semaphore_mem>>)
    %dma_wait3A = arith.constant 0 : i32
    %dma_wait3A_104 = arith.constant 0 : i32
    %dma_wait3A_105 = tpu.memref_slice %arg2[%add3A_10, %dma_wait3A, %dma_wait3A_104] : memref<8192x8x1024xf32, #tpu.memory_space<hbm>> -> memref<8x8x128xf32, #tpu.memory_space<hbm>>
    %dma_wait3A_106 = arith.constant 0 : i32
    %dma_wait3A_107 = arith.constant 0 : i32
    %dma_wait3A_108 = tpu.memref_slice %arg2[%add3A_10, %dma_wait3A_106, %dma_wait3A_107] : memref<8192x8x1024xf32, #tpu.memory_space<hbm>> -> memref<8x8x128xf32, #tpu.memory_space<hbm>>
    tpu.wait_dma2 semaphore(%arg17 : memref<!tpu.dma_semaphore, #tpu.memory_space<semaphore_mem>>) src(%dma_wait3A_108 : memref<8x8x128xf32, #tpu.memory_space<hbm>>) dst(%arg4 : memref<8x8x128xf32, #tpu.memory_space<vmem>>)
    %add3A_109 = arith.constant 0 : i32
    %add3A_110 = vector.broadcast %add3A_109 : i32 to vector<16xi32>
    %add3A_111 = arith.addi %add3A_110, %iota3A : vector<16xi32>
    %shift_right_logical3A = arith.constant 3 : i32
    %shift_right_logical3A_112 = vector.broadcast %shift_right_logical3A : i32 to vector<16xi32>
    %shift_right_logical3A_113 = arith.shrui %add3A_111, %shift_right_logical3A_112 : vector<16xi32>
    %and3A = arith.constant 7 : i32
    %and3A_114 = vector.broadcast %and3A : i32 to vector<16xi32>
    %and3A_115 = arith.andi %add3A_111, %and3A_114 : vector<16xi32>
    %gather3A = tpu.vector_load_idx %arg4[%shift_right_logical3A_113, %and3A_115, %mul3A_8] : memref<8x8x128xf32, #tpu.memory_space<vmem>>[vector<16xi32>, vector<16xi32>, vector<16xi32>], vector<16xf32>,
    %gt3A = arith.constant -1.150300e+00 : f32
    %gt3A_116 = vector.broadcast %gt3A : f32 to vector<16xf32>
    %gt3A_117 = arith.cmpf ogt, %gather3A, %gt3A_116 : vector<16xf32>
    %convert_element_type3A = arith.extui %gt3A_117 : vector<16xi1> to vector<16xi32>
    %gt3A_118 = arith.constant -0.674499988 : f32
    %gt3A_119 = vector.broadcast %gt3A_118 : f32 to vector<16xf32>
    %gt3A_120 = arith.cmpf ogt, %gather3A, %gt3A_119 : vector<16xf32>
    %convert_element_type3A_121 = arith.extui %gt3A_120 : vector<16xi1> to vector<16xi32>
    %add3A_122 = arith.addi %convert_element_type3A, %convert_element_type3A_121 : vector<16xi32>
    %gt3A_123 = arith.constant -3.186000e-01 : f32
    %gt3A_124 = vector.broadcast %gt3A_123 : f32 to vector<16xf32>
    %gt3A_125 = arith.cmpf ogt, %gather3A, %gt3A_124 : vector<16xf32>
    %convert_element_type3A_126 = arith.extui %gt3A_125 : vector<16xi1> to vector<16xi32>
    %add3A_127 = arith.addi %add3A_122, %convert_element_type3A_126 : vector<16xi32>
    %gt3A_128 = arith.constant 0.000000e+00 : f32
    %gt3A_129 = vector.broadcast %gt3A_128 : f32 to vector<16xf32>
    %gt3A_130 = arith.cmpf ogt, %gather3A, %gt3A_129 : vector<16xf32>
    %convert_element_type3A_131 = arith.extui %gt3A_130 : vector<16xi1> to vector<16xi32>
    %add3A_132 = arith.addi %add3A_127, %convert_element_type3A_131 : vector<16xi32>
    %gt3A_133 = arith.constant 3.186000e-01 : f32
    %gt3A_134 = vector.broadcast %gt3A_133 : f32 to vector<16xf32>
    %gt3A_135 = arith.cmpf ogt, %gather3A, %gt3A_134 : vector<16xf32>
    %convert_element_type3A_136 = arith.extui %gt3A_135 : vector<16xi1> to vector<16xi32>
    %add3A_137 = arith.addi %add3A_132, %convert_element_type3A_136 : vector<16xi32>
    %gt3A_138 = arith.constant 0.674499988 : f32
    %gt3A_139 = vector.broadcast %gt3A_138 : f32 to vector<16xf32>
    %gt3A_140 = arith.cmpf ogt, %gather3A, %gt3A_139 : vector<16xf32>
    %convert_element_type3A_141 = arith.extui %gt3A_140 : vector<16xi1> to vector<16xi32>
    %add3A_142 = arith.addi %add3A_137, %convert_element_type3A_141 : vector<16xi32>
    %gt3A_143 = arith.constant 1.150300e+00 : f32
    %gt3A_144 = vector.broadcast %gt3A_143 : f32 to vector<16xf32>
    %gt3A_145 = arith.cmpf ogt, %gather3A, %gt3A_144 : vector<16xf32>
    %convert_element_type3A_146 = arith.extui %gt3A_145 : vector<16xi1> to vector<16xi32>
    %add3A_147 = arith.addi %add3A_142, %convert_element_type3A_146 : vector<16xi32>
    %swap3A = arith.constant 0 : index
    %swap3A_148 = tpu.vector_load %arg16[%swap3A] {strides = array<i32>} : memref<1024xi32, #tpu.memory_space<vmem>>, vector<16xi32>,
    tpu.vector_store %arg16[%swap3A], %add3A_147 {strides = array<i32>} : memref<1024xi32, #tpu.memory_space<vmem>>, vector<16xi32>,
    %add3A_149 = arith.constant 16 : i32
    %add3A_150 = vector.broadcast %add3A_149 : i32 to vector<16xi32>
    %add3A_151 = arith.addi %add3A_150, %iota3A : vector<16xi32>
    %shift_right_logical3A_152 = arith.constant 3 : i32
    %shift_right_logical3A_153 = vector.broadcast %shift_right_logical3A_152 : i32 to vector<16xi32>
    %shift_right_logical3A_154 = arith.shrui %add3A_151, %shift_right_logical3A_153 : vector<16xi32>
    %and3A_155 = arith.constant 7 : i32
    %and3A_156 = vector.broadcast %and3A_155 : i32 to vector<16xi32>
    %and3A_157 = arith.andi %add3A_151, %and3A_156 : vector<16xi32>
    %gather3A_158 = tpu.vector_load_idx %arg4[%shift_right_logical3A_154, %and3A_157, %mul3A_8] : memref<8x8x128xf32, #tpu.memory_space<vmem>>[vector<16xi32>, vector<16xi32>, vector<16xi32>], vector<16xf32>,
    %gt3A_159 = arith.constant -1.150300e+00 : f32
    %gt3A_160 = vector.broadcast %gt3A_159 : f32 to vector<16xf32>
    %gt3A_161 = arith.cmpf ogt, %gather3A_158, %gt3A_160 : vector<16xf32>
    %convert_element_type3A_162 = arith.extui %gt3A_161 : vector<16xi1> to vector<16xi32>
    %gt3A_163 = arith.constant -0.674499988 : f32
    %gt3A_164 = vector.broadcast %gt3A_163 : f32 to vector<16xf32>
    %gt3A_165 = arith.cmpf ogt, %gather3A_158, %gt3A_164 : vector<16xf32>
    %convert_element_type3A_166 = arith.extui %gt3A_165 : vector<16xi1> to vector<16xi32>
    %add3A_167 = arith.addi %convert_element_type3A_162, %convert_element_type3A_166 : vector<16xi32>
    %gt3A_168 = arith.constant -3.186000e-01 : f32
    %gt3A_169 = vector.broadcast %gt3A_168 : f32 to vector<16xf32>
    %gt3A_170 = arith.cmpf ogt, %gather3A_158, %gt3A_169 : vector<16xf32>
    %convert_element_type3A_171 = arith.extui %gt3A_170 : vector<16xi1> to vector<16xi32>
    %add3A_172 = arith.addi %add3A_167, %convert_element_type3A_171 : vector<16xi32>
    %gt3A_173 = arith.constant 0.000000e+00 : f32
    %gt3A_174 = vector.broadcast %gt3A_173 : f32 to vector<16xf32>
    %gt3A_175 = arith.cmpf ogt, %gather3A_158, %gt3A_174 : vector<16xf32>
    %convert_element_type3A_176 = arith.extui %gt3A_175 : vector<16xi1> to vector<16xi32>
    %add3A_177 = arith.addi %add3A_172, %convert_element_type3A_176 : vector<16xi32>
    %gt3A_178 = arith.constant 3.186000e-01 : f32
    %gt3A_179 = vector.broadcast %gt3A_178 : f32 to vector<16xf32>
    %gt3A_180 = arith.cmpf ogt, %gather3A_158, %gt3A_179 : vector<16xf32>
    %convert_element_type3A_181 = arith.extui %gt3A_180 : vector<16xi1> to vector<16xi32>
    %add3A_182 = arith.addi %add3A_177, %convert_element_type3A_181 : vector<16xi32>
    %gt3A_183 = arith.constant 0.674499988 : f32
    %gt3A_184 = vector.broadcast %gt3A_183 : f32 to vector<16xf32>
    %gt3A_185 = arith.cmpf ogt, %gather3A_158, %gt3A_184 : vector<16xf32>
    %convert_element_type3A_186 = arith.extui %gt3A_185 : vector<16xi1> to vector<16xi32>
    %add3A_187 = arith.addi %add3A_182, %convert_element_type3A_186 : vector<16xi32>
    %gt3A_188 = arith.constant 1.150300e+00 : f32
    %gt3A_189 = vector.broadcast %gt3A_188 : f32 to vector<16xf32>
    %gt3A_190 = arith.cmpf ogt, %gather3A_158, %gt3A_189 : vector<16xf32>
    %convert_element_type3A_191 = arith.extui %gt3A_190 : vector<16xi1> to vector<16xi32>
    %add3A_192 = arith.addi %add3A_187, %convert_element_type3A_191 : vector<16xi32>
    %swap3A_193 = arith.constant 16 : index
    %swap3A_194 = tpu.vector_load %arg16[%swap3A_193] {strides = array<i32>} : memref<1024xi32, #tpu.memory_space<vmem>>, vector<16xi32>,
    tpu.vector_store %arg16[%swap3A_193], %add3A_192 {strides = array<i32>} : memref<1024xi32, #tpu.memory_space<vmem>>, vector<16xi32>,
    %add3A_195 = arith.constant 32 : i32
    %add3A_196 = vector.broadcast %add3A_195 : i32 to vector<16xi32>
    %add3A_197 = arith.addi %add3A_196, %iota3A : vector<16xi32>
    %shift_right_logical3A_198 = arith.constant 3 : i32
    %shift_right_logical3A_199 = vector.broadcast %shift_right_logical3A_198 : i32 to vector<16xi32>
    %shift_right_logical3A_200 = arith.shrui %add3A_197, %shift_right_logical3A_199 : vector<16xi32>
    %and3A_201 = arith.constant 7 : i32
    %and3A_202 = vector.broadcast %and3A_201 : i32 to vector<16xi32>
    %and3A_203 = arith.andi %add3A_197, %and3A_202 : vector<16xi32>
    %gather3A_204 = tpu.vector_load_idx %arg4[%shift_right_logical3A_200, %and3A_203, %mul3A_8] : memref<8x8x128xf32, #tpu.memory_space<vmem>>[vector<16xi32>, vector<16xi32>, vector<16xi32>], vector<16xf32>,
    %gt3A_205 = arith.constant -1.150300e+00 : f32
    %gt3A_206 = vector.broadcast %gt3A_205 : f32 to vector<16xf32>
    %gt3A_207 = arith.cmpf ogt, %gather3A_204, %gt3A_206 : vector<16xf32>
    %convert_element_type3A_208 = arith.extui %gt3A_207 : vector<16xi1> to vector<16xi32>
    %gt3A_209 = arith.constant -0.674499988 : f32
    %gt3A_210 = vector.broadcast %gt3A_209 : f32 to vector<16xf32>
    %gt3A_211 = arith.cmpf ogt, %gather3A_204, %gt3A_210 : vector<16xf32>
    %convert_element_type3A_212 = arith.extui %gt3A_211 : vector<16xi1> to vector<16xi32>
    %add3A_213 = arith.addi %convert_element_type3A_208, %convert_element_type3A_212 : vector<16xi32>
    %gt3A_214 = arith.constant -3.186000e-01 : f32
    %gt3A_215 = vector.broadcast %gt3A_214 : f32 to vector<16xf32>
    %gt3A_216 = arith.cmpf ogt, %gather3A_204, %gt3A_215 : vector<16xf32>
    %convert_element_type3A_217 = arith.extui %gt3A_216 : vector<16xi1> to vector<16xi32>
    %add3A_218 = arith.addi %add3A_213, %convert_element_type3A_217 : vector<16xi32>
    %gt3A_219 = arith.constant 0.000000e+00 : f32
    %gt3A_220 = vector.broadcast %gt3A_219 : f32 to vector<16xf32>
    %gt3A_221 = arith.cmpf ogt, %gather3A_204, %gt3A_220 : vector<16xf32>
    %convert_element_type3A_222 = arith.extui %gt3A_221 : vector<16xi1> to vector<16xi32>
    %add3A_223 = arith.addi %add3A_218, %convert_element_type3A_222 : vector<16xi32>
    %gt3A_224 = arith.constant 3.186000e-01 : f32
    %gt3A_225 = vector.broadcast %gt3A_224 : f32 to vector<16xf32>
    %gt3A_226 = arith.cmpf ogt, %gather3A_204, %gt3A_225 : vector<16xf32>
    %convert_element_type3A_227 = arith.extui %gt3A_226 : vector<16xi1> to vector<16xi32>
    %add3A_228 = arith.addi %add3A_223, %convert_element_type3A_227 : vector<16xi32>
    %gt3A_229 = arith.constant 0.674499988 : f32
    %gt3A_230 = vector.broadcast %gt3A_229 : f32 to vector<16xf32>
    %gt3A_231 = arith.cmpf ogt, %gather3A_204, %gt3A_230 : vector<16xf32>
    %convert_element_type3A_232 = arith.extui %gt3A_231 : vector<16xi1> to vector<16xi32>
    %add3A_233 = arith.addi %add3A_228, %convert_element_type3A_232 : vector<16xi32>
    %gt3A_234 = arith.constant 1.150300e+00 : f32
    %gt3A_235 = vector.broadcast %gt3A_234 : f32 to vector<16xf32>
    %gt3A_236 = arith.cmpf ogt, %gather3A_204, %gt3A_235 : vector<16xf32>
    %convert_element_type3A_237 = arith.extui %gt3A_236 : vector<16xi1> to vector<16xi32>
    %add3A_238 = arith.addi %add3A_233, %convert_element_type3A_237 : vector<16xi32>
    %swap3A_239 = arith.constant 32 : index
    %swap3A_240 = tpu.vector_load %arg16[%swap3A_239] {strides = array<i32>} : memref<1024xi32, #tpu.memory_space<vmem>>, vector<16xi32>,
    tpu.vector_store %arg16[%swap3A_239], %add3A_238 {strides = array<i32>} : memref<1024xi32, #tpu.memory_space<vmem>>, vector<16xi32>,
    %add3A_241 = arith.constant 48 : i32
    %add3A_242 = vector.broadcast %add3A_241 : i32 to vector<16xi32>
    %add3A_243 = arith.addi %add3A_242, %iota3A : vector<16xi32>
    %shift_right_logical3A_244 = arith.constant 3 : i32
    %shift_right_logical3A_245 = vector.broadcast %shift_right_logical3A_244 : i32 to vector<16xi32>
    %shift_right_logical3A_246 = arith.shrui %add3A_243, %shift_right_logical3A_245 : vector<16xi32>
    %and3A_247 = arith.constant 7 : i32
    %and3A_248 = vector.broadcast %and3A_247 : i32 to vector<16xi32>
    %and3A_249 = arith.andi %add3A_243, %and3A_248 : vector<16xi32>
    %gather3A_250 = tpu.vector_load_idx %arg4[%shift_right_logical3A_246, %and3A_249, %mul3A_8] : memref<8x8x128xf32, #tpu.memory_space<vmem>>[vector<16xi32>, vector<16xi32>, vector<16xi32>], vector<16xf32>,
    %gt3A_251 = arith.constant -1.150300e+00 : f32
    %gt3A_252 = vector.broadcast %gt3A_251 : f32 to vector<16xf32>
    %gt3A_253 = arith.cmpf ogt, %gather3A_250, %gt3A_252 : vector<16xf32>
    %convert_element_type3A_254 = arith.extui %gt3A_253 : vector<16xi1> to vector<16xi32>
    %gt3A_255 = arith.constant -0.674499988 : f32
    %gt3A_256 = vector.broadcast %gt3A_255 : f32 to vector<16xf32>
    %gt3A_257 = arith.cmpf ogt, %gather3A_250, %gt3A_256 : vector<16xf32>
    %convert_element_type3A_258 = arith.extui %gt3A_257 : vector<16xi1> to vector<16xi32>
    %add3A_259 = arith.addi %convert_element_type3A_254, %convert_element_type3A_258 : vector<16xi32>
    %gt3A_260 = arith.constant -3.186000e-01 : f32
    %gt3A_261 = vector.broadcast %gt3A_260 : f32 to vector<16xf32>
    %gt3A_262 = arith.cmpf ogt, %gather3A_250, %gt3A_261 : vector<16xf32>
    %convert_element_type3A_263 = arith.extui %gt3A_262 : vector<16xi1> to vector<16xi32>
    %add3A_264 = arith.addi %add3A_259, %convert_element_type3A_263 : vector<16xi32>
    %gt3A_265 = arith.constant 0.000000e+00 : f32
    %gt3A_266 = vector.broadcast %gt3A_265 : f32 to vector<16xf32>
    %gt3A_267 = arith.cmpf ogt, %gather3A_250, %gt3A_266 : vector<16xf32>
    %convert_element_type3A_268 = arith.extui %gt3A_267 : vector<16xi1> to vector<16xi32>
    %add3A_269 = arith.addi %add3A_264, %convert_element_type3A_268 : vector<16xi32>
    %gt3A_270 = arith.constant 3.186000e-01 : f32
    %gt3A_271 = vector.broadcast %gt3A_270 : f32 to vector<16xf32>
    %gt3A_272 = arith.cmpf ogt, %gather3A_250, %gt3A_271 : vector<16xf32>
    %convert_element_type3A_273 = arith.extui %gt3A_272 : vector<16xi1> to vector<16xi32>
    %add3A_274 = arith.addi %add3A_269, %convert_element_type3A_273 : vector<16xi32>
    %gt3A_275 = arith.constant 0.674499988 : f32
    %gt3A_276 = vector.broadcast %gt3A_275 : f32 to vector<16xf32>
    %gt3A_277 = arith.cmpf ogt, %gather3A_250, %gt3A_276 : vector<16xf32>
    %convert_element_type3A_278 = arith.extui %gt3A_277 : vector<16xi1> to vector<16xi32>
    %add3A_279 = arith.addi %add3A_274, %convert_element_type3A_278 : vector<16xi32>
    %gt3A_280 = arith.constant 1.150300e+00 : f32
    %gt3A_281 = vector.broadcast %gt3A_280 : f32 to vector<16xf32>
    %gt3A_282 = arith.cmpf ogt, %gather3A_250, %gt3A_281 : vector<16xf32>
    %convert_element_type3A_283 = arith.extui %gt3A_282 : vector<16xi1> to vector<16xi32>
    %add3A_284 = arith.addi %add3A_279, %convert_element_type3A_283 : vector<16xi32>
    %swap3A_285 = arith.constant 48 : index
    %swap3A_286 = tpu.vector_load %arg16[%swap3A_285] {strides = array<i32>} : memref<1024xi32, #tpu.memory_space<vmem>>, vector<16xi32>,
    tpu.vector_store %arg16[%swap3A_285], %add3A_284 {strides = array<i32>} : memref<1024xi32, #tpu.memory_space<vmem>>, vector<16xi32>,
    %add3A_287 = arith.constant 0 : i32
    %add3A_288 = arith.addi %multiple_of3A, %add3A_287 : i32
    %dma_start3A_289 = arith.constant 0 : i32
    %dma_start3A_290 = tpu.memref_slice %arg16[%dma_start3A_289] : memref<1024xi32, #tpu.memory_space<vmem>> -> memref<64xi32, #tpu.memory_space<vmem>>
    %dma_start3A_291 = tpu.memref_slice %arg3[%add3A_288] : memref<32768xi32, #tpu.memory_space<hbm>> -> memref<64xi32, #tpu.memory_space<hbm>>
    %dma_start3A_292 = tpu.memref_slice %arg3[%add3A_288] : memref<32768xi32, #tpu.memory_space<hbm>> -> memref<64xi32, #tpu.memory_space<hbm>>
    %dma_start3A_293 = arith.constant 0 : i32
    %dma_start3A_294 = tpu.memref_slice %arg16[%dma_start3A_293] : memref<1024xi32, #tpu.memory_space<vmem>> -> memref<64xi32, #tpu.memory_space<vmem>>
    tpu.enqueue_dma source(%dma_start3A_294 : memref<64xi32, #tpu.memory_space<vmem>>) target(%dma_start3A_292 : memref<64xi32, #tpu.memory_space<hbm>>) target_semaphore(%arg29 : memref<!tpu.dma_semaphore, #tpu.memory_space<semaphore_mem>>)
    %add3A_295 = arith.constant 96 : i32
    %add3A_296 = arith.addi %multiple_of3A_5, %add3A_295 : i32
    %dma_start3A_297 = arith.constant 0 : i32
    %dma_start3A_298 = arith.constant 0 : i32
    %dma_start3A_299 = tpu.memref_slice %arg2[%add3A_296, %dma_start3A_297, %dma_start3A_298] : memref<8192x8x1024xf32, #tpu.memory_space<hbm>> -> memref<8x8x128xf32, #tpu.memory_space<hbm>>
    %dma_start3A_300 = arith.constant 0 : i32
    %dma_start3A_301 = arith.constant 0 : i32
    %dma_start3A_302 = tpu.memref_slice %arg2[%add3A_296, %dma_start3A_300, %dma_start3A_301] : memref<8192x8x1024xf32, #tpu.memory_space<hbm>> -> memref<8x8x128xf32, #tpu.memory_space<hbm>>
    tpu.enqueue_dma source(%dma_start3A_302 : memref<8x8x128xf32, #tpu.memory_space<hbm>>) target(%arg4 : memref<8x8x128xf32, #tpu.memory_space<vmem>>) target_semaphore(%arg17 : memref<!tpu.dma_semaphore, #tpu.memory_space<semaphore_mem>>)
    %dma_wait3A_303 = arith.constant 0 : i32
    %dma_wait3A_304 = arith.constant 0 : i32
    %dma_wait3A_305 = tpu.memref_slice %arg2[%add3A_17, %dma_wait3A_303, %dma_wait3A_304] : memref<8192x8x1024xf32, #tpu.memory_space<hbm>> -> memref<8x8x128xf32, #tpu.memory_space<hbm>>
    %dma_wait3A_306 = arith.constant 0 : i32
    %dma_wait3A_307 = arith.constant 0 : i32
    %dma_wait3A_308 = tpu.memref_slice %arg2[%add3A_17, %dma_wait3A_306, %dma_wait3A_307] : memref<8192x8x1024xf32, #tpu.memory_space<hbm>> -> memref<8x8x128xf32, #tpu.memory_space<hbm>>
    tpu.wait_dma2 semaphore(%arg18 : memref<!tpu.dma_semaphore, #tpu.memory_space<semaphore_mem>>) src(%dma_wait3A_308 : memref<8x8x128xf32, #tpu.memory_space<hbm>>) dst(%arg5 : memref<8x8x128xf32, #tpu.memory_space<vmem>>)
    %add3A_309 = arith.constant 0 : i32
    %add3A_310 = vector.broadcast %add3A_309 : i32 to vector<16xi32>
    %add3A_311 = arith.addi %add3A_310, %iota3A : vector<16xi32>
    %shift_right_logical3A_312 = arith.constant 3 : i32
    %shift_right_logical3A_313 = vector.broadcast %shift_right_logical3A_312 : i32 to vector<16xi32>
    %shift_right_logical3A_314 = arith.shrui %add3A_311, %shift_right_logical3A_313 : vector<16xi32>
    %and3A_315 = arith.constant 7 : i32
    %and3A_316 = vector.broadcast %and3A_315 : i32 to vector<16xi32>
    %and3A_317 = arith.andi %add3A_311, %and3A_316 : vector<16xi32>
    %gather3A_318 = tpu.vector_load_idx %arg5[%shift_right_logical3A_314, %and3A_317, %mul3A_8] : memref<8x8x128xf32, #tpu.memory_space<vmem>>[vector<16xi32>, vector<16xi32>, vector<16xi32>], vector<16xf32>,
    %gt3A_319 = arith.constant -1.150300e+00 : f32
    %gt3A_320 = vector.broadcast %gt3A_319 : f32 to vector<16xf32>
    %gt3A_321 = arith.cmpf ogt, %gather3A_318, %gt3A_320 : vector<16xf32>
    %convert_element_type3A_322 = arith.extui %gt3A_321 : vector<16xi1> to vector<16xi32>
    %gt3A_323 = arith.constant -0.674499988 : f32
    %gt3A_324 = vector.broadcast %gt3A_323 : f32 to vector<16xf32>
    %gt3A_325 = arith.cmpf ogt, %gather3A_318, %gt3A_324 : vector<16xf32>
    %convert_element_type3A_326 = arith.extui %gt3A_325 : vector<16xi1> to vector<16xi32>
    %add3A_327 = arith.addi %convert_element_type3A_322, %convert_element_type3A_326 : vector<16xi32>
    %gt3A_328 = arith.constant -3.186000e-01 : f32
    %gt3A_329 = vector.broadcast %gt3A_328 : f32 to vector<16xf32>
    %gt3A_330 = arith.cmpf ogt, %gather3A_318, %gt3A_329 : vector<16xf32>
    %convert_element_type3A_331 = arith.extui %gt3A_330 : vector<16xi1> to vector<16xi32>
    %add3A_332 = arith.addi %add3A_327, %convert_element_type3A_331 : vector<16xi32>
    %gt3A_333 = arith.constant 0.000000e+00 : f32
    %gt3A_334 = vector.broadcast %gt3A_333 : f32 to vector<16xf32>
    %gt3A_335 = arith.cmpf ogt, %gather3A_318, %gt3A_334 : vector<16xf32>
    %convert_element_type3A_336 = arith.extui %gt3A_335 : vector<16xi1> to vector<16xi32>
    %add3A_337 = arith.addi %add3A_332, %convert_element_type3A_336 : vector<16xi32>
    %gt3A_338 = arith.constant 3.186000e-01 : f32
    %gt3A_339 = vector.broadcast %gt3A_338 : f32 to vector<16xf32>
    %gt3A_340 = arith.cmpf ogt, %gather3A_318, %gt3A_339 : vector<16xf32>
    %convert_element_type3A_341 = arith.extui %gt3A_340 : vector<16xi1> to vector<16xi32>
    %add3A_342 = arith.addi %add3A_337, %convert_element_type3A_341 : vector<16xi32>
    %gt3A_343 = arith.constant 0.674499988 : f32
    %gt3A_344 = vector.broadcast %gt3A_343 : f32 to vector<16xf32>
    %gt3A_345 = arith.cmpf ogt, %gather3A_318, %gt3A_344 : vector<16xf32>
    %convert_element_type3A_346 = arith.extui %gt3A_345 : vector<16xi1> to vector<16xi32>
    %add3A_347 = arith.addi %add3A_342, %convert_element_type3A_346 : vector<16xi32>
    %gt3A_348 = arith.constant 1.150300e+00 : f32
    %gt3A_349 = vector.broadcast %gt3A_348 : f32 to vector<16xf32>
    %gt3A_350 = arith.cmpf ogt, %gather3A_318, %gt3A_349 : vector<16xf32>
    %convert_element_type3A_351 = arith.extui %gt3A_350 : vector<16xi1> to vector<16xi32>
    %add3A_352 = arith.addi %add3A_347, %convert_element_type3A_351 : vector<16xi32>
    %swap3A_353 = arith.constant 64 : index
    %swap3A_354 = tpu.vector_load %arg16[%swap3A_353] {strides = array<i32>} : memref<1024xi32, #tpu.memory_space<vmem>>, vector<16xi32>,
    tpu.vector_store %arg16[%swap3A_353], %add3A_352 {strides = array<i32>} : memref<1024xi32, #tpu.memory_space<vmem>>, vector<16xi32>,
    %add3A_355 = arith.constant 16 : i32
    %add3A_356 = vector.broadcast %add3A_355 : i32 to vector<16xi32>
    %add3A_357 = arith.addi %add3A_356, %iota3A : vector<16xi32>
    %shift_right_logical3A_358 = arith.constant 3 : i32
    %shift_right_logical3A_359 = vector.broadcast %shift_right_logical3A_358 : i32 to vector<16xi32>
    %shift_right_logical3A_360 = arith.shrui %add3A_357, %shift_right_logical3A_359 : vector<16xi32>
    %and3A_361 = arith.constant 7 : i32
    %and3A_362 = vector.broadcast %and3A_361 : i32 to vector<16xi32>
    %and3A_363 = arith.andi %add3A_357, %and3A_362 : vector<16xi32>
    %gather3A_364 = tpu.vector_load_idx %arg5[%shift_right_logical3A_360, %and3A_363, %mul3A_8] : memref<8x8x128xf32, #tpu.memory_space<vmem>>[vector<16xi32>, vector<16xi32>, vector<16xi32>], vector<16xf32>,
    %gt3A_365 = arith.constant -1.150300e+00 : f32
    %gt3A_366 = vector.broadcast %gt3A_365 : f32 to vector<16xf32>
    %gt3A_367 = arith.cmpf ogt, %gather3A_364, %gt3A_366 : vector<16xf32>
    %convert_element_type3A_368 = arith.extui %gt3A_367 : vector<16xi1> to vector<16xi32>
    %gt3A_369 = arith.constant -0.674499988 : f32
    %gt3A_370 = vector.broadcast %gt3A_369 : f32 to vector<16xf32>
    %gt3A_371 = arith.cmpf ogt, %gather3A_364, %gt3A_370 : vector<16xf32>
    %convert_element_type3A_372 = arith.extui %gt3A_371 : vector<16xi1> to vector<16xi32>
    %add3A_373 = arith.addi %convert_element_type3A_368, %convert_element_type3A_372 : vector<16xi32>
    %gt3A_374 = arith.constant -3.186000e-01 : f32
    %gt3A_375 = vector.broadcast %gt3A_374 : f32 to vector<16xf32>
    %gt3A_376 = arith.cmpf ogt, %gather3A_364, %gt3A_375 : vector<16xf32>
    %convert_element_type3A_377 = arith.extui %gt3A_376 : vector<16xi1> to vector<16xi32>
    %add3A_378 = arith.addi %add3A_373, %convert_element_type3A_377 : vector<16xi32>
    %gt3A_379 = arith.constant 0.000000e+00 : f32
    %gt3A_380 = vector.broadcast %gt3A_379 : f32 to vector<16xf32>
    %gt3A_381 = arith.cmpf ogt, %gather3A_364, %gt3A_380 : vector<16xf32>
    %convert_element_type3A_382 = arith.extui %gt3A_381 : vector<16xi1> to vector<16xi32>
    %add3A_383 = arith.addi %add3A_378, %convert_element_type3A_382 : vector<16xi32>
    %gt3A_384 = arith.constant 3.186000e-01 : f32
    %gt3A_385 = vector.broadcast %gt3A_384 : f32 to vector<16xf32>
    %gt3A_386 = arith.cmpf ogt, %gather3A_364, %gt3A_385 : vector<16xf32>
    %convert_element_type3A_387 = arith.extui %gt3A_386 : vector<16xi1> to vector<16xi32>
    %add3A_388 = arith.addi %add3A_383, %convert_element_type3A_387 : vector<16xi32>
    %gt3A_389 = arith.constant 0.674499988 : f32
    %gt3A_390 = vector.broadcast %gt3A_389 : f32 to vector<16xf32>
    %gt3A_391 = arith.cmpf ogt, %gather3A_364, %gt3A_390 : vector<16xf32>
    %convert_element_type3A_392 = arith.extui %gt3A_391 : vector<16xi1> to vector<16xi32>
    %add3A_393 = arith.addi %add3A_388, %convert_element_type3A_392 : vector<16xi32>
    %gt3A_394 = arith.constant 1.150300e+00 : f32
    %gt3A_395 = vector.broadcast %gt3A_394 : f32 to vector<16xf32>
    %gt3A_396 = arith.cmpf ogt, %gather3A_364, %gt3A_395 : vector<16xf32>
    %convert_element_type3A_397 = arith.extui %gt3A_396 : vector<16xi1> to vector<16xi32>
    %add3A_398 = arith.addi %add3A_393, %convert_element_type3A_397 : vector<16xi32>
    %swap3A_399 = arith.constant 80 : index
    %swap3A_400 = tpu.vector_load %arg16[%swap3A_399] {strides = array<i32>} : memref<1024xi32, #tpu.memory_space<vmem>>, vector<16xi32>,
    tpu.vector_store %arg16[%swap3A_399], %add3A_398 {strides = array<i32>} : memref<1024xi32, #tpu.memory_space<vmem>>, vector<16xi32>,
    %add3A_401 = arith.constant 32 : i32
    %add3A_402 = vector.broadcast %add3A_401 : i32 to vector<16xi32>
    %add3A_403 = arith.addi %add3A_402, %iota3A : vector<16xi32>
    %shift_right_logical3A_404 = arith.constant 3 : i32
    %shift_right_logical3A_405 = vector.broadcast %shift_right_logical3A_404 : i32 to vector<16xi32>
    %shift_right_logical3A_406 = arith.shrui %add3A_403, %shift_right_logical3A_405 : vector<16xi32>
    %and3A_407 = arith.constant 7 : i32
    %and3A_408 = vector.broadcast %and3A_407 : i32 to vector<16xi32>
    %and3A_409 = arith.andi %add3A_403, %and3A_408 : vector<16xi32>
    %gather3A_410 = tpu.vector_load_idx %arg5[%shift_right_logical3A_406, %and3A_409, %mul3A_8] : memref<8x8x128xf32, #tpu.memory_space<vmem>>[vector<16xi32>, vector<16xi32>, vector<16xi32>], vector<16xf32>,
    %gt3A_411 = arith.constant -1.150300e+00 : f32
    %gt3A_412 = vector.broadcast %gt3A_411 : f32 to vector<16xf32>
    %gt3A_413 = arith.cmpf ogt, %gather3A_410, %gt3A_412 : vector<16xf32>
    %convert_element_type3A_414 = arith.extui %gt3A_413 : vector<16xi1> to vector<16xi32>
    %gt3A_415 = arith.constant -0.674499988 : f32
    %gt3A_416 = vector.broadcast %gt3A_415 : f32 to vector<16xf32>
    %gt3A_417 = arith.cmpf ogt, %gather3A_410, %gt3A_416 : vector<16xf32>
    %convert_element_type3A_418 = arith.extui %gt3A_417 : vector<16xi1> to vector<16xi32>
    %add3A_419 = arith.addi %convert_element_type3A_414, %convert_element_type3A_418 : vector<16xi32>
    %gt3A_420 = arith.constant -3.186000e-01 : f32
    %gt3A_421 = vector.broadcast %gt3A_420 : f32 to vector<16xf32>
    %gt3A_422 = arith.cmpf ogt, %gather3A_410, %gt3A_421 : vector<16xf32>
    %convert_element_type3A_423 = arith.extui %gt3A_422 : vector<16xi1> to vector<16xi32>
    %add3A_424 = arith.addi %add3A_419, %convert_element_type3A_423 : vector<16xi32>
    %gt3A_425 = arith.constant 0.000000e+00 : f32
    %gt3A_426 = vector.broadcast %gt3A_425 : f32 to vector<16xf32>
    %gt3A_427 = arith.cmpf ogt, %gather3A_410, %gt3A_426 : vector<16xf32>
    %convert_element_type3A_428 = arith.extui %gt3A_427 : vector<16xi1> to vector<16xi32>
    %add3A_429 = arith.addi %add3A_424, %convert_element_type3A_428 : vector<16xi32>
    %gt3A_430 = arith.constant 3.186000e-01 : f32
    %gt3A_431 = vector.broadcast %gt3A_430 : f32 to vector<16xf32>
    %gt3A_432 = arith.cmpf ogt, %gather3A_410, %gt3A_431 : vector<16xf32>
    %convert_element_type3A_433 = arith.extui %gt3A_432 : vector<16xi1> to vector<16xi32>
    %add3A_434 = arith.addi %add3A_429, %convert_element_type3A_433 : vector<16xi32>
    %gt3A_435 = arith.constant 0.674499988 : f32
    %gt3A_436 = vector.broadcast %gt3A_435 : f32 to vector<16xf32>
    %gt3A_437 = arith.cmpf ogt, %gather3A_410, %gt3A_436 : vector<16xf32>
    %convert_element_type3A_438 = arith.extui %gt3A_437 : vector<16xi1> to vector<16xi32>
    %add3A_439 = arith.addi %add3A_434, %convert_element_type3A_438 : vector<16xi32>
    %gt3A_440 = arith.constant 1.150300e+00 : f32
    %gt3A_441 = vector.broadcast %gt3A_440 : f32 to vector<16xf32>
    %gt3A_442 = arith.cmpf ogt, %gather3A_410, %gt3A_441 : vector<16xf32>
    %convert_element_type3A_443 = arith.extui %gt3A_442 : vector<16xi1> to vector<16xi32>
    %add3A_444 = arith.addi %add3A_439, %convert_element_type3A_443 : vector<16xi32>
    %swap3A_445 = arith.constant 96 : index
    %swap3A_446 = tpu.vector_load %arg16[%swap3A_445] {strides = array<i32>} : memref<1024xi32, #tpu.memory_space<vmem>>, vector<16xi32>,
    tpu.vector_store %arg16[%swap3A_445], %add3A_444 {strides = array<i32>} : memref<1024xi32, #tpu.memory_space<vmem>>, vector<16xi32>,
    %add3A_447 = arith.constant 48 : i32
    %add3A_448 = vector.broadcast %add3A_447 : i32 to vector<16xi32>
    %add3A_449 = arith.addi %add3A_448, %iota3A : vector<16xi32>
    %shift_right_logical3A_450 = arith.constant 3 : i32
    %shift_right_logical3A_451 = vector.broadcast %shift_right_logical3A_450 : i32 to vector<16xi32>
    %shift_right_logical3A_452 = arith.shrui %add3A_449, %shift_right_logical3A_451 : vector<16xi32>
    %and3A_453 = arith.constant 7 : i32
    %and3A_454 = vector.broadcast %and3A_453 : i32 to vector<16xi32>
    %and3A_455 = arith.andi %add3A_449, %and3A_454 : vector<16xi32>
    %gather3A_456 = tpu.vector_load_idx %arg5[%shift_right_logical3A_452, %and3A_455, %mul3A_8] : memref<8x8x128xf32, #tpu.memory_space<vmem>>[vector<16xi32>, vector<16xi32>, vector<16xi32>], vector<16xf32>,
    %gt3A_457 = arith.constant -1.150300e+00 : f32
    %gt3A_458 = vector.broadcast %gt3A_457 : f32 to vector<16xf32>
    %gt3A_459 = arith.cmpf ogt, %gather3A_456, %gt3A_458 : vector<16xf32>
    %convert_element_type3A_460 = arith.extui %gt3A_459 : vector<16xi1> to vector<16xi32>
    %gt3A_461 = arith.constant -0.674499988 : f32
    %gt3A_462 = vector.broadcast %gt3A_461 : f32 to vector<16xf32>
    %gt3A_463 = arith.cmpf ogt, %gather3A_456, %gt3A_462 : vector<16xf32>
    %convert_element_type3A_464 = arith.extui %gt3A_463 : vector<16xi1> to vector<16xi32>
    %add3A_465 = arith.addi %convert_element_type3A_460, %convert_element_type3A_464 : vector<16xi32>
    %gt3A_466 = arith.constant -3.186000e-01 : f32
    %gt3A_467 = vector.broadcast %gt3A_466 : f32 to vector<16xf32>
    %gt3A_468 = arith.cmpf ogt, %gather3A_456, %gt3A_467 : vector<16xf32>
    %convert_element_type3A_469 = arith.extui %gt3A_468 : vector<16xi1> to vector<16xi32>
    %add3A_470 = arith.addi %add3A_465, %convert_element_type3A_469 : vector<16xi32>
    %gt3A_471 = arith.constant 0.000000e+00 : f32
    %gt3A_472 = vector.broadcast %gt3A_471 : f32 to vector<16xf32>
    %gt3A_473 = arith.cmpf ogt, %gather3A_456, %gt3A_472 : vector<16xf32>
    %convert_element_type3A_474 = arith.extui %gt3A_473 : vector<16xi1> to vector<16xi32>
    %add3A_475 = arith.addi %add3A_470, %convert_element_type3A_474 : vector<16xi32>
    %gt3A_476 = arith.constant 3.186000e-01 : f32
    %gt3A_477 = vector.broadcast %gt3A_476 : f32 to vector<16xf32>
    %gt3A_478 = arith.cmpf ogt, %gather3A_456, %gt3A_477 : vector<16xf32>
    %convert_element_type3A_479 = arith.extui %gt3A_478 : vector<16xi1> to vector<16xi32>
    %add3A_480 = arith.addi %add3A_475, %convert_element_type3A_479 : vector<16xi32>
    %gt3A_481 = arith.constant 0.674499988 : f32
    %gt3A_482 = vector.broadcast %gt3A_481 : f32 to vector<16xf32>
    %gt3A_483 = arith.cmpf ogt, %gather3A_456, %gt3A_482 : vector<16xf32>
    %convert_element_type3A_484 = arith.extui %gt3A_483 : vector<16xi1> to vector<16xi32>
    %add3A_485 = arith.addi %add3A_480, %convert_element_type3A_484 : vector<16xi32>
    %gt3A_486 = arith.constant 1.150300e+00 : f32
    %gt3A_487 = vector.broadcast %gt3A_486 : f32 to vector<16xf32>
    %gt3A_488 = arith.cmpf ogt, %gather3A_456, %gt3A_487 : vector<16xf32>
    %convert_element_type3A_489 = arith.extui %gt3A_488 : vector<16xi1> to vector<16xi32>
    %add3A_490 = arith.addi %add3A_485, %convert_element_type3A_489 : vector<16xi32>
    %swap3A_491 = arith.constant 112 : index
    %swap3A_492 = tpu.vector_load %arg16[%swap3A_491] {strides = array<i32>} : memref<1024xi32, #tpu.memory_space<vmem>>, vector<16xi32>,
    tpu.vector_store %arg16[%swap3A_491], %add3A_490 {strides = array<i32>} : memref<1024xi32, #tpu.memory_space<vmem>>, vector<16xi32>,
    %add3A_493 = arith.constant 64 : i32
    %add3A_494 = arith.addi %multiple_of3A, %add3A_493 : i32
    %dma_start3A_495 = arith.constant 64 : i32
    %dma_start3A_496 = tpu.memref_slice %arg16[%dma_start3A_495] : memref<1024xi32, #tpu.memory_space<vmem>> -> memref<64xi32, #tpu.memory_space<vmem>>
    %dma_start3A_497 = tpu.memref_slice %arg3[%add3A_494] : memref<32768xi32, #tpu.memory_space<hbm>> -> memref<64xi32, #tpu.memory_space<hbm>>
    %dma_start3A_498 = tpu.memref_slice %arg3[%add3A_494] : memref<32768xi32, #tpu.memory_space<hbm>> -> memref<64xi32, #tpu.memory_space<hbm>>
    %dma_start3A_499 = arith.constant 64 : i32
    %dma_start3A_500 = tpu.memref_slice %arg16[%dma_start3A_499] : memref<1024xi32, #tpu.memory_space<vmem>> -> memref<64xi32, #tpu.memory_space<vmem>>
    tpu.enqueue_dma source(%dma_start3A_500 : memref<64xi32, #tpu.memory_space<vmem>>) target(%dma_start3A_498 : memref<64xi32, #tpu.memory_space<hbm>>) target_semaphore(%arg29 : memref<!tpu.dma_semaphore, #tpu.memory_space<semaphore_mem>>)
    %add3A_501 = arith.constant 104 : i32
    %add3A_502 = arith.addi %multiple_of3A_5, %add3A_501 : i32
    %dma_start3A_503 = arith.constant 0 : i32
    %dma_start3A_504 = arith.constant 0 : i32
    %dma_start3A_505 = tpu.memref_slice %arg2[%add3A_502, %dma_start3A_503, %dma_start3A_504] : memref<8192x8x1024xf32, #tpu.memory_space<hbm>> -> memref<8x8x128xf32, #tpu.memory_space<hbm>>
    %dma_start3A_506 = arith.constant 0 : i32
    %dma_start3A_507 = arith.constant 0 : i32
    %dma_start3A_508 = tpu.memref_slice %arg2[%add3A_502, %dma_start3A_506, %dma_start3A_507] : memref<8192x8x1024xf32, #tpu.memory_space<hbm>> -> memref<8x8x128xf32, #tpu.memory_space<hbm>>
    tpu.enqueue_dma source(%dma_start3A_508 : memref<8x8x128xf32, #tpu.memory_space<hbm>>) target(%arg5 : memref<8x8x128xf32, #tpu.memory_space<vmem>>) target_semaphore(%arg18 : memref<!tpu.dma_semaphore, #tpu.memory_space<semaphore_mem>>)
    %dma_wait3A_509 = arith.constant 0 : i32
    %dma_wait3A_510 = arith.constant 0 : i32
    %dma_wait3A_511 = tpu.memref_slice %arg2[%add3A_25, %dma_wait3A_509, %dma_wait3A_510] : memref<8192x8x1024xf32, #tpu.memory_space<hbm>> -> memref<8x8x128xf32, #tpu.memory_space<hbm>>
    %dma_wait3A_512 = arith.constant 0 : i32
    %dma_wait3A_513 = arith.constant 0 : i32
    %dma_wait3A_514 = tpu.memref_slice %arg2[%add3A_25, %dma_wait3A_512, %dma_wait3A_513] : memref<8192x8x1024xf32, #tpu.memory_space<hbm>> -> memref<8x8x128xf32, #tpu.memory_space<hbm>>
    tpu.wait_dma2 semaphore(%arg19 : memref<!tpu.dma_semaphore, #tpu.memory_space<semaphore_mem>>) src(%dma_wait3A_514 : memref<8x8x128xf32, #tpu.memory_space<hbm>>) dst(%arg6 : memref<8x8x128xf32, #tpu.memory_space<vmem>>)
    %add3A_515 = arith.constant 0 : i32
    %add3A_516 = vector.broadcast %add3A_515 : i32 to vector<16xi32>
    %add3A_517 = arith.addi %add3A_516, %iota3A : vector<16xi32>
    %shift_right_logical3A_518 = arith.constant 3 : i32
    %shift_right_logical3A_519 = vector.broadcast %shift_right_logical3A_518 : i32 to vector<16xi32>
    %shift_right_logical3A_520 = arith.shrui %add3A_517, %shift_right_logical3A_519 : vector<16xi32>
    %and3A_521 = arith.constant 7 : i32
    %and3A_522 = vector.broadcast %and3A_521 : i32 to vector<16xi32>
    %and3A_523 = arith.andi %add3A_517, %and3A_522 : vector<16xi32>
    %gather3A_524 = tpu.vector_load_idx %arg6[%shift_right_logical3A_520, %and3A_523, %mul3A_8] : memref<8x8x128xf32, #tpu.memory_space<vmem>>[vector<16xi32>, vector<16xi32>, vector<16xi32>], vector<16xf32>,
    %gt3A_525 = arith.constant -1.150300e+00 : f32
    %gt3A_526 = vector.broadcast %gt3A_525 : f32 to vector<16xf32>
    %gt3A_527 = arith.cmpf ogt, %gather3A_524, %gt3A_526 : vector<16xf32>
    %convert_element_type3A_528 = arith.extui %gt3A_527 : vector<16xi1> to vector<16xi32>
    %gt3A_529 = arith.constant -0.674499988 : f32
    %gt3A_530 = vector.broadcast %gt3A_529 : f32 to vector<16xf32>
    %gt3A_531 = arith.cmpf ogt, %gather3A_524, %gt3A_530 : vector<16xf32>
    %convert_element_type3A_532 = arith.extui %gt3A_531 : vector<16xi1> to vector<16xi32>
    %add3A_533 = arith.addi %convert_element_type3A_528, %convert_element_type3A_532 : vector<16xi32>
    %gt3A_534 = arith.constant -3.186000e-01 : f32
    %gt3A_535 = vector.broadcast %gt3A_534 : f32 to vector<16xf32>
    %gt3A_536 = arith.cmpf ogt, %gather3A_524, %gt3A_535 : vector<16xf32>
    %convert_element_type3A_537 = arith.extui %gt3A_536 : vector<16xi1> to vector<16xi32>
    %add3A_538 = arith.addi %add3A_533, %convert_element_type3A_537 : vector<16xi32>
    %gt3A_539 = arith.constant 0.000000e+00 : f32
    %gt3A_540 = vector.broadcast %gt3A_539 : f32 to vector<16xf32>
    %gt3A_541 = arith.cmpf ogt, %gather3A_524, %gt3A_540 : vector<16xf32>
    %convert_element_type3A_542 = arith.extui %gt3A_541 : vector<16xi1> to vector<16xi32>
    %add3A_543 = arith.addi %add3A_538, %convert_element_type3A_542 : vector<16xi32>
    %gt3A_544 = arith.constant 3.186000e-01 : f32
    %gt3A_545 = vector.broadcast %gt3A_544 : f32 to vector<16xf32>
    %gt3A_546 = arith.cmpf ogt, %gather3A_524, %gt3A_545 : vector<16xf32>
    %convert_element_type3A_547 = arith.extui %gt3A_546 : vector<16xi1> to vector<16xi32>
    %add3A_548 = arith.addi %add3A_543, %convert_element_type3A_547 : vector<16xi32>
    %gt3A_549 = arith.constant 0.674499988 : f32
    %gt3A_550 = vector.broadcast %gt3A_549 : f32 to vector<16xf32>
    %gt3A_551 = arith.cmpf ogt, %gather3A_524, %gt3A_550 : vector<16xf32>
    %convert_element_type3A_552 = arith.extui %gt3A_551 : vector<16xi1> to vector<16xi32>
    %add3A_553 = arith.addi %add3A_548, %convert_element_type3A_552 : vector<16xi32>
    %gt3A_554 = arith.constant 1.150300e+00 : f32
    %gt3A_555 = vector.broadcast %gt3A_554 : f32 to vector<16xf32>
    %gt3A_556 = arith.cmpf ogt, %gather3A_524, %gt3A_555 : vector<16xf32>
    %convert_element_type3A_557 = arith.extui %gt3A_556 : vector<16xi1> to vector<16xi32>
    %add3A_558 = arith.addi %add3A_553, %convert_element_type3A_557 : vector<16xi32>
    %swap3A_559 = arith.constant 128 : index
    %swap3A_560 = tpu.vector_load %arg16[%swap3A_559] {strides = array<i32>} : memref<1024xi32, #tpu.memory_space<vmem>>, vector<16xi32>,
    tpu.vector_store %arg16[%swap3A_559], %add3A_558 {strides = array<i32>} : memref<1024xi32, #tpu.memory_space<vmem>>, vector<16xi32>,
    %add3A_561 = arith.constant 16 : i32
    %add3A_562 = vector.broadcast %add3A_561 : i32 to vector<16xi32>
    %add3A_563 = arith.addi %add3A_562, %iota3A : vector<16xi32>
    %shift_right_logical3A_564 = arith.constant 3 : i32
    %shift_right_logical3A_565 = vector.broadcast %shift_right_logical3A_564 : i32 to vector<16xi32>
    %shift_right_logical3A_566 = arith.shrui %add3A_563, %shift_right_logical3A_565 : vector<16xi32>
    %and3A_567 = arith.constant 7 : i32
    %and3A_568 = vector.broadcast %and3A_567 : i32 to vector<16xi32>
    %and3A_569 = arith.andi %add3A_563, %and3A_568 : vector<16xi32>
    %gather3A_570 = tpu.vector_load_idx %arg6[%shift_right_logical3A_566, %and3A_569, %mul3A_8] : memref<8x8x128xf32, #tpu.memory_space<vmem>>[vector<16xi32>, vector<16xi32>, vector<16xi32>], vector<16xf32>,
    %gt3A_571 = arith.constant -1.150300e+00 : f32
    %gt3A_572 = vector.broadcast %gt3A_571 : f32 to vector<16xf32>
    %gt3A_573 = arith.cmpf ogt, %gather3A_570, %gt3A_572 : vector<16xf32>
    %convert_element_type3A_574 = arith.extui %gt3A_573 : vector<16xi1> to vector<16xi32>
    %gt3A_575 = arith.constant -0.674499988 : f32
    %gt3A_576 = vector.broadcast %gt3A_575 : f32 to vector<16xf32>
    %gt3A_577 = arith.cmpf ogt, %gather3A_570, %gt3A_576 : vector<16xf32>
    %convert_element_type3A_578 = arith.extui %gt3A_577 : vector<16xi1> to vector<16xi32>
    %add3A_579 = arith.addi %convert_element_type3A_574, %convert_element_type3A_578 : vector<16xi32>
    %gt3A_580 = arith.constant -3.186000e-01 : f32
    %gt3A_581 = vector.broadcast %gt3A_580 : f32 to vector<16xf32>
    %gt3A_582 = arith.cmpf ogt, %gather3A_570, %gt3A_581 : vector<16xf32>
    %convert_element_type3A_583 = arith.extui %gt3A_582 : vector<16xi1> to vector<16xi32>
    %add3A_584 = arith.addi %add3A_579, %convert_element_type3A_583 : vector<16xi32>
    %gt3A_585 = arith.constant 0.000000e+00 : f32
    %gt3A_586 = vector.broadcast %gt3A_585 : f32 to vector<16xf32>
    %gt3A_587 = arith.cmpf ogt, %gather3A_570, %gt3A_586 : vector<16xf32>
    %convert_element_type3A_588 = arith.extui %gt3A_587 : vector<16xi1> to vector<16xi32>
    %add3A_589 = arith.addi %add3A_584, %convert_element_type3A_588 : vector<16xi32>
    %gt3A_590 = arith.constant 3.186000e-01 : f32
    %gt3A_591 = vector.broadcast %gt3A_590 : f32 to vector<16xf32>
    %gt3A_592 = arith.cmpf ogt, %gather3A_570, %gt3A_591 : vector<16xf32>
    %convert_element_type3A_593 = arith.extui %gt3A_592 : vector<16xi1> to vector<16xi32>
    %add3A_594 = arith.addi %add3A_589, %convert_element_type3A_593 : vector<16xi32>
    %gt3A_595 = arith.constant 0.674499988 : f32
    %gt3A_596 = vector.broadcast %gt3A_595 : f32 to vector<16xf32>
    %gt3A_597 = arith.cmpf ogt, %gather3A_570, %gt3A_596 : vector<16xf32>
    %convert_element_type3A_598 = arith.extui %gt3A_597 : vector<16xi1> to vector<16xi32>
    %add3A_599 = arith.addi %add3A_594, %convert_element_type3A_598 : vector<16xi32>
    %gt3A_600 = arith.constant 1.150300e+00 : f32
    %gt3A_601 = vector.broadcast %gt3A_600 : f32 to vector<16xf32>
    %gt3A_602 = arith.cmpf ogt, %gather3A_570, %gt3A_601 : vector<16xf32>
    %convert_element_type3A_603 = arith.extui %gt3A_602 : vector<16xi1> to vector<16xi32>
    %add3A_604 = arith.addi %add3A_599, %convert_element_type3A_603 : vector<16xi32>
    %swap3A_605 = arith.constant 144 : index
    %swap3A_606 = tpu.vector_load %arg16[%swap3A_605] {strides = array<i32>} : memref<1024xi32, #tpu.memory_space<vmem>>, vector<16xi32>,
    tpu.vector_store %arg16[%swap3A_605], %add3A_604 {strides = array<i32>} : memref<1024xi32, #tpu.memory_space<vmem>>, vector<16xi32>,
    %add3A_607 = arith.constant 32 : i32
    %add3A_608 = vector.broadcast %add3A_607 : i32 to vector<16xi32>
    %add3A_609 = arith.addi %add3A_608, %iota3A : vector<16xi32>
    %shift_right_logical3A_610 = arith.constant 3 : i32
    %shift_right_logical3A_611 = vector.broadcast %shift_right_logical3A_610 : i32 to vector<16xi32>
    %shift_right_logical3A_612 = arith.shrui %add3A_609, %shift_right_logical3A_611 : vector<16xi32>
    %and3A_613 = arith.constant 7 : i32
    %and3A_614 = vector.broadcast %and3A_613 : i32 to vector<16xi32>
    %and3A_615 = arith.andi %add3A_609, %and3A_614 : vector<16xi32>
    %gather3A_616 = tpu.vector_load_idx %arg6[%shift_right_logical3A_612, %and3A_615, %mul3A_8] : memref<8x8x128xf32, #tpu.memory_space<vmem>>[vector<16xi32>, vector<16xi32>, vector<16xi32>], vector<16xf32>,
    %gt3A_617 = arith.constant -1.150300e+00 : f32
    %gt3A_618 = vector.broadcast %gt3A_617 : f32 to vector<16xf32>
    %gt3A_619 = arith.cmpf ogt, %gather3A_616, %gt3A_618 : vector<16xf32>
    %convert_element_type3A_620 = arith.extui %gt3A_619 : vector<16xi1> to vector<16xi32>
    %gt3A_621 = arith.constant -0.674499988 : f32
    %gt3A_622 = vector.broadcast %gt3A_621 : f32 to vector<16xf32>
    %gt3A_623 = arith.cmpf ogt, %gather3A_616, %gt3A_622 : vector<16xf32>
    %convert_element_type3A_624 = arith.extui %gt3A_623 : vector<16xi1> to vector<16xi32>
    %add3A_625 = arith.addi %convert_element_type3A_620, %convert_element_type3A_624 : vector<16xi32>
    %gt3A_626 = arith.constant -3.186000e-01 : f32
    %gt3A_627 = vector.broadcast %gt3A_626 : f32 to vector<16xf32>
    %gt3A_628 = arith.cmpf ogt, %gather3A_616, %gt3A_627 : vector<16xf32>
    %convert_element_type3A_629 = arith.extui %gt3A_628 : vector<16xi1> to vector<16xi32>
    %add3A_630 = arith.addi %add3A_625, %convert_element_type3A_629 : vector<16xi32>
    %gt3A_631 = arith.constant 0.000000e+00 : f32
    %gt3A_632 = vector.broadcast %gt3A_631 : f32 to vector<16xf32>
    %gt3A_633 = arith.cmpf ogt, %gather3A_616, %gt3A_632 : vector<16xf32>
    %convert_element_type3A_634 = arith.extui %gt3A_633 : vector<16xi1> to vector<16xi32>
    %add3A_635 = arith.addi %add3A_630, %convert_element_type3A_634 : vector<16xi32>
    %gt3A_636 = arith.constant 3.186000e-01 : f32
    %gt3A_637 = vector.broadcast %gt3A_636 : f32 to vector<16xf32>
    %gt3A_638 = arith.cmpf ogt, %gather3A_616, %gt3A_637 : vector<16xf32>
    %convert_element_type3A_639 = arith.extui %gt3A_638 : vector<16xi1> to vector<16xi32>
    %add3A_640 = arith.addi %add3A_635, %convert_element_type3A_639 : vector<16xi32>
    %gt3A_641 = arith.constant 0.674499988 : f32
    %gt3A_642 = vector.broadcast %gt3A_641 : f32 to vector<16xf32>
    %gt3A_643 = arith.cmpf ogt, %gather3A_616, %gt3A_642 : vector<16xf32>
    %convert_element_type3A_644 = arith.extui %gt3A_643 : vector<16xi1> to vector<16xi32>
    %add3A_645 = arith.addi %add3A_640, %convert_element_type3A_644 : vector<16xi32>
    %gt3A_646 = arith.constant 1.150300e+00 : f32
    %gt3A_647 = vector.broadcast %gt3A_646 : f32 to vector<16xf32>
    %gt3A_648 = arith.cmpf ogt, %gather3A_616, %gt3A_647 : vector<16xf32>
    %convert_element_type3A_649 = arith.extui %gt3A_648 : vector<16xi1> to vector<16xi32>
    %add3A_650 = arith.addi %add3A_645, %convert_element_type3A_649 : vector<16xi32>
    %swap3A_651 = arith.constant 160 : index
    %swap3A_652 = tpu.vector_load %arg16[%swap3A_651] {strides = array<i32>} : memref<1024xi32, #tpu.memory_space<vmem>>, vector<16xi32>,
    tpu.vector_store %arg16[%swap3A_651], %add3A_650 {strides = array<i32>} : memref<1024xi32, #tpu.memory_space<vmem>>, vector<16xi32>,
    %add3A_653 = arith.constant 48 : i32
    %add3A_654 = vector.broadcast %add3A_653 : i32 to vector<16xi32>
    %add3A_655 = arith.addi %add3A_654, %iota3A : vector<16xi32>
    %shift_right_logical3A_656 = arith.constant 3 : i32
    %shift_right_logical3A_657 = vector.broadcast %shift_right_logical3A_656 : i32 to vector<16xi32>
    %shift_right_logical3A_658 = arith.shrui %add3A_655, %shift_right_logical3A_657 : vector<16xi32>
    %and3A_659 = arith.constant 7 : i32
    %and3A_660 = vector.broadcast %and3A_659 : i32 to vector<16xi32>
    %and3A_661 = arith.andi %add3A_655, %and3A_660 : vector<16xi32>
    %gather3A_662 = tpu.vector_load_idx %arg6[%shift_right_logical3A_658, %and3A_661, %mul3A_8] : memref<8x8x128xf32, #tpu.memory_space<vmem>>[vector<16xi32>, vector<16xi32>, vector<16xi32>], vector<16xf32>,
    %gt3A_663 = arith.constant -1.150300e+00 : f32
    %gt3A_664 = vector.broadcast %gt3A_663 : f32 to vector<16xf32>
    %gt3A_665 = arith.cmpf ogt, %gather3A_662, %gt3A_664 : vector<16xf32>
    %convert_element_type3A_666 = arith.extui %gt3A_665 : vector<16xi1> to vector<16xi32>
    %gt3A_667 = arith.constant -0.674499988 : f32
    %gt3A_668 = vector.broadcast %gt3A_667 : f32 to vector<16xf32>
    %gt3A_669 = arith.cmpf ogt, %gather3A_662, %gt3A_668 : vector<16xf32>
    %convert_element_type3A_670 = arith.extui %gt3A_669 : vector<16xi1> to vector<16xi32>
    %add3A_671 = arith.addi %convert_element_type3A_666, %convert_element_type3A_670 : vector<16xi32>
    %gt3A_672 = arith.constant -3.186000e-01 : f32
    %gt3A_673 = vector.broadcast %gt3A_672 : f32 to vector<16xf32>
    %gt3A_674 = arith.cmpf ogt, %gather3A_662, %gt3A_673 : vector<16xf32>
    %convert_element_type3A_675 = arith.extui %gt3A_674 : vector<16xi1> to vector<16xi32>
    %add3A_676 = arith.addi %add3A_671, %convert_element_type3A_675 : vector<16xi32>
    %gt3A_677 = arith.constant 0.000000e+00 : f32
    %gt3A_678 = vector.broadcast %gt3A_677 : f32 to vector<16xf32>
    %gt3A_679 = arith.cmpf ogt, %gather3A_662, %gt3A_678 : vector<16xf32>
    %convert_element_type3A_680 = arith.extui %gt3A_679 : vector<16xi1> to vector<16xi32>
    %add3A_681 = arith.addi %add3A_676, %convert_element_type3A_680 : vector<16xi32>
    %gt3A_682 = arith.constant 3.186000e-01 : f32
    %gt3A_683 = vector.broadcast %gt3A_682 : f32 to vector<16xf32>
    %gt3A_684 = arith.cmpf ogt, %gather3A_662, %gt3A_683 : vector<16xf32>
    %convert_element_type3A_685 = arith.extui %gt3A_684 : vector<16xi1> to vector<16xi32>
    %add3A_686 = arith.addi %add3A_681, %convert_element_type3A_685 : vector<16xi32>
    %gt3A_687 = arith.constant 0.674499988 : f32
    %gt3A_688 = vector.broadcast %gt3A_687 : f32 to vector<16xf32>
    %gt3A_689 = arith.cmpf ogt, %gather3A_662, %gt3A_688 : vector<16xf32>
    %convert_element_type3A_690 = arith.extui %gt3A_689 : vector<16xi1> to vector<16xi32>
    %add3A_691 = arith.addi %add3A_686, %convert_element_type3A_690 : vector<16xi32>
    %gt3A_692 = arith.constant 1.150300e+00 : f32
    %gt3A_693 = vector.broadcast %gt3A_692 : f32 to vector<16xf32>
    %gt3A_694 = arith.cmpf ogt, %gather3A_662, %gt3A_693 : vector<16xf32>
    %convert_element_type3A_695 = arith.extui %gt3A_694 : vector<16xi1> to vector<16xi32>
    %add3A_696 = arith.addi %add3A_691, %convert_element_type3A_695 : vector<16xi32>
    %swap3A_697 = arith.constant 176 : index
    %swap3A_698 = tpu.vector_load %arg16[%swap3A_697] {strides = array<i32>} : memref<1024xi32, #tpu.memory_space<vmem>>, vector<16xi32>,
    tpu.vector_store %arg16[%swap3A_697], %add3A_696 {strides = array<i32>} : memref<1024xi32, #tpu.memory_space<vmem>>, vector<16xi32>,
    %add3A_699 = arith.constant 128 : i32
    %add3A_700 = arith.addi %multiple_of3A, %add3A_699 : i32
    %dma_start3A_701 = arith.constant 128 : i32
    %dma_start3A_702 = tpu.memref_slice %arg16[%dma_start3A_701] : memref<1024xi32, #tpu.memory_space<vmem>> -> memref<64xi32, #tpu.memory_space<vmem>>
    %dma_start3A_703 = tpu.memref_slice %arg3[%add3A_700] : memref<32768xi32, #tpu.memory_space<hbm>> -> memref<64xi32, #tpu.memory_space<hbm>>
    %dma_start3A_704 = tpu.memref_slice %arg3[%add3A_700] : memref<32768xi32, #tpu.memory_space<hbm>> -> memref<64xi32, #tpu.memory_space<hbm>>
    %dma_start3A_705 = arith.constant 128 : i32
    %dma_start3A_706 = tpu.memref_slice %arg16[%dma_start3A_705] : memref<1024xi32, #tpu.memory_space<vmem>> -> memref<64xi32, #tpu.memory_space<vmem>>
    tpu.enqueue_dma source(%dma_start3A_706 : memref<64xi32, #tpu.memory_space<vmem>>) target(%dma_start3A_704 : memref<64xi32, #tpu.memory_space<hbm>>) target_semaphore(%arg29 : memref<!tpu.dma_semaphore, #tpu.memory_space<semaphore_mem>>)
    %add3A_707 = arith.constant 112 : i32
    %add3A_708 = arith.addi %multiple_of3A_5, %add3A_707 : i32
    %dma_start3A_709 = arith.constant 0 : i32
    %dma_start3A_710 = arith.constant 0 : i32
    %dma_start3A_711 = tpu.memref_slice %arg2[%add3A_708, %dma_start3A_709, %dma_start3A_710] : memref<8192x8x1024xf32, #tpu.memory_space<hbm>> -> memref<8x8x128xf32, #tpu.memory_space<hbm>>
    %dma_start3A_712 = arith.constant 0 : i32
    %dma_start3A_713 = arith.constant 0 : i32
    %dma_start3A_714 = tpu.memref_slice %arg2[%add3A_708, %dma_start3A_712, %dma_start3A_713] : memref<8192x8x1024xf32, #tpu.memory_space<hbm>> -> memref<8x8x128xf32, #tpu.memory_space<hbm>>
    tpu.enqueue_dma source(%dma_start3A_714 : memref<8x8x128xf32, #tpu.memory_space<hbm>>) target(%arg6 : memref<8x8x128xf32, #tpu.memory_space<vmem>>) target_semaphore(%arg19 : memref<!tpu.dma_semaphore, #tpu.memory_space<semaphore_mem>>)
    %dma_wait3A_715 = arith.constant 0 : i32
    %dma_wait3A_716 = arith.constant 0 : i32
    %dma_wait3A_717 = tpu.memref_slice %arg2[%add3A_33, %dma_wait3A_715, %dma_wait3A_716] : memref<8192x8x1024xf32, #tpu.memory_space<hbm>> -> memref<8x8x128xf32, #tpu.memory_space<hbm>>
    %dma_wait3A_718 = arith.constant 0 : i32
    %dma_wait3A_719 = arith.constant 0 : i32
    %dma_wait3A_720 = tpu.memref_slice %arg2[%add3A_33, %dma_wait3A_718, %dma_wait3A_719] : memref<8192x8x1024xf32, #tpu.memory_space<hbm>> -> memref<8x8x128xf32, #tpu.memory_space<hbm>>
    tpu.wait_dma2 semaphore(%arg20 : memref<!tpu.dma_semaphore, #tpu.memory_space<semaphore_mem>>) src(%dma_wait3A_720 : memref<8x8x128xf32, #tpu.memory_space<hbm>>) dst(%arg7 : memref<8x8x128xf32, #tpu.memory_space<vmem>>)
    %add3A_721 = arith.constant 0 : i32
    %add3A_722 = vector.broadcast %add3A_721 : i32 to vector<16xi32>
    %add3A_723 = arith.addi %add3A_722, %iota3A : vector<16xi32>
    %shift_right_logical3A_724 = arith.constant 3 : i32
    %shift_right_logical3A_725 = vector.broadcast %shift_right_logical3A_724 : i32 to vector<16xi32>
    %shift_right_logical3A_726 = arith.shrui %add3A_723, %shift_right_logical3A_725 : vector<16xi32>
    %and3A_727 = arith.constant 7 : i32
    %and3A_728 = vector.broadcast %and3A_727 : i32 to vector<16xi32>
    %and3A_729 = arith.andi %add3A_723, %and3A_728 : vector<16xi32>
    %gather3A_730 = tpu.vector_load_idx %arg7[%shift_right_logical3A_726, %and3A_729, %mul3A_8] : memref<8x8x128xf32, #tpu.memory_space<vmem>>[vector<16xi32>, vector<16xi32>, vector<16xi32>], vector<16xf32>,
    %gt3A_731 = arith.constant -1.150300e+00 : f32
    %gt3A_732 = vector.broadcast %gt3A_731 : f32 to vector<16xf32>
    %gt3A_733 = arith.cmpf ogt, %gather3A_730, %gt3A_732 : vector<16xf32>
    %convert_element_type3A_734 = arith.extui %gt3A_733 : vector<16xi1> to vector<16xi32>
    %gt3A_735 = arith.constant -0.674499988 : f32
    %gt3A_736 = vector.broadcast %gt3A_735 : f32 to vector<16xf32>
    %gt3A_737 = arith.cmpf ogt, %gather3A_730, %gt3A_736 : vector<16xf32>
    %convert_element_type3A_738 = arith.extui %gt3A_737 : vector<16xi1> to vector<16xi32>
    %add3A_739 = arith.addi %convert_element_type3A_734, %convert_element_type3A_738 : vector<16xi32>
    %gt3A_740 = arith.constant -3.186000e-01 : f32
    %gt3A_741 = vector.broadcast %gt3A_740 : f32 to vector<16xf32>
    %gt3A_742 = arith.cmpf ogt, %gather3A_730, %gt3A_741 : vector<16xf32>
    %convert_element_type3A_743 = arith.extui %gt3A_742 : vector<16xi1> to vector<16xi32>
    %add3A_744 = arith.addi %add3A_739, %convert_element_type3A_743 : vector<16xi32>
    %gt3A_745 = arith.constant 0.000000e+00 : f32
    %gt3A_746 = vector.broadcast %gt3A_745 : f32 to vector<16xf32>
    %gt3A_747 = arith.cmpf ogt, %gather3A_730, %gt3A_746 : vector<16xf32>
    %convert_element_type3A_748 = arith.extui %gt3A_747 : vector<16xi1> to vector<16xi32>
    %add3A_749 = arith.addi %add3A_744, %convert_element_type3A_748 : vector<16xi32>
    %gt3A_750 = arith.constant 3.186000e-01 : f32
    %gt3A_751 = vector.broadcast %gt3A_750 : f32 to vector<16xf32>
    %gt3A_752 = arith.cmpf ogt, %gather3A_730, %gt3A_751 : vector<16xf32>
    %convert_element_type3A_753 = arith.extui %gt3A_752 : vector<16xi1> to vector<16xi32>
    %add3A_754 = arith.addi %add3A_749, %convert_element_type3A_753 : vector<16xi32>
    %gt3A_755 = arith.constant 0.674499988 : f32
    %gt3A_756 = vector.broadcast %gt3A_755 : f32 to vector<16xf32>
    %gt3A_757 = arith.cmpf ogt, %gather3A_730, %gt3A_756 : vector<16xf32>
    %convert_element_type3A_758 = arith.extui %gt3A_757 : vector<16xi1> to vector<16xi32>
    %add3A_759 = arith.addi %add3A_754, %convert_element_type3A_758 : vector<16xi32>
    %gt3A_760 = arith.constant 1.150300e+00 : f32
    %gt3A_761 = vector.broadcast %gt3A_760 : f32 to vector<16xf32>
    %gt3A_762 = arith.cmpf ogt, %gather3A_730, %gt3A_761 : vector<16xf32>
    %convert_element_type3A_763 = arith.extui %gt3A_762 : vector<16xi1> to vector<16xi32>
    %add3A_764 = arith.addi %add3A_759, %convert_element_type3A_763 : vector<16xi32>
    %swap3A_765 = arith.constant 192 : index
    %swap3A_766 = tpu.vector_load %arg16[%swap3A_765] {strides = array<i32>} : memref<1024xi32, #tpu.memory_space<vmem>>, vector<16xi32>,
    tpu.vector_store %arg16[%swap3A_765], %add3A_764 {strides = array<i32>} : memref<1024xi32, #tpu.memory_space<vmem>>, vector<16xi32>,
    %add3A_767 = arith.constant 16 : i32
    %add3A_768 = vector.broadcast %add3A_767 : i32 to vector<16xi32>
    %add3A_769 = arith.addi %add3A_768, %iota3A : vector<16xi32>
    %shift_right_logical3A_770 = arith.constant 3 : i32
    %shift_right_logical3A_771 = vector.broadcast %shift_right_logical3A_770 : i32 to vector<16xi32>
    %shift_right_logical3A_772 = arith.shrui %add3A_769, %shift_right_logical3A_771 : vector<16xi32>
    %and3A_773 = arith.constant 7 : i32
    %and3A_774 = vector.broadcast %and3A_773 : i32 to vector<16xi32>
    %and3A_775 = arith.andi %add3A_769, %and3A_774 : vector<16xi32>
    %gather3A_776 = tpu.vector_load_idx %arg7[%shift_right_logical3A_772, %and3A_775, %mul3A_8] : memref<8x8x128xf32, #tpu.memory_space<vmem>>[vector<16xi32>, vector<16xi32>, vector<16xi32>], vector<16xf32>,
    %gt3A_777 = arith.constant -1.150300e+00 : f32
    %gt3A_778 = vector.broadcast %gt3A_777 : f32 to vector<16xf32>
    %gt3A_779 = arith.cmpf ogt, %gather3A_776, %gt3A_778 : vector<16xf32>
    %convert_element_type3A_780 = arith.extui %gt3A_779 : vector<16xi1> to vector<16xi32>
    %gt3A_781 = arith.constant -0.674499988 : f32
    %gt3A_782 = vector.broadcast %gt3A_781 : f32 to vector<16xf32>
    %gt3A_783 = arith.cmpf ogt, %gather3A_776, %gt3A_782 : vector<16xf32>
    %convert_element_type3A_784 = arith.extui %gt3A_783 : vector<16xi1> to vector<16xi32>
    %add3A_785 = arith.addi %convert_element_type3A_780, %convert_element_type3A_784 : vector<16xi32>
    %gt3A_786 = arith.constant -3.186000e-01 : f32
    %gt3A_787 = vector.broadcast %gt3A_786 : f32 to vector<16xf32>
    %gt3A_788 = arith.cmpf ogt, %gather3A_776, %gt3A_787 : vector<16xf32>
    %convert_element_type3A_789 = arith.extui %gt3A_788 : vector<16xi1> to vector<16xi32>
    %add3A_790 = arith.addi %add3A_785, %convert_element_type3A_789 : vector<16xi32>
    %gt3A_791 = arith.constant 0.000000e+00 : f32
    %gt3A_792 = vector.broadcast %gt3A_791 : f32 to vector<16xf32>
    %gt3A_793 = arith.cmpf ogt, %gather3A_776, %gt3A_792 : vector<16xf32>
    %convert_element_type3A_794 = arith.extui %gt3A_793 : vector<16xi1> to vector<16xi32>
    %add3A_795 = arith.addi %add3A_790, %convert_element_type3A_794 : vector<16xi32>
    %gt3A_796 = arith.constant 3.186000e-01 : f32
    %gt3A_797 = vector.broadcast %gt3A_796 : f32 to vector<16xf32>
    %gt3A_798 = arith.cmpf ogt, %gather3A_776, %gt3A_797 : vector<16xf32>
    %convert_element_type3A_799 = arith.extui %gt3A_798 : vector<16xi1> to vector<16xi32>
    %add3A_800 = arith.addi %add3A_795, %convert_element_type3A_799 : vector<16xi32>
    %gt3A_801 = arith.constant 0.674499988 : f32
    %gt3A_802 = vector.broadcast %gt3A_801 : f32 to vector<16xf32>
    %gt3A_803 = arith.cmpf ogt, %gather3A_776, %gt3A_802 : vector<16xf32>
    %convert_element_type3A_804 = arith.extui %gt3A_803 : vector<16xi1> to vector<16xi32>
    %add3A_805 = arith.addi %add3A_800, %convert_element_type3A_804 : vector<16xi32>
    %gt3A_806 = arith.constant 1.150300e+00 : f32
    %gt3A_807 = vector.broadcast %gt3A_806 : f32 to vector<16xf32>
    %gt3A_808 = arith.cmpf ogt, %gather3A_776, %gt3A_807 : vector<16xf32>
    %convert_element_type3A_809 = arith.extui %gt3A_808 : vector<16xi1> to vector<16xi32>
    %add3A_810 = arith.addi %add3A_805, %convert_element_type3A_809 : vector<16xi32>
    %swap3A_811 = arith.constant 208 : index
    %swap3A_812 = tpu.vector_load %arg16[%swap3A_811] {strides = array<i32>} : memref<1024xi32, #tpu.memory_space<vmem>>, vector<16xi32>,
    tpu.vector_store %arg16[%swap3A_811], %add3A_810 {strides = array<i32>} : memref<1024xi32, #tpu.memory_space<vmem>>, vector<16xi32>,
    %add3A_813 = arith.constant 32 : i32
    %add3A_814 = vector.broadcast %add3A_813 : i32 to vector<16xi32>
    %add3A_815 = arith.addi %add3A_814, %iota3A : vector<16xi32>
    %shift_right_logical3A_816 = arith.constant 3 : i32
    %shift_right_logical3A_817 = vector.broadcast %shift_right_logical3A_816 : i32 to vector<16xi32>
    %shift_right_logical3A_818 = arith.shrui %add3A_815, %shift_right_logical3A_817 : vector<16xi32>
    %and3A_819 = arith.constant 7 : i32
    %and3A_820 = vector.broadcast %and3A_819 : i32 to vector<16xi32>
    %and3A_821 = arith.andi %add3A_815, %and3A_820 : vector<16xi32>
    %gather3A_822 = tpu.vector_load_idx %arg7[%shift_right_logical3A_818, %and3A_821, %mul3A_8] : memref<8x8x128xf32, #tpu.memory_space<vmem>>[vector<16xi32>, vector<16xi32>, vector<16xi32>], vector<16xf32>,
    %gt3A_823 = arith.constant -1.150300e+00 : f32
    %gt3A_824 = vector.broadcast %gt3A_823 : f32 to vector<16xf32>
    %gt3A_825 = arith.cmpf ogt, %gather3A_822, %gt3A_824 : vector<16xf32>
    %convert_element_type3A_826 = arith.extui %gt3A_825 : vector<16xi1> to vector<16xi32>
    %gt3A_827 = arith.constant -0.674499988 : f32
    %gt3A_828 = vector.broadcast %gt3A_827 : f32 to vector<16xf32>
    %gt3A_829 = arith.cmpf ogt, %gather3A_822, %gt3A_828 : vector<16xf32>
    %convert_element_type3A_830 = arith.extui %gt3A_829 : vector<16xi1> to vector<16xi32>
    %add3A_831 = arith.addi %convert_element_type3A_826, %convert_element_type3A_830 : vector<16xi32>
    %gt3A_832 = arith.constant -3.186000e-01 : f32
    %gt3A_833 = vector.broadcast %gt3A_832 : f32 to vector<16xf32>
    %gt3A_834 = arith.cmpf ogt, %gather3A_822, %gt3A_833 : vector<16xf32>
    %convert_element_type3A_835 = arith.extui %gt3A_834 : vector<16xi1> to vector<16xi32>
    %add3A_836 = arith.addi %add3A_831, %convert_element_type3A_835 : vector<16xi32>
    %gt3A_837 = arith.constant 0.000000e+00 : f32
    %gt3A_838 = vector.broadcast %gt3A_837 : f32 to vector<16xf32>
    %gt3A_839 = arith.cmpf ogt, %gather3A_822, %gt3A_838 : vector<16xf32>
    %convert_element_type3A_840 = arith.extui %gt3A_839 : vector<16xi1> to vector<16xi32>
    %add3A_841 = arith.addi %add3A_836, %convert_element_type3A_840 : vector<16xi32>
    %gt3A_842 = arith.constant 3.186000e-01 : f32
    %gt3A_843 = vector.broadcast %gt3A_842 : f32 to vector<16xf32>
    %gt3A_844 = arith.cmpf ogt, %gather3A_822, %gt3A_843 : vector<16xf32>
    %convert_element_type3A_845 = arith.extui %gt3A_844 : vector<16xi1> to vector<16xi32>
    %add3A_846 = arith.addi %add3A_841, %convert_element_type3A_845 : vector<16xi32>
    %gt3A_847 = arith.constant 0.674499988 : f32
    %gt3A_848 = vector.broadcast %gt3A_847 : f32 to vector<16xf32>
    %gt3A_849 = arith.cmpf ogt, %gather3A_822, %gt3A_848 : vector<16xf32>
    %convert_element_type3A_850 = arith.extui %gt3A_849 : vector<16xi1> to vector<16xi32>
    %add3A_851 = arith.addi %add3A_846, %convert_element_type3A_850 : vector<16xi32>
    %gt3A_852 = arith.constant 1.150300e+00 : f32
    %gt3A_853 = vector.broadcast %gt3A_852 : f32 to vector<16xf32>
    %gt3A_854 = arith.cmpf ogt, %gather3A_822, %gt3A_853 : vector<16xf32>
    %convert_element_type3A_855 = arith.extui %gt3A_854 : vector<16xi1> to vector<16xi32>
    %add3A_856 = arith.addi %add3A_851, %convert_element_type3A_855 : vector<16xi32>
    %swap3A_857 = arith.constant 224 : index
    %swap3A_858 = tpu.vector_load %arg16[%swap3A_857] {strides = array<i32>} : memref<1024xi32, #tpu.memory_space<vmem>>, vector<16xi32>,
    tpu.vector_store %arg16[%swap3A_857], %add3A_856 {strides = array<i32>} : memref<1024xi32, #tpu.memory_space<vmem>>, vector<16xi32>,
    %add3A_859 = arith.constant 48 : i32
    %add3A_860 = vector.broadcast %add3A_859 : i32 to vector<16xi32>
    %add3A_861 = arith.addi %add3A_860, %iota3A : vector<16xi32>
    %shift_right_logical3A_862 = arith.constant 3 : i32
    %shift_right_logical3A_863 = vector.broadcast %shift_right_logical3A_862 : i32 to vector<16xi32>
    %shift_right_logical3A_864 = arith.shrui %add3A_861, %shift_right_logical3A_863 : vector<16xi32>
    %and3A_865 = arith.constant 7 : i32
    %and3A_866 = vector.broadcast %and3A_865 : i32 to vector<16xi32>
    %and3A_867 = arith.andi %add3A_861, %and3A_866 : vector<16xi32>
    %gather3A_868 = tpu.vector_load_idx %arg7[%shift_right_logical3A_864, %and3A_867, %mul3A_8] : memref<8x8x128xf32, #tpu.memory_space<vmem>>[vector<16xi32>, vector<16xi32>, vector<16xi32>], vector<16xf32>,
    %gt3A_869 = arith.constant -1.150300e+00 : f32
    %gt3A_870 = vector.broadcast %gt3A_869 : f32 to vector<16xf32>
    %gt3A_871 = arith.cmpf ogt, %gather3A_868, %gt3A_870 : vector<16xf32>
    %convert_element_type3A_872 = arith.extui %gt3A_871 : vector<16xi1> to vector<16xi32>
    %gt3A_873 = arith.constant -0.674499988 : f32
    %gt3A_874 = vector.broadcast %gt3A_873 : f32 to vector<16xf32>
    %gt3A_875 = arith.cmpf ogt, %gather3A_868, %gt3A_874 : vector<16xf32>
    %convert_element_type3A_876 = arith.extui %gt3A_875 : vector<16xi1> to vector<16xi32>
    %add3A_877 = arith.addi %convert_element_type3A_872, %convert_element_type3A_876 : vector<16xi32>
    %gt3A_878 = arith.constant -3.186000e-01 : f32
    %gt3A_879 = vector.broadcast %gt3A_878 : f32 to vector<16xf32>
    %gt3A_880 = arith.cmpf ogt, %gather3A_868, %gt3A_879 : vector<16xf32>
    %convert_element_type3A_881 = arith.extui %gt3A_880 : vector<16xi1> to vector<16xi32>
    %add3A_882 = arith.addi %add3A_877, %convert_element_type3A_881 : vector<16xi32>
    %gt3A_883 = arith.constant 0.000000e+00 : f32
    %gt3A_884 = vector.broadcast %gt3A_883 : f32 to vector<16xf32>
    %gt3A_885 = arith.cmpf ogt, %gather3A_868, %gt3A_884 : vector<16xf32>
    %convert_element_type3A_886 = arith.extui %gt3A_885 : vector<16xi1> to vector<16xi32>
    %add3A_887 = arith.addi %add3A_882, %convert_element_type3A_886 : vector<16xi32>
    %gt3A_888 = arith.constant 3.186000e-01 : f32
    %gt3A_889 = vector.broadcast %gt3A_888 : f32 to vector<16xf32>
    %gt3A_890 = arith.cmpf ogt, %gather3A_868, %gt3A_889 : vector<16xf32>
    %convert_element_type3A_891 = arith.extui %gt3A_890 : vector<16xi1> to vector<16xi32>
    %add3A_892 = arith.addi %add3A_887, %convert_element_type3A_891 : vector<16xi32>
    %gt3A_893 = arith.constant 0.674499988 : f32
    %gt3A_894 = vector.broadcast %gt3A_893 : f32 to vector<16xf32>
    %gt3A_895 = arith.cmpf ogt, %gather3A_868, %gt3A_894 : vector<16xf32>
    %convert_element_type3A_896 = arith.extui %gt3A_895 : vector<16xi1> to vector<16xi32>
    %add3A_897 = arith.addi %add3A_892, %convert_element_type3A_896 : vector<16xi32>
    %gt3A_898 = arith.constant 1.150300e+00 : f32
    %gt3A_899 = vector.broadcast %gt3A_898 : f32 to vector<16xf32>
    %gt3A_900 = arith.cmpf ogt, %gather3A_868, %gt3A_899 : vector<16xf32>
    %convert_element_type3A_901 = arith.extui %gt3A_900 : vector<16xi1> to vector<16xi32>
    %add3A_902 = arith.addi %add3A_897, %convert_element_type3A_901 : vector<16xi32>
    %swap3A_903 = arith.constant 240 : index
    %swap3A_904 = tpu.vector_load %arg16[%swap3A_903] {strides = array<i32>} : memref<1024xi32, #tpu.memory_space<vmem>>, vector<16xi32>,
    tpu.vector_store %arg16[%swap3A_903], %add3A_902 {strides = array<i32>} : memref<1024xi32, #tpu.memory_space<vmem>>, vector<16xi32>,
    %add3A_905 = arith.constant 192 : i32
    %add3A_906 = arith.addi %multiple_of3A, %add3A_905 : i32
    %dma_start3A_907 = arith.constant 192 : i32
    %dma_start3A_908 = tpu.memref_slice %arg16[%dma_start3A_907] : memref<1024xi32, #tpu.memory_space<vmem>> -> memref<64xi32, #tpu.memory_space<vmem>>
    %dma_start3A_909 = tpu.memref_slice %arg3[%add3A_906] : memref<32768xi32, #tpu.memory_space<hbm>> -> memref<64xi32, #tpu.memory_space<hbm>>
    %dma_start3A_910 = tpu.memref_slice %arg3[%add3A_906] : memref<32768xi32, #tpu.memory_space<hbm>> -> memref<64xi32, #tpu.memory_space<hbm>>
    %dma_start3A_911 = arith.constant 192 : i32
    %dma_start3A_912 = tpu.memref_slice %arg16[%dma_start3A_911] : memref<1024xi32, #tpu.memory_space<vmem>> -> memref<64xi32, #tpu.memory_space<vmem>>
    tpu.enqueue_dma source(%dma_start3A_912 : memref<64xi32, #tpu.memory_space<vmem>>) target(%dma_start3A_910 : memref<64xi32, #tpu.memory_space<hbm>>) target_semaphore(%arg29 : memref<!tpu.dma_semaphore, #tpu.memory_space<semaphore_mem>>)
    %add3A_913 = arith.constant 120 : i32
    %add3A_914 = arith.addi %multiple_of3A_5, %add3A_913 : i32
    %dma_start3A_915 = arith.constant 0 : i32
    %dma_start3A_916 = arith.constant 0 : i32
    %dma_start3A_917 = tpu.memref_slice %arg2[%add3A_914, %dma_start3A_915, %dma_start3A_916] : memref<8192x8x1024xf32, #tpu.memory_space<hbm>> -> memref<8x8x128xf32, #tpu.memory_space<hbm>>
    %dma_start3A_918 = arith.constant 0 : i32
    %dma_start3A_919 = arith.constant 0 : i32
    %dma_start3A_920 = tpu.memref_slice %arg2[%add3A_914, %dma_start3A_918, %dma_start3A_919] : memref<8192x8x1024xf32, #tpu.memory_space<hbm>> -> memref<8x8x128xf32, #tpu.memory_space<hbm>>
    tpu.enqueue_dma source(%dma_start3A_920 : memref<8x8x128xf32, #tpu.memory_space<hbm>>) target(%arg7 : memref<8x8x128xf32, #tpu.memory_space<vmem>>) target_semaphore(%arg20 : memref<!tpu.dma_semaphore, #tpu.memory_space<semaphore_mem>>)
    %dma_wait3A_921 = arith.constant 0 : i32
    %dma_wait3A_922 = arith.constant 0 : i32
    %dma_wait3A_923 = tpu.memref_slice %arg2[%add3A_41, %dma_wait3A_921, %dma_wait3A_922] : memref<8192x8x1024xf32, #tpu.memory_space<hbm>> -> memref<8x8x128xf32, #tpu.memory_space<hbm>>
    %dma_wait3A_924 = arith.constant 0 : i32
    %dma_wait3A_925 = arith.constant 0 : i32
    %dma_wait3A_926 = tpu.memref_slice %arg2[%add3A_41, %dma_wait3A_924, %dma_wait3A_925] : memref<8192x8x1024xf32, #tpu.memory_space<hbm>> -> memref<8x8x128xf32, #tpu.memory_space<hbm>>
    tpu.wait_dma2 semaphore(%arg21 : memref<!tpu.dma_semaphore, #tpu.memory_space<semaphore_mem>>) src(%dma_wait3A_926 : memref<8x8x128xf32, #tpu.memory_space<hbm>>) dst(%arg8 : memref<8x8x128xf32, #tpu.memory_space<vmem>>)
    %add3A_927 = arith.constant 0 : i32
    %add3A_928 = vector.broadcast %add3A_927 : i32 to vector<16xi32>
    %add3A_929 = arith.addi %add3A_928, %iota3A : vector<16xi32>
    %shift_right_logical3A_930 = arith.constant 3 : i32
    %shift_right_logical3A_931 = vector.broadcast %shift_right_logical3A_930 : i32 to vector<16xi32>
    %shift_right_logical3A_932 = arith.shrui %add3A_929, %shift_right_logical3A_931 : vector<16xi32>
    %and3A_933 = arith.constant 7 : i32
    %and3A_934 = vector.broadcast %and3A_933 : i32 to vector<16xi32>
    %and3A_935 = arith.andi %add3A_929, %and3A_934 : vector<16xi32>
    %gather3A_936 = tpu.vector_load_idx %arg8[%shift_right_logical3A_932, %and3A_935, %mul3A_8] : memref<8x8x128xf32, #tpu.memory_space<vmem>>[vector<16xi32>, vector<16xi32>, vector<16xi32>], vector<16xf32>,
    %gt3A_937 = arith.constant -1.150300e+00 : f32
    %gt3A_938 = vector.broadcast %gt3A_937 : f32 to vector<16xf32>
    %gt3A_939 = arith.cmpf ogt, %gather3A_936, %gt3A_938 : vector<16xf32>
    %convert_element_type3A_940 = arith.extui %gt3A_939 : vector<16xi1> to vector<16xi32>
    %gt3A_941 = arith.constant -0.674499988 : f32
    %gt3A_942 = vector.broadcast %gt3A_941 : f32 to vector<16xf32>
    %gt3A_943 = arith.cmpf ogt, %gather3A_936, %gt3A_942 : vector<16xf32>
    %convert_element_type3A_944 = arith.extui %gt3A_943 : vector<16xi1> to vector<16xi32>
    %add3A_945 = arith.addi %convert_element_type3A_940, %convert_element_type3A_944 : vector<16xi32>
    %gt3A_946 = arith.constant -3.186000e-01 : f32
    %gt3A_947 = vector.broadcast %gt3A_946 : f32 to vector<16xf32>
    %gt3A_948 = arith.cmpf ogt, %gather3A_936, %gt3A_947 : vector<16xf32>
    %convert_element_type3A_949 = arith.extui %gt3A_948 : vector<16xi1> to vector<16xi32>
    %add3A_950 = arith.addi %add3A_945, %convert_element_type3A_949 : vector<16xi32>
    %gt3A_951 = arith.constant 0.000000e+00 : f32
    %gt3A_952 = vector.broadcast %gt3A_951 : f32 to vector<16xf32>
    %gt3A_953 = arith.cmpf ogt, %gather3A_936, %gt3A_952 : vector<16xf32>
    %convert_element_type3A_954 = arith.extui %gt3A_953 : vector<16xi1> to vector<16xi32>
    %add3A_955 = arith.addi %add3A_950, %convert_element_type3A_954 : vector<16xi32>
    %gt3A_956 = arith.constant 3.186000e-01 : f32
    %gt3A_957 = vector.broadcast %gt3A_956 : f32 to vector<16xf32>
    %gt3A_958 = arith.cmpf ogt, %gather3A_936, %gt3A_957 : vector<16xf32>
    %convert_element_type3A_959 = arith.extui %gt3A_958 : vector<16xi1> to vector<16xi32>
    %add3A_960 = arith.addi %add3A_955, %convert_element_type3A_959 : vector<16xi32>
    %gt3A_961 = arith.constant 0.674499988 : f32
    %gt3A_962 = vector.broadcast %gt3A_961 : f32 to vector<16xf32>
    %gt3A_963 = arith.cmpf ogt, %gather3A_936, %gt3A_962 : vector<16xf32>
    %convert_element_type3A_964 = arith.extui %gt3A_963 : vector<16xi1> to vector<16xi32>
    %add3A_965 = arith.addi %add3A_960, %convert_element_type3A_964 : vector<16xi32>
    %gt3A_966 = arith.constant 1.150300e+00 : f32
    %gt3A_967 = vector.broadcast %gt3A_966 : f32 to vector<16xf32>
    %gt3A_968 = arith.cmpf ogt, %gather3A_936, %gt3A_967 : vector<16xf32>
    %convert_element_type3A_969 = arith.extui %gt3A_968 : vector<16xi1> to vector<16xi32>
    %add3A_970 = arith.addi %add3A_965, %convert_element_type3A_969 : vector<16xi32>
    %swap3A_971 = arith.constant 256 : index
    %swap3A_972 = tpu.vector_load %arg16[%swap3A_971] {strides = array<i32>} : memref<1024xi32, #tpu.memory_space<vmem>>, vector<16xi32>,
    tpu.vector_store %arg16[%swap3A_971], %add3A_970 {strides = array<i32>} : memref<1024xi32, #tpu.memory_space<vmem>>, vector<16xi32>,
    %add3A_973 = arith.constant 16 : i32
    %add3A_974 = vector.broadcast %add3A_973 : i32 to vector<16xi32>
    %add3A_975 = arith.addi %add3A_974, %iota3A : vector<16xi32>
    %shift_right_logical3A_976 = arith.constant 3 : i32
    %shift_right_logical3A_977 = vector.broadcast %shift_right_logical3A_976 : i32 to vector<16xi32>
    %shift_right_logical3A_978 = arith.shrui %add3A_975, %shift_right_logical3A_977 : vector<16xi32>
    %and3A_979 = arith.constant 7 : i32
    %and3A_980 = vector.broadcast %and3A_979 : i32 to vector<16xi32>
    %and3A_981 = arith.andi %add3A_975, %and3A_980 : vector<16xi32>
    %gather3A_982 = tpu.vector_load_idx %arg8[%shift_right_logical3A_978, %and3A_981, %mul3A_8] : memref<8x8x128xf32, #tpu.memory_space<vmem>>[vector<16xi32>, vector<16xi32>, vector<16xi32>], vector<16xf32>,
    %gt3A_983 = arith.constant -1.150300e+00 : f32
    %gt3A_984 = vector.broadcast %gt3A_983 : f32 to vector<16xf32>
    %gt3A_985 = arith.cmpf ogt, %gather3A_982, %gt3A_984 : vector<16xf32>
    %convert_element_type3A_986 = arith.extui %gt3A_985 : vector<16xi1> to vector<16xi32>
    %gt3A_987 = arith.constant -0.674499988 : f32
    %gt3A_988 = vector.broadcast %gt3A_987 : f32 to vector<16xf32>
    %gt3A_989 = arith.cmpf ogt, %gather3A_982, %gt3A_988 : vector<16xf32>
    %convert_element_type3A_990 = arith.extui %gt3A_989 : vector<16xi1> to vector<16xi32>
    %add3A_991 = arith.addi %convert_element_type3A_986, %convert_element_type3A_990 : vector<16xi32>
    %gt3A_992 = arith.constant -3.186000e-01 : f32
    %gt3A_993 = vector.broadcast %gt3A_992 : f32 to vector<16xf32>
    %gt3A_994 = arith.cmpf ogt, %gather3A_982, %gt3A_993 : vector<16xf32>
    %convert_element_type3A_995 = arith.extui %gt3A_994 : vector<16xi1> to vector<16xi32>
    %add3A_996 = arith.addi %add3A_991, %convert_element_type3A_995 : vector<16xi32>
    %gt3A_997 = arith.constant 0.000000e+00 : f32
    %gt3A_998 = vector.broadcast %gt3A_997 : f32 to vector<16xf32>
    %gt3A_999 = arith.cmpf ogt, %gather3A_982, %gt3A_998 : vector<16xf32>
    %convert_element_type3A_1000 = arith.extui %gt3A_999 : vector<16xi1> to vector<16xi32>
    %add3A_1001 = arith.addi %add3A_996, %convert_element_type3A_1000 : vector<16xi32>
    %gt3A_1002 = arith.constant 3.186000e-01 : f32
    %gt3A_1003 = vector.broadcast %gt3A_1002 : f32 to vector<16xf32>
    %gt3A_1004 = arith.cmpf ogt, %gather3A_982, %gt3A_1003 : vector<16xf32>
    %convert_element_type3A_1005 = arith.extui %gt3A_1004 : vector<16xi1> to vector<16xi32>
    %add3A_1006 = arith.addi %add3A_1001, %convert_element_type3A_1005 : vector<16xi32>
    %gt3A_1007 = arith.constant 0.674499988 : f32
    %gt3A_1008 = vector.broadcast %gt3A_1007 : f32 to vector<16xf32>
    %gt3A_1009 = arith.cmpf ogt, %gather3A_982, %gt3A_1008 : vector<16xf32>
    %convert_element_type3A_1010 = arith.extui %gt3A_1009 : vector<16xi1> to vector<16xi32>
    %add3A_1011 = arith.addi %add3A_1006, %convert_element_type3A_1010 : vector<16xi32>
    %gt3A_1012 = arith.constant 1.150300e+00 : f32
    %gt3A_1013 = vector.broadcast %gt3A_1012 : f32 to vector<16xf32>
    %gt3A_1014 = arith.cmpf ogt, %gather3A_982, %gt3A_1013 : vector<16xf32>
    %convert_element_type3A_1015 = arith.extui %gt3A_1014 : vector<16xi1> to vector<16xi32>
    %add3A_1016 = arith.addi %add3A_1011, %convert_element_type3A_1015 : vector<16xi32>
    %swap3A_1017 = arith.constant 272 : index
    %swap3A_1018 = tpu.vector_load %arg16[%swap3A_1017] {strides = array<i32>} : memref<1024xi32, #tpu.memory_space<vmem>>, vector<16xi32>,
    tpu.vector_store %arg16[%swap3A_1017], %add3A_1016 {strides = array<i32>} : memref<1024xi32, #tpu.memory_space<vmem>>, vector<16xi32>,
    %add3A_1019 = arith.constant 32 : i32
    %add3A_1020 = vector.broadcast %add3A_1019 : i32 to vector<16xi32>
    %add3A_1021 = arith.addi %add3A_1020, %iota3A : vector<16xi32>
    %shift_right_logical3A_1022 = arith.constant 3 : i32
    %shift_right_logical3A_1023 = vector.broadcast %shift_right_logical3A_1022 : i32 to vector<16xi32>
    %shift_right_logical3A_1024 = arith.shrui %add3A_1021, %shift_right_logical3A_1023 : vector<16xi32>
    %and3A_1025 = arith.constant 7 : i32
    %and3A_1026 = vector.broadcast %and3A_1025 : i32 to vector<16xi32>
    %and3A_1027 = arith.andi %add3A_1021, %and3A_1026 : vector<16xi32>
    %gather3A_1028 = tpu.vector_load_idx %arg8[%shift_right_logical3A_1024, %and3A_1027, %mul3A_8] : memref<8x8x128xf32, #tpu.memory_space<vmem>>[vector<16xi32>, vector<16xi32>, vector<16xi32>], vector<16xf32>,
    %gt3A_1029 = arith.constant -1.150300e+00 : f32
    %gt3A_1030 = vector.broadcast %gt3A_1029 : f32 to vector<16xf32>
    %gt3A_1031 = arith.cmpf ogt, %gather3A_1028, %gt3A_1030 : vector<16xf32>
    %convert_element_type3A_1032 = arith.extui %gt3A_1031 : vector<16xi1> to vector<16xi32>
    %gt3A_1033 = arith.constant -0.674499988 : f32
    %gt3A_1034 = vector.broadcast %gt3A_1033 : f32 to vector<16xf32>
    %gt3A_1035 = arith.cmpf ogt, %gather3A_1028, %gt3A_1034 : vector<16xf32>
    %convert_element_type3A_1036 = arith.extui %gt3A_1035 : vector<16xi1> to vector<16xi32>
    %add3A_1037 = arith.addi %convert_element_type3A_1032, %convert_element_type3A_1036 : vector<16xi32>
    %gt3A_1038 = arith.constant -3.186000e-01 : f32
    %gt3A_1039 = vector.broadcast %gt3A_1038 : f32 to vector<16xf32>
    %gt3A_1040 = arith.cmpf ogt, %gather3A_1028, %gt3A_1039 : vector<16xf32>
    %convert_element_type3A_1041 = arith.extui %gt3A_1040 : vector<16xi1> to vector<16xi32>
    %add3A_1042 = arith.addi %add3A_1037, %convert_element_type3A_1041 : vector<16xi32>
    %gt3A_1043 = arith.constant 0.000000e+00 : f32
    %gt3A_1044 = vector.broadcast %gt3A_1043 : f32 to vector<16xf32>
    %gt3A_1045 = arith.cmpf ogt, %gather3A_1028, %gt3A_1044 : vector<16xf32>
    %convert_element_type3A_1046 = arith.extui %gt3A_1045 : vector<16xi1> to vector<16xi32>
    %add3A_1047 = arith.addi %add3A_1042, %convert_element_type3A_1046 : vector<16xi32>
    %gt3A_1048 = arith.constant 3.186000e-01 : f32
    %gt3A_1049 = vector.broadcast %gt3A_1048 : f32 to vector<16xf32>
    %gt3A_1050 = arith.cmpf ogt, %gather3A_1028, %gt3A_1049 : vector<16xf32>
    %convert_element_type3A_1051 = arith.extui %gt3A_1050 : vector<16xi1> to vector<16xi32>
    %add3A_1052 = arith.addi %add3A_1047, %convert_element_type3A_1051 : vector<16xi32>
    %gt3A_1053 = arith.constant 0.674499988 : f32
    %gt3A_1054 = vector.broadcast %gt3A_1053 : f32 to vector<16xf32>
    %gt3A_1055 = arith.cmpf ogt, %gather3A_1028, %gt3A_1054 : vector<16xf32>
    %convert_element_type3A_1056 = arith.extui %gt3A_1055 : vector<16xi1> to vector<16xi32>
    %add3A_1057 = arith.addi %add3A_1052, %convert_element_type3A_1056 : vector<16xi32>
    %gt3A_1058 = arith.constant 1.150300e+00 : f32
    %gt3A_1059 = vector.broadcast %gt3A_1058 : f32 to vector<16xf32>
    %gt3A_1060 = arith.cmpf ogt, %gather3A_1028, %gt3A_1059 : vector<16xf32>
    %convert_element_type3A_1061 = arith.extui %gt3A_1060 : vector<16xi1> to vector<16xi32>
    %add3A_1062 = arith.addi %add3A_1057, %convert_element_type3A_1061 : vector<16xi32>
    %swap3A_1063 = arith.constant 288 : index
    %swap3A_1064 = tpu.vector_load %arg16[%swap3A_1063] {strides = array<i32>} : memref<1024xi32, #tpu.memory_space<vmem>>, vector<16xi32>,
    tpu.vector_store %arg16[%swap3A_1063], %add3A_1062 {strides = array<i32>} : memref<1024xi32, #tpu.memory_space<vmem>>, vector<16xi32>,
    %add3A_1065 = arith.constant 48 : i32
    %add3A_1066 = vector.broadcast %add3A_1065 : i32 to vector<16xi32>
    %add3A_1067 = arith.addi %add3A_1066, %iota3A : vector<16xi32>
    %shift_right_logical3A_1068 = arith.constant 3 : i32
    %shift_right_logical3A_1069 = vector.broadcast %shift_right_logical3A_1068 : i32 to vector<16xi32>
    %shift_right_logical3A_1070 = arith.shrui %add3A_1067, %shift_right_logical3A_1069 : vector<16xi32>
    %and3A_1071 = arith.constant 7 : i32
    %and3A_1072 = vector.broadcast %and3A_1071 : i32 to vector<16xi32>
    %and3A_1073 = arith.andi %add3A_1067, %and3A_1072 : vector<16xi32>
    %gather3A_1074 = tpu.vector_load_idx %arg8[%shift_right_logical3A_1070, %and3A_1073, %mul3A_8] : memref<8x8x128xf32, #tpu.memory_space<vmem>>[vector<16xi32>, vector<16xi32>, vector<16xi32>], vector<16xf32>,
    %gt3A_1075 = arith.constant -1.150300e+00 : f32
    %gt3A_1076 = vector.broadcast %gt3A_1075 : f32 to vector<16xf32>
    %gt3A_1077 = arith.cmpf ogt, %gather3A_1074, %gt3A_1076 : vector<16xf32>
    %convert_element_type3A_1078 = arith.extui %gt3A_1077 : vector<16xi1> to vector<16xi32>
    %gt3A_1079 = arith.constant -0.674499988 : f32
    %gt3A_1080 = vector.broadcast %gt3A_1079 : f32 to vector<16xf32>
    %gt3A_1081 = arith.cmpf ogt, %gather3A_1074, %gt3A_1080 : vector<16xf32>
    %convert_element_type3A_1082 = arith.extui %gt3A_1081 : vector<16xi1> to vector<16xi32>
    %add3A_1083 = arith.addi %convert_element_type3A_1078, %convert_element_type3A_1082 : vector<16xi32>
    %gt3A_1084 = arith.constant -3.186000e-01 : f32
    %gt3A_1085 = vector.broadcast %gt3A_1084 : f32 to vector<16xf32>
    %gt3A_1086 = arith.cmpf ogt, %gather3A_1074, %gt3A_1085 : vector<16xf32>
    %convert_element_type3A_1087 = arith.extui %gt3A_1086 : vector<16xi1> to vector<16xi32>
    %add3A_1088 = arith.addi %add3A_1083, %convert_element_type3A_1087 : vector<16xi32>
    %gt3A_1089 = arith.constant 0.000000e+00 : f32
    %gt3A_1090 = vector.broadcast %gt3A_1089 : f32 to vector<16xf32>
    %gt3A_1091 = arith.cmpf ogt, %gather3A_1074, %gt3A_1090 : vector<16xf32>
    %convert_element_type3A_1092 = arith.extui %gt3A_1091 : vector<16xi1> to vector<16xi32>
    %add3A_1093 = arith.addi %add3A_1088, %convert_element_type3A_1092 : vector<16xi32>
    %gt3A_1094 = arith.constant 3.186000e-01 : f32
    %gt3A_1095 = vector.broadcast %gt3A_1094 : f32 to vector<16xf32>
    %gt3A_1096 = arith.cmpf ogt, %gather3A_1074, %gt3A_1095 : vector<16xf32>
    %convert_element_type3A_1097 = arith.extui %gt3A_1096 : vector<16xi1> to vector<16xi32>
    %add3A_1098 = arith.addi %add3A_1093, %convert_element_type3A_1097 : vector<16xi32>
    %gt3A_1099 = arith.constant 0.674499988 : f32
    %gt3A_1100 = vector.broadcast %gt3A_1099 : f32 to vector<16xf32>
    %gt3A_1101 = arith.cmpf ogt, %gather3A_1074, %gt3A_1100 : vector<16xf32>
    %convert_element_type3A_1102 = arith.extui %gt3A_1101 : vector<16xi1> to vector<16xi32>
    %add3A_1103 = arith.addi %add3A_1098, %convert_element_type3A_1102 : vector<16xi32>
    %gt3A_1104 = arith.constant 1.150300e+00 : f32
    %gt3A_1105 = vector.broadcast %gt3A_1104 : f32 to vector<16xf32>
    %gt3A_1106 = arith.cmpf ogt, %gather3A_1074, %gt3A_1105 : vector<16xf32>
    %convert_element_type3A_1107 = arith.extui %gt3A_1106 : vector<16xi1> to vector<16xi32>
    %add3A_1108 = arith.addi %add3A_1103, %convert_element_type3A_1107 : vector<16xi32>
    %swap3A_1109 = arith.constant 304 : index
    %swap3A_1110 = tpu.vector_load %arg16[%swap3A_1109] {strides = array<i32>} : memref<1024xi32, #tpu.memory_space<vmem>>, vector<16xi32>,
    tpu.vector_store %arg16[%swap3A_1109], %add3A_1108 {strides = array<i32>} : memref<1024xi32, #tpu.memory_space<vmem>>, vector<16xi32>,
    %add3A_1111 = arith.constant 256 : i32
    %add3A_1112 = arith.addi %multiple_of3A, %add3A_1111 : i32
    %dma_start3A_1113 = arith.constant 256 : i32
    %dma_start3A_1114 = tpu.memref_slice %arg16[%dma_start3A_1113] : memref<1024xi32, #tpu.memory_space<vmem>> -> memref<64xi32, #tpu.memory_space<vmem>>
    %dma_start3A_1115 = tpu.memref_slice %arg3[%add3A_1112] : memref<32768xi32, #tpu.memory_space<hbm>> -> memref<64xi32, #tpu.memory_space<hbm>>
    %dma_start3A_1116 = tpu.memref_slice %arg3[%add3A_1112] : memref<32768xi32, #tpu.memory_space<hbm>> -> memref<64xi32, #tpu.memory_space<hbm>>
    %dma_start3A_1117 = arith.constant 256 : i32
    %dma_start3A_1118 = tpu.memref_slice %arg16[%dma_start3A_1117] : memref<1024xi32, #tpu.memory_space<vmem>> -> memref<64xi32, #tpu.memory_space<vmem>>
    tpu.enqueue_dma source(%dma_start3A_1118 : memref<64xi32, #tpu.memory_space<vmem>>) target(%dma_start3A_1116 : memref<64xi32, #tpu.memory_space<hbm>>) target_semaphore(%arg29 : memref<!tpu.dma_semaphore, #tpu.memory_space<semaphore_mem>>)
    %dma_wait3A_1119 = arith.constant 0 : i32
    %dma_wait3A_1120 = arith.constant 0 : i32
    %dma_wait3A_1121 = tpu.memref_slice %arg2[%add3A_49, %dma_wait3A_1119, %dma_wait3A_1120] : memref<8192x8x1024xf32, #tpu.memory_space<hbm>> -> memref<8x8x128xf32, #tpu.memory_space<hbm>>
    %dma_wait3A_1122 = arith.constant 0 : i32
    %dma_wait3A_1123 = arith.constant 0 : i32
    %dma_wait3A_1124 = tpu.memref_slice %arg2[%add3A_49, %dma_wait3A_1122, %dma_wait3A_1123] : memref<8192x8x1024xf32, #tpu.memory_space<hbm>> -> memref<8x8x128xf32, #tpu.memory_space<hbm>>
    tpu.wait_dma2 semaphore(%arg22 : memref<!tpu.dma_semaphore, #tpu.memory_space<semaphore_mem>>) src(%dma_wait3A_1124 : memref<8x8x128xf32, #tpu.memory_space<hbm>>) dst(%arg9 : memref<8x8x128xf32, #tpu.memory_space<vmem>>)
    %add3A_1125 = arith.constant 0 : i32
    %add3A_1126 = vector.broadcast %add3A_1125 : i32 to vector<16xi32>
    %add3A_1127 = arith.addi %add3A_1126, %iota3A : vector<16xi32>
    %shift_right_logical3A_1128 = arith.constant 3 : i32
    %shift_right_logical3A_1129 = vector.broadcast %shift_right_logical3A_1128 : i32 to vector<16xi32>
    %shift_right_logical3A_1130 = arith.shrui %add3A_1127, %shift_right_logical3A_1129 : vector<16xi32>
    %and3A_1131 = arith.constant 7 : i32
    %and3A_1132 = vector.broadcast %and3A_1131 : i32 to vector<16xi32>
    %and3A_1133 = arith.andi %add3A_1127, %and3A_1132 : vector<16xi32>
    %gather3A_1134 = tpu.vector_load_idx %arg9[%shift_right_logical3A_1130, %and3A_1133, %mul3A_8] : memref<8x8x128xf32, #tpu.memory_space<vmem>>[vector<16xi32>, vector<16xi32>, vector<16xi32>], vector<16xf32>,
    %gt3A_1135 = arith.constant -1.150300e+00 : f32
    %gt3A_1136 = vector.broadcast %gt3A_1135 : f32 to vector<16xf32>
    %gt3A_1137 = arith.cmpf ogt, %gather3A_1134, %gt3A_1136 : vector<16xf32>
    %convert_element_type3A_1138 = arith.extui %gt3A_1137 : vector<16xi1> to vector<16xi32>
    %gt3A_1139 = arith.constant -0.674499988 : f32
    %gt3A_1140 = vector.broadcast %gt3A_1139 : f32 to vector<16xf32>
    %gt3A_1141 = arith.cmpf ogt, %gather3A_1134, %gt3A_1140 : vector<16xf32>
    %convert_element_type3A_1142 = arith.extui %gt3A_1141 : vector<16xi1> to vector<16xi32>
    %add3A_1143 = arith.addi %convert_element_type3A_1138, %convert_element_type3A_1142 : vector<16xi32>
    %gt3A_1144 = arith.constant -3.186000e-01 : f32
    %gt3A_1145 = vector.broadcast %gt3A_1144 : f32 to vector<16xf32>
    %gt3A_1146 = arith.cmpf ogt, %gather3A_1134, %gt3A_1145 : vector<16xf32>
    %convert_element_type3A_1147 = arith.extui %gt3A_1146 : vector<16xi1> to vector<16xi32>
    %add3A_1148 = arith.addi %add3A_1143, %convert_element_type3A_1147 : vector<16xi32>
    %gt3A_1149 = arith.constant 0.000000e+00 : f32
    %gt3A_1150 = vector.broadcast %gt3A_1149 : f32 to vector<16xf32>
    %gt3A_1151 = arith.cmpf ogt, %gather3A_1134, %gt3A_1150 : vector<16xf32>
    %convert_element_type3A_1152 = arith.extui %gt3A_1151 : vector<16xi1> to vector<16xi32>
    %add3A_1153 = arith.addi %add3A_1148, %convert_element_type3A_1152 : vector<16xi32>
    %gt3A_1154 = arith.constant 3.186000e-01 : f32
    %gt3A_1155 = vector.broadcast %gt3A_1154 : f32 to vector<16xf32>
    %gt3A_1156 = arith.cmpf ogt, %gather3A_1134, %gt3A_1155 : vector<16xf32>
    %convert_element_type3A_1157 = arith.extui %gt3A_1156 : vector<16xi1> to vector<16xi32>
    %add3A_1158 = arith.addi %add3A_1153, %convert_element_type3A_1157 : vector<16xi32>
    %gt3A_1159 = arith.constant 0.674499988 : f32
    %gt3A_1160 = vector.broadcast %gt3A_1159 : f32 to vector<16xf32>
    %gt3A_1161 = arith.cmpf ogt, %gather3A_1134, %gt3A_1160 : vector<16xf32>
    %convert_element_type3A_1162 = arith.extui %gt3A_1161 : vector<16xi1> to vector<16xi32>
    %add3A_1163 = arith.addi %add3A_1158, %convert_element_type3A_1162 : vector<16xi32>
    %gt3A_1164 = arith.constant 1.150300e+00 : f32
    %gt3A_1165 = vector.broadcast %gt3A_1164 : f32 to vector<16xf32>
    %gt3A_1166 = arith.cmpf ogt, %gather3A_1134, %gt3A_1165 : vector<16xf32>
    %convert_element_type3A_1167 = arith.extui %gt3A_1166 : vector<16xi1> to vector<16xi32>
    %add3A_1168 = arith.addi %add3A_1163, %convert_element_type3A_1167 : vector<16xi32>
    %swap3A_1169 = arith.constant 320 : index
    %swap3A_1170 = tpu.vector_load %arg16[%swap3A_1169] {strides = array<i32>} : memref<1024xi32, #tpu.memory_space<vmem>>, vector<16xi32>,
    tpu.vector_store %arg16[%swap3A_1169], %add3A_1168 {strides = array<i32>} : memref<1024xi32, #tpu.memory_space<vmem>>, vector<16xi32>,
    %add3A_1171 = arith.constant 16 : i32
    %add3A_1172 = vector.broadcast %add3A_1171 : i32 to vector<16xi32>
    %add3A_1173 = arith.addi %add3A_1172, %iota3A : vector<16xi32>
    %shift_right_logical3A_1174 = arith.constant 3 : i32
    %shift_right_logical3A_1175 = vector.broadcast %shift_right_logical3A_1174 : i32 to vector<16xi32>
    %shift_right_logical3A_1176 = arith.shrui %add3A_1173, %shift_right_logical3A_1175 : vector<16xi32>
    %and3A_1177 = arith.constant 7 : i32
    %and3A_1178 = vector.broadcast %and3A_1177 : i32 to vector<16xi32>
    %and3A_1179 = arith.andi %add3A_1173, %and3A_1178 : vector<16xi32>
    %gather3A_1180 = tpu.vector_load_idx %arg9[%shift_right_logical3A_1176, %and3A_1179, %mul3A_8] : memref<8x8x128xf32, #tpu.memory_space<vmem>>[vector<16xi32>, vector<16xi32>, vector<16xi32>], vector<16xf32>,
    %gt3A_1181 = arith.constant -1.150300e+00 : f32
    %gt3A_1182 = vector.broadcast %gt3A_1181 : f32 to vector<16xf32>
    %gt3A_1183 = arith.cmpf ogt, %gather3A_1180, %gt3A_1182 : vector<16xf32>
    %convert_element_type3A_1184 = arith.extui %gt3A_1183 : vector<16xi1> to vector<16xi32>
    %gt3A_1185 = arith.constant -0.674499988 : f32
    %gt3A_1186 = vector.broadcast %gt3A_1185 : f32 to vector<16xf32>
    %gt3A_1187 = arith.cmpf ogt, %gather3A_1180, %gt3A_1186 : vector<16xf32>
    %convert_element_type3A_1188 = arith.extui %gt3A_1187 : vector<16xi1> to vector<16xi32>
    %add3A_1189 = arith.addi %convert_element_type3A_1184, %convert_element_type3A_1188 : vector<16xi32>
    %gt3A_1190 = arith.constant -3.186000e-01 : f32
    %gt3A_1191 = vector.broadcast %gt3A_1190 : f32 to vector<16xf32>
    %gt3A_1192 = arith.cmpf ogt, %gather3A_1180, %gt3A_1191 : vector<16xf32>
    %convert_element_type3A_1193 = arith.extui %gt3A_1192 : vector<16xi1> to vector<16xi32>
    %add3A_1194 = arith.addi %add3A_1189, %convert_element_type3A_1193 : vector<16xi32>
    %gt3A_1195 = arith.constant 0.000000e+00 : f32
    %gt3A_1196 = vector.broadcast %gt3A_1195 : f32 to vector<16xf32>
    %gt3A_1197 = arith.cmpf ogt, %gather3A_1180, %gt3A_1196 : vector<16xf32>
    %convert_element_type3A_1198 = arith.extui %gt3A_1197 : vector<16xi1> to vector<16xi32>
    %add3A_1199 = arith.addi %add3A_1194, %convert_element_type3A_1198 : vector<16xi32>
    %gt3A_1200 = arith.constant 3.186000e-01 : f32
    %gt3A_1201 = vector.broadcast %gt3A_1200 : f32 to vector<16xf32>
    %gt3A_1202 = arith.cmpf ogt, %gather3A_1180, %gt3A_1201 : vector<16xf32>
    %convert_element_type3A_1203 = arith.extui %gt3A_1202 : vector<16xi1> to vector<16xi32>
    %add3A_1204 = arith.addi %add3A_1199, %convert_element_type3A_1203 : vector<16xi32>
    %gt3A_1205 = arith.constant 0.674499988 : f32
    %gt3A_1206 = vector.broadcast %gt3A_1205 : f32 to vector<16xf32>
    %gt3A_1207 = arith.cmpf ogt, %gather3A_1180, %gt3A_1206 : vector<16xf32>
    %convert_element_type3A_1208 = arith.extui %gt3A_1207 : vector<16xi1> to vector<16xi32>
    %add3A_1209 = arith.addi %add3A_1204, %convert_element_type3A_1208 : vector<16xi32>
    %gt3A_1210 = arith.constant 1.150300e+00 : f32
    %gt3A_1211 = vector.broadcast %gt3A_1210 : f32 to vector<16xf32>
    %gt3A_1212 = arith.cmpf ogt, %gather3A_1180, %gt3A_1211 : vector<16xf32>
    %convert_element_type3A_1213 = arith.extui %gt3A_1212 : vector<16xi1> to vector<16xi32>
    %add3A_1214 = arith.addi %add3A_1209, %convert_element_type3A_1213 : vector<16xi32>
    %swap3A_1215 = arith.constant 336 : index
    %swap3A_1216 = tpu.vector_load %arg16[%swap3A_1215] {strides = array<i32>} : memref<1024xi32, #tpu.memory_space<vmem>>, vector<16xi32>,
    tpu.vector_store %arg16[%swap3A_1215], %add3A_1214 {strides = array<i32>} : memref<1024xi32, #tpu.memory_space<vmem>>, vector<16xi32>,
    %add3A_1217 = arith.constant 32 : i32
    %add3A_1218 = vector.broadcast %add3A_1217 : i32 to vector<16xi32>
    %add3A_1219 = arith.addi %add3A_1218, %iota3A : vector<16xi32>
    %shift_right_logical3A_1220 = arith.constant 3 : i32
    %shift_right_logical3A_1221 = vector.broadcast %shift_right_logical3A_1220 : i32 to vector<16xi32>
    %shift_right_logical3A_1222 = arith.shrui %add3A_1219, %shift_right_logical3A_1221 : vector<16xi32>
    %and3A_1223 = arith.constant 7 : i32
    %and3A_1224 = vector.broadcast %and3A_1223 : i32 to vector<16xi32>
    %and3A_1225 = arith.andi %add3A_1219, %and3A_1224 : vector<16xi32>
    %gather3A_1226 = tpu.vector_load_idx %arg9[%shift_right_logical3A_1222, %and3A_1225, %mul3A_8] : memref<8x8x128xf32, #tpu.memory_space<vmem>>[vector<16xi32>, vector<16xi32>, vector<16xi32>], vector<16xf32>,
    %gt3A_1227 = arith.constant -1.150300e+00 : f32
    %gt3A_1228 = vector.broadcast %gt3A_1227 : f32 to vector<16xf32>
    %gt3A_1229 = arith.cmpf ogt, %gather3A_1226, %gt3A_1228 : vector<16xf32>
    %convert_element_type3A_1230 = arith.extui %gt3A_1229 : vector<16xi1> to vector<16xi32>
    %gt3A_1231 = arith.constant -0.674499988 : f32
    %gt3A_1232 = vector.broadcast %gt3A_1231 : f32 to vector<16xf32>
    %gt3A_1233 = arith.cmpf ogt, %gather3A_1226, %gt3A_1232 : vector<16xf32>
    %convert_element_type3A_1234 = arith.extui %gt3A_1233 : vector<16xi1> to vector<16xi32>
    %add3A_1235 = arith.addi %convert_element_type3A_1230, %convert_element_type3A_1234 : vector<16xi32>
    %gt3A_1236 = arith.constant -3.186000e-01 : f32
    %gt3A_1237 = vector.broadcast %gt3A_1236 : f32 to vector<16xf32>
    %gt3A_1238 = arith.cmpf ogt, %gather3A_1226, %gt3A_1237 : vector<16xf32>
    %convert_element_type3A_1239 = arith.extui %gt3A_1238 : vector<16xi1> to vector<16xi32>
    %add3A_1240 = arith.addi %add3A_1235, %convert_element_type3A_1239 : vector<16xi32>
    %gt3A_1241 = arith.constant 0.000000e+00 : f32
    %gt3A_1242 = vector.broadcast %gt3A_1241 : f32 to vector<16xf32>
    %gt3A_1243 = arith.cmpf ogt, %gather3A_1226, %gt3A_1242 : vector<16xf32>
    %convert_element_type3A_1244 = arith.extui %gt3A_1243 : vector<16xi1> to vector<16xi32>
    %add3A_1245 = arith.addi %add3A_1240, %convert_element_type3A_1244 : vector<16xi32>
    %gt3A_1246 = arith.constant 3.186000e-01 : f32
    %gt3A_1247 = vector.broadcast %gt3A_1246 : f32 to vector<16xf32>
    %gt3A_1248 = arith.cmpf ogt, %gather3A_1226, %gt3A_1247 : vector<16xf32>
    %convert_element_type3A_1249 = arith.extui %gt3A_1248 : vector<16xi1> to vector<16xi32>
    %add3A_1250 = arith.addi %add3A_1245, %convert_element_type3A_1249 : vector<16xi32>
    %gt3A_1251 = arith.constant 0.674499988 : f32
    %gt3A_1252 = vector.broadcast %gt3A_1251 : f32 to vector<16xf32>
    %gt3A_1253 = arith.cmpf ogt, %gather3A_1226, %gt3A_1252 : vector<16xf32>
    %convert_element_type3A_1254 = arith.extui %gt3A_1253 : vector<16xi1> to vector<16xi32>
    %add3A_1255 = arith.addi %add3A_1250, %convert_element_type3A_1254 : vector<16xi32>
    %gt3A_1256 = arith.constant 1.150300e+00 : f32
    %gt3A_1257 = vector.broadcast %gt3A_1256 : f32 to vector<16xf32>
    %gt3A_1258 = arith.cmpf ogt, %gather3A_1226, %gt3A_1257 : vector<16xf32>
    %convert_element_type3A_1259 = arith.extui %gt3A_1258 : vector<16xi1> to vector<16xi32>
    %add3A_1260 = arith.addi %add3A_1255, %convert_element_type3A_1259 : vector<16xi32>
    %swap3A_1261 = arith.constant 352 : index
    %swap3A_1262 = tpu.vector_load %arg16[%swap3A_1261] {strides = array<i32>} : memref<1024xi32, #tpu.memory_space<vmem>>, vector<16xi32>,
    tpu.vector_store %arg16[%swap3A_1261], %add3A_1260 {strides = array<i32>} : memref<1024xi32, #tpu.memory_space<vmem>>, vector<16xi32>,
    %add3A_1263 = arith.constant 48 : i32
    %add3A_1264 = vector.broadcast %add3A_1263 : i32 to vector<16xi32>
    %add3A_1265 = arith.addi %add3A_1264, %iota3A : vector<16xi32>
    %shift_right_logical3A_1266 = arith.constant 3 : i32
    %shift_right_logical3A_1267 = vector.broadcast %shift_right_logical3A_1266 : i32 to vector<16xi32>
    %shift_right_logical3A_1268 = arith.shrui %add3A_1265, %shift_right_logical3A_1267 : vector<16xi32>
    %and3A_1269 = arith.constant 7 : i32
    %and3A_1270 = vector.broadcast %and3A_1269 : i32 to vector<16xi32>
    %and3A_1271 = arith.andi %add3A_1265, %and3A_1270 : vector<16xi32>
    %gather3A_1272 = tpu.vector_load_idx %arg9[%shift_right_logical3A_1268, %and3A_1271, %mul3A_8] : memref<8x8x128xf32, #tpu.memory_space<vmem>>[vector<16xi32>, vector<16xi32>, vector<16xi32>], vector<16xf32>,
    %gt3A_1273 = arith.constant -1.150300e+00 : f32
    %gt3A_1274 = vector.broadcast %gt3A_1273 : f32 to vector<16xf32>
    %gt3A_1275 = arith.cmpf ogt, %gather3A_1272, %gt3A_1274 : vector<16xf32>
    %convert_element_type3A_1276 = arith.extui %gt3A_1275 : vector<16xi1> to vector<16xi32>
    %gt3A_1277 = arith.constant -0.674499988 : f32
    %gt3A_1278 = vector.broadcast %gt3A_1277 : f32 to vector<16xf32>
    %gt3A_1279 = arith.cmpf ogt, %gather3A_1272, %gt3A_1278 : vector<16xf32>
    %convert_element_type3A_1280 = arith.extui %gt3A_1279 : vector<16xi1> to vector<16xi32>
    %add3A_1281 = arith.addi %convert_element_type3A_1276, %convert_element_type3A_1280 : vector<16xi32>
    %gt3A_1282 = arith.constant -3.186000e-01 : f32
    %gt3A_1283 = vector.broadcast %gt3A_1282 : f32 to vector<16xf32>
    %gt3A_1284 = arith.cmpf ogt, %gather3A_1272, %gt3A_1283 : vector<16xf32>
    %convert_element_type3A_1285 = arith.extui %gt3A_1284 : vector<16xi1> to vector<16xi32>
    %add3A_1286 = arith.addi %add3A_1281, %convert_element_type3A_1285 : vector<16xi32>
    %gt3A_1287 = arith.constant 0.000000e+00 : f32
    %gt3A_1288 = vector.broadcast %gt3A_1287 : f32 to vector<16xf32>
    %gt3A_1289 = arith.cmpf ogt, %gather3A_1272, %gt3A_1288 : vector<16xf32>
    %convert_element_type3A_1290 = arith.extui %gt3A_1289 : vector<16xi1> to vector<16xi32>
    %add3A_1291 = arith.addi %add3A_1286, %convert_element_type3A_1290 : vector<16xi32>
    %gt3A_1292 = arith.constant 3.186000e-01 : f32
    %gt3A_1293 = vector.broadcast %gt3A_1292 : f32 to vector<16xf32>
    %gt3A_1294 = arith.cmpf ogt, %gather3A_1272, %gt3A_1293 : vector<16xf32>
    %convert_element_type3A_1295 = arith.extui %gt3A_1294 : vector<16xi1> to vector<16xi32>
    %add3A_1296 = arith.addi %add3A_1291, %convert_element_type3A_1295 : vector<16xi32>
    %gt3A_1297 = arith.constant 0.674499988 : f32
    %gt3A_1298 = vector.broadcast %gt3A_1297 : f32 to vector<16xf32>
    %gt3A_1299 = arith.cmpf ogt, %gather3A_1272, %gt3A_1298 : vector<16xf32>
    %convert_element_type3A_1300 = arith.extui %gt3A_1299 : vector<16xi1> to vector<16xi32>
    %add3A_1301 = arith.addi %add3A_1296, %convert_element_type3A_1300 : vector<16xi32>
    %gt3A_1302 = arith.constant 1.150300e+00 : f32
    %gt3A_1303 = vector.broadcast %gt3A_1302 : f32 to vector<16xf32>
    %gt3A_1304 = arith.cmpf ogt, %gather3A_1272, %gt3A_1303 : vector<16xf32>
    %convert_element_type3A_1305 = arith.extui %gt3A_1304 : vector<16xi1> to vector<16xi32>
    %add3A_1306 = arith.addi %add3A_1301, %convert_element_type3A_1305 : vector<16xi32>
    %swap3A_1307 = arith.constant 368 : index
    %swap3A_1308 = tpu.vector_load %arg16[%swap3A_1307] {strides = array<i32>} : memref<1024xi32, #tpu.memory_space<vmem>>, vector<16xi32>,
    tpu.vector_store %arg16[%swap3A_1307], %add3A_1306 {strides = array<i32>} : memref<1024xi32, #tpu.memory_space<vmem>>, vector<16xi32>,
    %add3A_1309 = arith.constant 320 : i32
    %add3A_1310 = arith.addi %multiple_of3A, %add3A_1309 : i32
    %dma_start3A_1311 = arith.constant 320 : i32
    %dma_start3A_1312 = tpu.memref_slice %arg16[%dma_start3A_1311] : memref<1024xi32, #tpu.memory_space<vmem>> -> memref<64xi32, #tpu.memory_space<vmem>>
    %dma_start3A_1313 = tpu.memref_slice %arg3[%add3A_1310] : memref<32768xi32, #tpu.memory_space<hbm>> -> memref<64xi32, #tpu.memory_space<hbm>>
    %dma_start3A_1314 = tpu.memref_slice %arg3[%add3A_1310] : memref<32768xi32, #tpu.memory_space<hbm>> -> memref<64xi32, #tpu.memory_space<hbm>>
    %dma_start3A_1315 = arith.constant 320 : i32
    %dma_start3A_1316 = tpu.memref_slice %arg16[%dma_start3A_1315] : memref<1024xi32, #tpu.memory_space<vmem>> -> memref<64xi32, #tpu.memory_space<vmem>>
    tpu.enqueue_dma source(%dma_start3A_1316 : memref<64xi32, #tpu.memory_space<vmem>>) target(%dma_start3A_1314 : memref<64xi32, #tpu.memory_space<hbm>>) target_semaphore(%arg29 : memref<!tpu.dma_semaphore, #tpu.memory_space<semaphore_mem>>)
    %dma_wait3A_1317 = arith.constant 0 : i32
    %dma_wait3A_1318 = arith.constant 0 : i32
    %dma_wait3A_1319 = tpu.memref_slice %arg2[%add3A_57, %dma_wait3A_1317, %dma_wait3A_1318] : memref<8192x8x1024xf32, #tpu.memory_space<hbm>> -> memref<8x8x128xf32, #tpu.memory_space<hbm>>
    %dma_wait3A_1320 = arith.constant 0 : i32
    %dma_wait3A_1321 = arith.constant 0 : i32
    %dma_wait3A_1322 = tpu.memref_slice %arg2[%add3A_57, %dma_wait3A_1320, %dma_wait3A_1321] : memref<8192x8x1024xf32, #tpu.memory_space<hbm>> -> memref<8x8x128xf32, #tpu.memory_space<hbm>>
    tpu.wait_dma2 semaphore(%arg23 : memref<!tpu.dma_semaphore, #tpu.memory_space<semaphore_mem>>) src(%dma_wait3A_1322 : memref<8x8x128xf32, #tpu.memory_space<hbm>>) dst(%arg10 : memref<8x8x128xf32, #tpu.memory_space<vmem>>)
    %add3A_1323 = arith.constant 0 : i32
    %add3A_1324 = vector.broadcast %add3A_1323 : i32 to vector<16xi32>
    %add3A_1325 = arith.addi %add3A_1324, %iota3A : vector<16xi32>
    %shift_right_logical3A_1326 = arith.constant 3 : i32
    %shift_right_logical3A_1327 = vector.broadcast %shift_right_logical3A_1326 : i32 to vector<16xi32>
    %shift_right_logical3A_1328 = arith.shrui %add3A_1325, %shift_right_logical3A_1327 : vector<16xi32>
    %and3A_1329 = arith.constant 7 : i32
    %and3A_1330 = vector.broadcast %and3A_1329 : i32 to vector<16xi32>
    %and3A_1331 = arith.andi %add3A_1325, %and3A_1330 : vector<16xi32>
    %gather3A_1332 = tpu.vector_load_idx %arg10[%shift_right_logical3A_1328, %and3A_1331, %mul3A_8] : memref<8x8x128xf32, #tpu.memory_space<vmem>>[vector<16xi32>, vector<16xi32>, vector<16xi32>], vector<16xf32>,
    %gt3A_1333 = arith.constant -1.150300e+00 : f32
    %gt3A_1334 = vector.broadcast %gt3A_1333 : f32 to vector<16xf32>
    %gt3A_1335 = arith.cmpf ogt, %gather3A_1332, %gt3A_1334 : vector<16xf32>
    %convert_element_type3A_1336 = arith.extui %gt3A_1335 : vector<16xi1> to vector<16xi32>
    %gt3A_1337 = arith.constant -0.674499988 : f32
    %gt3A_1338 = vector.broadcast %gt3A_1337 : f32 to vector<16xf32>
    %gt3A_1339 = arith.cmpf ogt, %gather3A_1332, %gt3A_1338 : vector<16xf32>
    %convert_element_type3A_1340 = arith.extui %gt3A_1339 : vector<16xi1> to vector<16xi32>
    %add3A_1341 = arith.addi %convert_element_type3A_1336, %convert_element_type3A_1340 : vector<16xi32>
    %gt3A_1342 = arith.constant -3.186000e-01 : f32
    %gt3A_1343 = vector.broadcast %gt3A_1342 : f32 to vector<16xf32>
    %gt3A_1344 = arith.cmpf ogt, %gather3A_1332, %gt3A_1343 : vector<16xf32>
    %convert_element_type3A_1345 = arith.extui %gt3A_1344 : vector<16xi1> to vector<16xi32>
    %add3A_1346 = arith.addi %add3A_1341, %convert_element_type3A_1345 : vector<16xi32>
    %gt3A_1347 = arith.constant 0.000000e+00 : f32
    %gt3A_1348 = vector.broadcast %gt3A_1347 : f32 to vector<16xf32>
    %gt3A_1349 = arith.cmpf ogt, %gather3A_1332, %gt3A_1348 : vector<16xf32>
    %convert_element_type3A_1350 = arith.extui %gt3A_1349 : vector<16xi1> to vector<16xi32>
    %add3A_1351 = arith.addi %add3A_1346, %convert_element_type3A_1350 : vector<16xi32>
    %gt3A_1352 = arith.constant 3.186000e-01 : f32
    %gt3A_1353 = vector.broadcast %gt3A_1352 : f32 to vector<16xf32>
    %gt3A_1354 = arith.cmpf ogt, %gather3A_1332, %gt3A_1353 : vector<16xf32>
    %convert_element_type3A_1355 = arith.extui %gt3A_1354 : vector<16xi1> to vector<16xi32>
    %add3A_1356 = arith.addi %add3A_1351, %convert_element_type3A_1355 : vector<16xi32>
    %gt3A_1357 = arith.constant 0.674499988 : f32
    %gt3A_1358 = vector.broadcast %gt3A_1357 : f32 to vector<16xf32>
    %gt3A_1359 = arith.cmpf ogt, %gather3A_1332, %gt3A_1358 : vector<16xf32>
    %convert_element_type3A_1360 = arith.extui %gt3A_1359 : vector<16xi1> to vector<16xi32>
    %add3A_1361 = arith.addi %add3A_1356, %convert_element_type3A_1360 : vector<16xi32>
    %gt3A_1362 = arith.constant 1.150300e+00 : f32
    %gt3A_1363 = vector.broadcast %gt3A_1362 : f32 to vector<16xf32>
    %gt3A_1364 = arith.cmpf ogt, %gather3A_1332, %gt3A_1363 : vector<16xf32>
    %convert_element_type3A_1365 = arith.extui %gt3A_1364 : vector<16xi1> to vector<16xi32>
    %add3A_1366 = arith.addi %add3A_1361, %convert_element_type3A_1365 : vector<16xi32>
    %swap3A_1367 = arith.constant 384 : index
    %swap3A_1368 = tpu.vector_load %arg16[%swap3A_1367] {strides = array<i32>} : memref<1024xi32, #tpu.memory_space<vmem>>, vector<16xi32>,
    tpu.vector_store %arg16[%swap3A_1367], %add3A_1366 {strides = array<i32>} : memref<1024xi32, #tpu.memory_space<vmem>>, vector<16xi32>,
    %add3A_1369 = arith.constant 16 : i32
    %add3A_1370 = vector.broadcast %add3A_1369 : i32 to vector<16xi32>
    %add3A_1371 = arith.addi %add3A_1370, %iota3A : vector<16xi32>
    %shift_right_logical3A_1372 = arith.constant 3 : i32
    %shift_right_logical3A_1373 = vector.broadcast %shift_right_logical3A_1372 : i32 to vector<16xi32>
    %shift_right_logical3A_1374 = arith.shrui %add3A_1371, %shift_right_logical3A_1373 : vector<16xi32>
    %and3A_1375 = arith.constant 7 : i32
    %and3A_1376 = vector.broadcast %and3A_1375 : i32 to vector<16xi32>
    %and3A_1377 = arith.andi %add3A_1371, %and3A_1376 : vector<16xi32>
    %gather3A_1378 = tpu.vector_load_idx %arg10[%shift_right_logical3A_1374, %and3A_1377, %mul3A_8] : memref<8x8x128xf32, #tpu.memory_space<vmem>>[vector<16xi32>, vector<16xi32>, vector<16xi32>], vector<16xf32>,
    %gt3A_1379 = arith.constant -1.150300e+00 : f32
    %gt3A_1380 = vector.broadcast %gt3A_1379 : f32 to vector<16xf32>
    %gt3A_1381 = arith.cmpf ogt, %gather3A_1378, %gt3A_1380 : vector<16xf32>
    %convert_element_type3A_1382 = arith.extui %gt3A_1381 : vector<16xi1> to vector<16xi32>
    %gt3A_1383 = arith.constant -0.674499988 : f32
    %gt3A_1384 = vector.broadcast %gt3A_1383 : f32 to vector<16xf32>
    %gt3A_1385 = arith.cmpf ogt, %gather3A_1378, %gt3A_1384 : vector<16xf32>
    %convert_element_type3A_1386 = arith.extui %gt3A_1385 : vector<16xi1> to vector<16xi32>
    %add3A_1387 = arith.addi %convert_element_type3A_1382, %convert_element_type3A_1386 : vector<16xi32>
    %gt3A_1388 = arith.constant -3.186000e-01 : f32
    %gt3A_1389 = vector.broadcast %gt3A_1388 : f32 to vector<16xf32>
    %gt3A_1390 = arith.cmpf ogt, %gather3A_1378, %gt3A_1389 : vector<16xf32>
    %convert_element_type3A_1391 = arith.extui %gt3A_1390 : vector<16xi1> to vector<16xi32>
    %add3A_1392 = arith.addi %add3A_1387, %convert_element_type3A_1391 : vector<16xi32>
    %gt3A_1393 = arith.constant 0.000000e+00 : f32
    %gt3A_1394 = vector.broadcast %gt3A_1393 : f32 to vector<16xf32>
    %gt3A_1395 = arith.cmpf ogt, %gather3A_1378, %gt3A_1394 : vector<16xf32>
    %convert_element_type3A_1396 = arith.extui %gt3A_1395 : vector<16xi1> to vector<16xi32>
    %add3A_1397 = arith.addi %add3A_1392, %convert_element_type3A_1396 : vector<16xi32>
    %gt3A_1398 = arith.constant 3.186000e-01 : f32
    %gt3A_1399 = vector.broadcast %gt3A_1398 : f32 to vector<16xf32>
    %gt3A_1400 = arith.cmpf ogt, %gather3A_1378, %gt3A_1399 : vector<16xf32>
    %convert_element_type3A_1401 = arith.extui %gt3A_1400 : vector<16xi1> to vector<16xi32>
    %add3A_1402 = arith.addi %add3A_1397, %convert_element_type3A_1401 : vector<16xi32>
    %gt3A_1403 = arith.constant 0.674499988 : f32
    %gt3A_1404 = vector.broadcast %gt3A_1403 : f32 to vector<16xf32>
    %gt3A_1405 = arith.cmpf ogt, %gather3A_1378, %gt3A_1404 : vector<16xf32>
    %convert_element_type3A_1406 = arith.extui %gt3A_1405 : vector<16xi1> to vector<16xi32>
    %add3A_1407 = arith.addi %add3A_1402, %convert_element_type3A_1406 : vector<16xi32>
    %gt3A_1408 = arith.constant 1.150300e+00 : f32
    %gt3A_1409 = vector.broadcast %gt3A_1408 : f32 to vector<16xf32>
    %gt3A_1410 = arith.cmpf ogt, %gather3A_1378, %gt3A_1409 : vector<16xf32>
    %convert_element_type3A_1411 = arith.extui %gt3A_1410 : vector<16xi1> to vector<16xi32>
    %add3A_1412 = arith.addi %add3A_1407, %convert_element_type3A_1411 : vector<16xi32>
    %swap3A_1413 = arith.constant 400 : index
    %swap3A_1414 = tpu.vector_load %arg16[%swap3A_1413] {strides = array<i32>} : memref<1024xi32, #tpu.memory_space<vmem>>, vector<16xi32>,
    tpu.vector_store %arg16[%swap3A_1413], %add3A_1412 {strides = array<i32>} : memref<1024xi32, #tpu.memory_space<vmem>>, vector<16xi32>,
    %add3A_1415 = arith.constant 32 : i32
    %add3A_1416 = vector.broadcast %add3A_1415 : i32 to vector<16xi32>
    %add3A_1417 = arith.addi %add3A_1416, %iota3A : vector<16xi32>
    %shift_right_logical3A_1418 = arith.constant 3 : i32
    %shift_right_logical3A_1419 = vector.broadcast %shift_right_logical3A_1418 : i32 to vector<16xi32>
    %shift_right_logical3A_1420 = arith.shrui %add3A_1417, %shift_right_logical3A_1419 : vector<16xi32>
    %and3A_1421 = arith.constant 7 : i32
    %and3A_1422 = vector.broadcast %and3A_1421 : i32 to vector<16xi32>
    %and3A_1423 = arith.andi %add3A_1417, %and3A_1422 : vector<16xi32>
    %gather3A_1424 = tpu.vector_load_idx %arg10[%shift_right_logical3A_1420, %and3A_1423, %mul3A_8] : memref<8x8x128xf32, #tpu.memory_space<vmem>>[vector<16xi32>, vector<16xi32>, vector<16xi32>], vector<16xf32>,
    %gt3A_1425 = arith.constant -1.150300e+00 : f32
    %gt3A_1426 = vector.broadcast %gt3A_1425 : f32 to vector<16xf32>
    %gt3A_1427 = arith.cmpf ogt, %gather3A_1424, %gt3A_1426 : vector<16xf32>
    %convert_element_type3A_1428 = arith.extui %gt3A_1427 : vector<16xi1> to vector<16xi32>
    %gt3A_1429 = arith.constant -0.674499988 : f32
    %gt3A_1430 = vector.broadcast %gt3A_1429 : f32 to vector<16xf32>
    %gt3A_1431 = arith.cmpf ogt, %gather3A_1424, %gt3A_1430 : vector<16xf32>
    %convert_element_type3A_1432 = arith.extui %gt3A_1431 : vector<16xi1> to vector<16xi32>
    %add3A_1433 = arith.addi %convert_element_type3A_1428, %convert_element_type3A_1432 : vector<16xi32>
    %gt3A_1434 = arith.constant -3.186000e-01 : f32
    %gt3A_1435 = vector.broadcast %gt3A_1434 : f32 to vector<16xf32>
    %gt3A_1436 = arith.cmpf ogt, %gather3A_1424, %gt3A_1435 : vector<16xf32>
    %convert_element_type3A_1437 = arith.extui %gt3A_1436 : vector<16xi1> to vector<16xi32>
    %add3A_1438 = arith.addi %add3A_1433, %convert_element_type3A_1437 : vector<16xi32>
    %gt3A_1439 = arith.constant 0.000000e+00 : f32
    %gt3A_1440 = vector.broadcast %gt3A_1439 : f32 to vector<16xf32>
    %gt3A_1441 = arith.cmpf ogt, %gather3A_1424, %gt3A_1440 : vector<16xf32>
    %convert_element_type3A_1442 = arith.extui %gt3A_1441 : vector<16xi1> to vector<16xi32>
    %add3A_1443 = arith.addi %add3A_1438, %convert_element_type3A_1442 : vector<16xi32>
    %gt3A_1444 = arith.constant 3.186000e-01 : f32
    %gt3A_1445 = vector.broadcast %gt3A_1444 : f32 to vector<16xf32>
    %gt3A_1446 = arith.cmpf ogt, %gather3A_1424, %gt3A_1445 : vector<16xf32>
    %convert_element_type3A_1447 = arith.extui %gt3A_1446 : vector<16xi1> to vector<16xi32>
    %add3A_1448 = arith.addi %add3A_1443, %convert_element_type3A_1447 : vector<16xi32>
    %gt3A_1449 = arith.constant 0.674499988 : f32
    %gt3A_1450 = vector.broadcast %gt3A_1449 : f32 to vector<16xf32>
    %gt3A_1451 = arith.cmpf ogt, %gather3A_1424, %gt3A_1450 : vector<16xf32>
    %convert_element_type3A_1452 = arith.extui %gt3A_1451 : vector<16xi1> to vector<16xi32>
    %add3A_1453 = arith.addi %add3A_1448, %convert_element_type3A_1452 : vector<16xi32>
    %gt3A_1454 = arith.constant 1.150300e+00 : f32
    %gt3A_1455 = vector.broadcast %gt3A_1454 : f32 to vector<16xf32>
    %gt3A_1456 = arith.cmpf ogt, %gather3A_1424, %gt3A_1455 : vector<16xf32>
    %convert_element_type3A_1457 = arith.extui %gt3A_1456 : vector<16xi1> to vector<16xi32>
    %add3A_1458 = arith.addi %add3A_1453, %convert_element_type3A_1457 : vector<16xi32>
    %swap3A_1459 = arith.constant 416 : index
    %swap3A_1460 = tpu.vector_load %arg16[%swap3A_1459] {strides = array<i32>} : memref<1024xi32, #tpu.memory_space<vmem>>, vector<16xi32>,
    tpu.vector_store %arg16[%swap3A_1459], %add3A_1458 {strides = array<i32>} : memref<1024xi32, #tpu.memory_space<vmem>>, vector<16xi32>,
    %add3A_1461 = arith.constant 48 : i32
    %add3A_1462 = vector.broadcast %add3A_1461 : i32 to vector<16xi32>
    %add3A_1463 = arith.addi %add3A_1462, %iota3A : vector<16xi32>
    %shift_right_logical3A_1464 = arith.constant 3 : i32
    %shift_right_logical3A_1465 = vector.broadcast %shift_right_logical3A_1464 : i32 to vector<16xi32>
    %shift_right_logical3A_1466 = arith.shrui %add3A_1463, %shift_right_logical3A_1465 : vector<16xi32>
    %and3A_1467 = arith.constant 7 : i32
    %and3A_1468 = vector.broadcast %and3A_1467 : i32 to vector<16xi32>
    %and3A_1469 = arith.andi %add3A_1463, %and3A_1468 : vector<16xi32>
    %gather3A_1470 = tpu.vector_load_idx %arg10[%shift_right_logical3A_1466, %and3A_1469, %mul3A_8] : memref<8x8x128xf32, #tpu.memory_space<vmem>>[vector<16xi32>, vector<16xi32>, vector<16xi32>], vector<16xf32>,
    %gt3A_1471 = arith.constant -1.150300e+00 : f32
    %gt3A_1472 = vector.broadcast %gt3A_1471 : f32 to vector<16xf32>
    %gt3A_1473 = arith.cmpf ogt, %gather3A_1470, %gt3A_1472 : vector<16xf32>
    %convert_element_type3A_1474 = arith.extui %gt3A_1473 : vector<16xi1> to vector<16xi32>
    %gt3A_1475 = arith.constant -0.674499988 : f32
    %gt3A_1476 = vector.broadcast %gt3A_1475 : f32 to vector<16xf32>
    %gt3A_1477 = arith.cmpf ogt, %gather3A_1470, %gt3A_1476 : vector<16xf32>
    %convert_element_type3A_1478 = arith.extui %gt3A_1477 : vector<16xi1> to vector<16xi32>
    %add3A_1479 = arith.addi %convert_element_type3A_1474, %convert_element_type3A_1478 : vector<16xi32>
    %gt3A_1480 = arith.constant -3.186000e-01 : f32
    %gt3A_1481 = vector.broadcast %gt3A_1480 : f32 to vector<16xf32>
    %gt3A_1482 = arith.cmpf ogt, %gather3A_1470, %gt3A_1481 : vector<16xf32>
    %convert_element_type3A_1483 = arith.extui %gt3A_1482 : vector<16xi1> to vector<16xi32>
    %add3A_1484 = arith.addi %add3A_1479, %convert_element_type3A_1483 : vector<16xi32>
    %gt3A_1485 = arith.constant 0.000000e+00 : f32
    %gt3A_1486 = vector.broadcast %gt3A_1485 : f32 to vector<16xf32>
    %gt3A_1487 = arith.cmpf ogt, %gather3A_1470, %gt3A_1486 : vector<16xf32>
    %convert_element_type3A_1488 = arith.extui %gt3A_1487 : vector<16xi1> to vector<16xi32>
    %add3A_1489 = arith.addi %add3A_1484, %convert_element_type3A_1488 : vector<16xi32>
    %gt3A_1490 = arith.constant 3.186000e-01 : f32
    %gt3A_1491 = vector.broadcast %gt3A_1490 : f32 to vector<16xf32>
    %gt3A_1492 = arith.cmpf ogt, %gather3A_1470, %gt3A_1491 : vector<16xf32>
    %convert_element_type3A_1493 = arith.extui %gt3A_1492 : vector<16xi1> to vector<16xi32>
    %add3A_1494 = arith.addi %add3A_1489, %convert_element_type3A_1493 : vector<16xi32>
    %gt3A_1495 = arith.constant 0.674499988 : f32
    %gt3A_1496 = vector.broadcast %gt3A_1495 : f32 to vector<16xf32>
    %gt3A_1497 = arith.cmpf ogt, %gather3A_1470, %gt3A_1496 : vector<16xf32>
    %convert_element_type3A_1498 = arith.extui %gt3A_1497 : vector<16xi1> to vector<16xi32>
    %add3A_1499 = arith.addi %add3A_1494, %convert_element_type3A_1498 : vector<16xi32>
    %gt3A_1500 = arith.constant 1.150300e+00 : f32
    %gt3A_1501 = vector.broadcast %gt3A_1500 : f32 to vector<16xf32>
    %gt3A_1502 = arith.cmpf ogt, %gather3A_1470, %gt3A_1501 : vector<16xf32>
    %convert_element_type3A_1503 = arith.extui %gt3A_1502 : vector<16xi1> to vector<16xi32>
    %add3A_1504 = arith.addi %add3A_1499, %convert_element_type3A_1503 : vector<16xi32>
    %swap3A_1505 = arith.constant 432 : index
    %swap3A_1506 = tpu.vector_load %arg16[%swap3A_1505] {strides = array<i32>} : memref<1024xi32, #tpu.memory_space<vmem>>, vector<16xi32>,
    tpu.vector_store %arg16[%swap3A_1505], %add3A_1504 {strides = array<i32>} : memref<1024xi32, #tpu.memory_space<vmem>>, vector<16xi32>,
    %add3A_1507 = arith.constant 384 : i32
    %add3A_1508 = arith.addi %multiple_of3A, %add3A_1507 : i32
    %dma_start3A_1509 = arith.constant 384 : i32
    %dma_start3A_1510 = tpu.memref_slice %arg16[%dma_start3A_1509] : memref<1024xi32, #tpu.memory_space<vmem>> -> memref<64xi32, #tpu.memory_space<vmem>>
    %dma_start3A_1511 = tpu.memref_slice %arg3[%add3A_1508] : memref<32768xi32, #tpu.memory_space<hbm>> -> memref<64xi32, #tpu.memory_space<hbm>>
    %dma_start3A_1512 = tpu.memref_slice %arg3[%add3A_1508] : memref<32768xi32, #tpu.memory_space<hbm>> -> memref<64xi32, #tpu.memory_space<hbm>>
    %dma_start3A_1513 = arith.constant 384 : i32
    %dma_start3A_1514 = tpu.memref_slice %arg16[%dma_start3A_1513] : memref<1024xi32, #tpu.memory_space<vmem>> -> memref<64xi32, #tpu.memory_space<vmem>>
    tpu.enqueue_dma source(%dma_start3A_1514 : memref<64xi32, #tpu.memory_space<vmem>>) target(%dma_start3A_1512 : memref<64xi32, #tpu.memory_space<hbm>>) target_semaphore(%arg29 : memref<!tpu.dma_semaphore, #tpu.memory_space<semaphore_mem>>)
    %dma_wait3A_1515 = arith.constant 0 : i32
    %dma_wait3A_1516 = arith.constant 0 : i32
    %dma_wait3A_1517 = tpu.memref_slice %arg2[%add3A_65, %dma_wait3A_1515, %dma_wait3A_1516] : memref<8192x8x1024xf32, #tpu.memory_space<hbm>> -> memref<8x8x128xf32, #tpu.memory_space<hbm>>
    %dma_wait3A_1518 = arith.constant 0 : i32
    %dma_wait3A_1519 = arith.constant 0 : i32
    %dma_wait3A_1520 = tpu.memref_slice %arg2[%add3A_65, %dma_wait3A_1518, %dma_wait3A_1519] : memref<8192x8x1024xf32, #tpu.memory_space<hbm>> -> memref<8x8x128xf32, #tpu.memory_space<hbm>>
    tpu.wait_dma2 semaphore(%arg24 : memref<!tpu.dma_semaphore, #tpu.memory_space<semaphore_mem>>) src(%dma_wait3A_1520 : memref<8x8x128xf32, #tpu.memory_space<hbm>>) dst(%arg11 : memref<8x8x128xf32, #tpu.memory_space<vmem>>)
    %add3A_1521 = arith.constant 0 : i32
    %add3A_1522 = vector.broadcast %add3A_1521 : i32 to vector<16xi32>
    %add3A_1523 = arith.addi %add3A_1522, %iota3A : vector<16xi32>
    %shift_right_logical3A_1524 = arith.constant 3 : i32
    %shift_right_logical3A_1525 = vector.broadcast %shift_right_logical3A_1524 : i32 to vector<16xi32>
    %shift_right_logical3A_1526 = arith.shrui %add3A_1523, %shift_right_logical3A_1525 : vector<16xi32>
    %and3A_1527 = arith.constant 7 : i32
    %and3A_1528 = vector.broadcast %and3A_1527 : i32 to vector<16xi32>
    %and3A_1529 = arith.andi %add3A_1523, %and3A_1528 : vector<16xi32>
    %gather3A_1530 = tpu.vector_load_idx %arg11[%shift_right_logical3A_1526, %and3A_1529, %mul3A_8] : memref<8x8x128xf32, #tpu.memory_space<vmem>>[vector<16xi32>, vector<16xi32>, vector<16xi32>], vector<16xf32>,
    %gt3A_1531 = arith.constant -1.150300e+00 : f32
    %gt3A_1532 = vector.broadcast %gt3A_1531 : f32 to vector<16xf32>
    %gt3A_1533 = arith.cmpf ogt, %gather3A_1530, %gt3A_1532 : vector<16xf32>
    %convert_element_type3A_1534 = arith.extui %gt3A_1533 : vector<16xi1> to vector<16xi32>
    %gt3A_1535 = arith.constant -0.674499988 : f32
    %gt3A_1536 = vector.broadcast %gt3A_1535 : f32 to vector<16xf32>
    %gt3A_1537 = arith.cmpf ogt, %gather3A_1530, %gt3A_1536 : vector<16xf32>
    %convert_element_type3A_1538 = arith.extui %gt3A_1537 : vector<16xi1> to vector<16xi32>
    %add3A_1539 = arith.addi %convert_element_type3A_1534, %convert_element_type3A_1538 : vector<16xi32>
    %gt3A_1540 = arith.constant -3.186000e-01 : f32
    %gt3A_1541 = vector.broadcast %gt3A_1540 : f32 to vector<16xf32>
    %gt3A_1542 = arith.cmpf ogt, %gather3A_1530, %gt3A_1541 : vector<16xf32>
    %convert_element_type3A_1543 = arith.extui %gt3A_1542 : vector<16xi1> to vector<16xi32>
    %add3A_1544 = arith.addi %add3A_1539, %convert_element_type3A_1543 : vector<16xi32>
    %gt3A_1545 = arith.constant 0.000000e+00 : f32
    %gt3A_1546 = vector.broadcast %gt3A_1545 : f32 to vector<16xf32>
    %gt3A_1547 = arith.cmpf ogt, %gather3A_1530, %gt3A_1546 : vector<16xf32>
    %convert_element_type3A_1548 = arith.extui %gt3A_1547 : vector<16xi1> to vector<16xi32>
    %add3A_1549 = arith.addi %add3A_1544, %convert_element_type3A_1548 : vector<16xi32>
    %gt3A_1550 = arith.constant 3.186000e-01 : f32
    %gt3A_1551 = vector.broadcast %gt3A_1550 : f32 to vector<16xf32>
    %gt3A_1552 = arith.cmpf ogt, %gather3A_1530, %gt3A_1551 : vector<16xf32>
    %convert_element_type3A_1553 = arith.extui %gt3A_1552 : vector<16xi1> to vector<16xi32>
    %add3A_1554 = arith.addi %add3A_1549, %convert_element_type3A_1553 : vector<16xi32>
    %gt3A_1555 = arith.constant 0.674499988 : f32
    %gt3A_1556 = vector.broadcast %gt3A_1555 : f32 to vector<16xf32>
    %gt3A_1557 = arith.cmpf ogt, %gather3A_1530, %gt3A_1556 : vector<16xf32>
    %convert_element_type3A_1558 = arith.extui %gt3A_1557 : vector<16xi1> to vector<16xi32>
    %add3A_1559 = arith.addi %add3A_1554, %convert_element_type3A_1558 : vector<16xi32>
    %gt3A_1560 = arith.constant 1.150300e+00 : f32
    %gt3A_1561 = vector.broadcast %gt3A_1560 : f32 to vector<16xf32>
    %gt3A_1562 = arith.cmpf ogt, %gather3A_1530, %gt3A_1561 : vector<16xf32>
    %convert_element_type3A_1563 = arith.extui %gt3A_1562 : vector<16xi1> to vector<16xi32>
    %add3A_1564 = arith.addi %add3A_1559, %convert_element_type3A_1563 : vector<16xi32>
    %swap3A_1565 = arith.constant 448 : index
    %swap3A_1566 = tpu.vector_load %arg16[%swap3A_1565] {strides = array<i32>} : memref<1024xi32, #tpu.memory_space<vmem>>, vector<16xi32>,
    tpu.vector_store %arg16[%swap3A_1565], %add3A_1564 {strides = array<i32>} : memref<1024xi32, #tpu.memory_space<vmem>>, vector<16xi32>,
    %add3A_1567 = arith.constant 16 : i32
    %add3A_1568 = vector.broadcast %add3A_1567 : i32 to vector<16xi32>
    %add3A_1569 = arith.addi %add3A_1568, %iota3A : vector<16xi32>
    %shift_right_logical3A_1570 = arith.constant 3 : i32
    %shift_right_logical3A_1571 = vector.broadcast %shift_right_logical3A_1570 : i32 to vector<16xi32>
    %shift_right_logical3A_1572 = arith.shrui %add3A_1569, %shift_right_logical3A_1571 : vector<16xi32>
    %and3A_1573 = arith.constant 7 : i32
    %and3A_1574 = vector.broadcast %and3A_1573 : i32 to vector<16xi32>
    %and3A_1575 = arith.andi %add3A_1569, %and3A_1574 : vector<16xi32>
    %gather3A_1576 = tpu.vector_load_idx %arg11[%shift_right_logical3A_1572, %and3A_1575, %mul3A_8] : memref<8x8x128xf32, #tpu.memory_space<vmem>>[vector<16xi32>, vector<16xi32>, vector<16xi32>], vector<16xf32>,
    %gt3A_1577 = arith.constant -1.150300e+00 : f32
    %gt3A_1578 = vector.broadcast %gt3A_1577 : f32 to vector<16xf32>
    %gt3A_1579 = arith.cmpf ogt, %gather3A_1576, %gt3A_1578 : vector<16xf32>
    %convert_element_type3A_1580 = arith.extui %gt3A_1579 : vector<16xi1> to vector<16xi32>
    %gt3A_1581 = arith.constant -0.674499988 : f32
    %gt3A_1582 = vector.broadcast %gt3A_1581 : f32 to vector<16xf32>
    %gt3A_1583 = arith.cmpf ogt, %gather3A_1576, %gt3A_1582 : vector<16xf32>
    %convert_element_type3A_1584 = arith.extui %gt3A_1583 : vector<16xi1> to vector<16xi32>
    %add3A_1585 = arith.addi %convert_element_type3A_1580, %convert_element_type3A_1584 : vector<16xi32>
    %gt3A_1586 = arith.constant -3.186000e-01 : f32
    %gt3A_1587 = vector.broadcast %gt3A_1586 : f32 to vector<16xf32>
    %gt3A_1588 = arith.cmpf ogt, %gather3A_1576, %gt3A_1587 : vector<16xf32>
    %convert_element_type3A_1589 = arith.extui %gt3A_1588 : vector<16xi1> to vector<16xi32>
    %add3A_1590 = arith.addi %add3A_1585, %convert_element_type3A_1589 : vector<16xi32>
    %gt3A_1591 = arith.constant 0.000000e+00 : f32
    %gt3A_1592 = vector.broadcast %gt3A_1591 : f32 to vector<16xf32>
    %gt3A_1593 = arith.cmpf ogt, %gather3A_1576, %gt3A_1592 : vector<16xf32>
    %convert_element_type3A_1594 = arith.extui %gt3A_1593 : vector<16xi1> to vector<16xi32>
    %add3A_1595 = arith.addi %add3A_1590, %convert_element_type3A_1594 : vector<16xi32>
    %gt3A_1596 = arith.constant 3.186000e-01 : f32
    %gt3A_1597 = vector.broadcast %gt3A_1596 : f32 to vector<16xf32>
    %gt3A_1598 = arith.cmpf ogt, %gather3A_1576, %gt3A_1597 : vector<16xf32>
    %convert_element_type3A_1599 = arith.extui %gt3A_1598 : vector<16xi1> to vector<16xi32>
    %add3A_1600 = arith.addi %add3A_1595, %convert_element_type3A_1599 : vector<16xi32>
    %gt3A_1601 = arith.constant 0.674499988 : f32
    %gt3A_1602 = vector.broadcast %gt3A_1601 : f32 to vector<16xf32>
    %gt3A_1603 = arith.cmpf ogt, %gather3A_1576, %gt3A_1602 : vector<16xf32>
    %convert_element_type3A_1604 = arith.extui %gt3A_1603 : vector<16xi1> to vector<16xi32>
    %add3A_1605 = arith.addi %add3A_1600, %convert_element_type3A_1604 : vector<16xi32>
    %gt3A_1606 = arith.constant 1.150300e+00 : f32
    %gt3A_1607 = vector.broadcast %gt3A_1606 : f32 to vector<16xf32>
    %gt3A_1608 = arith.cmpf ogt, %gather3A_1576, %gt3A_1607 : vector<16xf32>
    %convert_element_type3A_1609 = arith.extui %gt3A_1608 : vector<16xi1> to vector<16xi32>
    %add3A_1610 = arith.addi %add3A_1605, %convert_element_type3A_1609 : vector<16xi32>
    %swap3A_1611 = arith.constant 464 : index
    %swap3A_1612 = tpu.vector_load %arg16[%swap3A_1611] {strides = array<i32>} : memref<1024xi32, #tpu.memory_space<vmem>>, vector<16xi32>,
    tpu.vector_store %arg16[%swap3A_1611], %add3A_1610 {strides = array<i32>} : memref<1024xi32, #tpu.memory_space<vmem>>, vector<16xi32>,
    %add3A_1613 = arith.constant 32 : i32
    %add3A_1614 = vector.broadcast %add3A_1613 : i32 to vector<16xi32>
    %add3A_1615 = arith.addi %add3A_1614, %iota3A : vector<16xi32>
    %shift_right_logical3A_1616 = arith.constant 3 : i32
    %shift_right_logical3A_1617 = vector.broadcast %shift_right_logical3A_1616 : i32 to vector<16xi32>
    %shift_right_logical3A_1618 = arith.shrui %add3A_1615, %shift_right_logical3A_1617 : vector<16xi32>
    %and3A_1619 = arith.constant 7 : i32
    %and3A_1620 = vector.broadcast %and3A_1619 : i32 to vector<16xi32>
    %and3A_1621 = arith.andi %add3A_1615, %and3A_1620 : vector<16xi32>
    %gather3A_1622 = tpu.vector_load_idx %arg11[%shift_right_logical3A_1618, %and3A_1621, %mul3A_8] : memref<8x8x128xf32, #tpu.memory_space<vmem>>[vector<16xi32>, vector<16xi32>, vector<16xi32>], vector<16xf32>,
    %gt3A_1623 = arith.constant -1.150300e+00 : f32
    %gt3A_1624 = vector.broadcast %gt3A_1623 : f32 to vector<16xf32>
    %gt3A_1625 = arith.cmpf ogt, %gather3A_1622, %gt3A_1624 : vector<16xf32>
    %convert_element_type3A_1626 = arith.extui %gt3A_1625 : vector<16xi1> to vector<16xi32>
    %gt3A_1627 = arith.constant -0.674499988 : f32
    %gt3A_1628 = vector.broadcast %gt3A_1627 : f32 to vector<16xf32>
    %gt3A_1629 = arith.cmpf ogt, %gather3A_1622, %gt3A_1628 : vector<16xf32>
    %convert_element_type3A_1630 = arith.extui %gt3A_1629 : vector<16xi1> to vector<16xi32>
    %add3A_1631 = arith.addi %convert_element_type3A_1626, %convert_element_type3A_1630 : vector<16xi32>
    %gt3A_1632 = arith.constant -3.186000e-01 : f32
    %gt3A_1633 = vector.broadcast %gt3A_1632 : f32 to vector<16xf32>
    %gt3A_1634 = arith.cmpf ogt, %gather3A_1622, %gt3A_1633 : vector<16xf32>
    %convert_element_type3A_1635 = arith.extui %gt3A_1634 : vector<16xi1> to vector<16xi32>
    %add3A_1636 = arith.addi %add3A_1631, %convert_element_type3A_1635 : vector<16xi32>
    %gt3A_1637 = arith.constant 0.000000e+00 : f32
    %gt3A_1638 = vector.broadcast %gt3A_1637 : f32 to vector<16xf32>
    %gt3A_1639 = arith.cmpf ogt, %gather3A_1622, %gt3A_1638 : vector<16xf32>
    %convert_element_type3A_1640 = arith.extui %gt3A_1639 : vector<16xi1> to vector<16xi32>
    %add3A_1641 = arith.addi %add3A_1636, %convert_element_type3A_1640 : vector<16xi32>
    %gt3A_1642 = arith.constant 3.186000e-01 : f32
    %gt3A_1643 = vector.broadcast %gt3A_1642 : f32 to vector<16xf32>
    %gt3A_1644 = arith.cmpf ogt, %gather3A_1622, %gt3A_1643 : vector<16xf32>
    %convert_element_type3A_1645 = arith.extui %gt3A_1644 : vector<16xi1> to vector<16xi32>
    %add3A_1646 = arith.addi %add3A_1641, %convert_element_type3A_1645 : vector<16xi32>
    %gt3A_1647 = arith.constant 0.674499988 : f32
    %gt3A_1648 = vector.broadcast %gt3A_1647 : f32 to vector<16xf32>
    %gt3A_1649 = arith.cmpf ogt, %gather3A_1622, %gt3A_1648 : vector<16xf32>
    %convert_element_type3A_1650 = arith.extui %gt3A_1649 : vector<16xi1> to vector<16xi32>
    %add3A_1651 = arith.addi %add3A_1646, %convert_element_type3A_1650 : vector<16xi32>
    %gt3A_1652 = arith.constant 1.150300e+00 : f32
    %gt3A_1653 = vector.broadcast %gt3A_1652 : f32 to vector<16xf32>
    %gt3A_1654 = arith.cmpf ogt, %gather3A_1622, %gt3A_1653 : vector<16xf32>
    %convert_element_type3A_1655 = arith.extui %gt3A_1654 : vector<16xi1> to vector<16xi32>
    %add3A_1656 = arith.addi %add3A_1651, %convert_element_type3A_1655 : vector<16xi32>
    %swap3A_1657 = arith.constant 480 : index
    %swap3A_1658 = tpu.vector_load %arg16[%swap3A_1657] {strides = array<i32>} : memref<1024xi32, #tpu.memory_space<vmem>>, vector<16xi32>,
    tpu.vector_store %arg16[%swap3A_1657], %add3A_1656 {strides = array<i32>} : memref<1024xi32, #tpu.memory_space<vmem>>, vector<16xi32>,
    %add3A_1659 = arith.constant 48 : i32
    %add3A_1660 = vector.broadcast %add3A_1659 : i32 to vector<16xi32>
    %add3A_1661 = arith.addi %add3A_1660, %iota3A : vector<16xi32>
    %shift_right_logical3A_1662 = arith.constant 3 : i32
    %shift_right_logical3A_1663 = vector.broadcast %shift_right_logical3A_1662 : i32 to vector<16xi32>
    %shift_right_logical3A_1664 = arith.shrui %add3A_1661, %shift_right_logical3A_1663 : vector<16xi32>
    %and3A_1665 = arith.constant 7 : i32
    %and3A_1666 = vector.broadcast %and3A_1665 : i32 to vector<16xi32>
    %and3A_1667 = arith.andi %add3A_1661, %and3A_1666 : vector<16xi32>
    %gather3A_1668 = tpu.vector_load_idx %arg11[%shift_right_logical3A_1664, %and3A_1667, %mul3A_8] : memref<8x8x128xf32, #tpu.memory_space<vmem>>[vector<16xi32>, vector<16xi32>, vector<16xi32>], vector<16xf32>,
    %gt3A_1669 = arith.constant -1.150300e+00 : f32
    %gt3A_1670 = vector.broadcast %gt3A_1669 : f32 to vector<16xf32>
    %gt3A_1671 = arith.cmpf ogt, %gather3A_1668, %gt3A_1670 : vector<16xf32>
    %convert_element_type3A_1672 = arith.extui %gt3A_1671 : vector<16xi1> to vector<16xi32>
    %gt3A_1673 = arith.constant -0.674499988 : f32
    %gt3A_1674 = vector.broadcast %gt3A_1673 : f32 to vector<16xf32>
    %gt3A_1675 = arith.cmpf ogt, %gather3A_1668, %gt3A_1674 : vector<16xf32>
    %convert_element_type3A_1676 = arith.extui %gt3A_1675 : vector<16xi1> to vector<16xi32>
    %add3A_1677 = arith.addi %convert_element_type3A_1672, %convert_element_type3A_1676 : vector<16xi32>
    %gt3A_1678 = arith.constant -3.186000e-01 : f32
    %gt3A_1679 = vector.broadcast %gt3A_1678 : f32 to vector<16xf32>
    %gt3A_1680 = arith.cmpf ogt, %gather3A_1668, %gt3A_1679 : vector<16xf32>
    %convert_element_type3A_1681 = arith.extui %gt3A_1680 : vector<16xi1> to vector<16xi32>
    %add3A_1682 = arith.addi %add3A_1677, %convert_element_type3A_1681 : vector<16xi32>
    %gt3A_1683 = arith.constant 0.000000e+00 : f32
    %gt3A_1684 = vector.broadcast %gt3A_1683 : f32 to vector<16xf32>
    %gt3A_1685 = arith.cmpf ogt, %gather3A_1668, %gt3A_1684 : vector<16xf32>
    %convert_element_type3A_1686 = arith.extui %gt3A_1685 : vector<16xi1> to vector<16xi32>
    %add3A_1687 = arith.addi %add3A_1682, %convert_element_type3A_1686 : vector<16xi32>
    %gt3A_1688 = arith.constant 3.186000e-01 : f32
    %gt3A_1689 = vector.broadcast %gt3A_1688 : f32 to vector<16xf32>
    %gt3A_1690 = arith.cmpf ogt, %gather3A_1668, %gt3A_1689 : vector<16xf32>
    %convert_element_type3A_1691 = arith.extui %gt3A_1690 : vector<16xi1> to vector<16xi32>
    %add3A_1692 = arith.addi %add3A_1687, %convert_element_type3A_1691 : vector<16xi32>
    %gt3A_1693 = arith.constant 0.674499988 : f32
    %gt3A_1694 = vector.broadcast %gt3A_1693 : f32 to vector<16xf32>
    %gt3A_1695 = arith.cmpf ogt, %gather3A_1668, %gt3A_1694 : vector<16xf32>
    %convert_element_type3A_1696 = arith.extui %gt3A_1695 : vector<16xi1> to vector<16xi32>
    %add3A_1697 = arith.addi %add3A_1692, %convert_element_type3A_1696 : vector<16xi32>
    %gt3A_1698 = arith.constant 1.150300e+00 : f32
    %gt3A_1699 = vector.broadcast %gt3A_1698 : f32 to vector<16xf32>
    %gt3A_1700 = arith.cmpf ogt, %gather3A_1668, %gt3A_1699 : vector<16xf32>
    %convert_element_type3A_1701 = arith.extui %gt3A_1700 : vector<16xi1> to vector<16xi32>
    %add3A_1702 = arith.addi %add3A_1697, %convert_element_type3A_1701 : vector<16xi32>
    %swap3A_1703 = arith.constant 496 : index
    %swap3A_1704 = tpu.vector_load %arg16[%swap3A_1703] {strides = array<i32>} : memref<1024xi32, #tpu.memory_space<vmem>>, vector<16xi32>,
    tpu.vector_store %arg16[%swap3A_1703], %add3A_1702 {strides = array<i32>} : memref<1024xi32, #tpu.memory_space<vmem>>, vector<16xi32>,
    %add3A_1705 = arith.constant 448 : i32
    %add3A_1706 = arith.addi %multiple_of3A, %add3A_1705 : i32
    %dma_start3A_1707 = arith.constant 448 : i32
    %dma_start3A_1708 = tpu.memref_slice %arg16[%dma_start3A_1707] : memref<1024xi32, #tpu.memory_space<vmem>> -> memref<64xi32, #tpu.memory_space<vmem>>
    %dma_start3A_1709 = tpu.memref_slice %arg3[%add3A_1706] : memref<32768xi32, #tpu.memory_space<hbm>> -> memref<64xi32, #tpu.memory_space<hbm>>
    %dma_start3A_1710 = tpu.memref_slice %arg3[%add3A_1706] : memref<32768xi32, #tpu.memory_space<hbm>> -> memref<64xi32, #tpu.memory_space<hbm>>
    %dma_start3A_1711 = arith.constant 448 : i32
    %dma_start3A_1712 = tpu.memref_slice %arg16[%dma_start3A_1711] : memref<1024xi32, #tpu.memory_space<vmem>> -> memref<64xi32, #tpu.memory_space<vmem>>
    tpu.enqueue_dma source(%dma_start3A_1712 : memref<64xi32, #tpu.memory_space<vmem>>) target(%dma_start3A_1710 : memref<64xi32, #tpu.memory_space<hbm>>) target_semaphore(%arg29 : memref<!tpu.dma_semaphore, #tpu.memory_space<semaphore_mem>>)
    %dma_wait3A_1713 = arith.constant 0 : i32
    %dma_wait3A_1714 = arith.constant 0 : i32
    %dma_wait3A_1715 = tpu.memref_slice %arg2[%add3A_73, %dma_wait3A_1713, %dma_wait3A_1714] : memref<8192x8x1024xf32, #tpu.memory_space<hbm>> -> memref<8x8x128xf32, #tpu.memory_space<hbm>>
    %dma_wait3A_1716 = arith.constant 0 : i32
    %dma_wait3A_1717 = arith.constant 0 : i32
    %dma_wait3A_1718 = tpu.memref_slice %arg2[%add3A_73, %dma_wait3A_1716, %dma_wait3A_1717] : memref<8192x8x1024xf32, #tpu.memory_space<hbm>> -> memref<8x8x128xf32, #tpu.memory_space<hbm>>
    tpu.wait_dma2 semaphore(%arg25 : memref<!tpu.dma_semaphore, #tpu.memory_space<semaphore_mem>>) src(%dma_wait3A_1718 : memref<8x8x128xf32, #tpu.memory_space<hbm>>) dst(%arg12 : memref<8x8x128xf32, #tpu.memory_space<vmem>>)
    %add3A_1719 = arith.constant 0 : i32
    %add3A_1720 = vector.broadcast %add3A_1719 : i32 to vector<16xi32>
    %add3A_1721 = arith.addi %add3A_1720, %iota3A : vector<16xi32>
    %shift_right_logical3A_1722 = arith.constant 3 : i32
    %shift_right_logical3A_1723 = vector.broadcast %shift_right_logical3A_1722 : i32 to vector<16xi32>
    %shift_right_logical3A_1724 = arith.shrui %add3A_1721, %shift_right_logical3A_1723 : vector<16xi32>
    %and3A_1725 = arith.constant 7 : i32
    %and3A_1726 = vector.broadcast %and3A_1725 : i32 to vector<16xi32>
    %and3A_1727 = arith.andi %add3A_1721, %and3A_1726 : vector<16xi32>
    %gather3A_1728 = tpu.vector_load_idx %arg12[%shift_right_logical3A_1724, %and3A_1727, %mul3A_8] : memref<8x8x128xf32, #tpu.memory_space<vmem>>[vector<16xi32>, vector<16xi32>, vector<16xi32>], vector<16xf32>,
    %gt3A_1729 = arith.constant -1.150300e+00 : f32
    %gt3A_1730 = vector.broadcast %gt3A_1729 : f32 to vector<16xf32>
    %gt3A_1731 = arith.cmpf ogt, %gather3A_1728, %gt3A_1730 : vector<16xf32>
    %convert_element_type3A_1732 = arith.extui %gt3A_1731 : vector<16xi1> to vector<16xi32>
    %gt3A_1733 = arith.constant -0.674499988 : f32
    %gt3A_1734 = vector.broadcast %gt3A_1733 : f32 to vector<16xf32>
    %gt3A_1735 = arith.cmpf ogt, %gather3A_1728, %gt3A_1734 : vector<16xf32>
    %convert_element_type3A_1736 = arith.extui %gt3A_1735 : vector<16xi1> to vector<16xi32>
    %add3A_1737 = arith.addi %convert_element_type3A_1732, %convert_element_type3A_1736 : vector<16xi32>
    %gt3A_1738 = arith.constant -3.186000e-01 : f32
    %gt3A_1739 = vector.broadcast %gt3A_1738 : f32 to vector<16xf32>
    %gt3A_1740 = arith.cmpf ogt, %gather3A_1728, %gt3A_1739 : vector<16xf32>
    %convert_element_type3A_1741 = arith.extui %gt3A_1740 : vector<16xi1> to vector<16xi32>
    %add3A_1742 = arith.addi %add3A_1737, %convert_element_type3A_1741 : vector<16xi32>
    %gt3A_1743 = arith.constant 0.000000e+00 : f32
    %gt3A_1744 = vector.broadcast %gt3A_1743 : f32 to vector<16xf32>
    %gt3A_1745 = arith.cmpf ogt, %gather3A_1728, %gt3A_1744 : vector<16xf32>
    %convert_element_type3A_1746 = arith.extui %gt3A_1745 : vector<16xi1> to vector<16xi32>
    %add3A_1747 = arith.addi %add3A_1742, %convert_element_type3A_1746 : vector<16xi32>
    %gt3A_1748 = arith.constant 3.186000e-01 : f32
    %gt3A_1749 = vector.broadcast %gt3A_1748 : f32 to vector<16xf32>
    %gt3A_1750 = arith.cmpf ogt, %gather3A_1728, %gt3A_1749 : vector<16xf32>
    %convert_element_type3A_1751 = arith.extui %gt3A_1750 : vector<16xi1> to vector<16xi32>
    %add3A_1752 = arith.addi %add3A_1747, %convert_element_type3A_1751 : vector<16xi32>
    %gt3A_1753 = arith.constant 0.674499988 : f32
    %gt3A_1754 = vector.broadcast %gt3A_1753 : f32 to vector<16xf32>
    %gt3A_1755 = arith.cmpf ogt, %gather3A_1728, %gt3A_1754 : vector<16xf32>
    %convert_element_type3A_1756 = arith.extui %gt3A_1755 : vector<16xi1> to vector<16xi32>
    %add3A_1757 = arith.addi %add3A_1752, %convert_element_type3A_1756 : vector<16xi32>
    %gt3A_1758 = arith.constant 1.150300e+00 : f32
    %gt3A_1759 = vector.broadcast %gt3A_1758 : f32 to vector<16xf32>
    %gt3A_1760 = arith.cmpf ogt, %gather3A_1728, %gt3A_1759 : vector<16xf32>
    %convert_element_type3A_1761 = arith.extui %gt3A_1760 : vector<16xi1> to vector<16xi32>
    %add3A_1762 = arith.addi %add3A_1757, %convert_element_type3A_1761 : vector<16xi32>
    %swap3A_1763 = arith.constant 512 : index
    %swap3A_1764 = tpu.vector_load %arg16[%swap3A_1763] {strides = array<i32>} : memref<1024xi32, #tpu.memory_space<vmem>>, vector<16xi32>,
    tpu.vector_store %arg16[%swap3A_1763], %add3A_1762 {strides = array<i32>} : memref<1024xi32, #tpu.memory_space<vmem>>, vector<16xi32>,
    %add3A_1765 = arith.constant 16 : i32
    %add3A_1766 = vector.broadcast %add3A_1765 : i32 to vector<16xi32>
    %add3A_1767 = arith.addi %add3A_1766, %iota3A : vector<16xi32>
    %shift_right_logical3A_1768 = arith.constant 3 : i32
    %shift_right_logical3A_1769 = vector.broadcast %shift_right_logical3A_1768 : i32 to vector<16xi32>
    %shift_right_logical3A_1770 = arith.shrui %add3A_1767, %shift_right_logical3A_1769 : vector<16xi32>
    %and3A_1771 = arith.constant 7 : i32
    %and3A_1772 = vector.broadcast %and3A_1771 : i32 to vector<16xi32>
    %and3A_1773 = arith.andi %add3A_1767, %and3A_1772 : vector<16xi32>
    %gather3A_1774 = tpu.vector_load_idx %arg12[%shift_right_logical3A_1770, %and3A_1773, %mul3A_8] : memref<8x8x128xf32, #tpu.memory_space<vmem>>[vector<16xi32>, vector<16xi32>, vector<16xi32>], vector<16xf32>,
    %gt3A_1775 = arith.constant -1.150300e+00 : f32
    %gt3A_1776 = vector.broadcast %gt3A_1775 : f32 to vector<16xf32>
    %gt3A_1777 = arith.cmpf ogt, %gather3A_1774, %gt3A_1776 : vector<16xf32>
    %convert_element_type3A_1778 = arith.extui %gt3A_1777 : vector<16xi1> to vector<16xi32>
    %gt3A_1779 = arith.constant -0.674499988 : f32
    %gt3A_1780 = vector.broadcast %gt3A_1779 : f32 to vector<16xf32>
    %gt3A_1781 = arith.cmpf ogt, %gather3A_1774, %gt3A_1780 : vector<16xf32>
    %convert_element_type3A_1782 = arith.extui %gt3A_1781 : vector<16xi1> to vector<16xi32>
    %add3A_1783 = arith.addi %convert_element_type3A_1778, %convert_element_type3A_1782 : vector<16xi32>
    %gt3A_1784 = arith.constant -3.186000e-01 : f32
    %gt3A_1785 = vector.broadcast %gt3A_1784 : f32 to vector<16xf32>
    %gt3A_1786 = arith.cmpf ogt, %gather3A_1774, %gt3A_1785 : vector<16xf32>
    %convert_element_type3A_1787 = arith.extui %gt3A_1786 : vector<16xi1> to vector<16xi32>
    %add3A_1788 = arith.addi %add3A_1783, %convert_element_type3A_1787 : vector<16xi32>
    %gt3A_1789 = arith.constant 0.000000e+00 : f32
    %gt3A_1790 = vector.broadcast %gt3A_1789 : f32 to vector<16xf32>
    %gt3A_1791 = arith.cmpf ogt, %gather3A_1774, %gt3A_1790 : vector<16xf32>
    %convert_element_type3A_1792 = arith.extui %gt3A_1791 : vector<16xi1> to vector<16xi32>
    %add3A_1793 = arith.addi %add3A_1788, %convert_element_type3A_1792 : vector<16xi32>
    %gt3A_1794 = arith.constant 3.186000e-01 : f32
    %gt3A_1795 = vector.broadcast %gt3A_1794 : f32 to vector<16xf32>
    %gt3A_1796 = arith.cmpf ogt, %gather3A_1774, %gt3A_1795 : vector<16xf32>
    %convert_element_type3A_1797 = arith.extui %gt3A_1796 : vector<16xi1> to vector<16xi32>
    %add3A_1798 = arith.addi %add3A_1793, %convert_element_type3A_1797 : vector<16xi32>
    %gt3A_1799 = arith.constant 0.674499988 : f32
    %gt3A_1800 = vector.broadcast %gt3A_1799 : f32 to vector<16xf32>
    %gt3A_1801 = arith.cmpf ogt, %gather3A_1774, %gt3A_1800 : vector<16xf32>
    %convert_element_type3A_1802 = arith.extui %gt3A_1801 : vector<16xi1> to vector<16xi32>
    %add3A_1803 = arith.addi %add3A_1798, %convert_element_type3A_1802 : vector<16xi32>
    %gt3A_1804 = arith.constant 1.150300e+00 : f32
    %gt3A_1805 = vector.broadcast %gt3A_1804 : f32 to vector<16xf32>
    %gt3A_1806 = arith.cmpf ogt, %gather3A_1774, %gt3A_1805 : vector<16xf32>
    %convert_element_type3A_1807 = arith.extui %gt3A_1806 : vector<16xi1> to vector<16xi32>
    %add3A_1808 = arith.addi %add3A_1803, %convert_element_type3A_1807 : vector<16xi32>
    %swap3A_1809 = arith.constant 528 : index
    %swap3A_1810 = tpu.vector_load %arg16[%swap3A_1809] {strides = array<i32>} : memref<1024xi32, #tpu.memory_space<vmem>>, vector<16xi32>,
    tpu.vector_store %arg16[%swap3A_1809], %add3A_1808 {strides = array<i32>} : memref<1024xi32, #tpu.memory_space<vmem>>, vector<16xi32>,
    %add3A_1811 = arith.constant 32 : i32
    %add3A_1812 = vector.broadcast %add3A_1811 : i32 to vector<16xi32>
    %add3A_1813 = arith.addi %add3A_1812, %iota3A : vector<16xi32>
    %shift_right_logical3A_1814 = arith.constant 3 : i32
    %shift_right_logical3A_1815 = vector.broadcast %shift_right_logical3A_1814 : i32 to vector<16xi32>
    %shift_right_logical3A_1816 = arith.shrui %add3A_1813, %shift_right_logical3A_1815 : vector<16xi32>
    %and3A_1817 = arith.constant 7 : i32
    %and3A_1818 = vector.broadcast %and3A_1817 : i32 to vector<16xi32>
    %and3A_1819 = arith.andi %add3A_1813, %and3A_1818 : vector<16xi32>
    %gather3A_1820 = tpu.vector_load_idx %arg12[%shift_right_logical3A_1816, %and3A_1819, %mul3A_8] : memref<8x8x128xf32, #tpu.memory_space<vmem>>[vector<16xi32>, vector<16xi32>, vector<16xi32>], vector<16xf32>,
    %gt3A_1821 = arith.constant -1.150300e+00 : f32
    %gt3A_1822 = vector.broadcast %gt3A_1821 : f32 to vector<16xf32>
    %gt3A_1823 = arith.cmpf ogt, %gather3A_1820, %gt3A_1822 : vector<16xf32>
    %convert_element_type3A_1824 = arith.extui %gt3A_1823 : vector<16xi1> to vector<16xi32>
    %gt3A_1825 = arith.constant -0.674499988 : f32
    %gt3A_1826 = vector.broadcast %gt3A_1825 : f32 to vector<16xf32>
    %gt3A_1827 = arith.cmpf ogt, %gather3A_1820, %gt3A_1826 : vector<16xf32>
    %convert_element_type3A_1828 = arith.extui %gt3A_1827 : vector<16xi1> to vector<16xi32>
    %add3A_1829 = arith.addi %convert_element_type3A_1824, %convert_element_type3A_1828 : vector<16xi32>
    %gt3A_1830 = arith.constant -3.186000e-01 : f32
    %gt3A_1831 = vector.broadcast %gt3A_1830 : f32 to vector<16xf32>
    %gt3A_1832 = arith.cmpf ogt, %gather3A_1820, %gt3A_1831 : vector<16xf32>
    %convert_element_type3A_1833 = arith.extui %gt3A_1832 : vector<16xi1> to vector<16xi32>
    %add3A_1834 = arith.addi %add3A_1829, %convert_element_type3A_1833 : vector<16xi32>
    %gt3A_1835 = arith.constant 0.000000e+00 : f32
    %gt3A_1836 = vector.broadcast %gt3A_1835 : f32 to vector<16xf32>
    %gt3A_1837 = arith.cmpf ogt, %gather3A_1820, %gt3A_1836 : vector<16xf32>
    %convert_element_type3A_1838 = arith.extui %gt3A_1837 : vector<16xi1> to vector<16xi32>
    %add3A_1839 = arith.addi %add3A_1834, %convert_element_type3A_1838 : vector<16xi32>
    %gt3A_1840 = arith.constant 3.186000e-01 : f32
    %gt3A_1841 = vector.broadcast %gt3A_1840 : f32 to vector<16xf32>
    %gt3A_1842 = arith.cmpf ogt, %gather3A_1820, %gt3A_1841 : vector<16xf32>
    %convert_element_type3A_1843 = arith.extui %gt3A_1842 : vector<16xi1> to vector<16xi32>
    %add3A_1844 = arith.addi %add3A_1839, %convert_element_type3A_1843 : vector<16xi32>
    %gt3A_1845 = arith.constant 0.674499988 : f32
    %gt3A_1846 = vector.broadcast %gt3A_1845 : f32 to vector<16xf32>
    %gt3A_1847 = arith.cmpf ogt, %gather3A_1820, %gt3A_1846 : vector<16xf32>
    %convert_element_type3A_1848 = arith.extui %gt3A_1847 : vector<16xi1> to vector<16xi32>
    %add3A_1849 = arith.addi %add3A_1844, %convert_element_type3A_1848 : vector<16xi32>
    %gt3A_1850 = arith.constant 1.150300e+00 : f32
    %gt3A_1851 = vector.broadcast %gt3A_1850 : f32 to vector<16xf32>
    %gt3A_1852 = arith.cmpf ogt, %gather3A_1820, %gt3A_1851 : vector<16xf32>
    %convert_element_type3A_1853 = arith.extui %gt3A_1852 : vector<16xi1> to vector<16xi32>
    %add3A_1854 = arith.addi %add3A_1849, %convert_element_type3A_1853 : vector<16xi32>
    %swap3A_1855 = arith.constant 544 : index
    %swap3A_1856 = tpu.vector_load %arg16[%swap3A_1855] {strides = array<i32>} : memref<1024xi32, #tpu.memory_space<vmem>>, vector<16xi32>,
    tpu.vector_store %arg16[%swap3A_1855], %add3A_1854 {strides = array<i32>} : memref<1024xi32, #tpu.memory_space<vmem>>, vector<16xi32>,
    %add3A_1857 = arith.constant 48 : i32
    %add3A_1858 = vector.broadcast %add3A_1857 : i32 to vector<16xi32>
    %add3A_1859 = arith.addi %add3A_1858, %iota3A : vector<16xi32>
    %shift_right_logical3A_1860 = arith.constant 3 : i32
    %shift_right_logical3A_1861 = vector.broadcast %shift_right_logical3A_1860 : i32 to vector<16xi32>
    %shift_right_logical3A_1862 = arith.shrui %add3A_1859, %shift_right_logical3A_1861 : vector<16xi32>
    %and3A_1863 = arith.constant 7 : i32
    %and3A_1864 = vector.broadcast %and3A_1863 : i32 to vector<16xi32>
    %and3A_1865 = arith.andi %add3A_1859, %and3A_1864 : vector<16xi32>
    %gather3A_1866 = tpu.vector_load_idx %arg12[%shift_right_logical3A_1862, %and3A_1865, %mul3A_8] : memref<8x8x128xf32, #tpu.memory_space<vmem>>[vector<16xi32>, vector<16xi32>, vector<16xi32>], vector<16xf32>,
    %gt3A_1867 = arith.constant -1.150300e+00 : f32
    %gt3A_1868 = vector.broadcast %gt3A_1867 : f32 to vector<16xf32>
    %gt3A_1869 = arith.cmpf ogt, %gather3A_1866, %gt3A_1868 : vector<16xf32>
    %convert_element_type3A_1870 = arith.extui %gt3A_1869 : vector<16xi1> to vector<16xi32>
    %gt3A_1871 = arith.constant -0.674499988 : f32
    %gt3A_1872 = vector.broadcast %gt3A_1871 : f32 to vector<16xf32>
    %gt3A_1873 = arith.cmpf ogt, %gather3A_1866, %gt3A_1872 : vector<16xf32>
    %convert_element_type3A_1874 = arith.extui %gt3A_1873 : vector<16xi1> to vector<16xi32>
    %add3A_1875 = arith.addi %convert_element_type3A_1870, %convert_element_type3A_1874 : vector<16xi32>
    %gt3A_1876 = arith.constant -3.186000e-01 : f32
    %gt3A_1877 = vector.broadcast %gt3A_1876 : f32 to vector<16xf32>
    %gt3A_1878 = arith.cmpf ogt, %gather3A_1866, %gt3A_1877 : vector<16xf32>
    %convert_element_type3A_1879 = arith.extui %gt3A_1878 : vector<16xi1> to vector<16xi32>
    %add3A_1880 = arith.addi %add3A_1875, %convert_element_type3A_1879 : vector<16xi32>
    %gt3A_1881 = arith.constant 0.000000e+00 : f32
    %gt3A_1882 = vector.broadcast %gt3A_1881 : f32 to vector<16xf32>
    %gt3A_1883 = arith.cmpf ogt, %gather3A_1866, %gt3A_1882 : vector<16xf32>
    %convert_element_type3A_1884 = arith.extui %gt3A_1883 : vector<16xi1> to vector<16xi32>
    %add3A_1885 = arith.addi %add3A_1880, %convert_element_type3A_1884 : vector<16xi32>
    %gt3A_1886 = arith.constant 3.186000e-01 : f32
    %gt3A_1887 = vector.broadcast %gt3A_1886 : f32 to vector<16xf32>
    %gt3A_1888 = arith.cmpf ogt, %gather3A_1866, %gt3A_1887 : vector<16xf32>
    %convert_element_type3A_1889 = arith.extui %gt3A_1888 : vector<16xi1> to vector<16xi32>
    %add3A_1890 = arith.addi %add3A_1885, %convert_element_type3A_1889 : vector<16xi32>
    %gt3A_1891 = arith.constant 0.674499988 : f32
    %gt3A_1892 = vector.broadcast %gt3A_1891 : f32 to vector<16xf32>
    %gt3A_1893 = arith.cmpf ogt, %gather3A_1866, %gt3A_1892 : vector<16xf32>
    %convert_element_type3A_1894 = arith.extui %gt3A_1893 : vector<16xi1> to vector<16xi32>
    %add3A_1895 = arith.addi %add3A_1890, %convert_element_type3A_1894 : vector<16xi32>
    %gt3A_1896 = arith.constant 1.150300e+00 : f32
    %gt3A_1897 = vector.broadcast %gt3A_1896 : f32 to vector<16xf32>
    %gt3A_1898 = arith.cmpf ogt, %gather3A_1866, %gt3A_1897 : vector<16xf32>
    %convert_element_type3A_1899 = arith.extui %gt3A_1898 : vector<16xi1> to vector<16xi32>
    %add3A_1900 = arith.addi %add3A_1895, %convert_element_type3A_1899 : vector<16xi32>
    %swap3A_1901 = arith.constant 560 : index
    %swap3A_1902 = tpu.vector_load %arg16[%swap3A_1901] {strides = array<i32>} : memref<1024xi32, #tpu.memory_space<vmem>>, vector<16xi32>,
    tpu.vector_store %arg16[%swap3A_1901], %add3A_1900 {strides = array<i32>} : memref<1024xi32, #tpu.memory_space<vmem>>, vector<16xi32>,
    %add3A_1903 = arith.constant 512 : i32
    %add3A_1904 = arith.addi %multiple_of3A, %add3A_1903 : i32
    %dma_start3A_1905 = arith.constant 512 : i32
    %dma_start3A_1906 = tpu.memref_slice %arg16[%dma_start3A_1905] : memref<1024xi32, #tpu.memory_space<vmem>> -> memref<64xi32, #tpu.memory_space<vmem>>
    %dma_start3A_1907 = tpu.memref_slice %arg3[%add3A_1904] : memref<32768xi32, #tpu.memory_space<hbm>> -> memref<64xi32, #tpu.memory_space<hbm>>
    %dma_start3A_1908 = tpu.memref_slice %arg3[%add3A_1904] : memref<32768xi32, #tpu.memory_space<hbm>> -> memref<64xi32, #tpu.memory_space<hbm>>
    %dma_start3A_1909 = arith.constant 512 : i32
    %dma_start3A_1910 = tpu.memref_slice %arg16[%dma_start3A_1909] : memref<1024xi32, #tpu.memory_space<vmem>> -> memref<64xi32, #tpu.memory_space<vmem>>
    tpu.enqueue_dma source(%dma_start3A_1910 : memref<64xi32, #tpu.memory_space<vmem>>) target(%dma_start3A_1908 : memref<64xi32, #tpu.memory_space<hbm>>) target_semaphore(%arg29 : memref<!tpu.dma_semaphore, #tpu.memory_space<semaphore_mem>>)
    %dma_wait3A_1911 = arith.constant 0 : i32
    %dma_wait3A_1912 = arith.constant 0 : i32
    %dma_wait3A_1913 = tpu.memref_slice %arg2[%add3A_81, %dma_wait3A_1911, %dma_wait3A_1912] : memref<8192x8x1024xf32, #tpu.memory_space<hbm>> -> memref<8x8x128xf32, #tpu.memory_space<hbm>>
    %dma_wait3A_1914 = arith.constant 0 : i32
    %dma_wait3A_1915 = arith.constant 0 : i32
    %dma_wait3A_1916 = tpu.memref_slice %arg2[%add3A_81, %dma_wait3A_1914, %dma_wait3A_1915] : memref<8192x8x1024xf32, #tpu.memory_space<hbm>> -> memref<8x8x128xf32, #tpu.memory_space<hbm>>
    tpu.wait_dma2 semaphore(%arg26 : memref<!tpu.dma_semaphore, #tpu.memory_space<semaphore_mem>>) src(%dma_wait3A_1916 : memref<8x8x128xf32, #tpu.memory_space<hbm>>) dst(%arg13 : memref<8x8x128xf32, #tpu.memory_space<vmem>>)
    %add3A_1917 = arith.constant 0 : i32
    %add3A_1918 = vector.broadcast %add3A_1917 : i32 to vector<16xi32>
    %add3A_1919 = arith.addi %add3A_1918, %iota3A : vector<16xi32>
    %shift_right_logical3A_1920 = arith.constant 3 : i32
    %shift_right_logical3A_1921 = vector.broadcast %shift_right_logical3A_1920 : i32 to vector<16xi32>
    %shift_right_logical3A_1922 = arith.shrui %add3A_1919, %shift_right_logical3A_1921 : vector<16xi32>
    %and3A_1923 = arith.constant 7 : i32
    %and3A_1924 = vector.broadcast %and3A_1923 : i32 to vector<16xi32>
    %and3A_1925 = arith.andi %add3A_1919, %and3A_1924 : vector<16xi32>
    %gather3A_1926 = tpu.vector_load_idx %arg13[%shift_right_logical3A_1922, %and3A_1925, %mul3A_8] : memref<8x8x128xf32, #tpu.memory_space<vmem>>[vector<16xi32>, vector<16xi32>, vector<16xi32>], vector<16xf32>,
    %gt3A_1927 = arith.constant -1.150300e+00 : f32
    %gt3A_1928 = vector.broadcast %gt3A_1927 : f32 to vector<16xf32>
    %gt3A_1929 = arith.cmpf ogt, %gather3A_1926, %gt3A_1928 : vector<16xf32>
    %convert_element_type3A_1930 = arith.extui %gt3A_1929 : vector<16xi1> to vector<16xi32>
    %gt3A_1931 = arith.constant -0.674499988 : f32
    %gt3A_1932 = vector.broadcast %gt3A_1931 : f32 to vector<16xf32>
    %gt3A_1933 = arith.cmpf ogt, %gather3A_1926, %gt3A_1932 : vector<16xf32>
    %convert_element_type3A_1934 = arith.extui %gt3A_1933 : vector<16xi1> to vector<16xi32>
    %add3A_1935 = arith.addi %convert_element_type3A_1930, %convert_element_type3A_1934 : vector<16xi32>
    %gt3A_1936 = arith.constant -3.186000e-01 : f32
    %gt3A_1937 = vector.broadcast %gt3A_1936 : f32 to vector<16xf32>
    %gt3A_1938 = arith.cmpf ogt, %gather3A_1926, %gt3A_1937 : vector<16xf32>
    %convert_element_type3A_1939 = arith.extui %gt3A_1938 : vector<16xi1> to vector<16xi32>
    %add3A_1940 = arith.addi %add3A_1935, %convert_element_type3A_1939 : vector<16xi32>
    %gt3A_1941 = arith.constant 0.000000e+00 : f32
    %gt3A_1942 = vector.broadcast %gt3A_1941 : f32 to vector<16xf32>
    %gt3A_1943 = arith.cmpf ogt, %gather3A_1926, %gt3A_1942 : vector<16xf32>
    %convert_element_type3A_1944 = arith.extui %gt3A_1943 : vector<16xi1> to vector<16xi32>
    %add3A_1945 = arith.addi %add3A_1940, %convert_element_type3A_1944 : vector<16xi32>
    %gt3A_1946 = arith.constant 3.186000e-01 : f32
    %gt3A_1947 = vector.broadcast %gt3A_1946 : f32 to vector<16xf32>
    %gt3A_1948 = arith.cmpf ogt, %gather3A_1926, %gt3A_1947 : vector<16xf32>
    %convert_element_type3A_1949 = arith.extui %gt3A_1948 : vector<16xi1> to vector<16xi32>
    %add3A_1950 = arith.addi %add3A_1945, %convert_element_type3A_1949 : vector<16xi32>
    %gt3A_1951 = arith.constant 0.674499988 : f32
    %gt3A_1952 = vector.broadcast %gt3A_1951 : f32 to vector<16xf32>
    %gt3A_1953 = arith.cmpf ogt, %gather3A_1926, %gt3A_1952 : vector<16xf32>
    %convert_element_type3A_1954 = arith.extui %gt3A_1953 : vector<16xi1> to vector<16xi32>
    %add3A_1955 = arith.addi %add3A_1950, %convert_element_type3A_1954 : vector<16xi32>
    %gt3A_1956 = arith.constant 1.150300e+00 : f32
    %gt3A_1957 = vector.broadcast %gt3A_1956 : f32 to vector<16xf32>
    %gt3A_1958 = arith.cmpf ogt, %gather3A_1926, %gt3A_1957 : vector<16xf32>
    %convert_element_type3A_1959 = arith.extui %gt3A_1958 : vector<16xi1> to vector<16xi32>
    %add3A_1960 = arith.addi %add3A_1955, %convert_element_type3A_1959 : vector<16xi32>
    %swap3A_1961 = arith.constant 576 : index
    %swap3A_1962 = tpu.vector_load %arg16[%swap3A_1961] {strides = array<i32>} : memref<1024xi32, #tpu.memory_space<vmem>>, vector<16xi32>,
    tpu.vector_store %arg16[%swap3A_1961], %add3A_1960 {strides = array<i32>} : memref<1024xi32, #tpu.memory_space<vmem>>, vector<16xi32>,
    %add3A_1963 = arith.constant 16 : i32
    %add3A_1964 = vector.broadcast %add3A_1963 : i32 to vector<16xi32>
    %add3A_1965 = arith.addi %add3A_1964, %iota3A : vector<16xi32>
    %shift_right_logical3A_1966 = arith.constant 3 : i32
    %shift_right_logical3A_1967 = vector.broadcast %shift_right_logical3A_1966 : i32 to vector<16xi32>
    %shift_right_logical3A_1968 = arith.shrui %add3A_1965, %shift_right_logical3A_1967 : vector<16xi32>
    %and3A_1969 = arith.constant 7 : i32
    %and3A_1970 = vector.broadcast %and3A_1969 : i32 to vector<16xi32>
    %and3A_1971 = arith.andi %add3A_1965, %and3A_1970 : vector<16xi32>
    %gather3A_1972 = tpu.vector_load_idx %arg13[%shift_right_logical3A_1968, %and3A_1971, %mul3A_8] : memref<8x8x128xf32, #tpu.memory_space<vmem>>[vector<16xi32>, vector<16xi32>, vector<16xi32>], vector<16xf32>,
    %gt3A_1973 = arith.constant -1.150300e+00 : f32
    %gt3A_1974 = vector.broadcast %gt3A_1973 : f32 to vector<16xf32>
    %gt3A_1975 = arith.cmpf ogt, %gather3A_1972, %gt3A_1974 : vector<16xf32>
    %convert_element_type3A_1976 = arith.extui %gt3A_1975 : vector<16xi1> to vector<16xi32>
    %gt3A_1977 = arith.constant -0.674499988 : f32
    %gt3A_1978 = vector.broadcast %gt3A_1977 : f32 to vector<16xf32>
    %gt3A_1979 = arith.cmpf ogt, %gather3A_1972, %gt3A_1978 : vector<16xf32>
    %convert_element_type3A_1980 = arith.extui %gt3A_1979 : vector<16xi1> to vector<16xi32>
    %add3A_1981 = arith.addi %convert_element_type3A_1976, %convert_element_type3A_1980 : vector<16xi32>
    %gt3A_1982 = arith.constant -3.186000e-01 : f32
    %gt3A_1983 = vector.broadcast %gt3A_1982 : f32 to vector<16xf32>
    %gt3A_1984 = arith.cmpf ogt, %gather3A_1972, %gt3A_1983 : vector<16xf32>
    %convert_element_type3A_1985 = arith.extui %gt3A_1984 : vector<16xi1> to vector<16xi32>
    %add3A_1986 = arith.addi %add3A_1981, %convert_element_type3A_1985 : vector<16xi32>
    %gt3A_1987 = arith.constant 0.000000e+00 : f32
    %gt3A_1988 = vector.broadcast %gt3A_1987 : f32 to vector<16xf32>
    %gt3A_1989 = arith.cmpf ogt, %gather3A_1972, %gt3A_1988 : vector<16xf32>
    %convert_element_type3A_1990 = arith.extui %gt3A_1989 : vector<16xi1> to vector<16xi32>
    %add3A_1991 = arith.addi %add3A_1986, %convert_element_type3A_1990 : vector<16xi32>
    %gt3A_1992 = arith.constant 3.186000e-01 : f32
    %gt3A_1993 = vector.broadcast %gt3A_1992 : f32 to vector<16xf32>
    %gt3A_1994 = arith.cmpf ogt, %gather3A_1972, %gt3A_1993 : vector<16xf32>
    %convert_element_type3A_1995 = arith.extui %gt3A_1994 : vector<16xi1> to vector<16xi32>
    %add3A_1996 = arith.addi %add3A_1991, %convert_element_type3A_1995 : vector<16xi32>
    %gt3A_1997 = arith.constant 0.674499988 : f32
    %gt3A_1998 = vector.broadcast %gt3A_1997 : f32 to vector<16xf32>
    %gt3A_1999 = arith.cmpf ogt, %gather3A_1972, %gt3A_1998 : vector<16xf32>
    %convert_element_type3A_2000 = arith.extui %gt3A_1999 : vector<16xi1> to vector<16xi32>
    %add3A_2001 = arith.addi %add3A_1996, %convert_element_type3A_2000 : vector<16xi32>
    %gt3A_2002 = arith.constant 1.150300e+00 : f32
    %gt3A_2003 = vector.broadcast %gt3A_2002 : f32 to vector<16xf32>
    %gt3A_2004 = arith.cmpf ogt, %gather3A_1972, %gt3A_2003 : vector<16xf32>
    %convert_element_type3A_2005 = arith.extui %gt3A_2004 : vector<16xi1> to vector<16xi32>
    %add3A_2006 = arith.addi %add3A_2001, %convert_element_type3A_2005 : vector<16xi32>
    %swap3A_2007 = arith.constant 592 : index
    %swap3A_2008 = tpu.vector_load %arg16[%swap3A_2007] {strides = array<i32>} : memref<1024xi32, #tpu.memory_space<vmem>>, vector<16xi32>,
    tpu.vector_store %arg16[%swap3A_2007], %add3A_2006 {strides = array<i32>} : memref<1024xi32, #tpu.memory_space<vmem>>, vector<16xi32>,
    %add3A_2009 = arith.constant 32 : i32
    %add3A_2010 = vector.broadcast %add3A_2009 : i32 to vector<16xi32>
    %add3A_2011 = arith.addi %add3A_2010, %iota3A : vector<16xi32>
    %shift_right_logical3A_2012 = arith.constant 3 : i32
    %shift_right_logical3A_2013 = vector.broadcast %shift_right_logical3A_2012 : i32 to vector<16xi32>
    %shift_right_logical3A_2014 = arith.shrui %add3A_2011, %shift_right_logical3A_2013 : vector<16xi32>
    %and3A_2015 = arith.constant 7 : i32
    %and3A_2016 = vector.broadcast %and3A_2015 : i32 to vector<16xi32>
    %and3A_2017 = arith.andi %add3A_2011, %and3A_2016 : vector<16xi32>
    %gather3A_2018 = tpu.vector_load_idx %arg13[%shift_right_logical3A_2014, %and3A_2017, %mul3A_8] : memref<8x8x128xf32, #tpu.memory_space<vmem>>[vector<16xi32>, vector<16xi32>, vector<16xi32>], vector<16xf32>,
    %gt3A_2019 = arith.constant -1.150300e+00 : f32
    %gt3A_2020 = vector.broadcast %gt3A_2019 : f32 to vector<16xf32>
    %gt3A_2021 = arith.cmpf ogt, %gather3A_2018, %gt3A_2020 : vector<16xf32>
    %convert_element_type3A_2022 = arith.extui %gt3A_2021 : vector<16xi1> to vector<16xi32>
    %gt3A_2023 = arith.constant -0.674499988 : f32
    %gt3A_2024 = vector.broadcast %gt3A_2023 : f32 to vector<16xf32>
    %gt3A_2025 = arith.cmpf ogt, %gather3A_2018, %gt3A_2024 : vector<16xf32>
    %convert_element_type3A_2026 = arith.extui %gt3A_2025 : vector<16xi1> to vector<16xi32>
    %add3A_2027 = arith.addi %convert_element_type3A_2022, %convert_element_type3A_2026 : vector<16xi32>
    %gt3A_2028 = arith.constant -3.186000e-01 : f32
    %gt3A_2029 = vector.broadcast %gt3A_2028 : f32 to vector<16xf32>
    %gt3A_2030 = arith.cmpf ogt, %gather3A_2018, %gt3A_2029 : vector<16xf32>
    %convert_element_type3A_2031 = arith.extui %gt3A_2030 : vector<16xi1> to vector<16xi32>
    %add3A_2032 = arith.addi %add3A_2027, %convert_element_type3A_2031 : vector<16xi32>
    %gt3A_2033 = arith.constant 0.000000e+00 : f32
    %gt3A_2034 = vector.broadcast %gt3A_2033 : f32 to vector<16xf32>
    %gt3A_2035 = arith.cmpf ogt, %gather3A_2018, %gt3A_2034 : vector<16xf32>
    %convert_element_type3A_2036 = arith.extui %gt3A_2035 : vector<16xi1> to vector<16xi32>
    %add3A_2037 = arith.addi %add3A_2032, %convert_element_type3A_2036 : vector<16xi32>
    %gt3A_2038 = arith.constant 3.186000e-01 : f32
    %gt3A_2039 = vector.broadcast %gt3A_2038 : f32 to vector<16xf32>
    %gt3A_2040 = arith.cmpf ogt, %gather3A_2018, %gt3A_2039 : vector<16xf32>
    %convert_element_type3A_2041 = arith.extui %gt3A_2040 : vector<16xi1> to vector<16xi32>
    %add3A_2042 = arith.addi %add3A_2037, %convert_element_type3A_2041 : vector<16xi32>
    %gt3A_2043 = arith.constant 0.674499988 : f32
    %gt3A_2044 = vector.broadcast %gt3A_2043 : f32 to vector<16xf32>
    %gt3A_2045 = arith.cmpf ogt, %gather3A_2018, %gt3A_2044 : vector<16xf32>
    %convert_element_type3A_2046 = arith.extui %gt3A_2045 : vector<16xi1> to vector<16xi32>
    %add3A_2047 = arith.addi %add3A_2042, %convert_element_type3A_2046 : vector<16xi32>
    %gt3A_2048 = arith.constant 1.150300e+00 : f32
    %gt3A_2049 = vector.broadcast %gt3A_2048 : f32 to vector<16xf32>
    %gt3A_2050 = arith.cmpf ogt, %gather3A_2018, %gt3A_2049 : vector<16xf32>
    %convert_element_type3A_2051 = arith.extui %gt3A_2050 : vector<16xi1> to vector<16xi32>
    %add3A_2052 = arith.addi %add3A_2047, %convert_element_type3A_2051 : vector<16xi32>
    %swap3A_2053 = arith.constant 608 : index
    %swap3A_2054 = tpu.vector_load %arg16[%swap3A_2053] {strides = array<i32>} : memref<1024xi32, #tpu.memory_space<vmem>>, vector<16xi32>,
    tpu.vector_store %arg16[%swap3A_2053], %add3A_2052 {strides = array<i32>} : memref<1024xi32, #tpu.memory_space<vmem>>, vector<16xi32>,
    %add3A_2055 = arith.constant 48 : i32
    %add3A_2056 = vector.broadcast %add3A_2055 : i32 to vector<16xi32>
    %add3A_2057 = arith.addi %add3A_2056, %iota3A : vector<16xi32>
    %shift_right_logical3A_2058 = arith.constant 3 : i32
    %shift_right_logical3A_2059 = vector.broadcast %shift_right_logical3A_2058 : i32 to vector<16xi32>
    %shift_right_logical3A_2060 = arith.shrui %add3A_2057, %shift_right_logical3A_2059 : vector<16xi32>
    %and3A_2061 = arith.constant 7 : i32
    %and3A_2062 = vector.broadcast %and3A_2061 : i32 to vector<16xi32>
    %and3A_2063 = arith.andi %add3A_2057, %and3A_2062 : vector<16xi32>
    %gather3A_2064 = tpu.vector_load_idx %arg13[%shift_right_logical3A_2060, %and3A_2063, %mul3A_8] : memref<8x8x128xf32, #tpu.memory_space<vmem>>[vector<16xi32>, vector<16xi32>, vector<16xi32>], vector<16xf32>,
    %gt3A_2065 = arith.constant -1.150300e+00 : f32
    %gt3A_2066 = vector.broadcast %gt3A_2065 : f32 to vector<16xf32>
    %gt3A_2067 = arith.cmpf ogt, %gather3A_2064, %gt3A_2066 : vector<16xf32>
    %convert_element_type3A_2068 = arith.extui %gt3A_2067 : vector<16xi1> to vector<16xi32>
    %gt3A_2069 = arith.constant -0.674499988 : f32
    %gt3A_2070 = vector.broadcast %gt3A_2069 : f32 to vector<16xf32>
    %gt3A_2071 = arith.cmpf ogt, %gather3A_2064, %gt3A_2070 : vector<16xf32>
    %convert_element_type3A_2072 = arith.extui %gt3A_2071 : vector<16xi1> to vector<16xi32>
    %add3A_2073 = arith.addi %convert_element_type3A_2068, %convert_element_type3A_2072 : vector<16xi32>
    %gt3A_2074 = arith.constant -3.186000e-01 : f32
    %gt3A_2075 = vector.broadcast %gt3A_2074 : f32 to vector<16xf32>
    %gt3A_2076 = arith.cmpf ogt, %gather3A_2064, %gt3A_2075 : vector<16xf32>
    %convert_element_type3A_2077 = arith.extui %gt3A_2076 : vector<16xi1> to vector<16xi32>
    %add3A_2078 = arith.addi %add3A_2073, %convert_element_type3A_2077 : vector<16xi32>
    %gt3A_2079 = arith.constant 0.000000e+00 : f32
    %gt3A_2080 = vector.broadcast %gt3A_2079 : f32 to vector<16xf32>
    %gt3A_2081 = arith.cmpf ogt, %gather3A_2064, %gt3A_2080 : vector<16xf32>
    %convert_element_type3A_2082 = arith.extui %gt3A_2081 : vector<16xi1> to vector<16xi32>
    %add3A_2083 = arith.addi %add3A_2078, %convert_element_type3A_2082 : vector<16xi32>
    %gt3A_2084 = arith.constant 3.186000e-01 : f32
    %gt3A_2085 = vector.broadcast %gt3A_2084 : f32 to vector<16xf32>
    %gt3A_2086 = arith.cmpf ogt, %gather3A_2064, %gt3A_2085 : vector<16xf32>
    %convert_element_type3A_2087 = arith.extui %gt3A_2086 : vector<16xi1> to vector<16xi32>
    %add3A_2088 = arith.addi %add3A_2083, %convert_element_type3A_2087 : vector<16xi32>
    %gt3A_2089 = arith.constant 0.674499988 : f32
    %gt3A_2090 = vector.broadcast %gt3A_2089 : f32 to vector<16xf32>
    %gt3A_2091 = arith.cmpf ogt, %gather3A_2064, %gt3A_2090 : vector<16xf32>
    %convert_element_type3A_2092 = arith.extui %gt3A_2091 : vector<16xi1> to vector<16xi32>
    %add3A_2093 = arith.addi %add3A_2088, %convert_element_type3A_2092 : vector<16xi32>
    %gt3A_2094 = arith.constant 1.150300e+00 : f32
    %gt3A_2095 = vector.broadcast %gt3A_2094 : f32 to vector<16xf32>
    %gt3A_2096 = arith.cmpf ogt, %gather3A_2064, %gt3A_2095 : vector<16xf32>
    %convert_element_type3A_2097 = arith.extui %gt3A_2096 : vector<16xi1> to vector<16xi32>
    %add3A_2098 = arith.addi %add3A_2093, %convert_element_type3A_2097 : vector<16xi32>
    %swap3A_2099 = arith.constant 624 : index
    %swap3A_2100 = tpu.vector_load %arg16[%swap3A_2099] {strides = array<i32>} : memref<1024xi32, #tpu.memory_space<vmem>>, vector<16xi32>,
    tpu.vector_store %arg16[%swap3A_2099], %add3A_2098 {strides = array<i32>} : memref<1024xi32, #tpu.memory_space<vmem>>, vector<16xi32>,
    %add3A_2101 = arith.constant 576 : i32
    %add3A_2102 = arith.addi %multiple_of3A, %add3A_2101 : i32
    %dma_start3A_2103 = arith.constant 576 : i32
    %dma_start3A_2104 = tpu.memref_slice %arg16[%dma_start3A_2103] : memref<1024xi32, #tpu.memory_space<vmem>> -> memref<64xi32, #tpu.memory_space<vmem>>
    %dma_start3A_2105 = tpu.memref_slice %arg3[%add3A_2102] : memref<32768xi32, #tpu.memory_space<hbm>> -> memref<64xi32, #tpu.memory_space<hbm>>
    %dma_start3A_2106 = tpu.memref_slice %arg3[%add3A_2102] : memref<32768xi32, #tpu.memory_space<hbm>> -> memref<64xi32, #tpu.memory_space<hbm>>
    %dma_start3A_2107 = arith.constant 576 : i32
    %dma_start3A_2108 = tpu.memref_slice %arg16[%dma_start3A_2107] : memref<1024xi32, #tpu.memory_space<vmem>> -> memref<64xi32, #tpu.memory_space<vmem>>
    tpu.enqueue_dma source(%dma_start3A_2108 : memref<64xi32, #tpu.memory_space<vmem>>) target(%dma_start3A_2106 : memref<64xi32, #tpu.memory_space<hbm>>) target_semaphore(%arg29 : memref<!tpu.dma_semaphore, #tpu.memory_space<semaphore_mem>>)
    %dma_wait3A_2109 = arith.constant 0 : i32
    %dma_wait3A_2110 = arith.constant 0 : i32
    %dma_wait3A_2111 = tpu.memref_slice %arg2[%add3A_89, %dma_wait3A_2109, %dma_wait3A_2110] : memref<8192x8x1024xf32, #tpu.memory_space<hbm>> -> memref<8x8x128xf32, #tpu.memory_space<hbm>>
    %dma_wait3A_2112 = arith.constant 0 : i32
    %dma_wait3A_2113 = arith.constant 0 : i32
    %dma_wait3A_2114 = tpu.memref_slice %arg2[%add3A_89, %dma_wait3A_2112, %dma_wait3A_2113] : memref<8192x8x1024xf32, #tpu.memory_space<hbm>> -> memref<8x8x128xf32, #tpu.memory_space<hbm>>
    tpu.wait_dma2 semaphore(%arg27 : memref<!tpu.dma_semaphore, #tpu.memory_space<semaphore_mem>>) src(%dma_wait3A_2114 : memref<8x8x128xf32, #tpu.memory_space<hbm>>) dst(%arg14 : memref<8x8x128xf32, #tpu.memory_space<vmem>>)
    %add3A_2115 = arith.constant 0 : i32
    %add3A_2116 = vector.broadcast %add3A_2115 : i32 to vector<16xi32>
    %add3A_2117 = arith.addi %add3A_2116, %iota3A : vector<16xi32>
    %shift_right_logical3A_2118 = arith.constant 3 : i32
    %shift_right_logical3A_2119 = vector.broadcast %shift_right_logical3A_2118 : i32 to vector<16xi32>
    %shift_right_logical3A_2120 = arith.shrui %add3A_2117, %shift_right_logical3A_2119 : vector<16xi32>
    %and3A_2121 = arith.constant 7 : i32
    %and3A_2122 = vector.broadcast %and3A_2121 : i32 to vector<16xi32>
    %and3A_2123 = arith.andi %add3A_2117, %and3A_2122 : vector<16xi32>
    %gather3A_2124 = tpu.vector_load_idx %arg14[%shift_right_logical3A_2120, %and3A_2123, %mul3A_8] : memref<8x8x128xf32, #tpu.memory_space<vmem>>[vector<16xi32>, vector<16xi32>, vector<16xi32>], vector<16xf32>,
    %gt3A_2125 = arith.constant -1.150300e+00 : f32
    %gt3A_2126 = vector.broadcast %gt3A_2125 : f32 to vector<16xf32>
    %gt3A_2127 = arith.cmpf ogt, %gather3A_2124, %gt3A_2126 : vector<16xf32>
    %convert_element_type3A_2128 = arith.extui %gt3A_2127 : vector<16xi1> to vector<16xi32>
    %gt3A_2129 = arith.constant -0.674499988 : f32
    %gt3A_2130 = vector.broadcast %gt3A_2129 : f32 to vector<16xf32>
    %gt3A_2131 = arith.cmpf ogt, %gather3A_2124, %gt3A_2130 : vector<16xf32>
    %convert_element_type3A_2132 = arith.extui %gt3A_2131 : vector<16xi1> to vector<16xi32>
    %add3A_2133 = arith.addi %convert_element_type3A_2128, %convert_element_type3A_2132 : vector<16xi32>
    %gt3A_2134 = arith.constant -3.186000e-01 : f32
    %gt3A_2135 = vector.broadcast %gt3A_2134 : f32 to vector<16xf32>
    %gt3A_2136 = arith.cmpf ogt, %gather3A_2124, %gt3A_2135 : vector<16xf32>
    %convert_element_type3A_2137 = arith.extui %gt3A_2136 : vector<16xi1> to vector<16xi32>
    %add3A_2138 = arith.addi %add3A_2133, %convert_element_type3A_2137 : vector<16xi32>
    %gt3A_2139 = arith.constant 0.000000e+00 : f32
    %gt3A_2140 = vector.broadcast %gt3A_2139 : f32 to vector<16xf32>
    %gt3A_2141 = arith.cmpf ogt, %gather3A_2124, %gt3A_2140 : vector<16xf32>
    %convert_element_type3A_2142 = arith.extui %gt3A_2141 : vector<16xi1> to vector<16xi32>
    %add3A_2143 = arith.addi %add3A_2138, %convert_element_type3A_2142 : vector<16xi32>
    %gt3A_2144 = arith.constant 3.186000e-01 : f32
    %gt3A_2145 = vector.broadcast %gt3A_2144 : f32 to vector<16xf32>
    %gt3A_2146 = arith.cmpf ogt, %gather3A_2124, %gt3A_2145 : vector<16xf32>
    %convert_element_type3A_2147 = arith.extui %gt3A_2146 : vector<16xi1> to vector<16xi32>
    %add3A_2148 = arith.addi %add3A_2143, %convert_element_type3A_2147 : vector<16xi32>
    %gt3A_2149 = arith.constant 0.674499988 : f32
    %gt3A_2150 = vector.broadcast %gt3A_2149 : f32 to vector<16xf32>
    %gt3A_2151 = arith.cmpf ogt, %gather3A_2124, %gt3A_2150 : vector<16xf32>
    %convert_element_type3A_2152 = arith.extui %gt3A_2151 : vector<16xi1> to vector<16xi32>
    %add3A_2153 = arith.addi %add3A_2148, %convert_element_type3A_2152 : vector<16xi32>
    %gt3A_2154 = arith.constant 1.150300e+00 : f32
    %gt3A_2155 = vector.broadcast %gt3A_2154 : f32 to vector<16xf32>
    %gt3A_2156 = arith.cmpf ogt, %gather3A_2124, %gt3A_2155 : vector<16xf32>
    %convert_element_type3A_2157 = arith.extui %gt3A_2156 : vector<16xi1> to vector<16xi32>
    %add3A_2158 = arith.addi %add3A_2153, %convert_element_type3A_2157 : vector<16xi32>
    %swap3A_2159 = arith.constant 640 : index
    %swap3A_2160 = tpu.vector_load %arg16[%swap3A_2159] {strides = array<i32>} : memref<1024xi32, #tpu.memory_space<vmem>>, vector<16xi32>,
    tpu.vector_store %arg16[%swap3A_2159], %add3A_2158 {strides = array<i32>} : memref<1024xi32, #tpu.memory_space<vmem>>, vector<16xi32>,
    %add3A_2161 = arith.constant 16 : i32
    %add3A_2162 = vector.broadcast %add3A_2161 : i32 to vector<16xi32>
    %add3A_2163 = arith.addi %add3A_2162, %iota3A : vector<16xi32>
    %shift_right_logical3A_2164 = arith.constant 3 : i32
    %shift_right_logical3A_2165 = vector.broadcast %shift_right_logical3A_2164 : i32 to vector<16xi32>
    %shift_right_logical3A_2166 = arith.shrui %add3A_2163, %shift_right_logical3A_2165 : vector<16xi32>
    %and3A_2167 = arith.constant 7 : i32
    %and3A_2168 = vector.broadcast %and3A_2167 : i32 to vector<16xi32>
    %and3A_2169 = arith.andi %add3A_2163, %and3A_2168 : vector<16xi32>
    %gather3A_2170 = tpu.vector_load_idx %arg14[%shift_right_logical3A_2166, %and3A_2169, %mul3A_8] : memref<8x8x128xf32, #tpu.memory_space<vmem>>[vector<16xi32>, vector<16xi32>, vector<16xi32>], vector<16xf32>,
    %gt3A_2171 = arith.constant -1.150300e+00 : f32
    %gt3A_2172 = vector.broadcast %gt3A_2171 : f32 to vector<16xf32>
    %gt3A_2173 = arith.cmpf ogt, %gather3A_2170, %gt3A_2172 : vector<16xf32>
    %convert_element_type3A_2174 = arith.extui %gt3A_2173 : vector<16xi1> to vector<16xi32>
    %gt3A_2175 = arith.constant -0.674499988 : f32
    %gt3A_2176 = vector.broadcast %gt3A_2175 : f32 to vector<16xf32>
    %gt3A_2177 = arith.cmpf ogt, %gather3A_2170, %gt3A_2176 : vector<16xf32>
    %convert_element_type3A_2178 = arith.extui %gt3A_2177 : vector<16xi1> to vector<16xi32>
    %add3A_2179 = arith.addi %convert_element_type3A_2174, %convert_element_type3A_2178 : vector<16xi32>
    %gt3A_2180 = arith.constant -3.186000e-01 : f32
    %gt3A_2181 = vector.broadcast %gt3A_2180 : f32 to vector<16xf32>
    %gt3A_2182 = arith.cmpf ogt, %gather3A_2170, %gt3A_2181 : vector<16xf32>
    %convert_element_type3A_2183 = arith.extui %gt3A_2182 : vector<16xi1> to vector<16xi32>
    %add3A_2184 = arith.addi %add3A_2179, %convert_element_type3A_2183 : vector<16xi32>
    %gt3A_2185 = arith.constant 0.000000e+00 : f32
    %gt3A_2186 = vector.broadcast %gt3A_2185 : f32 to vector<16xf32>
    %gt3A_2187 = arith.cmpf ogt, %gather3A_2170, %gt3A_2186 : vector<16xf32>
    %convert_element_type3A_2188 = arith.extui %gt3A_2187 : vector<16xi1> to vector<16xi32>
    %add3A_2189 = arith.addi %add3A_2184, %convert_element_type3A_2188 : vector<16xi32>
    %gt3A_2190 = arith.constant 3.186000e-01 : f32
    %gt3A_2191 = vector.broadcast %gt3A_2190 : f32 to vector<16xf32>
    %gt3A_2192 = arith.cmpf ogt, %gather3A_2170, %gt3A_2191 : vector<16xf32>
    %convert_element_type3A_2193 = arith.extui %gt3A_2192 : vector<16xi1> to vector<16xi32>
    %add3A_2194 = arith.addi %add3A_2189, %convert_element_type3A_2193 : vector<16xi32>
    %gt3A_2195 = arith.constant 0.674499988 : f32
    %gt3A_2196 = vector.broadcast %gt3A_2195 : f32 to vector<16xf32>
    %gt3A_2197 = arith.cmpf ogt, %gather3A_2170, %gt3A_2196 : vector<16xf32>
    %convert_element_type3A_2198 = arith.extui %gt3A_2197 : vector<16xi1> to vector<16xi32>
    %add3A_2199 = arith.addi %add3A_2194, %convert_element_type3A_2198 : vector<16xi32>
    %gt3A_2200 = arith.constant 1.150300e+00 : f32
    %gt3A_2201 = vector.broadcast %gt3A_2200 : f32 to vector<16xf32>
    %gt3A_2202 = arith.cmpf ogt, %gather3A_2170, %gt3A_2201 : vector<16xf32>
    %convert_element_type3A_2203 = arith.extui %gt3A_2202 : vector<16xi1> to vector<16xi32>
    %add3A_2204 = arith.addi %add3A_2199, %convert_element_type3A_2203 : vector<16xi32>
    %swap3A_2205 = arith.constant 656 : index
    %swap3A_2206 = tpu.vector_load %arg16[%swap3A_2205] {strides = array<i32>} : memref<1024xi32, #tpu.memory_space<vmem>>, vector<16xi32>,
    tpu.vector_store %arg16[%swap3A_2205], %add3A_2204 {strides = array<i32>} : memref<1024xi32, #tpu.memory_space<vmem>>, vector<16xi32>,
    %add3A_2207 = arith.constant 32 : i32
    %add3A_2208 = vector.broadcast %add3A_2207 : i32 to vector<16xi32>
    %add3A_2209 = arith.addi %add3A_2208, %iota3A : vector<16xi32>
    %shift_right_logical3A_2210 = arith.constant 3 : i32
    %shift_right_logical3A_2211 = vector.broadcast %shift_right_logical3A_2210 : i32 to vector<16xi32>
    %shift_right_logical3A_2212 = arith.shrui %add3A_2209, %shift_right_logical3A_2211 : vector<16xi32>
    %and3A_2213 = arith.constant 7 : i32
    %and3A_2214 = vector.broadcast %and3A_2213 : i32 to vector<16xi32>
    %and3A_2215 = arith.andi %add3A_2209, %and3A_2214 : vector<16xi32>
    %gather3A_2216 = tpu.vector_load_idx %arg14[%shift_right_logical3A_2212, %and3A_2215, %mul3A_8] : memref<8x8x128xf32, #tpu.memory_space<vmem>>[vector<16xi32>, vector<16xi32>, vector<16xi32>], vector<16xf32>,
    %gt3A_2217 = arith.constant -1.150300e+00 : f32
    %gt3A_2218 = vector.broadcast %gt3A_2217 : f32 to vector<16xf32>
    %gt3A_2219 = arith.cmpf ogt, %gather3A_2216, %gt3A_2218 : vector<16xf32>
    %convert_element_type3A_2220 = arith.extui %gt3A_2219 : vector<16xi1> to vector<16xi32>
    %gt3A_2221 = arith.constant -0.674499988 : f32
    %gt3A_2222 = vector.broadcast %gt3A_2221 : f32 to vector<16xf32>
    %gt3A_2223 = arith.cmpf ogt, %gather3A_2216, %gt3A_2222 : vector<16xf32>
    %convert_element_type3A_2224 = arith.extui %gt3A_2223 : vector<16xi1> to vector<16xi32>
    %add3A_2225 = arith.addi %convert_element_type3A_2220, %convert_element_type3A_2224 : vector<16xi32>
    %gt3A_2226 = arith.constant -3.186000e-01 : f32
    %gt3A_2227 = vector.broadcast %gt3A_2226 : f32 to vector<16xf32>
    %gt3A_2228 = arith.cmpf ogt, %gather3A_2216, %gt3A_2227 : vector<16xf32>
    %convert_element_type3A_2229 = arith.extui %gt3A_2228 : vector<16xi1> to vector<16xi32>
    %add3A_2230 = arith.addi %add3A_2225, %convert_element_type3A_2229 : vector<16xi32>
    %gt3A_2231 = arith.constant 0.000000e+00 : f32
    %gt3A_2232 = vector.broadcast %gt3A_2231 : f32 to vector<16xf32>
    %gt3A_2233 = arith.cmpf ogt, %gather3A_2216, %gt3A_2232 : vector<16xf32>
    %convert_element_type3A_2234 = arith.extui %gt3A_2233 : vector<16xi1> to vector<16xi32>
    %add3A_2235 = arith.addi %add3A_2230, %convert_element_type3A_2234 : vector<16xi32>
    %gt3A_2236 = arith.constant 3.186000e-01 : f32
    %gt3A_2237 = vector.broadcast %gt3A_2236 : f32 to vector<16xf32>
    %gt3A_2238 = arith.cmpf ogt, %gather3A_2216, %gt3A_2237 : vector<16xf32>
    %convert_element_type3A_2239 = arith.extui %gt3A_2238 : vector<16xi1> to vector<16xi32>
    %add3A_2240 = arith.addi %add3A_2235, %convert_element_type3A_2239 : vector<16xi32>
    %gt3A_2241 = arith.constant 0.674499988 : f32
    %gt3A_2242 = vector.broadcast %gt3A_2241 : f32 to vector<16xf32>
    %gt3A_2243 = arith.cmpf ogt, %gather3A_2216, %gt3A_2242 : vector<16xf32>
    %convert_element_type3A_2244 = arith.extui %gt3A_2243 : vector<16xi1> to vector<16xi32>
    %add3A_2245 = arith.addi %add3A_2240, %convert_element_type3A_2244 : vector<16xi32>
    %gt3A_2246 = arith.constant 1.150300e+00 : f32
    %gt3A_2247 = vector.broadcast %gt3A_2246 : f32 to vector<16xf32>
    %gt3A_2248 = arith.cmpf ogt, %gather3A_2216, %gt3A_2247 : vector<16xf32>
    %convert_element_type3A_2249 = arith.extui %gt3A_2248 : vector<16xi1> to vector<16xi32>
    %add3A_2250 = arith.addi %add3A_2245, %convert_element_type3A_2249 : vector<16xi32>
    %swap3A_2251 = arith.constant 672 : index
    %swap3A_2252 = tpu.vector_load %arg16[%swap3A_2251] {strides = array<i32>} : memref<1024xi32, #tpu.memory_space<vmem>>, vector<16xi32>,
    tpu.vector_store %arg16[%swap3A_2251], %add3A_2250 {strides = array<i32>} : memref<1024xi32, #tpu.memory_space<vmem>>, vector<16xi32>,
    %add3A_2253 = arith.constant 48 : i32
    %add3A_2254 = vector.broadcast %add3A_2253 : i32 to vector<16xi32>
    %add3A_2255 = arith.addi %add3A_2254, %iota3A : vector<16xi32>
    %shift_right_logical3A_2256 = arith.constant 3 : i32
    %shift_right_logical3A_2257 = vector.broadcast %shift_right_logical3A_2256 : i32 to vector<16xi32>
    %shift_right_logical3A_2258 = arith.shrui %add3A_2255, %shift_right_logical3A_2257 : vector<16xi32>
    %and3A_2259 = arith.constant 7 : i32
    %and3A_2260 = vector.broadcast %and3A_2259 : i32 to vector<16xi32>
    %and3A_2261 = arith.andi %add3A_2255, %and3A_2260 : vector<16xi32>
    %gather3A_2262 = tpu.vector_load_idx %arg14[%shift_right_logical3A_2258, %and3A_2261, %mul3A_8] : memref<8x8x128xf32, #tpu.memory_space<vmem>>[vector<16xi32>, vector<16xi32>, vector<16xi32>], vector<16xf32>,
    %gt3A_2263 = arith.constant -1.150300e+00 : f32
    %gt3A_2264 = vector.broadcast %gt3A_2263 : f32 to vector<16xf32>
    %gt3A_2265 = arith.cmpf ogt, %gather3A_2262, %gt3A_2264 : vector<16xf32>
    %convert_element_type3A_2266 = arith.extui %gt3A_2265 : vector<16xi1> to vector<16xi32>
    %gt3A_2267 = arith.constant -0.674499988 : f32
    %gt3A_2268 = vector.broadcast %gt3A_2267 : f32 to vector<16xf32>
    %gt3A_2269 = arith.cmpf ogt, %gather3A_2262, %gt3A_2268 : vector<16xf32>
    %convert_element_type3A_2270 = arith.extui %gt3A_2269 : vector<16xi1> to vector<16xi32>
    %add3A_2271 = arith.addi %convert_element_type3A_2266, %convert_element_type3A_2270 : vector<16xi32>
    %gt3A_2272 = arith.constant -3.186000e-01 : f32
    %gt3A_2273 = vector.broadcast %gt3A_2272 : f32 to vector<16xf32>
    %gt3A_2274 = arith.cmpf ogt, %gather3A_2262, %gt3A_2273 : vector<16xf32>
    %convert_element_type3A_2275 = arith.extui %gt3A_2274 : vector<16xi1> to vector<16xi32>
    %add3A_2276 = arith.addi %add3A_2271, %convert_element_type3A_2275 : vector<16xi32>
    %gt3A_2277 = arith.constant 0.000000e+00 : f32
    %gt3A_2278 = vector.broadcast %gt3A_2277 : f32 to vector<16xf32>
    %gt3A_2279 = arith.cmpf ogt, %gather3A_2262, %gt3A_2278 : vector<16xf32>
    %convert_element_type3A_2280 = arith.extui %gt3A_2279 : vector<16xi1> to vector<16xi32>
    %add3A_2281 = arith.addi %add3A_2276, %convert_element_type3A_2280 : vector<16xi32>
    %gt3A_2282 = arith.constant 3.186000e-01 : f32
    %gt3A_2283 = vector.broadcast %gt3A_2282 : f32 to vector<16xf32>
    %gt3A_2284 = arith.cmpf ogt, %gather3A_2262, %gt3A_2283 : vector<16xf32>
    %convert_element_type3A_2285 = arith.extui %gt3A_2284 : vector<16xi1> to vector<16xi32>
    %add3A_2286 = arith.addi %add3A_2281, %convert_element_type3A_2285 : vector<16xi32>
    %gt3A_2287 = arith.constant 0.674499988 : f32
    %gt3A_2288 = vector.broadcast %gt3A_2287 : f32 to vector<16xf32>
    %gt3A_2289 = arith.cmpf ogt, %gather3A_2262, %gt3A_2288 : vector<16xf32>
    %convert_element_type3A_2290 = arith.extui %gt3A_2289 : vector<16xi1> to vector<16xi32>
    %add3A_2291 = arith.addi %add3A_2286, %convert_element_type3A_2290 : vector<16xi32>
    %gt3A_2292 = arith.constant 1.150300e+00 : f32
    %gt3A_2293 = vector.broadcast %gt3A_2292 : f32 to vector<16xf32>
    %gt3A_2294 = arith.cmpf ogt, %gather3A_2262, %gt3A_2293 : vector<16xf32>
    %convert_element_type3A_2295 = arith.extui %gt3A_2294 : vector<16xi1> to vector<16xi32>
    %add3A_2296 = arith.addi %add3A_2291, %convert_element_type3A_2295 : vector<16xi32>
    %swap3A_2297 = arith.constant 688 : index
    %swap3A_2298 = tpu.vector_load %arg16[%swap3A_2297] {strides = array<i32>} : memref<1024xi32, #tpu.memory_space<vmem>>, vector<16xi32>,
    tpu.vector_store %arg16[%swap3A_2297], %add3A_2296 {strides = array<i32>} : memref<1024xi32, #tpu.memory_space<vmem>>, vector<16xi32>,
    %add3A_2299 = arith.constant 640 : i32
    %add3A_2300 = arith.addi %multiple_of3A, %add3A_2299 : i32
    %dma_start3A_2301 = arith.constant 640 : i32
    %dma_start3A_2302 = tpu.memref_slice %arg16[%dma_start3A_2301] : memref<1024xi32, #tpu.memory_space<vmem>> -> memref<64xi32, #tpu.memory_space<vmem>>
    %dma_start3A_2303 = tpu.memref_slice %arg3[%add3A_2300] : memref<32768xi32, #tpu.memory_space<hbm>> -> memref<64xi32, #tpu.memory_space<hbm>>
    %dma_start3A_2304 = tpu.memref_slice %arg3[%add3A_2300] : memref<32768xi32, #tpu.memory_space<hbm>> -> memref<64xi32, #tpu.memory_space<hbm>>
    %dma_start3A_2305 = arith.constant 640 : i32
    %dma_start3A_2306 = tpu.memref_slice %arg16[%dma_start3A_2305] : memref<1024xi32, #tpu.memory_space<vmem>> -> memref<64xi32, #tpu.memory_space<vmem>>
    tpu.enqueue_dma source(%dma_start3A_2306 : memref<64xi32, #tpu.memory_space<vmem>>) target(%dma_start3A_2304 : memref<64xi32, #tpu.memory_space<hbm>>) target_semaphore(%arg29 : memref<!tpu.dma_semaphore, #tpu.memory_space<semaphore_mem>>)
    %dma_wait3A_2307 = arith.constant 0 : i32
    %dma_wait3A_2308 = arith.constant 0 : i32
    %dma_wait3A_2309 = tpu.memref_slice %arg2[%add3A_97, %dma_wait3A_2307, %dma_wait3A_2308] : memref<8192x8x1024xf32, #tpu.memory_space<hbm>> -> memref<8x8x128xf32, #tpu.memory_space<hbm>>
    %dma_wait3A_2310 = arith.constant 0 : i32
    %dma_wait3A_2311 = arith.constant 0 : i32
    %dma_wait3A_2312 = tpu.memref_slice %arg2[%add3A_97, %dma_wait3A_2310, %dma_wait3A_2311] : memref<8192x8x1024xf32, #tpu.memory_space<hbm>> -> memref<8x8x128xf32, #tpu.memory_space<hbm>>
    tpu.wait_dma2 semaphore(%arg28 : memref<!tpu.dma_semaphore, #tpu.memory_space<semaphore_mem>>) src(%dma_wait3A_2312 : memref<8x8x128xf32, #tpu.memory_space<hbm>>) dst(%arg15 : memref<8x8x128xf32, #tpu.memory_space<vmem>>)
    %add3A_2313 = arith.constant 0 : i32
    %add3A_2314 = vector.broadcast %add3A_2313 : i32 to vector<16xi32>
    %add3A_2315 = arith.addi %add3A_2314, %iota3A : vector<16xi32>
    %shift_right_logical3A_2316 = arith.constant 3 : i32
    %shift_right_logical3A_2317 = vector.broadcast %shift_right_logical3A_2316 : i32 to vector<16xi32>
    %shift_right_logical3A_2318 = arith.shrui %add3A_2315, %shift_right_logical3A_2317 : vector<16xi32>
    %and3A_2319 = arith.constant 7 : i32
    %and3A_2320 = vector.broadcast %and3A_2319 : i32 to vector<16xi32>
    %and3A_2321 = arith.andi %add3A_2315, %and3A_2320 : vector<16xi32>
    %gather3A_2322 = tpu.vector_load_idx %arg15[%shift_right_logical3A_2318, %and3A_2321, %mul3A_8] : memref<8x8x128xf32, #tpu.memory_space<vmem>>[vector<16xi32>, vector<16xi32>, vector<16xi32>], vector<16xf32>,
    %gt3A_2323 = arith.constant -1.150300e+00 : f32
    %gt3A_2324 = vector.broadcast %gt3A_2323 : f32 to vector<16xf32>
    %gt3A_2325 = arith.cmpf ogt, %gather3A_2322, %gt3A_2324 : vector<16xf32>
    %convert_element_type3A_2326 = arith.extui %gt3A_2325 : vector<16xi1> to vector<16xi32>
    %gt3A_2327 = arith.constant -0.674499988 : f32
    %gt3A_2328 = vector.broadcast %gt3A_2327 : f32 to vector<16xf32>
    %gt3A_2329 = arith.cmpf ogt, %gather3A_2322, %gt3A_2328 : vector<16xf32>
    %convert_element_type3A_2330 = arith.extui %gt3A_2329 : vector<16xi1> to vector<16xi32>
    %add3A_2331 = arith.addi %convert_element_type3A_2326, %convert_element_type3A_2330 : vector<16xi32>
    %gt3A_2332 = arith.constant -3.186000e-01 : f32
    %gt3A_2333 = vector.broadcast %gt3A_2332 : f32 to vector<16xf32>
    %gt3A_2334 = arith.cmpf ogt, %gather3A_2322, %gt3A_2333 : vector<16xf32>
    %convert_element_type3A_2335 = arith.extui %gt3A_2334 : vector<16xi1> to vector<16xi32>
    %add3A_2336 = arith.addi %add3A_2331, %convert_element_type3A_2335 : vector<16xi32>
    %gt3A_2337 = arith.constant 0.000000e+00 : f32
    %gt3A_2338 = vector.broadcast %gt3A_2337 : f32 to vector<16xf32>
    %gt3A_2339 = arith.cmpf ogt, %gather3A_2322, %gt3A_2338 : vector<16xf32>
    %convert_element_type3A_2340 = arith.extui %gt3A_2339 : vector<16xi1> to vector<16xi32>
    %add3A_2341 = arith.addi %add3A_2336, %convert_element_type3A_2340 : vector<16xi32>
    %gt3A_2342 = arith.constant 3.186000e-01 : f32
    %gt3A_2343 = vector.broadcast %gt3A_2342 : f32 to vector<16xf32>
    %gt3A_2344 = arith.cmpf ogt, %gather3A_2322, %gt3A_2343 : vector<16xf32>
    %convert_element_type3A_2345 = arith.extui %gt3A_2344 : vector<16xi1> to vector<16xi32>
    %add3A_2346 = arith.addi %add3A_2341, %convert_element_type3A_2345 : vector<16xi32>
    %gt3A_2347 = arith.constant 0.674499988 : f32
    %gt3A_2348 = vector.broadcast %gt3A_2347 : f32 to vector<16xf32>
    %gt3A_2349 = arith.cmpf ogt, %gather3A_2322, %gt3A_2348 : vector<16xf32>
    %convert_element_type3A_2350 = arith.extui %gt3A_2349 : vector<16xi1> to vector<16xi32>
    %add3A_2351 = arith.addi %add3A_2346, %convert_element_type3A_2350 : vector<16xi32>
    %gt3A_2352 = arith.constant 1.150300e+00 : f32
    %gt3A_2353 = vector.broadcast %gt3A_2352 : f32 to vector<16xf32>
    %gt3A_2354 = arith.cmpf ogt, %gather3A_2322, %gt3A_2353 : vector<16xf32>
    %convert_element_type3A_2355 = arith.extui %gt3A_2354 : vector<16xi1> to vector<16xi32>
    %add3A_2356 = arith.addi %add3A_2351, %convert_element_type3A_2355 : vector<16xi32>
    %swap3A_2357 = arith.constant 704 : index
    %swap3A_2358 = tpu.vector_load %arg16[%swap3A_2357] {strides = array<i32>} : memref<1024xi32, #tpu.memory_space<vmem>>, vector<16xi32>,
    tpu.vector_store %arg16[%swap3A_2357], %add3A_2356 {strides = array<i32>} : memref<1024xi32, #tpu.memory_space<vmem>>, vector<16xi32>,
    %add3A_2359 = arith.constant 16 : i32
    %add3A_2360 = vector.broadcast %add3A_2359 : i32 to vector<16xi32>
    %add3A_2361 = arith.addi %add3A_2360, %iota3A : vector<16xi32>
    %shift_right_logical3A_2362 = arith.constant 3 : i32
    %shift_right_logical3A_2363 = vector.broadcast %shift_right_logical3A_2362 : i32 to vector<16xi32>
    %shift_right_logical3A_2364 = arith.shrui %add3A_2361, %shift_right_logical3A_2363 : vector<16xi32>
    %and3A_2365 = arith.constant 7 : i32
    %and3A_2366 = vector.broadcast %and3A_2365 : i32 to vector<16xi32>
    %and3A_2367 = arith.andi %add3A_2361, %and3A_2366 : vector<16xi32>
    %gather3A_2368 = tpu.vector_load_idx %arg15[%shift_right_logical3A_2364, %and3A_2367, %mul3A_8] : memref<8x8x128xf32, #tpu.memory_space<vmem>>[vector<16xi32>, vector<16xi32>, vector<16xi32>], vector<16xf32>,
    %gt3A_2369 = arith.constant -1.150300e+00 : f32
    %gt3A_2370 = vector.broadcast %gt3A_2369 : f32 to vector<16xf32>
    %gt3A_2371 = arith.cmpf ogt, %gather3A_2368, %gt3A_2370 : vector<16xf32>
    %convert_element_type3A_2372 = arith.extui %gt3A_2371 : vector<16xi1> to vector<16xi32>
    %gt3A_2373 = arith.constant -0.674499988 : f32
    %gt3A_2374 = vector.broadcast %gt3A_2373 : f32 to vector<16xf32>
    %gt3A_2375 = arith.cmpf ogt, %gather3A_2368, %gt3A_2374 : vector<16xf32>
    %convert_element_type3A_2376 = arith.extui %gt3A_2375 : vector<16xi1> to vector<16xi32>
    %add3A_2377 = arith.addi %convert_element_type3A_2372, %convert_element_type3A_2376 : vector<16xi32>
    %gt3A_2378 = arith.constant -3.186000e-01 : f32
    %gt3A_2379 = vector.broadcast %gt3A_2378 : f32 to vector<16xf32>
    %gt3A_2380 = arith.cmpf ogt, %gather3A_2368, %gt3A_2379 : vector<16xf32>
    %convert_element_type3A_2381 = arith.extui %gt3A_2380 : vector<16xi1> to vector<16xi32>
    %add3A_2382 = arith.addi %add3A_2377, %convert_element_type3A_2381 : vector<16xi32>
    %gt3A_2383 = arith.constant 0.000000e+00 : f32
    %gt3A_2384 = vector.broadcast %gt3A_2383 : f32 to vector<16xf32>
    %gt3A_2385 = arith.cmpf ogt, %gather3A_2368, %gt3A_2384 : vector<16xf32>
    %convert_element_type3A_2386 = arith.extui %gt3A_2385 : vector<16xi1> to vector<16xi32>
    %add3A_2387 = arith.addi %add3A_2382, %convert_element_type3A_2386 : vector<16xi32>
    %gt3A_2388 = arith.constant 3.186000e-01 : f32
    %gt3A_2389 = vector.broadcast %gt3A_2388 : f32 to vector<16xf32>
    %gt3A_2390 = arith.cmpf ogt, %gather3A_2368, %gt3A_2389 : vector<16xf32>
    %convert_element_type3A_2391 = arith.extui %gt3A_2390 : vector<16xi1> to vector<16xi32>
    %add3A_2392 = arith.addi %add3A_2387, %convert_element_type3A_2391 : vector<16xi32>
    %gt3A_2393 = arith.constant 0.674499988 : f32
    %gt3A_2394 = vector.broadcast %gt3A_2393 : f32 to vector<16xf32>
    %gt3A_2395 = arith.cmpf ogt, %gather3A_2368, %gt3A_2394 : vector<16xf32>
    %convert_element_type3A_2396 = arith.extui %gt3A_2395 : vector<16xi1> to vector<16xi32>
    %add3A_2397 = arith.addi %add3A_2392, %convert_element_type3A_2396 : vector<16xi32>
    %gt3A_2398 = arith.constant 1.150300e+00 : f32
    %gt3A_2399 = vector.broadcast %gt3A_2398 : f32 to vector<16xf32>
    %gt3A_2400 = arith.cmpf ogt, %gather3A_2368, %gt3A_2399 : vector<16xf32>
    %convert_element_type3A_2401 = arith.extui %gt3A_2400 : vector<16xi1> to vector<16xi32>
    %add3A_2402 = arith.addi %add3A_2397, %convert_element_type3A_2401 : vector<16xi32>
    %swap3A_2403 = arith.constant 720 : index
    %swap3A_2404 = tpu.vector_load %arg16[%swap3A_2403] {strides = array<i32>} : memref<1024xi32, #tpu.memory_space<vmem>>, vector<16xi32>,
    tpu.vector_store %arg16[%swap3A_2403], %add3A_2402 {strides = array<i32>} : memref<1024xi32, #tpu.memory_space<vmem>>, vector<16xi32>,
    %add3A_2405 = arith.constant 32 : i32
    %add3A_2406 = vector.broadcast %add3A_2405 : i32 to vector<16xi32>
    %add3A_2407 = arith.addi %add3A_2406, %iota3A : vector<16xi32>
    %shift_right_logical3A_2408 = arith.constant 3 : i32
    %shift_right_logical3A_2409 = vector.broadcast %shift_right_logical3A_2408 : i32 to vector<16xi32>
    %shift_right_logical3A_2410 = arith.shrui %add3A_2407, %shift_right_logical3A_2409 : vector<16xi32>
    %and3A_2411 = arith.constant 7 : i32
    %and3A_2412 = vector.broadcast %and3A_2411 : i32 to vector<16xi32>
    %and3A_2413 = arith.andi %add3A_2407, %and3A_2412 : vector<16xi32>
    %gather3A_2414 = tpu.vector_load_idx %arg15[%shift_right_logical3A_2410, %and3A_2413, %mul3A_8] : memref<8x8x128xf32, #tpu.memory_space<vmem>>[vector<16xi32>, vector<16xi32>, vector<16xi32>], vector<16xf32>,
    %gt3A_2415 = arith.constant -1.150300e+00 : f32
    %gt3A_2416 = vector.broadcast %gt3A_2415 : f32 to vector<16xf32>
    %gt3A_2417 = arith.cmpf ogt, %gather3A_2414, %gt3A_2416 : vector<16xf32>
    %convert_element_type3A_2418 = arith.extui %gt3A_2417 : vector<16xi1> to vector<16xi32>
    %gt3A_2419 = arith.constant -0.674499988 : f32
    %gt3A_2420 = vector.broadcast %gt3A_2419 : f32 to vector<16xf32>
    %gt3A_2421 = arith.cmpf ogt, %gather3A_2414, %gt3A_2420 : vector<16xf32>
    %convert_element_type3A_2422 = arith.extui %gt3A_2421 : vector<16xi1> to vector<16xi32>
    %add3A_2423 = arith.addi %convert_element_type3A_2418, %convert_element_type3A_2422 : vector<16xi32>
    %gt3A_2424 = arith.constant -3.186000e-01 : f32
    %gt3A_2425 = vector.broadcast %gt3A_2424 : f32 to vector<16xf32>
    %gt3A_2426 = arith.cmpf ogt, %gather3A_2414, %gt3A_2425 : vector<16xf32>
    %convert_element_type3A_2427 = arith.extui %gt3A_2426 : vector<16xi1> to vector<16xi32>
    %add3A_2428 = arith.addi %add3A_2423, %convert_element_type3A_2427 : vector<16xi32>
    %gt3A_2429 = arith.constant 0.000000e+00 : f32
    %gt3A_2430 = vector.broadcast %gt3A_2429 : f32 to vector<16xf32>
    %gt3A_2431 = arith.cmpf ogt, %gather3A_2414, %gt3A_2430 : vector<16xf32>
    %convert_element_type3A_2432 = arith.extui %gt3A_2431 : vector<16xi1> to vector<16xi32>
    %add3A_2433 = arith.addi %add3A_2428, %convert_element_type3A_2432 : vector<16xi32>
    %gt3A_2434 = arith.constant 3.186000e-01 : f32
    %gt3A_2435 = vector.broadcast %gt3A_2434 : f32 to vector<16xf32>
    %gt3A_2436 = arith.cmpf ogt, %gather3A_2414, %gt3A_2435 : vector<16xf32>
    %convert_element_type3A_2437 = arith.extui %gt3A_2436 : vector<16xi1> to vector<16xi32>
    %add3A_2438 = arith.addi %add3A_2433, %convert_element_type3A_2437 : vector<16xi32>
    %gt3A_2439 = arith.constant 0.674499988 : f32
    %gt3A_2440 = vector.broadcast %gt3A_2439 : f32 to vector<16xf32>
    %gt3A_2441 = arith.cmpf ogt, %gather3A_2414, %gt3A_2440 : vector<16xf32>
    %convert_element_type3A_2442 = arith.extui %gt3A_2441 : vector<16xi1> to vector<16xi32>
    %add3A_2443 = arith.addi %add3A_2438, %convert_element_type3A_2442 : vector<16xi32>
    %gt3A_2444 = arith.constant 1.150300e+00 : f32
    %gt3A_2445 = vector.broadcast %gt3A_2444 : f32 to vector<16xf32>
    %gt3A_2446 = arith.cmpf ogt, %gather3A_2414, %gt3A_2445 : vector<16xf32>
    %convert_element_type3A_2447 = arith.extui %gt3A_2446 : vector<16xi1> to vector<16xi32>
    %add3A_2448 = arith.addi %add3A_2443, %convert_element_type3A_2447 : vector<16xi32>
    %swap3A_2449 = arith.constant 736 : index
    %swap3A_2450 = tpu.vector_load %arg16[%swap3A_2449] {strides = array<i32>} : memref<1024xi32, #tpu.memory_space<vmem>>, vector<16xi32>,
    tpu.vector_store %arg16[%swap3A_2449], %add3A_2448 {strides = array<i32>} : memref<1024xi32, #tpu.memory_space<vmem>>, vector<16xi32>,
    %add3A_2451 = arith.constant 48 : i32
    %add3A_2452 = vector.broadcast %add3A_2451 : i32 to vector<16xi32>
    %add3A_2453 = arith.addi %add3A_2452, %iota3A : vector<16xi32>
    %shift_right_logical3A_2454 = arith.constant 3 : i32
    %shift_right_logical3A_2455 = vector.broadcast %shift_right_logical3A_2454 : i32 to vector<16xi32>
    %shift_right_logical3A_2456 = arith.shrui %add3A_2453, %shift_right_logical3A_2455 : vector<16xi32>
    %and3A_2457 = arith.constant 7 : i32
    %and3A_2458 = vector.broadcast %and3A_2457 : i32 to vector<16xi32>
    %and3A_2459 = arith.andi %add3A_2453, %and3A_2458 : vector<16xi32>
    %gather3A_2460 = tpu.vector_load_idx %arg15[%shift_right_logical3A_2456, %and3A_2459, %mul3A_8] : memref<8x8x128xf32, #tpu.memory_space<vmem>>[vector<16xi32>, vector<16xi32>, vector<16xi32>], vector<16xf32>,
    %gt3A_2461 = arith.constant -1.150300e+00 : f32
    %gt3A_2462 = vector.broadcast %gt3A_2461 : f32 to vector<16xf32>
    %gt3A_2463 = arith.cmpf ogt, %gather3A_2460, %gt3A_2462 : vector<16xf32>
    %convert_element_type3A_2464 = arith.extui %gt3A_2463 : vector<16xi1> to vector<16xi32>
    %gt3A_2465 = arith.constant -0.674499988 : f32
    %gt3A_2466 = vector.broadcast %gt3A_2465 : f32 to vector<16xf32>
    %gt3A_2467 = arith.cmpf ogt, %gather3A_2460, %gt3A_2466 : vector<16xf32>
    %convert_element_type3A_2468 = arith.extui %gt3A_2467 : vector<16xi1> to vector<16xi32>
    %add3A_2469 = arith.addi %convert_element_type3A_2464, %convert_element_type3A_2468 : vector<16xi32>
    %gt3A_2470 = arith.constant -3.186000e-01 : f32
    %gt3A_2471 = vector.broadcast %gt3A_2470 : f32 to vector<16xf32>
    %gt3A_2472 = arith.cmpf ogt, %gather3A_2460, %gt3A_2471 : vector<16xf32>
    %convert_element_type3A_2473 = arith.extui %gt3A_2472 : vector<16xi1> to vector<16xi32>
    %add3A_2474 = arith.addi %add3A_2469, %convert_element_type3A_2473 : vector<16xi32>
    %gt3A_2475 = arith.constant 0.000000e+00 : f32
    %gt3A_2476 = vector.broadcast %gt3A_2475 : f32 to vector<16xf32>
    %gt3A_2477 = arith.cmpf ogt, %gather3A_2460, %gt3A_2476 : vector<16xf32>
    %convert_element_type3A_2478 = arith.extui %gt3A_2477 : vector<16xi1> to vector<16xi32>
    %add3A_2479 = arith.addi %add3A_2474, %convert_element_type3A_2478 : vector<16xi32>
    %gt3A_2480 = arith.constant 3.186000e-01 : f32
    %gt3A_2481 = vector.broadcast %gt3A_2480 : f32 to vector<16xf32>
    %gt3A_2482 = arith.cmpf ogt, %gather3A_2460, %gt3A_2481 : vector<16xf32>
    %convert_element_type3A_2483 = arith.extui %gt3A_2482 : vector<16xi1> to vector<16xi32>
    %add3A_2484 = arith.addi %add3A_2479, %convert_element_type3A_2483 : vector<16xi32>
    %gt3A_2485 = arith.constant 0.674499988 : f32
    %gt3A_2486 = vector.broadcast %gt3A_2485 : f32 to vector<16xf32>
    %gt3A_2487 = arith.cmpf ogt, %gather3A_2460, %gt3A_2486 : vector<16xf32>
    %convert_element_type3A_2488 = arith.extui %gt3A_2487 : vector<16xi1> to vector<16xi32>
    %add3A_2489 = arith.addi %add3A_2484, %convert_element_type3A_2488 : vector<16xi32>
    %gt3A_2490 = arith.constant 1.150300e+00 : f32
    %gt3A_2491 = vector.broadcast %gt3A_2490 : f32 to vector<16xf32>
    %gt3A_2492 = arith.cmpf ogt, %gather3A_2460, %gt3A_2491 : vector<16xf32>
    %convert_element_type3A_2493 = arith.extui %gt3A_2492 : vector<16xi1> to vector<16xi32>
    %add3A_2494 = arith.addi %add3A_2489, %convert_element_type3A_2493 : vector<16xi32>
    %swap3A_2495 = arith.constant 752 : index
    %swap3A_2496 = tpu.vector_load %arg16[%swap3A_2495] {strides = array<i32>} : memref<1024xi32, #tpu.memory_space<vmem>>, vector<16xi32>,
    tpu.vector_store %arg16[%swap3A_2495], %add3A_2494 {strides = array<i32>} : memref<1024xi32, #tpu.memory_space<vmem>>, vector<16xi32>,
    %add3A_2497 = arith.constant 704 : i32
    %add3A_2498 = arith.addi %multiple_of3A, %add3A_2497 : i32
    %dma_start3A_2499 = arith.constant 704 : i32
    %dma_start3A_2500 = tpu.memref_slice %arg16[%dma_start3A_2499] : memref<1024xi32, #tpu.memory_space<vmem>> -> memref<64xi32, #tpu.memory_space<vmem>>
    %dma_start3A_2501 = tpu.memref_slice %arg3[%add3A_2498] : memref<32768xi32, #tpu.memory_space<hbm>> -> memref<64xi32, #tpu.memory_space<hbm>>
    %dma_start3A_2502 = tpu.memref_slice %arg3[%add3A_2498] : memref<32768xi32, #tpu.memory_space<hbm>> -> memref<64xi32, #tpu.memory_space<hbm>>
    %dma_start3A_2503 = arith.constant 704 : i32
    %dma_start3A_2504 = tpu.memref_slice %arg16[%dma_start3A_2503] : memref<1024xi32, #tpu.memory_space<vmem>> -> memref<64xi32, #tpu.memory_space<vmem>>
    tpu.enqueue_dma source(%dma_start3A_2504 : memref<64xi32, #tpu.memory_space<vmem>>) target(%dma_start3A_2502 : memref<64xi32, #tpu.memory_space<hbm>>) target_semaphore(%arg29 : memref<!tpu.dma_semaphore, #tpu.memory_space<semaphore_mem>>)
    %dma_wait3A_2505 = arith.constant 0 : i32
    %dma_wait3A_2506 = arith.constant 0 : i32
    %dma_wait3A_2507 = tpu.memref_slice %arg2[%add3A_296, %dma_wait3A_2505, %dma_wait3A_2506] : memref<8192x8x1024xf32, #tpu.memory_space<hbm>> -> memref<8x8x128xf32, #tpu.memory_space<hbm>>
    %dma_wait3A_2508 = arith.constant 0 : i32
    %dma_wait3A_2509 = arith.constant 0 : i32
    %dma_wait3A_2510 = tpu.memref_slice %arg2[%add3A_296, %dma_wait3A_2508, %dma_wait3A_2509] : memref<8192x8x1024xf32, #tpu.memory_space<hbm>> -> memref<8x8x128xf32, #tpu.memory_space<hbm>>
    tpu.wait_dma2 semaphore(%arg17 : memref<!tpu.dma_semaphore, #tpu.memory_space<semaphore_mem>>) src(%dma_wait3A_2510 : memref<8x8x128xf32, #tpu.memory_space<hbm>>) dst(%arg4 : memref<8x8x128xf32, #tpu.memory_space<vmem>>)
    %add3A_2511 = arith.constant 0 : i32
    %add3A_2512 = vector.broadcast %add3A_2511 : i32 to vector<16xi32>
    %add3A_2513 = arith.addi %add3A_2512, %iota3A : vector<16xi32>
    %shift_right_logical3A_2514 = arith.constant 3 : i32
    %shift_right_logical3A_2515 = vector.broadcast %shift_right_logical3A_2514 : i32 to vector<16xi32>
    %shift_right_logical3A_2516 = arith.shrui %add3A_2513, %shift_right_logical3A_2515 : vector<16xi32>
    %and3A_2517 = arith.constant 7 : i32
    %and3A_2518 = vector.broadcast %and3A_2517 : i32 to vector<16xi32>
    %and3A_2519 = arith.andi %add3A_2513, %and3A_2518 : vector<16xi32>
    %gather3A_2520 = tpu.vector_load_idx %arg4[%shift_right_logical3A_2516, %and3A_2519, %mul3A_8] : memref<8x8x128xf32, #tpu.memory_space<vmem>>[vector<16xi32>, vector<16xi32>, vector<16xi32>], vector<16xf32>,
    %gt3A_2521 = arith.constant -1.150300e+00 : f32
    %gt3A_2522 = vector.broadcast %gt3A_2521 : f32 to vector<16xf32>
    %gt3A_2523 = arith.cmpf ogt, %gather3A_2520, %gt3A_2522 : vector<16xf32>
    %convert_element_type3A_2524 = arith.extui %gt3A_2523 : vector<16xi1> to vector<16xi32>
    %gt3A_2525 = arith.constant -0.674499988 : f32
    %gt3A_2526 = vector.broadcast %gt3A_2525 : f32 to vector<16xf32>
    %gt3A_2527 = arith.cmpf ogt, %gather3A_2520, %gt3A_2526 : vector<16xf32>
    %convert_element_type3A_2528 = arith.extui %gt3A_2527 : vector<16xi1> to vector<16xi32>
    %add3A_2529 = arith.addi %convert_element_type3A_2524, %convert_element_type3A_2528 : vector<16xi32>
    %gt3A_2530 = arith.constant -3.186000e-01 : f32
    %gt3A_2531 = vector.broadcast %gt3A_2530 : f32 to vector<16xf32>
    %gt3A_2532 = arith.cmpf ogt, %gather3A_2520, %gt3A_2531 : vector<16xf32>
    %convert_element_type3A_2533 = arith.extui %gt3A_2532 : vector<16xi1> to vector<16xi32>
    %add3A_2534 = arith.addi %add3A_2529, %convert_element_type3A_2533 : vector<16xi32>
    %gt3A_2535 = arith.constant 0.000000e+00 : f32
    %gt3A_2536 = vector.broadcast %gt3A_2535 : f32 to vector<16xf32>
    %gt3A_2537 = arith.cmpf ogt, %gather3A_2520, %gt3A_2536 : vector<16xf32>
    %convert_element_type3A_2538 = arith.extui %gt3A_2537 : vector<16xi1> to vector<16xi32>
    %add3A_2539 = arith.addi %add3A_2534, %convert_element_type3A_2538 : vector<16xi32>
    %gt3A_2540 = arith.constant 3.186000e-01 : f32
    %gt3A_2541 = vector.broadcast %gt3A_2540 : f32 to vector<16xf32>
    %gt3A_2542 = arith.cmpf ogt, %gather3A_2520, %gt3A_2541 : vector<16xf32>
    %convert_element_type3A_2543 = arith.extui %gt3A_2542 : vector<16xi1> to vector<16xi32>
    %add3A_2544 = arith.addi %add3A_2539, %convert_element_type3A_2543 : vector<16xi32>
    %gt3A_2545 = arith.constant 0.674499988 : f32
    %gt3A_2546 = vector.broadcast %gt3A_2545 : f32 to vector<16xf32>
    %gt3A_2547 = arith.cmpf ogt, %gather3A_2520, %gt3A_2546 : vector<16xf32>
    %convert_element_type3A_2548 = arith.extui %gt3A_2547 : vector<16xi1> to vector<16xi32>
    %add3A_2549 = arith.addi %add3A_2544, %convert_element_type3A_2548 : vector<16xi32>
    %gt3A_2550 = arith.constant 1.150300e+00 : f32
    %gt3A_2551 = vector.broadcast %gt3A_2550 : f32 to vector<16xf32>
    %gt3A_2552 = arith.cmpf ogt, %gather3A_2520, %gt3A_2551 : vector<16xf32>
    %convert_element_type3A_2553 = arith.extui %gt3A_2552 : vector<16xi1> to vector<16xi32>
    %add3A_2554 = arith.addi %add3A_2549, %convert_element_type3A_2553 : vector<16xi32>
    %swap3A_2555 = arith.constant 768 : index
    %swap3A_2556 = tpu.vector_load %arg16[%swap3A_2555] {strides = array<i32>} : memref<1024xi32, #tpu.memory_space<vmem>>, vector<16xi32>,
    tpu.vector_store %arg16[%swap3A_2555], %add3A_2554 {strides = array<i32>} : memref<1024xi32, #tpu.memory_space<vmem>>, vector<16xi32>,
    %add3A_2557 = arith.constant 16 : i32
    %add3A_2558 = vector.broadcast %add3A_2557 : i32 to vector<16xi32>
    %add3A_2559 = arith.addi %add3A_2558, %iota3A : vector<16xi32>
    %shift_right_logical3A_2560 = arith.constant 3 : i32
    %shift_right_logical3A_2561 = vector.broadcast %shift_right_logical3A_2560 : i32 to vector<16xi32>
    %shift_right_logical3A_2562 = arith.shrui %add3A_2559, %shift_right_logical3A_2561 : vector<16xi32>
    %and3A_2563 = arith.constant 7 : i32
    %and3A_2564 = vector.broadcast %and3A_2563 : i32 to vector<16xi32>
    %and3A_2565 = arith.andi %add3A_2559, %and3A_2564 : vector<16xi32>
    %gather3A_2566 = tpu.vector_load_idx %arg4[%shift_right_logical3A_2562, %and3A_2565, %mul3A_8] : memref<8x8x128xf32, #tpu.memory_space<vmem>>[vector<16xi32>, vector<16xi32>, vector<16xi32>], vector<16xf32>,
    %gt3A_2567 = arith.constant -1.150300e+00 : f32
    %gt3A_2568 = vector.broadcast %gt3A_2567 : f32 to vector<16xf32>
    %gt3A_2569 = arith.cmpf ogt, %gather3A_2566, %gt3A_2568 : vector<16xf32>
    %convert_element_type3A_2570 = arith.extui %gt3A_2569 : vector<16xi1> to vector<16xi32>
    %gt3A_2571 = arith.constant -0.674499988 : f32
    %gt3A_2572 = vector.broadcast %gt3A_2571 : f32 to vector<16xf32>
    %gt3A_2573 = arith.cmpf ogt, %gather3A_2566, %gt3A_2572 : vector<16xf32>
    %convert_element_type3A_2574 = arith.extui %gt3A_2573 : vector<16xi1> to vector<16xi32>
    %add3A_2575 = arith.addi %convert_element_type3A_2570, %convert_element_type3A_2574 : vector<16xi32>
    %gt3A_2576 = arith.constant -3.186000e-01 : f32
    %gt3A_2577 = vector.broadcast %gt3A_2576 : f32 to vector<16xf32>
    %gt3A_2578 = arith.cmpf ogt, %gather3A_2566, %gt3A_2577 : vector<16xf32>
    %convert_element_type3A_2579 = arith.extui %gt3A_2578 : vector<16xi1> to vector<16xi32>
    %add3A_2580 = arith.addi %add3A_2575, %convert_element_type3A_2579 : vector<16xi32>
    %gt3A_2581 = arith.constant 0.000000e+00 : f32
    %gt3A_2582 = vector.broadcast %gt3A_2581 : f32 to vector<16xf32>
    %gt3A_2583 = arith.cmpf ogt, %gather3A_2566, %gt3A_2582 : vector<16xf32>
    %convert_element_type3A_2584 = arith.extui %gt3A_2583 : vector<16xi1> to vector<16xi32>
    %add3A_2585 = arith.addi %add3A_2580, %convert_element_type3A_2584 : vector<16xi32>
    %gt3A_2586 = arith.constant 3.186000e-01 : f32
    %gt3A_2587 = vector.broadcast %gt3A_2586 : f32 to vector<16xf32>
    %gt3A_2588 = arith.cmpf ogt, %gather3A_2566, %gt3A_2587 : vector<16xf32>
    %convert_element_type3A_2589 = arith.extui %gt3A_2588 : vector<16xi1> to vector<16xi32>
    %add3A_2590 = arith.addi %add3A_2585, %convert_element_type3A_2589 : vector<16xi32>
    %gt3A_2591 = arith.constant 0.674499988 : f32
    %gt3A_2592 = vector.broadcast %gt3A_2591 : f32 to vector<16xf32>
    %gt3A_2593 = arith.cmpf ogt, %gather3A_2566, %gt3A_2592 : vector<16xf32>
    %convert_element_type3A_2594 = arith.extui %gt3A_2593 : vector<16xi1> to vector<16xi32>
    %add3A_2595 = arith.addi %add3A_2590, %convert_element_type3A_2594 : vector<16xi32>
    %gt3A_2596 = arith.constant 1.150300e+00 : f32
    %gt3A_2597 = vector.broadcast %gt3A_2596 : f32 to vector<16xf32>
    %gt3A_2598 = arith.cmpf ogt, %gather3A_2566, %gt3A_2597 : vector<16xf32>
    %convert_element_type3A_2599 = arith.extui %gt3A_2598 : vector<16xi1> to vector<16xi32>
    %add3A_2600 = arith.addi %add3A_2595, %convert_element_type3A_2599 : vector<16xi32>
    %swap3A_2601 = arith.constant 784 : index
    %swap3A_2602 = tpu.vector_load %arg16[%swap3A_2601] {strides = array<i32>} : memref<1024xi32, #tpu.memory_space<vmem>>, vector<16xi32>,
    tpu.vector_store %arg16[%swap3A_2601], %add3A_2600 {strides = array<i32>} : memref<1024xi32, #tpu.memory_space<vmem>>, vector<16xi32>,
    %add3A_2603 = arith.constant 32 : i32
    %add3A_2604 = vector.broadcast %add3A_2603 : i32 to vector<16xi32>
    %add3A_2605 = arith.addi %add3A_2604, %iota3A : vector<16xi32>
    %shift_right_logical3A_2606 = arith.constant 3 : i32
    %shift_right_logical3A_2607 = vector.broadcast %shift_right_logical3A_2606 : i32 to vector<16xi32>
    %shift_right_logical3A_2608 = arith.shrui %add3A_2605, %shift_right_logical3A_2607 : vector<16xi32>
    %and3A_2609 = arith.constant 7 : i32
    %and3A_2610 = vector.broadcast %and3A_2609 : i32 to vector<16xi32>
    %and3A_2611 = arith.andi %add3A_2605, %and3A_2610 : vector<16xi32>
    %gather3A_2612 = tpu.vector_load_idx %arg4[%shift_right_logical3A_2608, %and3A_2611, %mul3A_8] : memref<8x8x128xf32, #tpu.memory_space<vmem>>[vector<16xi32>, vector<16xi32>, vector<16xi32>], vector<16xf32>,
    %gt3A_2613 = arith.constant -1.150300e+00 : f32
    %gt3A_2614 = vector.broadcast %gt3A_2613 : f32 to vector<16xf32>
    %gt3A_2615 = arith.cmpf ogt, %gather3A_2612, %gt3A_2614 : vector<16xf32>
    %convert_element_type3A_2616 = arith.extui %gt3A_2615 : vector<16xi1> to vector<16xi32>
    %gt3A_2617 = arith.constant -0.674499988 : f32
    %gt3A_2618 = vector.broadcast %gt3A_2617 : f32 to vector<16xf32>
    %gt3A_2619 = arith.cmpf ogt, %gather3A_2612, %gt3A_2618 : vector<16xf32>
    %convert_element_type3A_2620 = arith.extui %gt3A_2619 : vector<16xi1> to vector<16xi32>
    %add3A_2621 = arith.addi %convert_element_type3A_2616, %convert_element_type3A_2620 : vector<16xi32>
    %gt3A_2622 = arith.constant -3.186000e-01 : f32
    %gt3A_2623 = vector.broadcast %gt3A_2622 : f32 to vector<16xf32>
    %gt3A_2624 = arith.cmpf ogt, %gather3A_2612, %gt3A_2623 : vector<16xf32>
    %convert_element_type3A_2625 = arith.extui %gt3A_2624 : vector<16xi1> to vector<16xi32>
    %add3A_2626 = arith.addi %add3A_2621, %convert_element_type3A_2625 : vector<16xi32>
    %gt3A_2627 = arith.constant 0.000000e+00 : f32
    %gt3A_2628 = vector.broadcast %gt3A_2627 : f32 to vector<16xf32>
    %gt3A_2629 = arith.cmpf ogt, %gather3A_2612, %gt3A_2628 : vector<16xf32>
    %convert_element_type3A_2630 = arith.extui %gt3A_2629 : vector<16xi1> to vector<16xi32>
    %add3A_2631 = arith.addi %add3A_2626, %convert_element_type3A_2630 : vector<16xi32>
    %gt3A_2632 = arith.constant 3.186000e-01 : f32
    %gt3A_2633 = vector.broadcast %gt3A_2632 : f32 to vector<16xf32>
    %gt3A_2634 = arith.cmpf ogt, %gather3A_2612, %gt3A_2633 : vector<16xf32>
    %convert_element_type3A_2635 = arith.extui %gt3A_2634 : vector<16xi1> to vector<16xi32>
    %add3A_2636 = arith.addi %add3A_2631, %convert_element_type3A_2635 : vector<16xi32>
    %gt3A_2637 = arith.constant 0.674499988 : f32
    %gt3A_2638 = vector.broadcast %gt3A_2637 : f32 to vector<16xf32>
    %gt3A_2639 = arith.cmpf ogt, %gather3A_2612, %gt3A_2638 : vector<16xf32>
    %convert_element_type3A_2640 = arith.extui %gt3A_2639 : vector<16xi1> to vector<16xi32>
    %add3A_2641 = arith.addi %add3A_2636, %convert_element_type3A_2640 : vector<16xi32>
    %gt3A_2642 = arith.constant 1.150300e+00 : f32
    %gt3A_2643 = vector.broadcast %gt3A_2642 : f32 to vector<16xf32>
    %gt3A_2644 = arith.cmpf ogt, %gather3A_2612, %gt3A_2643 : vector<16xf32>
    %convert_element_type3A_2645 = arith.extui %gt3A_2644 : vector<16xi1> to vector<16xi32>
    %add3A_2646 = arith.addi %add3A_2641, %convert_element_type3A_2645 : vector<16xi32>
    %swap3A_2647 = arith.constant 800 : index
    %swap3A_2648 = tpu.vector_load %arg16[%swap3A_2647] {strides = array<i32>} : memref<1024xi32, #tpu.memory_space<vmem>>, vector<16xi32>,
    tpu.vector_store %arg16[%swap3A_2647], %add3A_2646 {strides = array<i32>} : memref<1024xi32, #tpu.memory_space<vmem>>, vector<16xi32>,
    %add3A_2649 = arith.constant 48 : i32
    %add3A_2650 = vector.broadcast %add3A_2649 : i32 to vector<16xi32>
    %add3A_2651 = arith.addi %add3A_2650, %iota3A : vector<16xi32>
    %shift_right_logical3A_2652 = arith.constant 3 : i32
    %shift_right_logical3A_2653 = vector.broadcast %shift_right_logical3A_2652 : i32 to vector<16xi32>
    %shift_right_logical3A_2654 = arith.shrui %add3A_2651, %shift_right_logical3A_2653 : vector<16xi32>
    %and3A_2655 = arith.constant 7 : i32
    %and3A_2656 = vector.broadcast %and3A_2655 : i32 to vector<16xi32>
    %and3A_2657 = arith.andi %add3A_2651, %and3A_2656 : vector<16xi32>
    %gather3A_2658 = tpu.vector_load_idx %arg4[%shift_right_logical3A_2654, %and3A_2657, %mul3A_8] : memref<8x8x128xf32, #tpu.memory_space<vmem>>[vector<16xi32>, vector<16xi32>, vector<16xi32>], vector<16xf32>,
    %gt3A_2659 = arith.constant -1.150300e+00 : f32
    %gt3A_2660 = vector.broadcast %gt3A_2659 : f32 to vector<16xf32>
    %gt3A_2661 = arith.cmpf ogt, %gather3A_2658, %gt3A_2660 : vector<16xf32>
    %convert_element_type3A_2662 = arith.extui %gt3A_2661 : vector<16xi1> to vector<16xi32>
    %gt3A_2663 = arith.constant -0.674499988 : f32
    %gt3A_2664 = vector.broadcast %gt3A_2663 : f32 to vector<16xf32>
    %gt3A_2665 = arith.cmpf ogt, %gather3A_2658, %gt3A_2664 : vector<16xf32>
    %convert_element_type3A_2666 = arith.extui %gt3A_2665 : vector<16xi1> to vector<16xi32>
    %add3A_2667 = arith.addi %convert_element_type3A_2662, %convert_element_type3A_2666 : vector<16xi32>
    %gt3A_2668 = arith.constant -3.186000e-01 : f32
    %gt3A_2669 = vector.broadcast %gt3A_2668 : f32 to vector<16xf32>
    %gt3A_2670 = arith.cmpf ogt, %gather3A_2658, %gt3A_2669 : vector<16xf32>
    %convert_element_type3A_2671 = arith.extui %gt3A_2670 : vector<16xi1> to vector<16xi32>
    %add3A_2672 = arith.addi %add3A_2667, %convert_element_type3A_2671 : vector<16xi32>
    %gt3A_2673 = arith.constant 0.000000e+00 : f32
    %gt3A_2674 = vector.broadcast %gt3A_2673 : f32 to vector<16xf32>
    %gt3A_2675 = arith.cmpf ogt, %gather3A_2658, %gt3A_2674 : vector<16xf32>
    %convert_element_type3A_2676 = arith.extui %gt3A_2675 : vector<16xi1> to vector<16xi32>
    %add3A_2677 = arith.addi %add3A_2672, %convert_element_type3A_2676 : vector<16xi32>
    %gt3A_2678 = arith.constant 3.186000e-01 : f32
    %gt3A_2679 = vector.broadcast %gt3A_2678 : f32 to vector<16xf32>
    %gt3A_2680 = arith.cmpf ogt, %gather3A_2658, %gt3A_2679 : vector<16xf32>
    %convert_element_type3A_2681 = arith.extui %gt3A_2680 : vector<16xi1> to vector<16xi32>
    %add3A_2682 = arith.addi %add3A_2677, %convert_element_type3A_2681 : vector<16xi32>
    %gt3A_2683 = arith.constant 0.674499988 : f32
    %gt3A_2684 = vector.broadcast %gt3A_2683 : f32 to vector<16xf32>
    %gt3A_2685 = arith.cmpf ogt, %gather3A_2658, %gt3A_2684 : vector<16xf32>
    %convert_element_type3A_2686 = arith.extui %gt3A_2685 : vector<16xi1> to vector<16xi32>
    %add3A_2687 = arith.addi %add3A_2682, %convert_element_type3A_2686 : vector<16xi32>
    %gt3A_2688 = arith.constant 1.150300e+00 : f32
    %gt3A_2689 = vector.broadcast %gt3A_2688 : f32 to vector<16xf32>
    %gt3A_2690 = arith.cmpf ogt, %gather3A_2658, %gt3A_2689 : vector<16xf32>
    %convert_element_type3A_2691 = arith.extui %gt3A_2690 : vector<16xi1> to vector<16xi32>
    %add3A_2692 = arith.addi %add3A_2687, %convert_element_type3A_2691 : vector<16xi32>
    %swap3A_2693 = arith.constant 816 : index
    %swap3A_2694 = tpu.vector_load %arg16[%swap3A_2693] {strides = array<i32>} : memref<1024xi32, #tpu.memory_space<vmem>>, vector<16xi32>,
    tpu.vector_store %arg16[%swap3A_2693], %add3A_2692 {strides = array<i32>} : memref<1024xi32, #tpu.memory_space<vmem>>, vector<16xi32>,
    %add3A_2695 = arith.constant 768 : i32
    %add3A_2696 = arith.addi %multiple_of3A, %add3A_2695 : i32
    %dma_start3A_2697 = arith.constant 768 : i32
    %dma_start3A_2698 = tpu.memref_slice %arg16[%dma_start3A_2697] : memref<1024xi32, #tpu.memory_space<vmem>> -> memref<64xi32, #tpu.memory_space<vmem>>
    %dma_start3A_2699 = tpu.memref_slice %arg3[%add3A_2696] : memref<32768xi32, #tpu.memory_space<hbm>> -> memref<64xi32, #tpu.memory_space<hbm>>
    %dma_start3A_2700 = tpu.memref_slice %arg3[%add3A_2696] : memref<32768xi32, #tpu.memory_space<hbm>> -> memref<64xi32, #tpu.memory_space<hbm>>
    %dma_start3A_2701 = arith.constant 768 : i32
    %dma_start3A_2702 = tpu.memref_slice %arg16[%dma_start3A_2701] : memref<1024xi32, #tpu.memory_space<vmem>> -> memref<64xi32, #tpu.memory_space<vmem>>
    tpu.enqueue_dma source(%dma_start3A_2702 : memref<64xi32, #tpu.memory_space<vmem>>) target(%dma_start3A_2700 : memref<64xi32, #tpu.memory_space<hbm>>) target_semaphore(%arg29 : memref<!tpu.dma_semaphore, #tpu.memory_space<semaphore_mem>>)
    %dma_wait3A_2703 = arith.constant 0 : i32
    %dma_wait3A_2704 = arith.constant 0 : i32
    %dma_wait3A_2705 = tpu.memref_slice %arg2[%add3A_502, %dma_wait3A_2703, %dma_wait3A_2704] : memref<8192x8x1024xf32, #tpu.memory_space<hbm>> -> memref<8x8x128xf32, #tpu.memory_space<hbm>>
    %dma_wait3A_2706 = arith.constant 0 : i32
    %dma_wait3A_2707 = arith.constant 0 : i32
    %dma_wait3A_2708 = tpu.memref_slice %arg2[%add3A_502, %dma_wait3A_2706, %dma_wait3A_2707] : memref<8192x8x1024xf32, #tpu.memory_space<hbm>> -> memref<8x8x128xf32, #tpu.memory_space<hbm>>
    tpu.wait_dma2 semaphore(%arg18 : memref<!tpu.dma_semaphore, #tpu.memory_space<semaphore_mem>>) src(%dma_wait3A_2708 : memref<8x8x128xf32, #tpu.memory_space<hbm>>) dst(%arg5 : memref<8x8x128xf32, #tpu.memory_space<vmem>>)
    %add3A_2709 = arith.constant 0 : i32
    %add3A_2710 = vector.broadcast %add3A_2709 : i32 to vector<16xi32>
    %add3A_2711 = arith.addi %add3A_2710, %iota3A : vector<16xi32>
    %shift_right_logical3A_2712 = arith.constant 3 : i32
    %shift_right_logical3A_2713 = vector.broadcast %shift_right_logical3A_2712 : i32 to vector<16xi32>
    %shift_right_logical3A_2714 = arith.shrui %add3A_2711, %shift_right_logical3A_2713 : vector<16xi32>
    %and3A_2715 = arith.constant 7 : i32
    %and3A_2716 = vector.broadcast %and3A_2715 : i32 to vector<16xi32>
    %and3A_2717 = arith.andi %add3A_2711, %and3A_2716 : vector<16xi32>
    %gather3A_2718 = tpu.vector_load_idx %arg5[%shift_right_logical3A_2714, %and3A_2717, %mul3A_8] : memref<8x8x128xf32, #tpu.memory_space<vmem>>[vector<16xi32>, vector<16xi32>, vector<16xi32>], vector<16xf32>,
    %gt3A_2719 = arith.constant -1.150300e+00 : f32
    %gt3A_2720 = vector.broadcast %gt3A_2719 : f32 to vector<16xf32>
    %gt3A_2721 = arith.cmpf ogt, %gather3A_2718, %gt3A_2720 : vector<16xf32>
    %convert_element_type3A_2722 = arith.extui %gt3A_2721 : vector<16xi1> to vector<16xi32>
    %gt3A_2723 = arith.constant -0.674499988 : f32
    %gt3A_2724 = vector.broadcast %gt3A_2723 : f32 to vector<16xf32>
    %gt3A_2725 = arith.cmpf ogt, %gather3A_2718, %gt3A_2724 : vector<16xf32>
    %convert_element_type3A_2726 = arith.extui %gt3A_2725 : vector<16xi1> to vector<16xi32>
    %add3A_2727 = arith.addi %convert_element_type3A_2722, %convert_element_type3A_2726 : vector<16xi32>
    %gt3A_2728 = arith.constant -3.186000e-01 : f32
    %gt3A_2729 = vector.broadcast %gt3A_2728 : f32 to vector<16xf32>
    %gt3A_2730 = arith.cmpf ogt, %gather3A_2718, %gt3A_2729 : vector<16xf32>
    %convert_element_type3A_2731 = arith.extui %gt3A_2730 : vector<16xi1> to vector<16xi32>
    %add3A_2732 = arith.addi %add3A_2727, %convert_element_type3A_2731 : vector<16xi32>
    %gt3A_2733 = arith.constant 0.000000e+00 : f32
    %gt3A_2734 = vector.broadcast %gt3A_2733 : f32 to vector<16xf32>
    %gt3A_2735 = arith.cmpf ogt, %gather3A_2718, %gt3A_2734 : vector<16xf32>
    %convert_element_type3A_2736 = arith.extui %gt3A_2735 : vector<16xi1> to vector<16xi32>
    %add3A_2737 = arith.addi %add3A_2732, %convert_element_type3A_2736 : vector<16xi32>
    %gt3A_2738 = arith.constant 3.186000e-01 : f32
    %gt3A_2739 = vector.broadcast %gt3A_2738 : f32 to vector<16xf32>
    %gt3A_2740 = arith.cmpf ogt, %gather3A_2718, %gt3A_2739 : vector<16xf32>
    %convert_element_type3A_2741 = arith.extui %gt3A_2740 : vector<16xi1> to vector<16xi32>
    %add3A_2742 = arith.addi %add3A_2737, %convert_element_type3A_2741 : vector<16xi32>
    %gt3A_2743 = arith.constant 0.674499988 : f32
    %gt3A_2744 = vector.broadcast %gt3A_2743 : f32 to vector<16xf32>
    %gt3A_2745 = arith.cmpf ogt, %gather3A_2718, %gt3A_2744 : vector<16xf32>
    %convert_element_type3A_2746 = arith.extui %gt3A_2745 : vector<16xi1> to vector<16xi32>
    %add3A_2747 = arith.addi %add3A_2742, %convert_element_type3A_2746 : vector<16xi32>
    %gt3A_2748 = arith.constant 1.150300e+00 : f32
    %gt3A_2749 = vector.broadcast %gt3A_2748 : f32 to vector<16xf32>
    %gt3A_2750 = arith.cmpf ogt, %gather3A_2718, %gt3A_2749 : vector<16xf32>
    %convert_element_type3A_2751 = arith.extui %gt3A_2750 : vector<16xi1> to vector<16xi32>
    %add3A_2752 = arith.addi %add3A_2747, %convert_element_type3A_2751 : vector<16xi32>
    %swap3A_2753 = arith.constant 832 : index
    %swap3A_2754 = tpu.vector_load %arg16[%swap3A_2753] {strides = array<i32>} : memref<1024xi32, #tpu.memory_space<vmem>>, vector<16xi32>,
    tpu.vector_store %arg16[%swap3A_2753], %add3A_2752 {strides = array<i32>} : memref<1024xi32, #tpu.memory_space<vmem>>, vector<16xi32>,
    %add3A_2755 = arith.constant 16 : i32
    %add3A_2756 = vector.broadcast %add3A_2755 : i32 to vector<16xi32>
    %add3A_2757 = arith.addi %add3A_2756, %iota3A : vector<16xi32>
    %shift_right_logical3A_2758 = arith.constant 3 : i32
    %shift_right_logical3A_2759 = vector.broadcast %shift_right_logical3A_2758 : i32 to vector<16xi32>
    %shift_right_logical3A_2760 = arith.shrui %add3A_2757, %shift_right_logical3A_2759 : vector<16xi32>
    %and3A_2761 = arith.constant 7 : i32
    %and3A_2762 = vector.broadcast %and3A_2761 : i32 to vector<16xi32>
    %and3A_2763 = arith.andi %add3A_2757, %and3A_2762 : vector<16xi32>
    %gather3A_2764 = tpu.vector_load_idx %arg5[%shift_right_logical3A_2760, %and3A_2763, %mul3A_8] : memref<8x8x128xf32, #tpu.memory_space<vmem>>[vector<16xi32>, vector<16xi32>, vector<16xi32>], vector<16xf32>,
    %gt3A_2765 = arith.constant -1.150300e+00 : f32
    %gt3A_2766 = vector.broadcast %gt3A_2765 : f32 to vector<16xf32>
    %gt3A_2767 = arith.cmpf ogt, %gather3A_2764, %gt3A_2766 : vector<16xf32>
    %convert_element_type3A_2768 = arith.extui %gt3A_2767 : vector<16xi1> to vector<16xi32>
    %gt3A_2769 = arith.constant -0.674499988 : f32
    %gt3A_2770 = vector.broadcast %gt3A_2769 : f32 to vector<16xf32>
    %gt3A_2771 = arith.cmpf ogt, %gather3A_2764, %gt3A_2770 : vector<16xf32>
    %convert_element_type3A_2772 = arith.extui %gt3A_2771 : vector<16xi1> to vector<16xi32>
    %add3A_2773 = arith.addi %convert_element_type3A_2768, %convert_element_type3A_2772 : vector<16xi32>
    %gt3A_2774 = arith.constant -3.186000e-01 : f32
    %gt3A_2775 = vector.broadcast %gt3A_2774 : f32 to vector<16xf32>
    %gt3A_2776 = arith.cmpf ogt, %gather3A_2764, %gt3A_2775 : vector<16xf32>
    %convert_element_type3A_2777 = arith.extui %gt3A_2776 : vector<16xi1> to vector<16xi32>
    %add3A_2778 = arith.addi %add3A_2773, %convert_element_type3A_2777 : vector<16xi32>
    %gt3A_2779 = arith.constant 0.000000e+00 : f32
    %gt3A_2780 = vector.broadcast %gt3A_2779 : f32 to vector<16xf32>
    %gt3A_2781 = arith.cmpf ogt, %gather3A_2764, %gt3A_2780 : vector<16xf32>
    %convert_element_type3A_2782 = arith.extui %gt3A_2781 : vector<16xi1> to vector<16xi32>
    %add3A_2783 = arith.addi %add3A_2778, %convert_element_type3A_2782 : vector<16xi32>
    %gt3A_2784 = arith.constant 3.186000e-01 : f32
    %gt3A_2785 = vector.broadcast %gt3A_2784 : f32 to vector<16xf32>
    %gt3A_2786 = arith.cmpf ogt, %gather3A_2764, %gt3A_2785 : vector<16xf32>
    %convert_element_type3A_2787 = arith.extui %gt3A_2786 : vector<16xi1> to vector<16xi32>
    %add3A_2788 = arith.addi %add3A_2783, %convert_element_type3A_2787 : vector<16xi32>
    %gt3A_2789 = arith.constant 0.674499988 : f32
    %gt3A_2790 = vector.broadcast %gt3A_2789 : f32 to vector<16xf32>
    %gt3A_2791 = arith.cmpf ogt, %gather3A_2764, %gt3A_2790 : vector<16xf32>
    %convert_element_type3A_2792 = arith.extui %gt3A_2791 : vector<16xi1> to vector<16xi32>
    %add3A_2793 = arith.addi %add3A_2788, %convert_element_type3A_2792 : vector<16xi32>
    %gt3A_2794 = arith.constant 1.150300e+00 : f32
    %gt3A_2795 = vector.broadcast %gt3A_2794 : f32 to vector<16xf32>
    %gt3A_2796 = arith.cmpf ogt, %gather3A_2764, %gt3A_2795 : vector<16xf32>
    %convert_element_type3A_2797 = arith.extui %gt3A_2796 : vector<16xi1> to vector<16xi32>
    %add3A_2798 = arith.addi %add3A_2793, %convert_element_type3A_2797 : vector<16xi32>
    %swap3A_2799 = arith.constant 848 : index
    %swap3A_2800 = tpu.vector_load %arg16[%swap3A_2799] {strides = array<i32>} : memref<1024xi32, #tpu.memory_space<vmem>>, vector<16xi32>,
    tpu.vector_store %arg16[%swap3A_2799], %add3A_2798 {strides = array<i32>} : memref<1024xi32, #tpu.memory_space<vmem>>, vector<16xi32>,
    %add3A_2801 = arith.constant 32 : i32
    %add3A_2802 = vector.broadcast %add3A_2801 : i32 to vector<16xi32>
    %add3A_2803 = arith.addi %add3A_2802, %iota3A : vector<16xi32>
    %shift_right_logical3A_2804 = arith.constant 3 : i32
    %shift_right_logical3A_2805 = vector.broadcast %shift_right_logical3A_2804 : i32 to vector<16xi32>
    %shift_right_logical3A_2806 = arith.shrui %add3A_2803, %shift_right_logical3A_2805 : vector<16xi32>
    %and3A_2807 = arith.constant 7 : i32
    %and3A_2808 = vector.broadcast %and3A_2807 : i32 to vector<16xi32>
    %and3A_2809 = arith.andi %add3A_2803, %and3A_2808 : vector<16xi32>
    %gather3A_2810 = tpu.vector_load_idx %arg5[%shift_right_logical3A_2806, %and3A_2809, %mul3A_8] : memref<8x8x128xf32, #tpu.memory_space<vmem>>[vector<16xi32>, vector<16xi32>, vector<16xi32>], vector<16xf32>,
    %gt3A_2811 = arith.constant -1.150300e+00 : f32
    %gt3A_2812 = vector.broadcast %gt3A_2811 : f32 to vector<16xf32>
    %gt3A_2813 = arith.cmpf ogt, %gather3A_2810, %gt3A_2812 : vector<16xf32>
    %convert_element_type3A_2814 = arith.extui %gt3A_2813 : vector<16xi1> to vector<16xi32>
    %gt3A_2815 = arith.constant -0.674499988 : f32
    %gt3A_2816 = vector.broadcast %gt3A_2815 : f32 to vector<16xf32>
    %gt3A_2817 = arith.cmpf ogt, %gather3A_2810, %gt3A_2816 : vector<16xf32>
    %convert_element_type3A_2818 = arith.extui %gt3A_2817 : vector<16xi1> to vector<16xi32>
    %add3A_2819 = arith.addi %convert_element_type3A_2814, %convert_element_type3A_2818 : vector<16xi32>
    %gt3A_2820 = arith.constant -3.186000e-01 : f32
    %gt3A_2821 = vector.broadcast %gt3A_2820 : f32 to vector<16xf32>
    %gt3A_2822 = arith.cmpf ogt, %gather3A_2810, %gt3A_2821 : vector<16xf32>
    %convert_element_type3A_2823 = arith.extui %gt3A_2822 : vector<16xi1> to vector<16xi32>
    %add3A_2824 = arith.addi %add3A_2819, %convert_element_type3A_2823 : vector<16xi32>
    %gt3A_2825 = arith.constant 0.000000e+00 : f32
    %gt3A_2826 = vector.broadcast %gt3A_2825 : f32 to vector<16xf32>
    %gt3A_2827 = arith.cmpf ogt, %gather3A_2810, %gt3A_2826 : vector<16xf32>
    %convert_element_type3A_2828 = arith.extui %gt3A_2827 : vector<16xi1> to vector<16xi32>
    %add3A_2829 = arith.addi %add3A_2824, %convert_element_type3A_2828 : vector<16xi32>
    %gt3A_2830 = arith.constant 3.186000e-01 : f32
    %gt3A_2831 = vector.broadcast %gt3A_2830 : f32 to vector<16xf32>
    %gt3A_2832 = arith.cmpf ogt, %gather3A_2810, %gt3A_2831 : vector<16xf32>
    %convert_element_type3A_2833 = arith.extui %gt3A_2832 : vector<16xi1> to vector<16xi32>
    %add3A_2834 = arith.addi %add3A_2829, %convert_element_type3A_2833 : vector<16xi32>
    %gt3A_2835 = arith.constant 0.674499988 : f32
    %gt3A_2836 = vector.broadcast %gt3A_2835 : f32 to vector<16xf32>
    %gt3A_2837 = arith.cmpf ogt, %gather3A_2810, %gt3A_2836 : vector<16xf32>
    %convert_element_type3A_2838 = arith.extui %gt3A_2837 : vector<16xi1> to vector<16xi32>
    %add3A_2839 = arith.addi %add3A_2834, %convert_element_type3A_2838 : vector<16xi32>
    %gt3A_2840 = arith.constant 1.150300e+00 : f32
    %gt3A_2841 = vector.broadcast %gt3A_2840 : f32 to vector<16xf32>
    %gt3A_2842 = arith.cmpf ogt, %gather3A_2810, %gt3A_2841 : vector<16xf32>
    %convert_element_type3A_2843 = arith.extui %gt3A_2842 : vector<16xi1> to vector<16xi32>
    %add3A_2844 = arith.addi %add3A_2839, %convert_element_type3A_2843 : vector<16xi32>
    %swap3A_2845 = arith.constant 864 : index
    %swap3A_2846 = tpu.vector_load %arg16[%swap3A_2845] {strides = array<i32>} : memref<1024xi32, #tpu.memory_space<vmem>>, vector<16xi32>,
    tpu.vector_store %arg16[%swap3A_2845], %add3A_2844 {strides = array<i32>} : memref<1024xi32, #tpu.memory_space<vmem>>, vector<16xi32>,
    %add3A_2847 = arith.constant 48 : i32
    %add3A_2848 = vector.broadcast %add3A_2847 : i32 to vector<16xi32>
    %add3A_2849 = arith.addi %add3A_2848, %iota3A : vector<16xi32>
    %shift_right_logical3A_2850 = arith.constant 3 : i32
    %shift_right_logical3A_2851 = vector.broadcast %shift_right_logical3A_2850 : i32 to vector<16xi32>
    %shift_right_logical3A_2852 = arith.shrui %add3A_2849, %shift_right_logical3A_2851 : vector<16xi32>
    %and3A_2853 = arith.constant 7 : i32
    %and3A_2854 = vector.broadcast %and3A_2853 : i32 to vector<16xi32>
    %and3A_2855 = arith.andi %add3A_2849, %and3A_2854 : vector<16xi32>
    %gather3A_2856 = tpu.vector_load_idx %arg5[%shift_right_logical3A_2852, %and3A_2855, %mul3A_8] : memref<8x8x128xf32, #tpu.memory_space<vmem>>[vector<16xi32>, vector<16xi32>, vector<16xi32>], vector<16xf32>,
    %gt3A_2857 = arith.constant -1.150300e+00 : f32
    %gt3A_2858 = vector.broadcast %gt3A_2857 : f32 to vector<16xf32>
    %gt3A_2859 = arith.cmpf ogt, %gather3A_2856, %gt3A_2858 : vector<16xf32>
    %convert_element_type3A_2860 = arith.extui %gt3A_2859 : vector<16xi1> to vector<16xi32>
    %gt3A_2861 = arith.constant -0.674499988 : f32
    %gt3A_2862 = vector.broadcast %gt3A_2861 : f32 to vector<16xf32>
    %gt3A_2863 = arith.cmpf ogt, %gather3A_2856, %gt3A_2862 : vector<16xf32>
    %convert_element_type3A_2864 = arith.extui %gt3A_2863 : vector<16xi1> to vector<16xi32>
    %add3A_2865 = arith.addi %convert_element_type3A_2860, %convert_element_type3A_2864 : vector<16xi32>
    %gt3A_2866 = arith.constant -3.186000e-01 : f32
    %gt3A_2867 = vector.broadcast %gt3A_2866 : f32 to vector<16xf32>
    %gt3A_2868 = arith.cmpf ogt, %gather3A_2856, %gt3A_2867 : vector<16xf32>
    %convert_element_type3A_2869 = arith.extui %gt3A_2868 : vector<16xi1> to vector<16xi32>
    %add3A_2870 = arith.addi %add3A_2865, %convert_element_type3A_2869 : vector<16xi32>
    %gt3A_2871 = arith.constant 0.000000e+00 : f32
    %gt3A_2872 = vector.broadcast %gt3A_2871 : f32 to vector<16xf32>
    %gt3A_2873 = arith.cmpf ogt, %gather3A_2856, %gt3A_2872 : vector<16xf32>
    %convert_element_type3A_2874 = arith.extui %gt3A_2873 : vector<16xi1> to vector<16xi32>
    %add3A_2875 = arith.addi %add3A_2870, %convert_element_type3A_2874 : vector<16xi32>
    %gt3A_2876 = arith.constant 3.186000e-01 : f32
    %gt3A_2877 = vector.broadcast %gt3A_2876 : f32 to vector<16xf32>
    %gt3A_2878 = arith.cmpf ogt, %gather3A_2856, %gt3A_2877 : vector<16xf32>
    %convert_element_type3A_2879 = arith.extui %gt3A_2878 : vector<16xi1> to vector<16xi32>
    %add3A_2880 = arith.addi %add3A_2875, %convert_element_type3A_2879 : vector<16xi32>
    %gt3A_2881 = arith.constant 0.674499988 : f32
    %gt3A_2882 = vector.broadcast %gt3A_2881 : f32 to vector<16xf32>
    %gt3A_2883 = arith.cmpf ogt, %gather3A_2856, %gt3A_2882 : vector<16xf32>
    %convert_element_type3A_2884 = arith.extui %gt3A_2883 : vector<16xi1> to vector<16xi32>
    %add3A_2885 = arith.addi %add3A_2880, %convert_element_type3A_2884 : vector<16xi32>
    %gt3A_2886 = arith.constant 1.150300e+00 : f32
    %gt3A_2887 = vector.broadcast %gt3A_2886 : f32 to vector<16xf32>
    %gt3A_2888 = arith.cmpf ogt, %gather3A_2856, %gt3A_2887 : vector<16xf32>
    %convert_element_type3A_2889 = arith.extui %gt3A_2888 : vector<16xi1> to vector<16xi32>
    %add3A_2890 = arith.addi %add3A_2885, %convert_element_type3A_2889 : vector<16xi32>
    %swap3A_2891 = arith.constant 880 : index
    %swap3A_2892 = tpu.vector_load %arg16[%swap3A_2891] {strides = array<i32>} : memref<1024xi32, #tpu.memory_space<vmem>>, vector<16xi32>,
    tpu.vector_store %arg16[%swap3A_2891], %add3A_2890 {strides = array<i32>} : memref<1024xi32, #tpu.memory_space<vmem>>, vector<16xi32>,
    %add3A_2893 = arith.constant 832 : i32
    %add3A_2894 = arith.addi %multiple_of3A, %add3A_2893 : i32
    %dma_start3A_2895 = arith.constant 832 : i32
    %dma_start3A_2896 = tpu.memref_slice %arg16[%dma_start3A_2895] : memref<1024xi32, #tpu.memory_space<vmem>> -> memref<64xi32, #tpu.memory_space<vmem>>
    %dma_start3A_2897 = tpu.memref_slice %arg3[%add3A_2894] : memref<32768xi32, #tpu.memory_space<hbm>> -> memref<64xi32, #tpu.memory_space<hbm>>
    %dma_start3A_2898 = tpu.memref_slice %arg3[%add3A_2894] : memref<32768xi32, #tpu.memory_space<hbm>> -> memref<64xi32, #tpu.memory_space<hbm>>
    %dma_start3A_2899 = arith.constant 832 : i32
    %dma_start3A_2900 = tpu.memref_slice %arg16[%dma_start3A_2899] : memref<1024xi32, #tpu.memory_space<vmem>> -> memref<64xi32, #tpu.memory_space<vmem>>
    tpu.enqueue_dma source(%dma_start3A_2900 : memref<64xi32, #tpu.memory_space<vmem>>) target(%dma_start3A_2898 : memref<64xi32, #tpu.memory_space<hbm>>) target_semaphore(%arg29 : memref<!tpu.dma_semaphore, #tpu.memory_space<semaphore_mem>>)
    %dma_wait3A_2901 = arith.constant 0 : i32
    %dma_wait3A_2902 = arith.constant 0 : i32
    %dma_wait3A_2903 = tpu.memref_slice %arg2[%add3A_708, %dma_wait3A_2901, %dma_wait3A_2902] : memref<8192x8x1024xf32, #tpu.memory_space<hbm>> -> memref<8x8x128xf32, #tpu.memory_space<hbm>>
    %dma_wait3A_2904 = arith.constant 0 : i32
    %dma_wait3A_2905 = arith.constant 0 : i32
    %dma_wait3A_2906 = tpu.memref_slice %arg2[%add3A_708, %dma_wait3A_2904, %dma_wait3A_2905] : memref<8192x8x1024xf32, #tpu.memory_space<hbm>> -> memref<8x8x128xf32, #tpu.memory_space<hbm>>
    tpu.wait_dma2 semaphore(%arg19 : memref<!tpu.dma_semaphore, #tpu.memory_space<semaphore_mem>>) src(%dma_wait3A_2906 : memref<8x8x128xf32, #tpu.memory_space<hbm>>) dst(%arg6 : memref<8x8x128xf32, #tpu.memory_space<vmem>>)
    %add3A_2907 = arith.constant 0 : i32
    %add3A_2908 = vector.broadcast %add3A_2907 : i32 to vector<16xi32>
    %add3A_2909 = arith.addi %add3A_2908, %iota3A : vector<16xi32>
    %shift_right_logical3A_2910 = arith.constant 3 : i32
    %shift_right_logical3A_2911 = vector.broadcast %shift_right_logical3A_2910 : i32 to vector<16xi32>
    %shift_right_logical3A_2912 = arith.shrui %add3A_2909, %shift_right_logical3A_2911 : vector<16xi32>
    %and3A_2913 = arith.constant 7 : i32
    %and3A_2914 = vector.broadcast %and3A_2913 : i32 to vector<16xi32>
    %and3A_2915 = arith.andi %add3A_2909, %and3A_2914 : vector<16xi32>
    %gather3A_2916 = tpu.vector_load_idx %arg6[%shift_right_logical3A_2912, %and3A_2915, %mul3A_8] : memref<8x8x128xf32, #tpu.memory_space<vmem>>[vector<16xi32>, vector<16xi32>, vector<16xi32>], vector<16xf32>,
    %gt3A_2917 = arith.constant -1.150300e+00 : f32
    %gt3A_2918 = vector.broadcast %gt3A_2917 : f32 to vector<16xf32>
    %gt3A_2919 = arith.cmpf ogt, %gather3A_2916, %gt3A_2918 : vector<16xf32>
    %convert_element_type3A_2920 = arith.extui %gt3A_2919 : vector<16xi1> to vector<16xi32>
    %gt3A_2921 = arith.constant -0.674499988 : f32
    %gt3A_2922 = vector.broadcast %gt3A_2921 : f32 to vector<16xf32>
    %gt3A_2923 = arith.cmpf ogt, %gather3A_2916, %gt3A_2922 : vector<16xf32>
    %convert_element_type3A_2924 = arith.extui %gt3A_2923 : vector<16xi1> to vector<16xi32>
    %add3A_2925 = arith.addi %convert_element_type3A_2920, %convert_element_type3A_2924 : vector<16xi32>
    %gt3A_2926 = arith.constant -3.186000e-01 : f32
    %gt3A_2927 = vector.broadcast %gt3A_2926 : f32 to vector<16xf32>
    %gt3A_2928 = arith.cmpf ogt, %gather3A_2916, %gt3A_2927 : vector<16xf32>
    %convert_element_type3A_2929 = arith.extui %gt3A_2928 : vector<16xi1> to vector<16xi32>
    %add3A_2930 = arith.addi %add3A_2925, %convert_element_type3A_2929 : vector<16xi32>
    %gt3A_2931 = arith.constant 0.000000e+00 : f32
    %gt3A_2932 = vector.broadcast %gt3A_2931 : f32 to vector<16xf32>
    %gt3A_2933 = arith.cmpf ogt, %gather3A_2916, %gt3A_2932 : vector<16xf32>
    %convert_element_type3A_2934 = arith.extui %gt3A_2933 : vector<16xi1> to vector<16xi32>
    %add3A_2935 = arith.addi %add3A_2930, %convert_element_type3A_2934 : vector<16xi32>
    %gt3A_2936 = arith.constant 3.186000e-01 : f32
    %gt3A_2937 = vector.broadcast %gt3A_2936 : f32 to vector<16xf32>
    %gt3A_2938 = arith.cmpf ogt, %gather3A_2916, %gt3A_2937 : vector<16xf32>
    %convert_element_type3A_2939 = arith.extui %gt3A_2938 : vector<16xi1> to vector<16xi32>
    %add3A_2940 = arith.addi %add3A_2935, %convert_element_type3A_2939 : vector<16xi32>
    %gt3A_2941 = arith.constant 0.674499988 : f32
    %gt3A_2942 = vector.broadcast %gt3A_2941 : f32 to vector<16xf32>
    %gt3A_2943 = arith.cmpf ogt, %gather3A_2916, %gt3A_2942 : vector<16xf32>
    %convert_element_type3A_2944 = arith.extui %gt3A_2943 : vector<16xi1> to vector<16xi32>
    %add3A_2945 = arith.addi %add3A_2940, %convert_element_type3A_2944 : vector<16xi32>
    %gt3A_2946 = arith.constant 1.150300e+00 : f32
    %gt3A_2947 = vector.broadcast %gt3A_2946 : f32 to vector<16xf32>
    %gt3A_2948 = arith.cmpf ogt, %gather3A_2916, %gt3A_2947 : vector<16xf32>
    %convert_element_type3A_2949 = arith.extui %gt3A_2948 : vector<16xi1> to vector<16xi32>
    %add3A_2950 = arith.addi %add3A_2945, %convert_element_type3A_2949 : vector<16xi32>
    %swap3A_2951 = arith.constant 896 : index
    %swap3A_2952 = tpu.vector_load %arg16[%swap3A_2951] {strides = array<i32>} : memref<1024xi32, #tpu.memory_space<vmem>>, vector<16xi32>,
    tpu.vector_store %arg16[%swap3A_2951], %add3A_2950 {strides = array<i32>} : memref<1024xi32, #tpu.memory_space<vmem>>, vector<16xi32>,
    %add3A_2953 = arith.constant 16 : i32
    %add3A_2954 = vector.broadcast %add3A_2953 : i32 to vector<16xi32>
    %add3A_2955 = arith.addi %add3A_2954, %iota3A : vector<16xi32>
    %shift_right_logical3A_2956 = arith.constant 3 : i32
    %shift_right_logical3A_2957 = vector.broadcast %shift_right_logical3A_2956 : i32 to vector<16xi32>
    %shift_right_logical3A_2958 = arith.shrui %add3A_2955, %shift_right_logical3A_2957 : vector<16xi32>
    %and3A_2959 = arith.constant 7 : i32
    %and3A_2960 = vector.broadcast %and3A_2959 : i32 to vector<16xi32>
    %and3A_2961 = arith.andi %add3A_2955, %and3A_2960 : vector<16xi32>
    %gather3A_2962 = tpu.vector_load_idx %arg6[%shift_right_logical3A_2958, %and3A_2961, %mul3A_8] : memref<8x8x128xf32, #tpu.memory_space<vmem>>[vector<16xi32>, vector<16xi32>, vector<16xi32>], vector<16xf32>,
    %gt3A_2963 = arith.constant -1.150300e+00 : f32
    %gt3A_2964 = vector.broadcast %gt3A_2963 : f32 to vector<16xf32>
    %gt3A_2965 = arith.cmpf ogt, %gather3A_2962, %gt3A_2964 : vector<16xf32>
    %convert_element_type3A_2966 = arith.extui %gt3A_2965 : vector<16xi1> to vector<16xi32>
    %gt3A_2967 = arith.constant -0.674499988 : f32
    %gt3A_2968 = vector.broadcast %gt3A_2967 : f32 to vector<16xf32>
    %gt3A_2969 = arith.cmpf ogt, %gather3A_2962, %gt3A_2968 : vector<16xf32>
    %convert_element_type3A_2970 = arith.extui %gt3A_2969 : vector<16xi1> to vector<16xi32>
    %add3A_2971 = arith.addi %convert_element_type3A_2966, %convert_element_type3A_2970 : vector<16xi32>
    %gt3A_2972 = arith.constant -3.186000e-01 : f32
    %gt3A_2973 = vector.broadcast %gt3A_2972 : f32 to vector<16xf32>
    %gt3A_2974 = arith.cmpf ogt, %gather3A_2962, %gt3A_2973 : vector<16xf32>
    %convert_element_type3A_2975 = arith.extui %gt3A_2974 : vector<16xi1> to vector<16xi32>
    %add3A_2976 = arith.addi %add3A_2971, %convert_element_type3A_2975 : vector<16xi32>
    %gt3A_2977 = arith.constant 0.000000e+00 : f32
    %gt3A_2978 = vector.broadcast %gt3A_2977 : f32 to vector<16xf32>
    %gt3A_2979 = arith.cmpf ogt, %gather3A_2962, %gt3A_2978 : vector<16xf32>
    %convert_element_type3A_2980 = arith.extui %gt3A_2979 : vector<16xi1> to vector<16xi32>
    %add3A_2981 = arith.addi %add3A_2976, %convert_element_type3A_2980 : vector<16xi32>
    %gt3A_2982 = arith.constant 3.186000e-01 : f32
    %gt3A_2983 = vector.broadcast %gt3A_2982 : f32 to vector<16xf32>
    %gt3A_2984 = arith.cmpf ogt, %gather3A_2962, %gt3A_2983 : vector<16xf32>
    %convert_element_type3A_2985 = arith.extui %gt3A_2984 : vector<16xi1> to vector<16xi32>
    %add3A_2986 = arith.addi %add3A_2981, %convert_element_type3A_2985 : vector<16xi32>
    %gt3A_2987 = arith.constant 0.674499988 : f32
    %gt3A_2988 = vector.broadcast %gt3A_2987 : f32 to vector<16xf32>
    %gt3A_2989 = arith.cmpf ogt, %gather3A_2962, %gt3A_2988 : vector<16xf32>
    %convert_element_type3A_2990 = arith.extui %gt3A_2989 : vector<16xi1> to vector<16xi32>
    %add3A_2991 = arith.addi %add3A_2986, %convert_element_type3A_2990 : vector<16xi32>
    %gt3A_2992 = arith.constant 1.150300e+00 : f32
    %gt3A_2993 = vector.broadcast %gt3A_2992 : f32 to vector<16xf32>
    %gt3A_2994 = arith.cmpf ogt, %gather3A_2962, %gt3A_2993 : vector<16xf32>
    %convert_element_type3A_2995 = arith.extui %gt3A_2994 : vector<16xi1> to vector<16xi32>
    %add3A_2996 = arith.addi %add3A_2991, %convert_element_type3A_2995 : vector<16xi32>
    %swap3A_2997 = arith.constant 912 : index
    %swap3A_2998 = tpu.vector_load %arg16[%swap3A_2997] {strides = array<i32>} : memref<1024xi32, #tpu.memory_space<vmem>>, vector<16xi32>,
    tpu.vector_store %arg16[%swap3A_2997], %add3A_2996 {strides = array<i32>} : memref<1024xi32, #tpu.memory_space<vmem>>, vector<16xi32>,
    %add3A_2999 = arith.constant 32 : i32
    %add3A_3000 = vector.broadcast %add3A_2999 : i32 to vector<16xi32>
    %add3A_3001 = arith.addi %add3A_3000, %iota3A : vector<16xi32>
    %shift_right_logical3A_3002 = arith.constant 3 : i32
    %shift_right_logical3A_3003 = vector.broadcast %shift_right_logical3A_3002 : i32 to vector<16xi32>
    %shift_right_logical3A_3004 = arith.shrui %add3A_3001, %shift_right_logical3A_3003 : vector<16xi32>
    %and3A_3005 = arith.constant 7 : i32
    %and3A_3006 = vector.broadcast %and3A_3005 : i32 to vector<16xi32>
    %and3A_3007 = arith.andi %add3A_3001, %and3A_3006 : vector<16xi32>
    %gather3A_3008 = tpu.vector_load_idx %arg6[%shift_right_logical3A_3004, %and3A_3007, %mul3A_8] : memref<8x8x128xf32, #tpu.memory_space<vmem>>[vector<16xi32>, vector<16xi32>, vector<16xi32>], vector<16xf32>,
    %gt3A_3009 = arith.constant -1.150300e+00 : f32
    %gt3A_3010 = vector.broadcast %gt3A_3009 : f32 to vector<16xf32>
    %gt3A_3011 = arith.cmpf ogt, %gather3A_3008, %gt3A_3010 : vector<16xf32>
    %convert_element_type3A_3012 = arith.extui %gt3A_3011 : vector<16xi1> to vector<16xi32>
    %gt3A_3013 = arith.constant -0.674499988 : f32
    %gt3A_3014 = vector.broadcast %gt3A_3013 : f32 to vector<16xf32>
    %gt3A_3015 = arith.cmpf ogt, %gather3A_3008, %gt3A_3014 : vector<16xf32>
    %convert_element_type3A_3016 = arith.extui %gt3A_3015 : vector<16xi1> to vector<16xi32>
    %add3A_3017 = arith.addi %convert_element_type3A_3012, %convert_element_type3A_3016 : vector<16xi32>
    %gt3A_3018 = arith.constant -3.186000e-01 : f32
    %gt3A_3019 = vector.broadcast %gt3A_3018 : f32 to vector<16xf32>
    %gt3A_3020 = arith.cmpf ogt, %gather3A_3008, %gt3A_3019 : vector<16xf32>
    %convert_element_type3A_3021 = arith.extui %gt3A_3020 : vector<16xi1> to vector<16xi32>
    %add3A_3022 = arith.addi %add3A_3017, %convert_element_type3A_3021 : vector<16xi32>
    %gt3A_3023 = arith.constant 0.000000e+00 : f32
    %gt3A_3024 = vector.broadcast %gt3A_3023 : f32 to vector<16xf32>
    %gt3A_3025 = arith.cmpf ogt, %gather3A_3008, %gt3A_3024 : vector<16xf32>
    %convert_element_type3A_3026 = arith.extui %gt3A_3025 : vector<16xi1> to vector<16xi32>
    %add3A_3027 = arith.addi %add3A_3022, %convert_element_type3A_3026 : vector<16xi32>
    %gt3A_3028 = arith.constant 3.186000e-01 : f32
    %gt3A_3029 = vector.broadcast %gt3A_3028 : f32 to vector<16xf32>
    %gt3A_3030 = arith.cmpf ogt, %gather3A_3008, %gt3A_3029 : vector<16xf32>
    %convert_element_type3A_3031 = arith.extui %gt3A_3030 : vector<16xi1> to vector<16xi32>
    %add3A_3032 = arith.addi %add3A_3027, %convert_element_type3A_3031 : vector<16xi32>
    %gt3A_3033 = arith.constant 0.674499988 : f32
    %gt3A_3034 = vector.broadcast %gt3A_3033 : f32 to vector<16xf32>
    %gt3A_3035 = arith.cmpf ogt, %gather3A_3008, %gt3A_3034 : vector<16xf32>
    %convert_element_type3A_3036 = arith.extui %gt3A_3035 : vector<16xi1> to vector<16xi32>
    %add3A_3037 = arith.addi %add3A_3032, %convert_element_type3A_3036 : vector<16xi32>
    %gt3A_3038 = arith.constant 1.150300e+00 : f32
    %gt3A_3039 = vector.broadcast %gt3A_3038 : f32 to vector<16xf32>
    %gt3A_3040 = arith.cmpf ogt, %gather3A_3008, %gt3A_3039 : vector<16xf32>
    %convert_element_type3A_3041 = arith.extui %gt3A_3040 : vector<16xi1> to vector<16xi32>
    %add3A_3042 = arith.addi %add3A_3037, %convert_element_type3A_3041 : vector<16xi32>
    %swap3A_3043 = arith.constant 928 : index
    %swap3A_3044 = tpu.vector_load %arg16[%swap3A_3043] {strides = array<i32>} : memref<1024xi32, #tpu.memory_space<vmem>>, vector<16xi32>,
    tpu.vector_store %arg16[%swap3A_3043], %add3A_3042 {strides = array<i32>} : memref<1024xi32, #tpu.memory_space<vmem>>, vector<16xi32>,
    %add3A_3045 = arith.constant 48 : i32
    %add3A_3046 = vector.broadcast %add3A_3045 : i32 to vector<16xi32>
    %add3A_3047 = arith.addi %add3A_3046, %iota3A : vector<16xi32>
    %shift_right_logical3A_3048 = arith.constant 3 : i32
    %shift_right_logical3A_3049 = vector.broadcast %shift_right_logical3A_3048 : i32 to vector<16xi32>
    %shift_right_logical3A_3050 = arith.shrui %add3A_3047, %shift_right_logical3A_3049 : vector<16xi32>
    %and3A_3051 = arith.constant 7 : i32
    %and3A_3052 = vector.broadcast %and3A_3051 : i32 to vector<16xi32>
    %and3A_3053 = arith.andi %add3A_3047, %and3A_3052 : vector<16xi32>
    %gather3A_3054 = tpu.vector_load_idx %arg6[%shift_right_logical3A_3050, %and3A_3053, %mul3A_8] : memref<8x8x128xf32, #tpu.memory_space<vmem>>[vector<16xi32>, vector<16xi32>, vector<16xi32>], vector<16xf32>,
    %gt3A_3055 = arith.constant -1.150300e+00 : f32
    %gt3A_3056 = vector.broadcast %gt3A_3055 : f32 to vector<16xf32>
    %gt3A_3057 = arith.cmpf ogt, %gather3A_3054, %gt3A_3056 : vector<16xf32>
    %convert_element_type3A_3058 = arith.extui %gt3A_3057 : vector<16xi1> to vector<16xi32>
    %gt3A_3059 = arith.constant -0.674499988 : f32
    %gt3A_3060 = vector.broadcast %gt3A_3059 : f32 to vector<16xf32>
    %gt3A_3061 = arith.cmpf ogt, %gather3A_3054, %gt3A_3060 : vector<16xf32>
    %convert_element_type3A_3062 = arith.extui %gt3A_3061 : vector<16xi1> to vector<16xi32>
    %add3A_3063 = arith.addi %convert_element_type3A_3058, %convert_element_type3A_3062 : vector<16xi32>
    %gt3A_3064 = arith.constant -3.186000e-01 : f32
    %gt3A_3065 = vector.broadcast %gt3A_3064 : f32 to vector<16xf32>
    %gt3A_3066 = arith.cmpf ogt, %gather3A_3054, %gt3A_3065 : vector<16xf32>
    %convert_element_type3A_3067 = arith.extui %gt3A_3066 : vector<16xi1> to vector<16xi32>
    %add3A_3068 = arith.addi %add3A_3063, %convert_element_type3A_3067 : vector<16xi32>
    %gt3A_3069 = arith.constant 0.000000e+00 : f32
    %gt3A_3070 = vector.broadcast %gt3A_3069 : f32 to vector<16xf32>
    %gt3A_3071 = arith.cmpf ogt, %gather3A_3054, %gt3A_3070 : vector<16xf32>
    %convert_element_type3A_3072 = arith.extui %gt3A_3071 : vector<16xi1> to vector<16xi32>
    %add3A_3073 = arith.addi %add3A_3068, %convert_element_type3A_3072 : vector<16xi32>
    %gt3A_3074 = arith.constant 3.186000e-01 : f32
    %gt3A_3075 = vector.broadcast %gt3A_3074 : f32 to vector<16xf32>
    %gt3A_3076 = arith.cmpf ogt, %gather3A_3054, %gt3A_3075 : vector<16xf32>
    %convert_element_type3A_3077 = arith.extui %gt3A_3076 : vector<16xi1> to vector<16xi32>
    %add3A_3078 = arith.addi %add3A_3073, %convert_element_type3A_3077 : vector<16xi32>
    %gt3A_3079 = arith.constant 0.674499988 : f32
    %gt3A_3080 = vector.broadcast %gt3A_3079 : f32 to vector<16xf32>
    %gt3A_3081 = arith.cmpf ogt, %gather3A_3054, %gt3A_3080 : vector<16xf32>
    %convert_element_type3A_3082 = arith.extui %gt3A_3081 : vector<16xi1> to vector<16xi32>
    %add3A_3083 = arith.addi %add3A_3078, %convert_element_type3A_3082 : vector<16xi32>
    %gt3A_3084 = arith.constant 1.150300e+00 : f32
    %gt3A_3085 = vector.broadcast %gt3A_3084 : f32 to vector<16xf32>
    %gt3A_3086 = arith.cmpf ogt, %gather3A_3054, %gt3A_3085 : vector<16xf32>
    %convert_element_type3A_3087 = arith.extui %gt3A_3086 : vector<16xi1> to vector<16xi32>
    %add3A_3088 = arith.addi %add3A_3083, %convert_element_type3A_3087 : vector<16xi32>
    %swap3A_3089 = arith.constant 944 : index
    %swap3A_3090 = tpu.vector_load %arg16[%swap3A_3089] {strides = array<i32>} : memref<1024xi32, #tpu.memory_space<vmem>>, vector<16xi32>,
    tpu.vector_store %arg16[%swap3A_3089], %add3A_3088 {strides = array<i32>} : memref<1024xi32, #tpu.memory_space<vmem>>, vector<16xi32>,
    %add3A_3091 = arith.constant 896 : i32
    %add3A_3092 = arith.addi %multiple_of3A, %add3A_3091 : i32
    %dma_start3A_3093 = arith.constant 896 : i32
    %dma_start3A_3094 = tpu.memref_slice %arg16[%dma_start3A_3093] : memref<1024xi32, #tpu.memory_space<vmem>> -> memref<64xi32, #tpu.memory_space<vmem>>
    %dma_start3A_3095 = tpu.memref_slice %arg3[%add3A_3092] : memref<32768xi32, #tpu.memory_space<hbm>> -> memref<64xi32, #tpu.memory_space<hbm>>
    %dma_start3A_3096 = tpu.memref_slice %arg3[%add3A_3092] : memref<32768xi32, #tpu.memory_space<hbm>> -> memref<64xi32, #tpu.memory_space<hbm>>
    %dma_start3A_3097 = arith.constant 896 : i32
    %dma_start3A_3098 = tpu.memref_slice %arg16[%dma_start3A_3097] : memref<1024xi32, #tpu.memory_space<vmem>> -> memref<64xi32, #tpu.memory_space<vmem>>
    tpu.enqueue_dma source(%dma_start3A_3098 : memref<64xi32, #tpu.memory_space<vmem>>) target(%dma_start3A_3096 : memref<64xi32, #tpu.memory_space<hbm>>) target_semaphore(%arg29 : memref<!tpu.dma_semaphore, #tpu.memory_space<semaphore_mem>>)
    %dma_wait3A_3099 = arith.constant 0 : i32
    %dma_wait3A_3100 = arith.constant 0 : i32
    %dma_wait3A_3101 = tpu.memref_slice %arg2[%add3A_914, %dma_wait3A_3099, %dma_wait3A_3100] : memref<8192x8x1024xf32, #tpu.memory_space<hbm>> -> memref<8x8x128xf32, #tpu.memory_space<hbm>>
    %dma_wait3A_3102 = arith.constant 0 : i32
    %dma_wait3A_3103 = arith.constant 0 : i32
    %dma_wait3A_3104 = tpu.memref_slice %arg2[%add3A_914, %dma_wait3A_3102, %dma_wait3A_3103] : memref<8192x8x1024xf32, #tpu.memory_space<hbm>> -> memref<8x8x128xf32, #tpu.memory_space<hbm>>
    tpu.wait_dma2 semaphore(%arg20 : memref<!tpu.dma_semaphore, #tpu.memory_space<semaphore_mem>>) src(%dma_wait3A_3104 : memref<8x8x128xf32, #tpu.memory_space<hbm>>) dst(%arg7 : memref<8x8x128xf32, #tpu.memory_space<vmem>>)
    %add3A_3105 = arith.constant 0 : i32
    %add3A_3106 = vector.broadcast %add3A_3105 : i32 to vector<16xi32>
    %add3A_3107 = arith.addi %add3A_3106, %iota3A : vector<16xi32>
    %shift_right_logical3A_3108 = arith.constant 3 : i32
    %shift_right_logical3A_3109 = vector.broadcast %shift_right_logical3A_3108 : i32 to vector<16xi32>
    %shift_right_logical3A_3110 = arith.shrui %add3A_3107, %shift_right_logical3A_3109 : vector<16xi32>
    %and3A_3111 = arith.constant 7 : i32
    %and3A_3112 = vector.broadcast %and3A_3111 : i32 to vector<16xi32>
    %and3A_3113 = arith.andi %add3A_3107, %and3A_3112 : vector<16xi32>
    %gather3A_3114 = tpu.vector_load_idx %arg7[%shift_right_logical3A_3110, %and3A_3113, %mul3A_8] : memref<8x8x128xf32, #tpu.memory_space<vmem>>[vector<16xi32>, vector<16xi32>, vector<16xi32>], vector<16xf32>,
    %gt3A_3115 = arith.constant -1.150300e+00 : f32
    %gt3A_3116 = vector.broadcast %gt3A_3115 : f32 to vector<16xf32>
    %gt3A_3117 = arith.cmpf ogt, %gather3A_3114, %gt3A_3116 : vector<16xf32>
    %convert_element_type3A_3118 = arith.extui %gt3A_3117 : vector<16xi1> to vector<16xi32>
    %gt3A_3119 = arith.constant -0.674499988 : f32
    %gt3A_3120 = vector.broadcast %gt3A_3119 : f32 to vector<16xf32>
    %gt3A_3121 = arith.cmpf ogt, %gather3A_3114, %gt3A_3120 : vector<16xf32>
    %convert_element_type3A_3122 = arith.extui %gt3A_3121 : vector<16xi1> to vector<16xi32>
    %add3A_3123 = arith.addi %convert_element_type3A_3118, %convert_element_type3A_3122 : vector<16xi32>
    %gt3A_3124 = arith.constant -3.186000e-01 : f32
    %gt3A_3125 = vector.broadcast %gt3A_3124 : f32 to vector<16xf32>
    %gt3A_3126 = arith.cmpf ogt, %gather3A_3114, %gt3A_3125 : vector<16xf32>
    %convert_element_type3A_3127 = arith.extui %gt3A_3126 : vector<16xi1> to vector<16xi32>
    %add3A_3128 = arith.addi %add3A_3123, %convert_element_type3A_3127 : vector<16xi32>
    %gt3A_3129 = arith.constant 0.000000e+00 : f32
    %gt3A_3130 = vector.broadcast %gt3A_3129 : f32 to vector<16xf32>
    %gt3A_3131 = arith.cmpf ogt, %gather3A_3114, %gt3A_3130 : vector<16xf32>
    %convert_element_type3A_3132 = arith.extui %gt3A_3131 : vector<16xi1> to vector<16xi32>
    %add3A_3133 = arith.addi %add3A_3128, %convert_element_type3A_3132 : vector<16xi32>
    %gt3A_3134 = arith.constant 3.186000e-01 : f32
    %gt3A_3135 = vector.broadcast %gt3A_3134 : f32 to vector<16xf32>
    %gt3A_3136 = arith.cmpf ogt, %gather3A_3114, %gt3A_3135 : vector<16xf32>
    %convert_element_type3A_3137 = arith.extui %gt3A_3136 : vector<16xi1> to vector<16xi32>
    %add3A_3138 = arith.addi %add3A_3133, %convert_element_type3A_3137 : vector<16xi32>
    %gt3A_3139 = arith.constant 0.674499988 : f32
    %gt3A_3140 = vector.broadcast %gt3A_3139 : f32 to vector<16xf32>
    %gt3A_3141 = arith.cmpf ogt, %gather3A_3114, %gt3A_3140 : vector<16xf32>
    %convert_element_type3A_3142 = arith.extui %gt3A_3141 : vector<16xi1> to vector<16xi32>
    %add3A_3143 = arith.addi %add3A_3138, %convert_element_type3A_3142 : vector<16xi32>
    %gt3A_3144 = arith.constant 1.150300e+00 : f32
    %gt3A_3145 = vector.broadcast %gt3A_3144 : f32 to vector<16xf32>
    %gt3A_3146 = arith.cmpf ogt, %gather3A_3114, %gt3A_3145 : vector<16xf32>
    %convert_element_type3A_3147 = arith.extui %gt3A_3146 : vector<16xi1> to vector<16xi32>
    %add3A_3148 = arith.addi %add3A_3143, %convert_element_type3A_3147 : vector<16xi32>
    %swap3A_3149 = arith.constant 960 : index
    %swap3A_3150 = tpu.vector_load %arg16[%swap3A_3149] {strides = array<i32>} : memref<1024xi32, #tpu.memory_space<vmem>>, vector<16xi32>,
    tpu.vector_store %arg16[%swap3A_3149], %add3A_3148 {strides = array<i32>} : memref<1024xi32, #tpu.memory_space<vmem>>, vector<16xi32>,
    %add3A_3151 = arith.constant 16 : i32
    %add3A_3152 = vector.broadcast %add3A_3151 : i32 to vector<16xi32>
    %add3A_3153 = arith.addi %add3A_3152, %iota3A : vector<16xi32>
    %shift_right_logical3A_3154 = arith.constant 3 : i32
    %shift_right_logical3A_3155 = vector.broadcast %shift_right_logical3A_3154 : i32 to vector<16xi32>
    %shift_right_logical3A_3156 = arith.shrui %add3A_3153, %shift_right_logical3A_3155 : vector<16xi32>
    %and3A_3157 = arith.constant 7 : i32
    %and3A_3158 = vector.broadcast %and3A_3157 : i32 to vector<16xi32>
    %and3A_3159 = arith.andi %add3A_3153, %and3A_3158 : vector<16xi32>
    %gather3A_3160 = tpu.vector_load_idx %arg7[%shift_right_logical3A_3156, %and3A_3159, %mul3A_8] : memref<8x8x128xf32, #tpu.memory_space<vmem>>[vector<16xi32>, vector<16xi32>, vector<16xi32>], vector<16xf32>,
    %gt3A_3161 = arith.constant -1.150300e+00 : f32
    %gt3A_3162 = vector.broadcast %gt3A_3161 : f32 to vector<16xf32>
    %gt3A_3163 = arith.cmpf ogt, %gather3A_3160, %gt3A_3162 : vector<16xf32>
    %convert_element_type3A_3164 = arith.extui %gt3A_3163 : vector<16xi1> to vector<16xi32>
    %gt3A_3165 = arith.constant -0.674499988 : f32
    %gt3A_3166 = vector.broadcast %gt3A_3165 : f32 to vector<16xf32>
    %gt3A_3167 = arith.cmpf ogt, %gather3A_3160, %gt3A_3166 : vector<16xf32>
    %convert_element_type3A_3168 = arith.extui %gt3A_3167 : vector<16xi1> to vector<16xi32>
    %add3A_3169 = arith.addi %convert_element_type3A_3164, %convert_element_type3A_3168 : vector<16xi32>
    %gt3A_3170 = arith.constant -3.186000e-01 : f32
    %gt3A_3171 = vector.broadcast %gt3A_3170 : f32 to vector<16xf32>
    %gt3A_3172 = arith.cmpf ogt, %gather3A_3160, %gt3A_3171 : vector<16xf32>
    %convert_element_type3A_3173 = arith.extui %gt3A_3172 : vector<16xi1> to vector<16xi32>
    %add3A_3174 = arith.addi %add3A_3169, %convert_element_type3A_3173 : vector<16xi32>
    %gt3A_3175 = arith.constant 0.000000e+00 : f32
    %gt3A_3176 = vector.broadcast %gt3A_3175 : f32 to vector<16xf32>
    %gt3A_3177 = arith.cmpf ogt, %gather3A_3160, %gt3A_3176 : vector<16xf32>
    %convert_element_type3A_3178 = arith.extui %gt3A_3177 : vector<16xi1> to vector<16xi32>
    %add3A_3179 = arith.addi %add3A_3174, %convert_element_type3A_3178 : vector<16xi32>
    %gt3A_3180 = arith.constant 3.186000e-01 : f32
    %gt3A_3181 = vector.broadcast %gt3A_3180 : f32 to vector<16xf32>
    %gt3A_3182 = arith.cmpf ogt, %gather3A_3160, %gt3A_3181 : vector<16xf32>
    %convert_element_type3A_3183 = arith.extui %gt3A_3182 : vector<16xi1> to vector<16xi32>
    %add3A_3184 = arith.addi %add3A_3179, %convert_element_type3A_3183 : vector<16xi32>
    %gt3A_3185 = arith.constant 0.674499988 : f32
    %gt3A_3186 = vector.broadcast %gt3A_3185 : f32 to vector<16xf32>
    %gt3A_3187 = arith.cmpf ogt, %gather3A_3160, %gt3A_3186 : vector<16xf32>
    %convert_element_type3A_3188 = arith.extui %gt3A_3187 : vector<16xi1> to vector<16xi32>
    %add3A_3189 = arith.addi %add3A_3184, %convert_element_type3A_3188 : vector<16xi32>
    %gt3A_3190 = arith.constant 1.150300e+00 : f32
    %gt3A_3191 = vector.broadcast %gt3A_3190 : f32 to vector<16xf32>
    %gt3A_3192 = arith.cmpf ogt, %gather3A_3160, %gt3A_3191 : vector<16xf32>
    %convert_element_type3A_3193 = arith.extui %gt3A_3192 : vector<16xi1> to vector<16xi32>
    %add3A_3194 = arith.addi %add3A_3189, %convert_element_type3A_3193 : vector<16xi32>
    %swap3A_3195 = arith.constant 976 : index
    %swap3A_3196 = tpu.vector_load %arg16[%swap3A_3195] {strides = array<i32>} : memref<1024xi32, #tpu.memory_space<vmem>>, vector<16xi32>,
    tpu.vector_store %arg16[%swap3A_3195], %add3A_3194 {strides = array<i32>} : memref<1024xi32, #tpu.memory_space<vmem>>, vector<16xi32>,
    %add3A_3197 = arith.constant 32 : i32
    %add3A_3198 = vector.broadcast %add3A_3197 : i32 to vector<16xi32>
    %add3A_3199 = arith.addi %add3A_3198, %iota3A : vector<16xi32>
    %shift_right_logical3A_3200 = arith.constant 3 : i32
    %shift_right_logical3A_3201 = vector.broadcast %shift_right_logical3A_3200 : i32 to vector<16xi32>
    %shift_right_logical3A_3202 = arith.shrui %add3A_3199, %shift_right_logical3A_3201 : vector<16xi32>
    %and3A_3203 = arith.constant 7 : i32
    %and3A_3204 = vector.broadcast %and3A_3203 : i32 to vector<16xi32>
    %and3A_3205 = arith.andi %add3A_3199, %and3A_3204 : vector<16xi32>
    %gather3A_3206 = tpu.vector_load_idx %arg7[%shift_right_logical3A_3202, %and3A_3205, %mul3A_8] : memref<8x8x128xf32, #tpu.memory_space<vmem>>[vector<16xi32>, vector<16xi32>, vector<16xi32>], vector<16xf32>,
    %gt3A_3207 = arith.constant -1.150300e+00 : f32
    %gt3A_3208 = vector.broadcast %gt3A_3207 : f32 to vector<16xf32>
    %gt3A_3209 = arith.cmpf ogt, %gather3A_3206, %gt3A_3208 : vector<16xf32>
    %convert_element_type3A_3210 = arith.extui %gt3A_3209 : vector<16xi1> to vector<16xi32>
    %gt3A_3211 = arith.constant -0.674499988 : f32
    %gt3A_3212 = vector.broadcast %gt3A_3211 : f32 to vector<16xf32>
    %gt3A_3213 = arith.cmpf ogt, %gather3A_3206, %gt3A_3212 : vector<16xf32>
    %convert_element_type3A_3214 = arith.extui %gt3A_3213 : vector<16xi1> to vector<16xi32>
    %add3A_3215 = arith.addi %convert_element_type3A_3210, %convert_element_type3A_3214 : vector<16xi32>
    %gt3A_3216 = arith.constant -3.186000e-01 : f32
    %gt3A_3217 = vector.broadcast %gt3A_3216 : f32 to vector<16xf32>
    %gt3A_3218 = arith.cmpf ogt, %gather3A_3206, %gt3A_3217 : vector<16xf32>
    %convert_element_type3A_3219 = arith.extui %gt3A_3218 : vector<16xi1> to vector<16xi32>
    %add3A_3220 = arith.addi %add3A_3215, %convert_element_type3A_3219 : vector<16xi32>
    %gt3A_3221 = arith.constant 0.000000e+00 : f32
    %gt3A_3222 = vector.broadcast %gt3A_3221 : f32 to vector<16xf32>
    %gt3A_3223 = arith.cmpf ogt, %gather3A_3206, %gt3A_3222 : vector<16xf32>
    %convert_element_type3A_3224 = arith.extui %gt3A_3223 : vector<16xi1> to vector<16xi32>
    %add3A_3225 = arith.addi %add3A_3220, %convert_element_type3A_3224 : vector<16xi32>
    %gt3A_3226 = arith.constant 3.186000e-01 : f32
    %gt3A_3227 = vector.broadcast %gt3A_3226 : f32 to vector<16xf32>
    %gt3A_3228 = arith.cmpf ogt, %gather3A_3206, %gt3A_3227 : vector<16xf32>
    %convert_element_type3A_3229 = arith.extui %gt3A_3228 : vector<16xi1> to vector<16xi32>
    %add3A_3230 = arith.addi %add3A_3225, %convert_element_type3A_3229 : vector<16xi32>
    %gt3A_3231 = arith.constant 0.674499988 : f32
    %gt3A_3232 = vector.broadcast %gt3A_3231 : f32 to vector<16xf32>
    %gt3A_3233 = arith.cmpf ogt, %gather3A_3206, %gt3A_3232 : vector<16xf32>
    %convert_element_type3A_3234 = arith.extui %gt3A_3233 : vector<16xi1> to vector<16xi32>
    %add3A_3235 = arith.addi %add3A_3230, %convert_element_type3A_3234 : vector<16xi32>
    %gt3A_3236 = arith.constant 1.150300e+00 : f32
    %gt3A_3237 = vector.broadcast %gt3A_3236 : f32 to vector<16xf32>
    %gt3A_3238 = arith.cmpf ogt, %gather3A_3206, %gt3A_3237 : vector<16xf32>
    %convert_element_type3A_3239 = arith.extui %gt3A_3238 : vector<16xi1> to vector<16xi32>
    %add3A_3240 = arith.addi %add3A_3235, %convert_element_type3A_3239 : vector<16xi32>
    %swap3A_3241 = arith.constant 992 : index
    %swap3A_3242 = tpu.vector_load %arg16[%swap3A_3241] {strides = array<i32>} : memref<1024xi32, #tpu.memory_space<vmem>>, vector<16xi32>,
    tpu.vector_store %arg16[%swap3A_3241], %add3A_3240 {strides = array<i32>} : memref<1024xi32, #tpu.memory_space<vmem>>, vector<16xi32>,
    %add3A_3243 = arith.constant 48 : i32
    %add3A_3244 = vector.broadcast %add3A_3243 : i32 to vector<16xi32>
    %add3A_3245 = arith.addi %add3A_3244, %iota3A : vector<16xi32>
    %shift_right_logical3A_3246 = arith.constant 3 : i32
    %shift_right_logical3A_3247 = vector.broadcast %shift_right_logical3A_3246 : i32 to vector<16xi32>
    %shift_right_logical3A_3248 = arith.shrui %add3A_3245, %shift_right_logical3A_3247 : vector<16xi32>
    %and3A_3249 = arith.constant 7 : i32
    %and3A_3250 = vector.broadcast %and3A_3249 : i32 to vector<16xi32>
    %and3A_3251 = arith.andi %add3A_3245, %and3A_3250 : vector<16xi32>
    %gather3A_3252 = tpu.vector_load_idx %arg7[%shift_right_logical3A_3248, %and3A_3251, %mul3A_8] : memref<8x8x128xf32, #tpu.memory_space<vmem>>[vector<16xi32>, vector<16xi32>, vector<16xi32>], vector<16xf32>,
    %gt3A_3253 = arith.constant -1.150300e+00 : f32
    %gt3A_3254 = vector.broadcast %gt3A_3253 : f32 to vector<16xf32>
    %gt3A_3255 = arith.cmpf ogt, %gather3A_3252, %gt3A_3254 : vector<16xf32>
    %convert_element_type3A_3256 = arith.extui %gt3A_3255 : vector<16xi1> to vector<16xi32>
    %gt3A_3257 = arith.constant -0.674499988 : f32
    %gt3A_3258 = vector.broadcast %gt3A_3257 : f32 to vector<16xf32>
    %gt3A_3259 = arith.cmpf ogt, %gather3A_3252, %gt3A_3258 : vector<16xf32>
    %convert_element_type3A_3260 = arith.extui %gt3A_3259 : vector<16xi1> to vector<16xi32>
    %add3A_3261 = arith.addi %convert_element_type3A_3256, %convert_element_type3A_3260 : vector<16xi32>
    %gt3A_3262 = arith.constant -3.186000e-01 : f32
    %gt3A_3263 = vector.broadcast %gt3A_3262 : f32 to vector<16xf32>
    %gt3A_3264 = arith.cmpf ogt, %gather3A_3252, %gt3A_3263 : vector<16xf32>
    %convert_element_type3A_3265 = arith.extui %gt3A_3264 : vector<16xi1> to vector<16xi32>
    %add3A_3266 = arith.addi %add3A_3261, %convert_element_type3A_3265 : vector<16xi32>
    %gt3A_3267 = arith.constant 0.000000e+00 : f32
    %gt3A_3268 = vector.broadcast %gt3A_3267 : f32 to vector<16xf32>
    %gt3A_3269 = arith.cmpf ogt, %gather3A_3252, %gt3A_3268 : vector<16xf32>
    %convert_element_type3A_3270 = arith.extui %gt3A_3269 : vector<16xi1> to vector<16xi32>
    %add3A_3271 = arith.addi %add3A_3266, %convert_element_type3A_3270 : vector<16xi32>
    %gt3A_3272 = arith.constant 3.186000e-01 : f32
    %gt3A_3273 = vector.broadcast %gt3A_3272 : f32 to vector<16xf32>
    %gt3A_3274 = arith.cmpf ogt, %gather3A_3252, %gt3A_3273 : vector<16xf32>
    %convert_element_type3A_3275 = arith.extui %gt3A_3274 : vector<16xi1> to vector<16xi32>
    %add3A_3276 = arith.addi %add3A_3271, %convert_element_type3A_3275 : vector<16xi32>
    %gt3A_3277 = arith.constant 0.674499988 : f32
    %gt3A_3278 = vector.broadcast %gt3A_3277 : f32 to vector<16xf32>
    %gt3A_3279 = arith.cmpf ogt, %gather3A_3252, %gt3A_3278 : vector<16xf32>
    %convert_element_type3A_3280 = arith.extui %gt3A_3279 : vector<16xi1> to vector<16xi32>
    %add3A_3281 = arith.addi %add3A_3276, %convert_element_type3A_3280 : vector<16xi32>
    %gt3A_3282 = arith.constant 1.150300e+00 : f32
    %gt3A_3283 = vector.broadcast %gt3A_3282 : f32 to vector<16xf32>
    %gt3A_3284 = arith.cmpf ogt, %gather3A_3252, %gt3A_3283 : vector<16xf32>
    %convert_element_type3A_3285 = arith.extui %gt3A_3284 : vector<16xi1> to vector<16xi32>
    %add3A_3286 = arith.addi %add3A_3281, %convert_element_type3A_3285 : vector<16xi32>
    %swap3A_3287 = arith.constant 1008 : index
    %swap3A_3288 = tpu.vector_load %arg16[%swap3A_3287] {strides = array<i32>} : memref<1024xi32, #tpu.memory_space<vmem>>, vector<16xi32>,
    tpu.vector_store %arg16[%swap3A_3287], %add3A_3286 {strides = array<i32>} : memref<1024xi32, #tpu.memory_space<vmem>>, vector<16xi32>,
    %add3A_3289 = arith.constant 960 : i32
    %add3A_3290 = arith.addi %multiple_of3A, %add3A_3289 : i32
    %dma_start3A_3291 = arith.constant 960 : i32
    %dma_start3A_3292 = tpu.memref_slice %arg16[%dma_start3A_3291] : memref<1024xi32, #tpu.memory_space<vmem>> -> memref<64xi32, #tpu.memory_space<vmem>>
    %dma_start3A_3293 = tpu.memref_slice %arg3[%add3A_3290] : memref<32768xi32, #tpu.memory_space<hbm>> -> memref<64xi32, #tpu.memory_space<hbm>>
    %dma_start3A_3294 = tpu.memref_slice %arg3[%add3A_3290] : memref<32768xi32, #tpu.memory_space<hbm>> -> memref<64xi32, #tpu.memory_space<hbm>>
    %dma_start3A_3295 = arith.constant 960 : i32
    %dma_start3A_3296 = tpu.memref_slice %arg16[%dma_start3A_3295] : memref<1024xi32, #tpu.memory_space<vmem>> -> memref<64xi32, #tpu.memory_space<vmem>>
    tpu.enqueue_dma source(%dma_start3A_3296 : memref<64xi32, #tpu.memory_space<vmem>>) target(%dma_start3A_3294 : memref<64xi32, #tpu.memory_space<hbm>>) target_semaphore(%arg29 : memref<!tpu.dma_semaphore, #tpu.memory_space<semaphore_mem>>)
    %dma_wait3A_3297 = arith.constant 0 : i32
    %dma_wait3A_3298 = tpu.memref_slice %arg16[%dma_wait3A_3297] : memref<1024xi32, #tpu.memory_space<vmem>> -> memref<64xi32, #tpu.memory_space<vmem>>
    %dma_wait3A_3299 = tpu.memref_slice %arg3[%add3A_288] : memref<32768xi32, #tpu.memory_space<hbm>> -> memref<64xi32, #tpu.memory_space<hbm>>
    %dma_wait3A_3300 = tpu.memref_slice %arg3[%add3A_288] : memref<32768xi32, #tpu.memory_space<hbm>> -> memref<64xi32, #tpu.memory_space<hbm>>
    %dma_wait3A_3301 = arith.constant 0 : i32
    %dma_wait3A_3302 = tpu.memref_slice %arg16[%dma_wait3A_3301] : memref<1024xi32, #tpu.memory_space<vmem>> -> memref<64xi32, #tpu.memory_space<vmem>>
    tpu.wait_dma2 semaphore(%arg29 : memref<!tpu.dma_semaphore, #tpu.memory_space<semaphore_mem>>) src(%dma_wait3A_3302 : memref<64xi32, #tpu.memory_space<vmem>>) dst(%dma_wait3A_3300 : memref<64xi32, #tpu.memory_space<hbm>>)
    %dma_wait3A_3303 = arith.constant 64 : i32
    %dma_wait3A_3304 = tpu.memref_slice %arg16[%dma_wait3A_3303] : memref<1024xi32, #tpu.memory_space<vmem>> -> memref<64xi32, #tpu.memory_space<vmem>>
    %dma_wait3A_3305 = tpu.memref_slice %arg3[%add3A_494] : memref<32768xi32, #tpu.memory_space<hbm>> -> memref<64xi32, #tpu.memory_space<hbm>>
    %dma_wait3A_3306 = tpu.memref_slice %arg3[%add3A_494] : memref<32768xi32, #tpu.memory_space<hbm>> -> memref<64xi32, #tpu.memory_space<hbm>>
    %dma_wait3A_3307 = arith.constant 64 : i32
    %dma_wait3A_3308 = tpu.memref_slice %arg16[%dma_wait3A_3307] : memref<1024xi32, #tpu.memory_space<vmem>> -> memref<64xi32, #tpu.memory_space<vmem>>
    tpu.wait_dma2 semaphore(%arg29 : memref<!tpu.dma_semaphore, #tpu.memory_space<semaphore_mem>>) src(%dma_wait3A_3308 : memref<64xi32, #tpu.memory_space<vmem>>) dst(%dma_wait3A_3306 : memref<64xi32, #tpu.memory_space<hbm>>)
    %dma_wait3A_3309 = arith.constant 128 : i32
    %dma_wait3A_3310 = tpu.memref_slice %arg16[%dma_wait3A_3309] : memref<1024xi32, #tpu.memory_space<vmem>> -> memref<64xi32, #tpu.memory_space<vmem>>
    %dma_wait3A_3311 = tpu.memref_slice %arg3[%add3A_700] : memref<32768xi32, #tpu.memory_space<hbm>> -> memref<64xi32, #tpu.memory_space<hbm>>
    %dma_wait3A_3312 = tpu.memref_slice %arg3[%add3A_700] : memref<32768xi32, #tpu.memory_space<hbm>> -> memref<64xi32, #tpu.memory_space<hbm>>
    %dma_wait3A_3313 = arith.constant 128 : i32
    %dma_wait3A_3314 = tpu.memref_slice %arg16[%dma_wait3A_3313] : memref<1024xi32, #tpu.memory_space<vmem>> -> memref<64xi32, #tpu.memory_space<vmem>>
    tpu.wait_dma2 semaphore(%arg29 : memref<!tpu.dma_semaphore, #tpu.memory_space<semaphore_mem>>) src(%dma_wait3A_3314 : memref<64xi32, #tpu.memory_space<vmem>>) dst(%dma_wait3A_3312 : memref<64xi32, #tpu.memory_space<hbm>>)
    %dma_wait3A_3315 = arith.constant 192 : i32
    %dma_wait3A_3316 = tpu.memref_slice %arg16[%dma_wait3A_3315] : memref<1024xi32, #tpu.memory_space<vmem>> -> memref<64xi32, #tpu.memory_space<vmem>>
    %dma_wait3A_3317 = tpu.memref_slice %arg3[%add3A_906] : memref<32768xi32, #tpu.memory_space<hbm>> -> memref<64xi32, #tpu.memory_space<hbm>>
    %dma_wait3A_3318 = tpu.memref_slice %arg3[%add3A_906] : memref<32768xi32, #tpu.memory_space<hbm>> -> memref<64xi32, #tpu.memory_space<hbm>>
    %dma_wait3A_3319 = arith.constant 192 : i32
    %dma_wait3A_3320 = tpu.memref_slice %arg16[%dma_wait3A_3319] : memref<1024xi32, #tpu.memory_space<vmem>> -> memref<64xi32, #tpu.memory_space<vmem>>
    tpu.wait_dma2 semaphore(%arg29 : memref<!tpu.dma_semaphore, #tpu.memory_space<semaphore_mem>>) src(%dma_wait3A_3320 : memref<64xi32, #tpu.memory_space<vmem>>) dst(%dma_wait3A_3318 : memref<64xi32, #tpu.memory_space<hbm>>)
    %dma_wait3A_3321 = arith.constant 256 : i32
    %dma_wait3A_3322 = tpu.memref_slice %arg16[%dma_wait3A_3321] : memref<1024xi32, #tpu.memory_space<vmem>> -> memref<64xi32, #tpu.memory_space<vmem>>
    %dma_wait3A_3323 = tpu.memref_slice %arg3[%add3A_1112] : memref<32768xi32, #tpu.memory_space<hbm>> -> memref<64xi32, #tpu.memory_space<hbm>>
    %dma_wait3A_3324 = tpu.memref_slice %arg3[%add3A_1112] : memref<32768xi32, #tpu.memory_space<hbm>> -> memref<64xi32, #tpu.memory_space<hbm>>
    %dma_wait3A_3325 = arith.constant 256 : i32
    %dma_wait3A_3326 = tpu.memref_slice %arg16[%dma_wait3A_3325] : memref<1024xi32, #tpu.memory_space<vmem>> -> memref<64xi32, #tpu.memory_space<vmem>>
    tpu.wait_dma2 semaphore(%arg29 : memref<!tpu.dma_semaphore, #tpu.memory_space<semaphore_mem>>) src(%dma_wait3A_3326 : memref<64xi32, #tpu.memory_space<vmem>>) dst(%dma_wait3A_3324 : memref<64xi32, #tpu.memory_space<hbm>>)
    %dma_wait3A_3327 = arith.constant 320 : i32
    %dma_wait3A_3328 = tpu.memref_slice %arg16[%dma_wait3A_3327] : memref<1024xi32, #tpu.memory_space<vmem>> -> memref<64xi32, #tpu.memory_space<vmem>>
    %dma_wait3A_3329 = tpu.memref_slice %arg3[%add3A_1310] : memref<32768xi32, #tpu.memory_space<hbm>> -> memref<64xi32, #tpu.memory_space<hbm>>
    %dma_wait3A_3330 = tpu.memref_slice %arg3[%add3A_1310] : memref<32768xi32, #tpu.memory_space<hbm>> -> memref<64xi32, #tpu.memory_space<hbm>>
    %dma_wait3A_3331 = arith.constant 320 : i32
    %dma_wait3A_3332 = tpu.memref_slice %arg16[%dma_wait3A_3331] : memref<1024xi32, #tpu.memory_space<vmem>> -> memref<64xi32, #tpu.memory_space<vmem>>
    tpu.wait_dma2 semaphore(%arg29 : memref<!tpu.dma_semaphore, #tpu.memory_space<semaphore_mem>>) src(%dma_wait3A_3332 : memref<64xi32, #tpu.memory_space<vmem>>) dst(%dma_wait3A_3330 : memref<64xi32, #tpu.memory_space<hbm>>)
    %dma_wait3A_3333 = arith.constant 384 : i32
    %dma_wait3A_3334 = tpu.memref_slice %arg16[%dma_wait3A_3333] : memref<1024xi32, #tpu.memory_space<vmem>> -> memref<64xi32, #tpu.memory_space<vmem>>
    %dma_wait3A_3335 = tpu.memref_slice %arg3[%add3A_1508] : memref<32768xi32, #tpu.memory_space<hbm>> -> memref<64xi32, #tpu.memory_space<hbm>>
    %dma_wait3A_3336 = tpu.memref_slice %arg3[%add3A_1508] : memref<32768xi32, #tpu.memory_space<hbm>> -> memref<64xi32, #tpu.memory_space<hbm>>
    %dma_wait3A_3337 = arith.constant 384 : i32
    %dma_wait3A_3338 = tpu.memref_slice %arg16[%dma_wait3A_3337] : memref<1024xi32, #tpu.memory_space<vmem>> -> memref<64xi32, #tpu.memory_space<vmem>>
    tpu.wait_dma2 semaphore(%arg29 : memref<!tpu.dma_semaphore, #tpu.memory_space<semaphore_mem>>) src(%dma_wait3A_3338 : memref<64xi32, #tpu.memory_space<vmem>>) dst(%dma_wait3A_3336 : memref<64xi32, #tpu.memory_space<hbm>>)
    %dma_wait3A_3339 = arith.constant 448 : i32
    %dma_wait3A_3340 = tpu.memref_slice %arg16[%dma_wait3A_3339] : memref<1024xi32, #tpu.memory_space<vmem>> -> memref<64xi32, #tpu.memory_space<vmem>>
    %dma_wait3A_3341 = tpu.memref_slice %arg3[%add3A_1706] : memref<32768xi32, #tpu.memory_space<hbm>> -> memref<64xi32, #tpu.memory_space<hbm>>
    %dma_wait3A_3342 = tpu.memref_slice %arg3[%add3A_1706] : memref<32768xi32, #tpu.memory_space<hbm>> -> memref<64xi32, #tpu.memory_space<hbm>>
    %dma_wait3A_3343 = arith.constant 448 : i32
    %dma_wait3A_3344 = tpu.memref_slice %arg16[%dma_wait3A_3343] : memref<1024xi32, #tpu.memory_space<vmem>> -> memref<64xi32, #tpu.memory_space<vmem>>
    tpu.wait_dma2 semaphore(%arg29 : memref<!tpu.dma_semaphore, #tpu.memory_space<semaphore_mem>>) src(%dma_wait3A_3344 : memref<64xi32, #tpu.memory_space<vmem>>) dst(%dma_wait3A_3342 : memref<64xi32, #tpu.memory_space<hbm>>)
    %dma_wait3A_3345 = arith.constant 512 : i32
    %dma_wait3A_3346 = tpu.memref_slice %arg16[%dma_wait3A_3345] : memref<1024xi32, #tpu.memory_space<vmem>> -> memref<64xi32, #tpu.memory_space<vmem>>
    %dma_wait3A_3347 = tpu.memref_slice %arg3[%add3A_1904] : memref<32768xi32, #tpu.memory_space<hbm>> -> memref<64xi32, #tpu.memory_space<hbm>>
    %dma_wait3A_3348 = tpu.memref_slice %arg3[%add3A_1904] : memref<32768xi32, #tpu.memory_space<hbm>> -> memref<64xi32, #tpu.memory_space<hbm>>
    %dma_wait3A_3349 = arith.constant 512 : i32
    %dma_wait3A_3350 = tpu.memref_slice %arg16[%dma_wait3A_3349] : memref<1024xi32, #tpu.memory_space<vmem>> -> memref<64xi32, #tpu.memory_space<vmem>>
    tpu.wait_dma2 semaphore(%arg29 : memref<!tpu.dma_semaphore, #tpu.memory_space<semaphore_mem>>) src(%dma_wait3A_3350 : memref<64xi32, #tpu.memory_space<vmem>>) dst(%dma_wait3A_3348 : memref<64xi32, #tpu.memory_space<hbm>>)
    %dma_wait3A_3351 = arith.constant 576 : i32
    %dma_wait3A_3352 = tpu.memref_slice %arg16[%dma_wait3A_3351] : memref<1024xi32, #tpu.memory_space<vmem>> -> memref<64xi32, #tpu.memory_space<vmem>>
    %dma_wait3A_3353 = tpu.memref_slice %arg3[%add3A_2102] : memref<32768xi32, #tpu.memory_space<hbm>> -> memref<64xi32, #tpu.memory_space<hbm>>
    %dma_wait3A_3354 = tpu.memref_slice %arg3[%add3A_2102] : memref<32768xi32, #tpu.memory_space<hbm>> -> memref<64xi32, #tpu.memory_space<hbm>>
    %dma_wait3A_3355 = arith.constant 576 : i32
    %dma_wait3A_3356 = tpu.memref_slice %arg16[%dma_wait3A_3355] : memref<1024xi32, #tpu.memory_space<vmem>> -> memref<64xi32, #tpu.memory_space<vmem>>
    tpu.wait_dma2 semaphore(%arg29 : memref<!tpu.dma_semaphore, #tpu.memory_space<semaphore_mem>>) src(%dma_wait3A_3356 : memref<64xi32, #tpu.memory_space<vmem>>) dst(%dma_wait3A_3354 : memref<64xi32, #tpu.memory_space<hbm>>)
    %dma_wait3A_3357 = arith.constant 640 : i32
    %dma_wait3A_3358 = tpu.memref_slice %arg16[%dma_wait3A_3357] : memref<1024xi32, #tpu.memory_space<vmem>> -> memref<64xi32, #tpu.memory_space<vmem>>
    %dma_wait3A_3359 = tpu.memref_slice %arg3[%add3A_2300] : memref<32768xi32, #tpu.memory_space<hbm>> -> memref<64xi32, #tpu.memory_space<hbm>>
    %dma_wait3A_3360 = tpu.memref_slice %arg3[%add3A_2300] : memref<32768xi32, #tpu.memory_space<hbm>> -> memref<64xi32, #tpu.memory_space<hbm>>
    %dma_wait3A_3361 = arith.constant 640 : i32
    %dma_wait3A_3362 = tpu.memref_slice %arg16[%dma_wait3A_3361] : memref<1024xi32, #tpu.memory_space<vmem>> -> memref<64xi32, #tpu.memory_space<vmem>>
    tpu.wait_dma2 semaphore(%arg29 : memref<!tpu.dma_semaphore, #tpu.memory_space<semaphore_mem>>) src(%dma_wait3A_3362 : memref<64xi32, #tpu.memory_space<vmem>>) dst(%dma_wait3A_3360 : memref<64xi32, #tpu.memory_space<hbm>>)
    %dma_wait3A_3363 = arith.constant 704 : i32
    %dma_wait3A_3364 = tpu.memref_slice %arg16[%dma_wait3A_3363] : memref<1024xi32, #tpu.memory_space<vmem>> -> memref<64xi32, #tpu.memory_space<vmem>>
    %dma_wait3A_3365 = tpu.memref_slice %arg3[%add3A_2498] : memref<32768xi32, #tpu.memory_space<hbm>> -> memref<64xi32, #tpu.memory_space<hbm>>
    %dma_wait3A_3366 = tpu.memref_slice %arg3[%add3A_2498] : memref<32768xi32, #tpu.memory_space<hbm>> -> memref<64xi32, #tpu.memory_space<hbm>>
    %dma_wait3A_3367 = arith.constant 704 : i32
    %dma_wait3A_3368 = tpu.memref_slice %arg16[%dma_wait3A_3367] : memref<1024xi32, #tpu.memory_space<vmem>> -> memref<64xi32, #tpu.memory_space<vmem>>
    tpu.wait_dma2 semaphore(%arg29 : memref<!tpu.dma_semaphore, #tpu.memory_space<semaphore_mem>>) src(%dma_wait3A_3368 : memref<64xi32, #tpu.memory_space<vmem>>) dst(%dma_wait3A_3366 : memref<64xi32, #tpu.memory_space<hbm>>)
    %dma_wait3A_3369 = arith.constant 768 : i32
    %dma_wait3A_3370 = tpu.memref_slice %arg16[%dma_wait3A_3369] : memref<1024xi32, #tpu.memory_space<vmem>> -> memref<64xi32, #tpu.memory_space<vmem>>
    %dma_wait3A_3371 = tpu.memref_slice %arg3[%add3A_2696] : memref<32768xi32, #tpu.memory_space<hbm>> -> memref<64xi32, #tpu.memory_space<hbm>>
    %dma_wait3A_3372 = tpu.memref_slice %arg3[%add3A_2696] : memref<32768xi32, #tpu.memory_space<hbm>> -> memref<64xi32, #tpu.memory_space<hbm>>
    %dma_wait3A_3373 = arith.constant 768 : i32
    %dma_wait3A_3374 = tpu.memref_slice %arg16[%dma_wait3A_3373] : memref<1024xi32, #tpu.memory_space<vmem>> -> memref<64xi32, #tpu.memory_space<vmem>>
    tpu.wait_dma2 semaphore(%arg29 : memref<!tpu.dma_semaphore, #tpu.memory_space<semaphore_mem>>) src(%dma_wait3A_3374 : memref<64xi32, #tpu.memory_space<vmem>>) dst(%dma_wait3A_3372 : memref<64xi32, #tpu.memory_space<hbm>>)
    %dma_wait3A_3375 = arith.constant 832 : i32
    %dma_wait3A_3376 = tpu.memref_slice %arg16[%dma_wait3A_3375] : memref<1024xi32, #tpu.memory_space<vmem>> -> memref<64xi32, #tpu.memory_space<vmem>>
    %dma_wait3A_3377 = tpu.memref_slice %arg3[%add3A_2894] : memref<32768xi32, #tpu.memory_space<hbm>> -> memref<64xi32, #tpu.memory_space<hbm>>
    %dma_wait3A_3378 = tpu.memref_slice %arg3[%add3A_2894] : memref<32768xi32, #tpu.memory_space<hbm>> -> memref<64xi32, #tpu.memory_space<hbm>>
    %dma_wait3A_3379 = arith.constant 832 : i32
    %dma_wait3A_3380 = tpu.memref_slice %arg16[%dma_wait3A_3379] : memref<1024xi32, #tpu.memory_space<vmem>> -> memref<64xi32, #tpu.memory_space<vmem>>
    tpu.wait_dma2 semaphore(%arg29 : memref<!tpu.dma_semaphore, #tpu.memory_space<semaphore_mem>>) src(%dma_wait3A_3380 : memref<64xi32, #tpu.memory_space<vmem>>) dst(%dma_wait3A_3378 : memref<64xi32, #tpu.memory_space<hbm>>)
    %dma_wait3A_3381 = arith.constant 896 : i32
    %dma_wait3A_3382 = tpu.memref_slice %arg16[%dma_wait3A_3381] : memref<1024xi32, #tpu.memory_space<vmem>> -> memref<64xi32, #tpu.memory_space<vmem>>
    %dma_wait3A_3383 = tpu.memref_slice %arg3[%add3A_3092] : memref<32768xi32, #tpu.memory_space<hbm>> -> memref<64xi32, #tpu.memory_space<hbm>>
    %dma_wait3A_3384 = tpu.memref_slice %arg3[%add3A_3092] : memref<32768xi32, #tpu.memory_space<hbm>> -> memref<64xi32, #tpu.memory_space<hbm>>
    %dma_wait3A_3385 = arith.constant 896 : i32
    %dma_wait3A_3386 = tpu.memref_slice %arg16[%dma_wait3A_3385] : memref<1024xi32, #tpu.memory_space<vmem>> -> memref<64xi32, #tpu.memory_space<vmem>>
    tpu.wait_dma2 semaphore(%arg29 : memref<!tpu.dma_semaphore, #tpu.memory_space<semaphore_mem>>) src(%dma_wait3A_3386 : memref<64xi32, #tpu.memory_space<vmem>>) dst(%dma_wait3A_3384 : memref<64xi32, #tpu.memory_space<hbm>>)
    %dma_wait3A_3387 = arith.constant 960 : i32
    %dma_wait3A_3388 = tpu.memref_slice %arg16[%dma_wait3A_3387] : memref<1024xi32, #tpu.memory_space<vmem>> -> memref<64xi32, #tpu.memory_space<vmem>>
    %dma_wait3A_3389 = tpu.memref_slice %arg3[%add3A_3290] : memref<32768xi32, #tpu.memory_space<hbm>> -> memref<64xi32, #tpu.memory_space<hbm>>
    %dma_wait3A_3390 = tpu.memref_slice %arg3[%add3A_3290] : memref<32768xi32, #tpu.memory_space<hbm>> -> memref<64xi32, #tpu.memory_space<hbm>>
    %dma_wait3A_3391 = arith.constant 960 : i32
    %dma_wait3A_3392 = tpu.memref_slice %arg16[%dma_wait3A_3391] : memref<1024xi32, #tpu.memory_space<vmem>> -> memref<64xi32, #tpu.memory_space<vmem>>
    tpu.wait_dma2 semaphore(%arg29 : memref<!tpu.dma_semaphore, #tpu.memory_space<semaphore_mem>>) src(%dma_wait3A_3392 : memref<64xi32, #tpu.memory_space<vmem>>) dst(%dma_wait3A_3390 : memref<64xi32, #tpu.memory_space<hbm>>)
    return
  }
}

</mosaic_0001>

<sc_bundles>
// kernel: kernel.3.cloned.1.call-start
scs
__scs_entry_jumppad:
0x0: {  	(pc) =	sbr.rel $0x88, $3  }
0x1: {  	(tag) =	ssettag $0x0;
	lr =	simm.s32 $0x1  }
0x2: {  	[smem:$0x3FA0] =	sst lr;
	_ =	strace $0xD0000000  }
0x3: {  	_ = 	snop  }
0x4: {  	_ = 	snop  }
0x5: {  	_ = 	snop  }
0x6: {  	_ = 	snop  }
0x7: {  	_ = 	snop  }
__scs_overlays_trampoline_lowered:
0x8: {  	[smem:$0x3FAF] =	sst s0  }
0x9: {  	[smem:$0x3FB0] =	sst s1  }
0xa: {  	[smem:$0x3FB1] =	sst s2  }
0xb: {  	[smem:$0x3FB2] =	sst s3  }
0xc: {  	[smem:$0x3FB3] =	sst s4  }
0xd: {  	[smem:$0x3FB4] =	sst s5  }
0xe: {  	[smem:$0x3FB5] =	sst s6  }
0xf: {  	[smem:$0x3FB6] =	sst s7  }
0x10: {  	[smem:$0x3FB7] =	sst s8  }
0x11: {  	[smem:$0x3FB8] =	sst s9;
	s0 =	simm.s32 @!p0 $0x0  }
0x12: {  	s1 =	sld [smem:$0x3F9E];
	s0 =	simm.s32 @p0 $0x1  }
0x13: {  	[smem:$0x3FB9] =	sst s0;
	s0 =	simm.s32 @!p1 $0x0  }
0x14: {  	s2 =	sld [smem:$0x3F9D];
	s0 =	simm.s32 @p1 $0x1  }
0x15: {  	[smem:$0x3FBA] =	sst s0;
	s0 =	simm.s32 @!p2 $0x0  }
0x16: {  	s3 =	sld [smem:$0x3FDB];
	s0 =	simm.s32 @p2 $0x1  }
0x17: {  	s4 =	simm.s32 $0x1BF5;
	[smem:$0x3FBC] =	sst s0  }
0x18: {  	s0 =	sld [smem:$0x3F9F];
	_ =	swait.ge [sflag:s4], $0x0  }
0x19: {  	s7 =	sld [smem:$0x3FA0]  }
0x1a: {  	s8 =	sadd.s32 $0xFFFFE003, lr  }
0x1b: {  	s9 =	sadd.s32 $0xFFFFFEF7, lr;
	s5 =	simm.s32 $0xFFFFFFFF;
	p2 =	slt.u32 s8, $0xFFFFF086  }
0x1c: {  	p1 =	slt.u32 s9, $0xF7A;
	s5 =	simm.s32 @!p2 $0x0  }
0x1d: {  	s5 =	simm.s32 @p1 $0x1;
	p0 =	seq.s32 s7, s2  }
0x1e: {  	s7 =	smul.u32 @!p0 $0xF7A, s2;
	p2 =	seq.s32 @!p0 s5, $0x0  }
0x1f: {  	s9 =	smul.u32 $0xF7A, s1;
	s8 =	simm.s32 @!p0 $0x1BF5;
	p2 =	por !p2, p0  }
0x20: {  	[sflag:s8] =	ssyncset.s32 @!p0 $0xFFFFF086;
	s6 =	sadd.s32 @!p0 s3, s7;
	s7 =	simm.s32 @!p0 $0x108  }
0x21: {  	s3 =	sadd.s32 s3, s9;
	s6 =	sadd.s32 @!p0 $0x88, s6;
	s7 =	simm.s32 @p2 $0x1082  }
0x22: {  	[simem:s7], [sflag:s8] =	dma.local @!p0 [hbm:s6], $0xF7A  }
0x23: {  	s9 =	sor.u32 $0xD0000000, s2;
	s6 =	simm.s32 $0x108;
	_ =	swait.ge @!p0 [sflag:s8], $0x0  }
0x24: {  	s3 =	sadd.s32 $0x88, s3;
	s6 =	simm.s32 @!p1 $0x1082;
	[sflag:s4] =	ssyncset.s32 $0xFFFFF086  }
0x25: {  	[simem:s6], [sflag:s4] =	dma.local [hbm:s3], $0xF7A  }
0x26: {  	[smem:$0x3FA0] =	sst s1;
	(tag) =	ssettag s2;
	_ =	strace s9  }
0x27: {  	s1 =	sld [smem:$0x3FB0]  }
0x28: {  	s2 =	sld [smem:$0x3FB1]  }
0x29: {  	s4 =	sld [smem:$0x3FB3]  }
0x2a: {  	p0 =	seq.s32 s5, $0x0;
	s5 =	sld [smem:$0x3FB4]  }
0x2b: {  	s6 =	sld [smem:$0x3FB5]  }
0x2c: {  	s7 =	sld [smem:$0x3FB6]  }
0x2d: {  	s3 =	simm.s32 $0x108;
	s8 =	sld [smem:$0x3FB7]  }
0x2e: {  	s3 =	simm.s32 @!p0 $0x1082;
	s9 =	sld [smem:$0x3FB8]  }
0x2f: {  	lr =	sadd.s32 s0, s3;
	s0 =	sld [smem:$0x3FAF]  }
0x30: {  	s3 =	sld [smem:$0x3FB2]  }
0x31: {  	[smem:$0x3FBB] =	sst s10  }
0x32: {  	s10 =	sld [smem:$0x3FB9];
	_ =	sdelay $0x3  }
0x33: {  	p0 =	seq.s32 s10, $0x1;
	s10 =	sld [smem:$0x3FBB];
	_ =	sdelay $0x3  }
0x34: {  	[smem:$0x3FBB] =	sst s10  }
0x35: {  	s10 =	sld [smem:$0x3FBA];
	_ =	sdelay $0x3  }
0x36: {  	p1 =	seq.s32 s10, $0x1;
	s10 =	sld [smem:$0x3FBB];
	_ =	sdelay $0x3  }
0x37: {  	[smem:$0x3FBB] =	sst s10  }
0x38: {  	s10 =	sld [smem:$0x3FBC]  }
0x39: {  	_ = 	snop;
	(pc) =	sbr.ind lr, $3  }
0x3a: {  	_ = 	snop  }
0x3b: {  	_ = 	snop  }
0x3c: {  	p2 =	seq.s32 s10, $0x1;
	s10 =	sld [smem:$0x3FBB]  }
0x3d: {  	_ =	shalt  }
0x3e: {  	_ =	shalt  }
0x3f: {  	_ =	shalt  }
0x40: {  	_ =	shalt  }
0x41: {  	_ =	shalt  }
0x42: {  	_ =	shalt  }
0x43: {  	_ =	shalt  }
0x44: {  	_ =	shalt  }
0x45: {  	_ =	shalt  }
0x46: {  	_ =	shalt  }
0x47: {  	_ =	shalt  }
0x48: {  	_ =	shalt  }
0x49: {  	_ =	shalt  }
0x4a: {  	_ =	shalt  }
0x4b: {  	_ =	shalt  }
0x4c: {  	_ =	shalt  }
0x4d: {  	_ =	shalt  }
0x4e: {  	_ =	shalt  }
0x4f: {  	_ =	shalt  }
0x50: {  	_ =	shalt  }
0x51: {  	_ =	shalt  }
0x52: {  	_ =	shalt  }
0x53: {  	_ =	shalt  }
0x54: {  	_ =	shalt  }
0x55: {  	_ =	shalt  }
0x56: {  	_ =	shalt  }
0x57: {  	_ =	shalt  }
0x58: {  	_ =	shalt  }
0x59: {  	_ =	shalt  }
0x5a: {  	_ =	shalt  }
0x5b: {  	_ =	shalt  }
0x5c: {  	_ =	shalt  }
0x5d: {  	_ =	shalt  }
0x5e: {  	_ =	shalt  }
0x5f: {  	_ =	shalt  }
0x60: {  	_ =	shalt  }
0x61: {  	_ =	shalt  }
0x62: {  	_ =	shalt  }
0x63: {  	_ =	shalt  }
0x64: {  	_ =	shalt  }
0x65: {  	_ =	shalt  }
0x66: {  	_ =	shalt  }
0x67: {  	_ =	shalt  }
0x68: {  	_ =	shalt  }
0x69: {  	_ =	shalt  }
0x6a: {  	_ =	shalt  }
0x6b: {  	_ =	shalt  }
0x6c: {  	_ =	shalt  }
0x6d: {  	_ =	shalt  }
0x6e: {  	_ =	shalt  }
0x6f: {  	_ =	shalt  }
0x70: {  	_ =	shalt  }
0x71: {  	_ =	shalt  }
0x72: {  	_ =	shalt  }
0x73: {  	_ =	shalt  }
0x74: {  	_ =	shalt  }
0x75: {  	_ =	shalt  }
0x76: {  	_ =	shalt  }
0x77: {  	_ =	shalt  }
0x78: {  	_ =	shalt  }
0x79: {  	_ =	shalt  }
0x7a: {  	_ =	shalt  }
0x7b: {  	_ =	shalt  }
0x7c: {  	_ =	shalt  }
0x7d: {  	_ =	shalt  }
0x7e: {  	_ =	shalt  }
0x7f: {  	_ =	shalt  }
0x80: {  	_ =	shalt  }
0x81: {  	_ =	shalt  }
0x82: {  	_ =	shalt  }
0x83: {  	_ =	shalt  }
0x84: {  	_ =	shalt  }
0x85: {  	_ =	shalt  }
0x86: {  	_ =	shalt  }
0x87: {  	_ =	shalt  }
.Lfunc_end0:
.L_simem_size_0:
called_computation_lowered:
.L_overlay_start_0:
0x88: {  	s2 =	sld [smem:$0x3FD9]  }
0x89: {  	s3 =	sld [smem:$0x3FFE];
	_ =	sdelay $0x1  }
0x8a: {  	s1 =	srdreg.scid  }
0x8b: {  	s0 =	sand.u32 $0x1, s1  }
0x8c: {  	s18 =	sshll.u32 s0, $0xA;
	s2 =	sadd.s32 s3, s2  }
0x8d: {  	s2 =	sadd.s32 s2, s18  }
0x8e: {  	[smem:$0x3FC7] =	sst s2  }
0x8f: {  	_ = 	snop  }
0x90: {  	s2 =	sld [smem:$0x3FC9]  }
0x91: {  	s19 =	sld [smem:$0x3FD0];
	(tm) =	ssettm $0x1  }
0x92: {  	s4 =	sld [smem:$0x3FFB];
	_ =	sdelay $0x3  }
0x93: {  	_ =	strace s4  }
0x94: {  	s4 =	sld [smem:$0x3FFC];
	_ =	sdelay $0x3  }
0x95: {  	_ =	strace s4  }
0x96: {  	s4 =	sld [smem:$0x3FFD];
	_ =	sdelay $0x3  }
0x97: {  	_ =	strace s4  }
0x98: {  	_ =	strace $0x8FFFFFFF  }
0x99: {  	s20 =	sld [smem:$0x3FDB];
	_ =	sdelay $0x1  }
0x9a: {  	s5 =	simm.s32 $_scs_section_size  }
0x9b: {  	s6 =	simm.s32 $_size__tile_overlayer_lowered;
	s7 =	simm.s32 $_tile_overlayer_lowered  }
0x9c: {  	s23 =	simm.s32 $0x1BFF;
	s22 =	sshll.u32 s7, $0x1;
	s4 =	sadd.s32 s5, s20  }
0x9d: {  	s8 =	simm.s32 $0x0;
	s21 =	sshll.u32 s6, $0x1;
	s6 =	sadd.s32 s22, s4  }
0x9e: {  	[timem:s8], [sflag:s23] =	dma.local [hbm:s6], s21  }
0x9f: {  	_ =	swait.ge [sflag:s23], s21  }
0xa0: {  	s5 =	ssub.s32 $0x0, s21;
	[sflag:s23] =	ssyncset.done $0x0  }
0xa1: {  	[sflag:s23] =	ssyncadd.s32 s5;
	_ =	sdelay $0x1  }
0xa2: {  	s24 =	simm.s32 $0x1B8B  }
0xa3: {  	_ =	swait.ge [sflag:s24], $0x1  }
0xa4: {  	[sflag:s24] =	ssyncset.done $0x0  }
0xa5: {  	s25 =	simm.s32 $0x1B8E;
	[sflag:s24] =	ssyncadd.s32 $0xFFFFFFFF  }
0xa6: {  	s26 =	simm.s32 $execute0_lowered;
	[smem:$0x3FD2] =	sst s25  }
0xa7: {  	s5 =	sshll.u32 s26, $0x1;
	_ =	strace $0x80000046;
	[dreg:$0x1] =	wrdreg $0xFFFFFFFF  }
0xa8: {  	s28 =	simm.s32 $_size_execute0_lowered;
	s4 =	sadd.s32 s4, s5;
	[dreg:$0x0] =	wrdreg $0x0  }
0xa9: {  	s5 =	sshll.u32 s28, $0x1;
	[dreg:$0x2] =	wrdreg s4  }
0xaa: {  	[dreg:$0x3] =	wrdreg s5  }
0xab: {  	[dreg:$0x4] =	wrdreg $0xC0  }
0xac: {  	_ =	task [dreg:s8], $0x5FFFF  }
0xad: {  	[dreg:$0x1] =	wrdreg $0xFFFFFFFF  }
0xae: {  	[dreg:$0x0] =	wrdreg $0x60  }
0xaf: {  	[dreg:$0x2] =	wrdreg s2  }
0xb0: {  	[dreg:$0x3] =	wrdreg s19  }
0xb1: {  	[dreg:$0x4] =	wrdreg $0x9  }
0xb2: {  	_ =	task.clear_ibuf [dreg:s8], $0x5FFFF;
	_ =	strace $0x90000046  }
0xb3: {  	s29 =	simm.s32 $0x9;
	_ =	strace $0x80000048  }
0xb4: {  	_ =	swait.ge [sflag:s29], $0x1  }
0xb5: {  	[sflag:s29] =	ssyncadd.s32 $0xFFFFFFFF  }
0xb6: {  	_ =	strace $0x90000048  }
0xb7: {  	_ =	sfence  }
0xb8: {  	s30 =	sld [smem:$0x0];
	_ =	sdelay $0x2  }
0xb9: {  	s31 =	sshll.u32 s1, $0xD;
	s1 =	sshrl.u32 s1, $0x2  }
0xba: {  	s3 =	sand.u32 $0x4000, s31;
	s1 =	sadd.s32 s1, s30  }
0xbb: {  	s0 =	sor.u32 s3, s0;
	s1 =	sshll.u32 s1, $0x11  }
0xbc: {  	s0 =	sor.u32 s1, s0  }
0xbd: {  	s0 =	sadd.s32 $0x8F2B, s0  }
0xbe: {  	[sflag:s0] =	ssyncadd.remote.s32 $0x1  }
0xbf: {  	_ =	sfence.sel $0xFFFF  }
0xc0: {  	[dreg:$0x0] =	wrdreg $0xFFFFFFFF;
	(pc) =	sbr.abs _section_cstart, $3  }
0xc1: {  	[dreg:$0x1] =	wrdreg $0xFFFFFFFF  }
0xc2: {  	_ =	task.clear_ibuf [dreg:s8], $0x2FFFF;
	_ =	strace $0x9FFFFFFF  }
0xc3: {  	(tm) =	ssettm $0x7FFFFFFF  }
tec
execute0_lowered:
.L_overlay_start_1:
0x0: {  	(tag) =	ssettag $0x1  }
0x1: {  	s1 =	srdreg.scid;
	s0 =	stileid.u32  }
0x2: {  	s1 =	sand.u32 $0x1, s1;
	s2 =	sshll.u32 s0, $0x1  }
0x3: {  	s3 =	rddreg [dreg:$0x0];
	s5 =	sor.u32 s1, s2  }
0x4: {  	s4 =	rddreg [dreg:$0x1];
	s2 =	simm.s32 $0x0;
	s6 =	sshll.u32 s5, $0x11  }
0x5: {  	[smem:$0x7FF] =	sst s2;
	s3 =	sadd.s32 s3, s6  }
0x6: {  	_ =	strace $0x80000047;
	s6 =	sadd.s32 $0x2000, s3;
	[smem:$0x7ED] =	sst s3  }
0x7: {  	s7 =	sadd.s32 $0x4000, s3;
	[dreg:$0x3] =	wrdreg s6  }
0x8: {  	s8 =	sadd.s32 $0x6000, s3;
	[dreg:$0x4] =	wrdreg s7  }
0x9: {  	s9 =	sadd.s32 $0x8000, s3;
	[dreg:$0x5] =	wrdreg s8  }
0xa: {  	s10 =	sadd.s32 $0xA000, s3;
	[dreg:$0x6] =	wrdreg s9  }
0xb: {  	s11 =	sadd.s32 $0xC000, s3;
	[dreg:$0x7] =	wrdreg s10  }
0xc: {  	s12 =	sadd.s32 $0xE000, s3;
	[dreg:$0x8] =	wrdreg s11  }
0xd: {  	s13 =	sadd.s32 $0x10000, s3;
	[dreg:$0x9] =	wrdreg s12  }
0xe: {  	s14 =	sadd.s32 $0x12000, s3;
	[dreg:$0xa] =	wrdreg s13  }
0xf: {  	s15 =	sadd.s32 $0x14000, s3;
	[dreg:$0xb] =	wrdreg s14  }
0x10: {  	s5 =	sshll.u32 s5, $0x7;
	s16 =	sadd.s32 $0x16000, s3;
	[dreg:$0xc] =	wrdreg s15  }
0x11: {  	s4 =	sadd.s32 s4, s5;
	s17 =	sadd.s32 $0x18000, s3;
	[dreg:$0xd] =	wrdreg s16  }
0x12: {  	s18 =	sadd.s32 $0x8, s4;
	[dreg:$0xe] =	wrdreg s17  }
0x13: {  	s19 =	sadd.s32 $0x1A000, s3;
	[dreg:$0xf] =	wrdreg s18  }
0x14: {  	s20 =	sadd.s32 $0x10, s4;
	[dreg:$0x10] =	wrdreg s19  }
0x15: {  	s21 =	sadd.s32 $0x1C000, s3;
	[dreg:$0x11] =	wrdreg s20  }
0x16: {  	s22 =	sadd.s32 $0x18, s4;
	[dreg:$0x12] =	wrdreg s21  }
0x17: {  	s23 =	sadd.s32 $0x1E000, s3;
	[dreg:$0x13] =	wrdreg s22  }
0x18: {  	s24 =	sadd.s32 $0x20, s4;
	[dreg:$0x14] =	wrdreg s23  }
0x19: {  	s25 =	sadd.s32 $0x28, s4;
	[dreg:$0x15] =	wrdreg s24  }
0x1a: {  	s26 =	sadd.s32 $0x30, s4;
	[dreg:$0x16] =	wrdreg s25  }
0x1b: {  	s28 =	simm.s32 $0xA;
	s31 =	sadd.s32 $0x38, s4;
	[dreg:$0x17] =	wrdreg s26  }
0x1c: {  	s29 =	simm.s32 $0xB;
	s0 =	sadd.s32 $0x40, s4;
	[dreg:$0x18] =	wrdreg s31  }
0x1d: {  	s30 =	simm.s32 $0xC;
	s3 =	sadd.s32 $0x48, s4;
	[dreg:$0x19] =	wrdreg s0  }
0x1e: {  	s1 =	ssub.s32 $0x2, s1;
	[dreg:$0x1a] =	wrdreg s3;
	s6 =	sadd.s32 $0x50, s4  }
0x1f: {  	s7 =	sadd.s32 $0x58, s4;
	s8 =	sadd.s32 $0x60, s4;
	[dreg:$0x1b] =	wrdreg s6  }
0x20: {  	s9 =	sadd.s32 $0x68, s4;
	s10 =	sadd.s32 $0x70, s4;
	[dreg:$0x1c] =	wrdreg s7  }
0x21: {  	s11 =	sshrl.u32 s1, $0x1;
	s12 =	sadd.s32 $0x78, s4;
	[dreg:$0x1d] =	wrdreg s8  }
0x22: {  	s13 =	simm.s32 $0x18000;
	s14 =	simm.s32 $0x18040;
	[dreg:$0x1e] =	wrdreg s9  }
0x23: {  	s15 =	simm.s32 $0x18080;
	s16 =	simm.s32 $0x180C0;
	[dreg:$0x1f] =	wrdreg s10  }
0x24: {  	s17 =	simm.s32 $0x18100;
	s18 =	simm.s32 $0x18140;
	[smem:$0x7EE] =	sst s12  }
0x25: {  	s19 =	simm.s32 $0x18180;
	s20 =	simm.s32 $0x181C0;
	[smem:$0x7EF] =	sst s13  }
0x26: {  	s21 =	simm.s32 $0x18200;
	s22 =	simm.s32 $0x18240;
	[smem:$0x7F0] =	sst s14  }
0x27: {  	s23 =	simm.s32 $0x18280;
	s24 =	simm.s32 $0x182C0;
	[smem:$0x7F1] =	sst s15  }
0x28: {  	s25 =	simm.s32 $0x18300;
	s26 =	simm.s32 $0x18340;
	[smem:$0x7F2] =	sst s16  }
0x29: {  	s31 =	simm.s32 $0x18380;
	s1 =	ssub.s32 s1, s11;
	[smem:$0x7F3] =	sst s17  }
0x2a: {  	s6 =	simm.s32 $0x400;
	s7 =	simm.s32 $0x2000;
	[smem:$0x7F4] =	sst s18  }
0x2b: {  	s8 =	simm.s32 $0x4000;
	s9 =	simm.s32 $0x6000;
	[smem:$0x7F5] =	sst s19  }
0x2c: {  	s10 =	simm.s32 $0x8000;
	s11 =	simm.s32 $0xA000;
	[smem:$0x7F6] =	sst s20  }
0x2d: {  	s12 =	simm.s32 $0xC000;
	s13 =	simm.s32 $0xE000;
	[smem:$0x7F7] =	sst s21  }
0x2e: {  	s14 =	simm.s32 $0x10000;
	s15 =	simm.s32 $0x12000;
	[smem:$0x7F8] =	sst s22  }
0x2f: {  	s16 =	simm.s32 $0x14000;
	s17 =	simm.s32 $0x16000;
	[smem:$0x7F9] =	sst s23  }
0x30: {  	s18 =	simm.s32 $0x1;
	s19 =	simm.s32 $0x2;
	[smem:$0x7FA] =	sst s24  }
0x31: {  	v0 =	vlaneseq.u32;
	s20 =	simm.s32 $0x3;
	s21 =	simm.s32 $0x4;
	[smem:$0x7FB] =	sst s25  }
0x32: {  	v0 =	vmul.u32 $0x80, v0;
	s22 =	simm.s32 $0x5;
	s23 =	simm.s32 $0x6;
	[smem:$0x7FC] =	sst s26  }
0x33: {  	v1 =	vimm.s32 $0x0;
	s24 =	simm.s32 $0x7;
	[smem:$0x7FD] =	sst s31;
	s25 =	simm.s32 $0x8  }
0x34: {  	v2 =	vor.u32 $0x800, v0;
	v3 =	vor.u32 $0x1000, v0;
	v4 =	vor.u32 $0x1800, v0;
	s26 =	simm.s32 $0x9;
	s5 =	smax.u32 s1, $0x1;
	s1 =	simm.s32 $0xD  }
.LBB2_1:
0x35: {  	s3 =	sld [smem:$0x7ED];
	_ =	sdelay $0x2  }
0x36: {  	[tilespmem:s2], [sflag:$0x1] =	stream.strided.gather [hbm4b:s3+s6], $0x2000, s7, s6, $0x38;
	[tilespmem:$0x18400] =	vst v63  }
0x37: {  	s0 =	rddreg [dreg:$0x3]  }
0x38: {  	[tilespmem:s7], [sflag:$0x2] =	stream.strided.gather [hbm4b:s0+s6], $0x2000, s7, s6, $0x38;
	[tilespmem:$0x18400] =	vst v63  }
0x39: {  	s31 =	rddreg [dreg:$0x4]  }
0x3a: {  	[tilespmem:s8], [sflag:$0x3] =	stream.strided.gather [hbm4b:s31+s6], $0x2000, s7, s6, $0x38;
	[tilespmem:$0x18400] =	vst v63  }
0x3b: {  	s3 =	rddreg [dreg:$0x5]  }
0x3c: {  	[tilespmem:s9], [sflag:$0x4] =	stream.strided.gather [hbm4b:s3+s6], $0x2000, s7, s6, $0x38;
	[tilespmem:$0x18400] =	vst v63  }
0x3d: {  	s31 =	rddreg [dreg:$0x6]  }
0x3e: {  	[tilespmem:s10], [sflag:$0x5] =	stream.strided.gather [hbm4b:s31+s6], $0x2000, s7, s6, $0x38;
	[tilespmem:$0x18400] =	vst v63  }
0x3f: {  	s3 =	rddreg [dreg:$0x7]  }
0x40: {  	[tilespmem:s11], [sflag:$0x6] =	stream.strided.gather [hbm4b:s3+s6], $0x2000, s7, s6, $0x38;
	[tilespmem:$0x18400] =	vst v63  }
0x41: {  	s31 =	rddreg [dreg:$0x8]  }
0x42: {  	[tilespmem:s12], [sflag:$0x7] =	stream.strided.gather [hbm4b:s31+s6], $0x2000, s7, s6, $0x38;
	[tilespmem:$0x18400] =	vst v63  }
0x43: {  	s3 =	rddreg [dreg:$0x9]  }
0x44: {  	[tilespmem:s13], [sflag:$0x8] =	stream.strided.gather [hbm4b:s3+s6], $0x2000, s7, s6, $0x38;
	[tilespmem:$0x18400] =	vst v63  }
0x45: {  	s31 =	rddreg [dreg:$0xa]  }
0x46: {  	[tilespmem:s14], [sflag:$0x9] =	stream.strided.gather [hbm4b:s31+s6], $0x2000, s7, s6, $0x38;
	[tilespmem:$0x18400] =	vst v63  }
0x47: {  	s3 =	rddreg [dreg:$0xb]  }
0x48: {  	[tilespmem:s15], [sflag:$0xA] =	stream.strided.gather [hbm4b:s3+s6], $0x2000, s7, s6, $0x38;
	[tilespmem:$0x18400] =	vst v63  }
0x49: {  	s31 =	rddreg [dreg:$0xc]  }
0x4a: {  	[tilespmem:s16], [sflag:$0xB] =	stream.strided.gather [hbm4b:s31+s6], $0x2000, s7, s6, $0x38;
	[tilespmem:$0x18400] =	vst v63  }
0x4b: {  	s3 =	rddreg [dreg:$0xd]  }
0x4c: {  	[tilespmem:s17], [sflag:$0xC] =	stream.strided.gather [hbm4b:s3+s6], $0x2000, s7, s6, $0x38;
	[tilespmem:$0x18400] =	vst v63  }
0x4d: {  	_ =	swait.ge [sflag:s18], $0x2000  }
0x4e: {  	[sflag:s18] =	ssyncset.done $0x0  }
0x4f: {  	[sflag:s18] =	ssyncadd.s32 $0xFFFFE000  }
0x50: {  	v5 =	vld.idx.msk [tilespmem:v0+s2+$0x0], $0xffff;
	_ =	sdelay $0x4  }
0x51: {  	vm0 =	vgt.f32 v5, $-1.150300030e+00;
	vm1 =	vgt.f32 v5, $-6.744999880e-01  }
0x52: {  	vm14 =	vgt.f32 v5, $-3.185999990e-01;
	v6 =	vsel vm0, $0x1, v1;
	v7 =	vsel vm1, $0x1, v1  }
0x53: {  	vm15 =	vgt.f32 v5, $0.0e+00;
	v6 =	vadd.s32 v7, v6;
	v7 =	vsel vm14, $0x1, v1  }
0x54: {  	vm4 =	vgt.f32 v5, $3.185999990e-01;
	v6 =	vadd.s32 v7, v6;
	v7 =	vsel vm15, $0x1, v1  }
0x55: {  	vm5 =	vgt.f32 v5, $6.744999880e-01;
	v6 =	vadd.s32 v7, v6;
	v7 =	vsel vm4, $0x1, v1  }
0x56: {  	vm6 =	vgt.f32 v5, $1.150300030e+00;
	v6 =	vadd.s32 v7, v6;
	v7 =	vsel vm5, $0x1, v1  }
0x57: {  	v5 =	vadd.s32 v7, v6;
	v6 =	vsel vm6, $0x1, v1  }
0x58: {  	v5 =	vadd.s32 v6, v5  }
0x59: {  	[tilespmem:$0x18000] =	vst v5  }
0x5a: {  	v5 =	vld.idx.msk [tilespmem:v2+s2+$0x0], $0xffff;
	_ =	sdelay $0x4  }
0x5b: {  	vm7 =	vgt.f32 v5, $-1.150300030e+00;
	vm8 =	vgt.f32 v5, $-6.744999880e-01  }
0x5c: {  	vm9 =	vgt.f32 v5, $-3.185999990e-01;
	v6 =	vsel vm7, $0x1, v1;
	v7 =	vsel vm8, $0x1, v1  }
0x5d: {  	vm10 =	vgt.f32 v5, $0.0e+00;
	v6 =	vadd.s32 v7, v6;
	v7 =	vsel vm9, $0x1, v1  }
0x5e: {  	vm11 =	vgt.f32 v5, $3.185999990e-01;
	v6 =	vadd.s32 v7, v6;
	v7 =	vsel vm10, $0x1, v1  }
0x5f: {  	vm12 =	vgt.f32 v5, $6.744999880e-01;
	v6 =	vadd.s32 v7, v6;
	v7 =	vsel vm11, $0x1, v1  }
0x60: {  	vm13 =	vgt.f32 v5, $1.150300030e+00;
	v6 =	vadd.s32 v7, v6;
	v7 =	vsel vm12, $0x1, v1  }
0x61: {  	v5 =	vadd.s32 v7, v6;
	v6 =	vsel vm13, $0x1, v1  }
0x62: {  	v5 =	vadd.s32 v6, v5  }
0x63: {  	[tilespmem:$0x18010] =	vst v5  }
0x64: {  	v5 =	vld.idx.msk [tilespmem:v3+s2+$0x0], $0xffff;
	_ =	sdelay $0x4  }
0x65: {  	vm14 =	vgt.f32 v5, $-1.150300030e+00;
	vm15 =	vgt.f32 v5, $-6.744999880e-01  }
0x66: {  	vm4 =	vgt.f32 v5, $-3.185999990e-01;
	v6 =	vsel vm14, $0x1, v1;
	v7 =	vsel vm15, $0x1, v1  }
0x67: {  	vm5 =	vgt.f32 v5, $0.0e+00;
	v6 =	vadd.s32 v7, v6;
	v7 =	vsel vm4, $0x1, v1  }
0x68: {  	vm6 =	vgt.f32 v5, $3.185999990e-01;
	v6 =	vadd.s32 v7, v6;
	v7 =	vsel vm5, $0x1, v1  }
0x69: {  	vm7 =	vgt.f32 v5, $6.744999880e-01;
	v6 =	vadd.s32 v7, v6;
	v7 =	vsel vm6, $0x1, v1  }
0x6a: {  	vm8 =	vgt.f32 v5, $1.150300030e+00;
	v6 =	vadd.s32 v7, v6;
	v7 =	vsel vm7, $0x1, v1  }
0x6b: {  	v5 =	vadd.s32 v7, v6;
	v6 =	vsel vm8, $0x1, v1  }
0x6c: {  	v5 =	vadd.s32 v6, v5  }
0x6d: {  	[tilespmem:$0x18020] =	vst v5  }
0x6e: {  	v5 =	vld.idx.msk [tilespmem:v4+s2+$0x0], $0xffff;
	_ =	sdelay $0x4  }
0x6f: {  	vm9 =	vgt.f32 v5, $-1.150300030e+00;
	vm10 =	vgt.f32 v5, $-6.744999880e-01  }
0x70: {  	vm11 =	vgt.f32 v5, $-3.185999990e-01;
	v6 =	vsel vm9, $0x1, v1;
	v7 =	vsel vm10, $0x1, v1  }
0x71: {  	vm12 =	vgt.f32 v5, $0.0e+00;
	v6 =	vadd.s32 v7, v6;
	v7 =	vsel vm11, $0x1, v1  }
0x72: {  	vm13 =	vgt.f32 v5, $3.185999990e-01;
	v6 =	vadd.s32 v7, v6;
	v7 =	vsel vm12, $0x1, v1  }
0x73: {  	vm14 =	vgt.f32 v5, $6.744999880e-01;
	v6 =	vadd.s32 v7, v6;
	v7 =	vsel vm13, $0x1, v1  }
0x74: {  	vm15 =	vgt.f32 v5, $1.150300030e+00;
	v6 =	vadd.s32 v7, v6;
	v7 =	vsel vm14, $0x1, v1  }
0x75: {  	s0 =	sld [smem:$0x7EF];
	v5 =	vadd.s32 v7, v6;
	v6 =	vsel vm15, $0x1, v1  }
0x76: {  	v5 =	vadd.s32 v6, v5  }
0x77: {  	[tilespmem:$0x18030] =	vst v5  }
0x78: {  	[hbm4b:s4+s2] =	stream.linear.scatter [tilespmem:s0], [sflag:$0xD], $0x40, $0x38;
	[tilespmem:$0x18400] =	vst v63  }
0x79: {  	s3 =	rddreg [dreg:$0xe]  }
0x7a: {  	[tilespmem:s2], [sflag:$0x1] =	stream.strided.gather [hbm4b:s3+s6], $0x2000, s7, s6, $0x38;
	[tilespmem:$0x18400] =	vst v63  }
0x7b: {  	_ =	swait.ge [sflag:s19], $0x2000  }
0x7c: {  	[sflag:s19] =	ssyncset.done $0x0  }
0x7d: {  	[sflag:s19] =	ssyncadd.s32 $0xFFFFE000  }
0x7e: {  	v5 =	vld.idx.msk [tilespmem:v0+s7+$0x0], $0xffff;
	_ =	sdelay $0x4  }
0x7f: {  	vm4 =	vgt.f32 v5, $-1.150300030e+00;
	vm5 =	vgt.f32 v5, $-6.744999880e-01  }
0x80: {  	vm6 =	vgt.f32 v5, $-3.185999990e-01;
	v6 =	vsel vm4, $0x1, v1;
	v7 =	vsel vm5, $0x1, v1  }
0x81: {  	vm7 =	vgt.f32 v5, $0.0e+00;
	v6 =	vadd.s32 v7, v6;
	v7 =	vsel vm6, $0x1, v1  }
0x82: {  	vm8 =	vgt.f32 v5, $3.185999990e-01;
	v6 =	vadd.s32 v7, v6;
	v7 =	vsel vm7, $0x1, v1  }
0x83: {  	vm9 =	vgt.f32 v5, $6.744999880e-01;
	v6 =	vadd.s32 v7, v6;
	v7 =	vsel vm8, $0x1, v1  }
0x84: {  	vm10 =	vgt.f32 v5, $1.150300030e+00;
	v6 =	vadd.s32 v7, v6;
	v7 =	vsel vm9, $0x1, v1  }
0x85: {  	v5 =	vadd.s32 v7, v6;
	v6 =	vsel vm10, $0x1, v1  }
0x86: {  	v5 =	vadd.s32 v6, v5  }
0x87: {  	[tilespmem:$0x18040] =	vst v5  }
0x88: {  	v5 =	vld.idx.msk [tilespmem:v2+s7+$0x0], $0xffff;
	_ =	sdelay $0x4  }
0x89: {  	vm11 =	vgt.f32 v5, $-1.150300030e+00;
	vm12 =	vgt.f32 v5, $-6.744999880e-01  }
0x8a: {  	vm13 =	vgt.f32 v5, $-3.185999990e-01;
	v6 =	vsel vm11, $0x1, v1;
	v7 =	vsel vm12, $0x1, v1  }
0x8b: {  	vm14 =	vgt.f32 v5, $0.0e+00;
	v6 =	vadd.s32 v7, v6;
	v7 =	vsel vm13, $0x1, v1  }
0x8c: {  	vm15 =	vgt.f32 v5, $3.185999990e-01;
	v6 =	vadd.s32 v7, v6;
	v7 =	vsel vm14, $0x1, v1  }
0x8d: {  	vm4 =	vgt.f32 v5, $6.744999880e-01;
	v6 =	vadd.s32 v7, v6;
	v7 =	vsel vm15, $0x1, v1  }
0x8e: {  	vm5 =	vgt.f32 v5, $1.150300030e+00;
	v6 =	vadd.s32 v7, v6;
	v7 =	vsel vm4, $0x1, v1  }
0x8f: {  	v5 =	vadd.s32 v7, v6;
	v6 =	vsel vm5, $0x1, v1  }
0x90: {  	v5 =	vadd.s32 v6, v5  }
0x91: {  	[tilespmem:$0x18050] =	vst v5  }
0x92: {  	v5 =	vld.idx.msk [tilespmem:v3+s7+$0x0], $0xffff;
	_ =	sdelay $0x4  }
0x93: {  	vm6 =	vgt.f32 v5, $-1.150300030e+00;
	vm7 =	vgt.f32 v5, $-6.744999880e-01  }
0x94: {  	vm8 =	vgt.f32 v5, $-3.185999990e-01;
	v6 =	vsel vm6, $0x1, v1;
	v7 =	vsel vm7, $0x1, v1  }
0x95: {  	vm9 =	vgt.f32 v5, $0.0e+00;
	v6 =	vadd.s32 v7, v6;
	v7 =	vsel vm8, $0x1, v1  }
0x96: {  	vm10 =	vgt.f32 v5, $3.185999990e-01;
	v6 =	vadd.s32 v7, v6;
	v7 =	vsel vm9, $0x1, v1  }
0x97: {  	vm11 =	vgt.f32 v5, $6.744999880e-01;
	v6 =	vadd.s32 v7, v6;
	v7 =	vsel vm10, $0x1, v1  }
0x98: {  	vm12 =	vgt.f32 v5, $1.150300030e+00;
	v6 =	vadd.s32 v7, v6;
	v7 =	vsel vm11, $0x1, v1  }
0x99: {  	v5 =	vadd.s32 v7, v6;
	v6 =	vsel vm12, $0x1, v1  }
0x9a: {  	v5 =	vadd.s32 v6, v5  }
0x9b: {  	[tilespmem:$0x18060] =	vst v5  }
0x9c: {  	v5 =	vld.idx.msk [tilespmem:v4+s7+$0x0], $0xffff;
	_ =	sdelay $0x4  }
0x9d: {  	vm13 =	vgt.f32 v5, $-1.150300030e+00;
	vm14 =	vgt.f32 v5, $-6.744999880e-01  }
0x9e: {  	vm15 =	vgt.f32 v5, $-3.185999990e-01;
	v6 =	vsel vm13, $0x1, v1;
	v7 =	vsel vm14, $0x1, v1  }
0x9f: {  	vm4 =	vgt.f32 v5, $0.0e+00;
	v6 =	vadd.s32 v7, v6;
	v7 =	vsel vm15, $0x1, v1  }
0xa0: {  	vm5 =	vgt.f32 v5, $3.185999990e-01;
	v6 =	vadd.s32 v7, v6;
	v7 =	vsel vm4, $0x1, v1  }
0xa1: {  	vm6 =	vgt.f32 v5, $6.744999880e-01;
	v6 =	vadd.s32 v7, v6;
	v7 =	vsel vm5, $0x1, v1  }
0xa2: {  	vm7 =	vgt.f32 v5, $1.150300030e+00;
	v6 =	vadd.s32 v7, v6;
	v7 =	vsel vm6, $0x1, v1  }
0xa3: {  	s31 =	sld [smem:$0x7F0];
	v5 =	vadd.s32 v7, v6;
	v6 =	vsel vm7, $0x1, v1  }
0xa4: {  	v5 =	vadd.s32 v6, v5  }
0xa5: {  	s0 =	rddreg [dreg:$0xf];
	[tilespmem:$0x18070] =	vst v5  }
0xa6: {  	[hbm4b:s0+s2] =	stream.linear.scatter [tilespmem:s31], [sflag:$0xD], $0x40, $0x38;
	[tilespmem:$0x18400] =	vst v63  }
0xa7: {  	s3 =	rddreg [dreg:$0x10]  }
0xa8: {  	[tilespmem:s7], [sflag:$0x2] =	stream.strided.gather [hbm4b:s3+s6], $0x2000, s7, s6, $0x38;
	[tilespmem:$0x18400] =	vst v63  }
0xa9: {  	_ =	swait.ge [sflag:s20], $0x2000  }
0xaa: {  	[sflag:s20] =	ssyncset.done $0x0  }
0xab: {  	[sflag:s20] =	ssyncadd.s32 $0xFFFFE000  }
0xac: {  	v5 =	vld.idx.msk [tilespmem:v0+s8+$0x0], $0xffff;
	_ =	sdelay $0x4  }
0xad: {  	vm8 =	vgt.f32 v5, $-1.150300030e+00;
	vm9 =	vgt.f32 v5, $-6.744999880e-01  }
0xae: {  	vm10 =	vgt.f32 v5, $-3.185999990e-01;
	v6 =	vsel vm8, $0x1, v1;
	v7 =	vsel vm9, $0x1, v1  }
0xaf: {  	vm11 =	vgt.f32 v5, $0.0e+00;
	v6 =	vadd.s32 v7, v6;
	v7 =	vsel vm10, $0x1, v1  }
0xb0: {  	vm12 =	vgt.f32 v5, $3.185999990e-01;
	v6 =	vadd.s32 v7, v6;
	v7 =	vsel vm11, $0x1, v1  }
0xb1: {  	vm13 =	vgt.f32 v5, $6.744999880e-01;
	v6 =	vadd.s32 v7, v6;
	v7 =	vsel vm12, $0x1, v1  }
0xb2: {  	vm14 =	vgt.f32 v5, $1.150300030e+00;
	v6 =	vadd.s32 v7, v6;
	v7 =	vsel vm13, $0x1, v1  }
0xb3: {  	v5 =	vadd.s32 v7, v6;
	v6 =	vsel vm14, $0x1, v1  }
0xb4: {  	v5 =	vadd.s32 v6, v5  }
0xb5: {  	[tilespmem:$0x18080] =	vst v5  }
0xb6: {  	v5 =	vld.idx.msk [tilespmem:v2+s8+$0x0], $0xffff;
	_ =	sdelay $0x4  }
0xb7: {  	vm15 =	vgt.f32 v5, $-1.150300030e+00;
	vm4 =	vgt.f32 v5, $-6.744999880e-01  }
0xb8: {  	vm5 =	vgt.f32 v5, $-3.185999990e-01;
	v6 =	vsel vm15, $0x1, v1;
	v7 =	vsel vm4, $0x1, v1  }
0xb9: {  	vm6 =	vgt.f32 v5, $0.0e+00;
	v6 =	vadd.s32 v7, v6;
	v7 =	vsel vm5, $0x1, v1  }
0xba: {  	vm7 =	vgt.f32 v5, $3.185999990e-01;
	v6 =	vadd.s32 v7, v6;
	v7 =	vsel vm6, $0x1, v1  }
0xbb: {  	vm8 =	vgt.f32 v5, $6.744999880e-01;
	v6 =	vadd.s32 v7, v6;
	v7 =	vsel vm7, $0x1, v1  }
0xbc: {  	vm9 =	vgt.f32 v5, $1.150300030e+00;
	v6 =	vadd.s32 v7, v6;
	v7 =	vsel vm8, $0x1, v1  }
0xbd: {  	v5 =	vadd.s32 v7, v6;
	v6 =	vsel vm9, $0x1, v1  }
0xbe: {  	v5 =	vadd.s32 v6, v5  }
0xbf: {  	[tilespmem:$0x18090] =	vst v5  }
0xc0: {  	v5 =	vld.idx.msk [tilespmem:v3+s8+$0x0], $0xffff;
	_ =	sdelay $0x4  }
0xc1: {  	vm10 =	vgt.f32 v5, $-1.150300030e+00;
	vm11 =	vgt.f32 v5, $-6.744999880e-01  }
0xc2: {  	vm12 =	vgt.f32 v5, $-3.185999990e-01;
	v6 =	vsel vm10, $0x1, v1;
	v7 =	vsel vm11, $0x1, v1  }
0xc3: {  	vm13 =	vgt.f32 v5, $0.0e+00;
	v6 =	vadd.s32 v7, v6;
	v7 =	vsel vm12, $0x1, v1  }
0xc4: {  	vm14 =	vgt.f32 v5, $3.185999990e-01;
	v6 =	vadd.s32 v7, v6;
	v7 =	vsel vm13, $0x1, v1  }
0xc5: {  	vm15 =	vgt.f32 v5, $6.744999880e-01;
	v6 =	vadd.s32 v7, v6;
	v7 =	vsel vm14, $0x1, v1  }
0xc6: {  	vm4 =	vgt.f32 v5, $1.150300030e+00;
	v6 =	vadd.s32 v7, v6;
	v7 =	vsel vm15, $0x1, v1  }
0xc7: {  	v5 =	vadd.s32 v7, v6;
	v6 =	vsel vm4, $0x1, v1  }
0xc8: {  	v5 =	vadd.s32 v6, v5  }
0xc9: {  	[tilespmem:$0x180A0] =	vst v5  }
0xca: {  	v5 =	vld.idx.msk [tilespmem:v4+s8+$0x0], $0xffff;
	_ =	sdelay $0x4  }
0xcb: {  	vm5 =	vgt.f32 v5, $-1.150300030e+00;
	vm6 =	vgt.f32 v5, $-6.744999880e-01  }
0xcc: {  	vm7 =	vgt.f32 v5, $-3.185999990e-01;
	v6 =	vsel vm5, $0x1, v1;
	v7 =	vsel vm6, $0x1, v1  }
0xcd: {  	vm8 =	vgt.f32 v5, $0.0e+00;
	v6 =	vadd.s32 v7, v6;
	v7 =	vsel vm7, $0x1, v1  }
0xce: {  	vm9 =	vgt.f32 v5, $3.185999990e-01;
	v6 =	vadd.s32 v7, v6;
	v7 =	vsel vm8, $0x1, v1  }
0xcf: {  	vm10 =	vgt.f32 v5, $6.744999880e-01;
	v6 =	vadd.s32 v7, v6;
	v7 =	vsel vm9, $0x1, v1  }
0xd0: {  	vm11 =	vgt.f32 v5, $1.150300030e+00;
	v6 =	vadd.s32 v7, v6;
	v7 =	vsel vm10, $0x1, v1  }
0xd1: {  	s3 =	sld [smem:$0x7F1];
	v5 =	vadd.s32 v7, v6;
	v6 =	vsel vm11, $0x1, v1  }
0xd2: {  	v5 =	vadd.s32 v6, v5  }
0xd3: {  	s0 =	rddreg [dreg:$0x11];
	[tilespmem:$0x180B0] =	vst v5  }
0xd4: {  	[hbm4b:s0+s2] =	stream.linear.scatter [tilespmem:s3], [sflag:$0xD], $0x40, $0x38;
	[tilespmem:$0x18400] =	vst v63  }
0xd5: {  	s31 =	rddreg [dreg:$0x12]  }
0xd6: {  	[tilespmem:s8], [sflag:$0x3] =	stream.strided.gather [hbm4b:s31+s6], $0x2000, s7, s6, $0x38;
	[tilespmem:$0x18400] =	vst v63  }
0xd7: {  	_ =	swait.ge [sflag:s21], $0x2000  }
0xd8: {  	[sflag:s21] =	ssyncset.done $0x0  }
0xd9: {  	[sflag:s21] =	ssyncadd.s32 $0xFFFFE000  }
0xda: {  	v5 =	vld.idx.msk [tilespmem:v0+s9+$0x0], $0xffff;
	_ =	sdelay $0x4  }
0xdb: {  	vm12 =	vgt.f32 v5, $-1.150300030e+00;
	vm13 =	vgt.f32 v5, $-6.744999880e-01  }
0xdc: {  	vm14 =	vgt.f32 v5, $-3.185999990e-01;
	v6 =	vsel vm12, $0x1, v1;
	v7 =	vsel vm13, $0x1, v1  }
0xdd: {  	vm15 =	vgt.f32 v5, $0.0e+00;
	v6 =	vadd.s32 v7, v6;
	v7 =	vsel vm14, $0x1, v1  }
0xde: {  	vm4 =	vgt.f32 v5, $3.185999990e-01;
	v6 =	vadd.s32 v7, v6;
	v7 =	vsel vm15, $0x1, v1  }
0xdf: {  	vm5 =	vgt.f32 v5, $6.744999880e-01;
	v6 =	vadd.s32 v7, v6;
	v7 =	vsel vm4, $0x1, v1  }
0xe0: {  	vm6 =	vgt.f32 v5, $1.150300030e+00;
	v6 =	vadd.s32 v7, v6;
	v7 =	vsel vm5, $0x1, v1  }
0xe1: {  	v5 =	vadd.s32 v7, v6;
	v6 =	vsel vm6, $0x1, v1  }
0xe2: {  	v5 =	vadd.s32 v6, v5  }
0xe3: {  	[tilespmem:$0x180C0] =	vst v5  }
0xe4: {  	v5 =	vld.idx.msk [tilespmem:v2+s9+$0x0], $0xffff;
	_ =	sdelay $0x4  }
0xe5: {  	vm7 =	vgt.f32 v5, $-1.150300030e+00;
	vm8 =	vgt.f32 v5, $-6.744999880e-01  }
0xe6: {  	vm9 =	vgt.f32 v5, $-3.185999990e-01;
	v6 =	vsel vm7, $0x1, v1;
	v7 =	vsel vm8, $0x1, v1  }
0xe7: {  	vm10 =	vgt.f32 v5, $0.0e+00;
	v6 =	vadd.s32 v7, v6;
	v7 =	vsel vm9, $0x1, v1  }
0xe8: {  	vm11 =	vgt.f32 v5, $3.185999990e-01;
	v6 =	vadd.s32 v7, v6;
	v7 =	vsel vm10, $0x1, v1  }
0xe9: {  	vm12 =	vgt.f32 v5, $6.744999880e-01;
	v6 =	vadd.s32 v7, v6;
	v7 =	vsel vm11, $0x1, v1  }
0xea: {  	vm13 =	vgt.f32 v5, $1.150300030e+00;
	v6 =	vadd.s32 v7, v6;
	v7 =	vsel vm12, $0x1, v1  }
0xeb: {  	v5 =	vadd.s32 v7, v6;
	v6 =	vsel vm13, $0x1, v1  }
0xec: {  	v5 =	vadd.s32 v6, v5  }
0xed: {  	[tilespmem:$0x180D0] =	vst v5  }
0xee: {  	v5 =	vld.idx.msk [tilespmem:v3+s9+$0x0], $0xffff;
	_ =	sdelay $0x4  }
0xef: {  	vm14 =	vgt.f32 v5, $-1.150300030e+00;
	vm15 =	vgt.f32 v5, $-6.744999880e-01  }
0xf0: {  	vm4 =	vgt.f32 v5, $-3.185999990e-01;
	v6 =	vsel vm14, $0x1, v1;
	v7 =	vsel vm15, $0x1, v1  }
0xf1: {  	vm5 =	vgt.f32 v5, $0.0e+00;
	v6 =	vadd.s32 v7, v6;
	v7 =	vsel vm4, $0x1, v1  }
0xf2: {  	vm6 =	vgt.f32 v5, $3.185999990e-01;
	v6 =	vadd.s32 v7, v6;
	v7 =	vsel vm5, $0x1, v1  }
0xf3: {  	vm7 =	vgt.f32 v5, $6.744999880e-01;
	v6 =	vadd.s32 v7, v6;
	v7 =	vsel vm6, $0x1, v1  }
0xf4: {  	vm8 =	vgt.f32 v5, $1.150300030e+00;
	v6 =	vadd.s32 v7, v6;
	v7 =	vsel vm7, $0x1, v1  }
0xf5: {  	v5 =	vadd.s32 v7, v6;
	v6 =	vsel vm8, $0x1, v1  }
0xf6: {  	v5 =	vadd.s32 v6, v5  }
0xf7: {  	[tilespmem:$0x180E0] =	vst v5  }
0xf8: {  	v5 =	vld.idx.msk [tilespmem:v4+s9+$0x0], $0xffff;
	_ =	sdelay $0x4  }
0xf9: {  	vm9 =	vgt.f32 v5, $-1.150300030e+00;
	vm10 =	vgt.f32 v5, $-6.744999880e-01  }
0xfa: {  	vm11 =	vgt.f32 v5, $-3.185999990e-01;
	v6 =	vsel vm9, $0x1, v1;
	v7 =	vsel vm10, $0x1, v1  }
0xfb: {  	vm12 =	vgt.f32 v5, $0.0e+00;
	v6 =	vadd.s32 v7, v6;
	v7 =	vsel vm11, $0x1, v1  }
0xfc: {  	vm13 =	vgt.f32 v5, $3.185999990e-01;
	v6 =	vadd.s32 v7, v6;
	v7 =	vsel vm12, $0x1, v1  }
0xfd: {  	vm14 =	vgt.f32 v5, $6.744999880e-01;
	v6 =	vadd.s32 v7, v6;
	v7 =	vsel vm13, $0x1, v1  }
0xfe: {  	vm15 =	vgt.f32 v5, $1.150300030e+00;
	v6 =	vadd.s32 v7, v6;
	v7 =	vsel vm14, $0x1, v1  }
0xff: {  	s3 =	sld [smem:$0x7F2];
	v5 =	vadd.s32 v7, v6;
	v6 =	vsel vm15, $0x1, v1  }
0x100: {  	v5 =	vadd.s32 v6, v5  }
0x101: {  	s0 =	rddreg [dreg:$0x13];
	[tilespmem:$0x180F0] =	vst v5  }
0x102: {  	[hbm4b:s0+s2] =	stream.linear.scatter [tilespmem:s3], [sflag:$0xD], $0x40, $0x38;
	[tilespmem:$0x18400] =	vst v63  }
0x103: {  	s31 =	rddreg [dreg:$0x14]  }
0x104: {  	[tilespmem:s9], [sflag:$0x4] =	stream.strided.gather [hbm4b:s31+s6], $0x2000, s7, s6, $0x38;
	[tilespmem:$0x18400] =	vst v63  }
0x105: {  	_ =	swait.ge [sflag:s22], $0x2000  }
0x106: {  	[sflag:s22] =	ssyncset.done $0x0  }
0x107: {  	[sflag:s22] =	ssyncadd.s32 $0xFFFFE000  }
0x108: {  	v5 =	vld.idx.msk [tilespmem:v0+s10+$0x0], $0xffff;
	_ =	sdelay $0x4  }
0x109: {  	vm4 =	vgt.f32 v5, $-1.150300030e+00;
	vm5 =	vgt.f32 v5, $-6.744999880e-01  }
0x10a: {  	vm6 =	vgt.f32 v5, $-3.185999990e-01;
	v6 =	vsel vm4, $0x1, v1;
	v7 =	vsel vm5, $0x1, v1  }
0x10b: {  	vm7 =	vgt.f32 v5, $0.0e+00;
	v6 =	vadd.s32 v7, v6;
	v7 =	vsel vm6, $0x1, v1  }
0x10c: {  	vm8 =	vgt.f32 v5, $3.185999990e-01;
	v6 =	vadd.s32 v7, v6;
	v7 =	vsel vm7, $0x1, v1  }
0x10d: {  	vm9 =	vgt.f32 v5, $6.744999880e-01;
	v6 =	vadd.s32 v7, v6;
	v7 =	vsel vm8, $0x1, v1  }
0x10e: {  	vm10 =	vgt.f32 v5, $1.150300030e+00;
	v6 =	vadd.s32 v7, v6;
	v7 =	vsel vm9, $0x1, v1  }
0x10f: {  	v5 =	vadd.s32 v7, v6;
	v6 =	vsel vm10, $0x1, v1  }
0x110: {  	v5 =	vadd.s32 v6, v5  }
0x111: {  	[tilespmem:$0x18100] =	vst v5  }
0x112: {  	v5 =	vld.idx.msk [tilespmem:v2+s10+$0x0], $0xffff;
	_ =	sdelay $0x4  }
0x113: {  	vm11 =	vgt.f32 v5, $-1.150300030e+00;
	vm12 =	vgt.f32 v5, $-6.744999880e-01  }
0x114: {  	vm13 =	vgt.f32 v5, $-3.185999990e-01;
	v6 =	vsel vm11, $0x1, v1;
	v7 =	vsel vm12, $0x1, v1  }
0x115: {  	vm14 =	vgt.f32 v5, $0.0e+00;
	v6 =	vadd.s32 v7, v6;
	v7 =	vsel vm13, $0x1, v1  }
0x116: {  	vm15 =	vgt.f32 v5, $3.185999990e-01;
	v6 =	vadd.s32 v7, v6;
	v7 =	vsel vm14, $0x1, v1  }
0x117: {  	vm4 =	vgt.f32 v5, $6.744999880e-01;
	v6 =	vadd.s32 v7, v6;
	v7 =	vsel vm15, $0x1, v1  }
0x118: {  	vm5 =	vgt.f32 v5, $1.150300030e+00;
	v6 =	vadd.s32 v7, v6;
	v7 =	vsel vm4, $0x1, v1  }
0x119: {  	v5 =	vadd.s32 v7, v6;
	v6 =	vsel vm5, $0x1, v1  }
0x11a: {  	v5 =	vadd.s32 v6, v5  }
0x11b: {  	[tilespmem:$0x18110] =	vst v5  }
0x11c: {  	v5 =	vld.idx.msk [tilespmem:v3+s10+$0x0], $0xffff;
	_ =	sdelay $0x4  }
0x11d: {  	vm6 =	vgt.f32 v5, $-1.150300030e+00;
	vm7 =	vgt.f32 v5, $-6.744999880e-01  }
0x11e: {  	vm8 =	vgt.f32 v5, $-3.185999990e-01;
	v6 =	vsel vm6, $0x1, v1;
	v7 =	vsel vm7, $0x1, v1  }
0x11f: {  	vm9 =	vgt.f32 v5, $0.0e+00;
	v6 =	vadd.s32 v7, v6;
	v7 =	vsel vm8, $0x1, v1  }
0x120: {  	vm10 =	vgt.f32 v5, $3.185999990e-01;
	v6 =	vadd.s32 v7, v6;
	v7 =	vsel vm9, $0x1, v1  }
0x121: {  	vm11 =	vgt.f32 v5, $6.744999880e-01;
	v6 =	vadd.s32 v7, v6;
	v7 =	vsel vm10, $0x1, v1  }
0x122: {  	vm12 =	vgt.f32 v5, $1.150300030e+00;
	v6 =	vadd.s32 v7, v6;
	v7 =	vsel vm11, $0x1, v1  }
0x123: {  	v5 =	vadd.s32 v7, v6;
	v6 =	vsel vm12, $0x1, v1  }
0x124: {  	v5 =	vadd.s32 v6, v5  }
0x125: {  	[tilespmem:$0x18120] =	vst v5  }
0x126: {  	v5 =	vld.idx.msk [tilespmem:v4+s10+$0x0], $0xffff;
	_ =	sdelay $0x4  }
0x127: {  	vm13 =	vgt.f32 v5, $-1.150300030e+00;
	vm14 =	vgt.f32 v5, $-6.744999880e-01  }
0x128: {  	vm15 =	vgt.f32 v5, $-3.185999990e-01;
	v6 =	vsel vm13, $0x1, v1;
	v7 =	vsel vm14, $0x1, v1  }
0x129: {  	vm4 =	vgt.f32 v5, $0.0e+00;
	v6 =	vadd.s32 v7, v6;
	v7 =	vsel vm15, $0x1, v1  }
0x12a: {  	vm5 =	vgt.f32 v5, $3.185999990e-01;
	v6 =	vadd.s32 v7, v6;
	v7 =	vsel vm4, $0x1, v1  }
0x12b: {  	vm6 =	vgt.f32 v5, $6.744999880e-01;
	v6 =	vadd.s32 v7, v6;
	v7 =	vsel vm5, $0x1, v1  }
0x12c: {  	vm7 =	vgt.f32 v5, $1.150300030e+00;
	v6 =	vadd.s32 v7, v6;
	v7 =	vsel vm6, $0x1, v1  }
0x12d: {  	s31 =	sld [smem:$0x7F3];
	v5 =	vadd.s32 v7, v6;
	v6 =	vsel vm7, $0x1, v1  }
0x12e: {  	v5 =	vadd.s32 v6, v5  }
0x12f: {  	s3 =	rddreg [dreg:$0x15];
	[tilespmem:$0x18130] =	vst v5  }
0x130: {  	[hbm4b:s3+s2] =	stream.linear.scatter [tilespmem:s31], [sflag:$0xD], $0x40, $0x38;
	[tilespmem:$0x18400] =	vst v63  }
0x131: {  	_ =	swait.ge [sflag:s23], $0x2000  }
0x132: {  	[sflag:s23] =	ssyncset.done $0x0  }
0x133: {  	[sflag:s23] =	ssyncadd.s32 $0xFFFFE000  }
0x134: {  	v5 =	vld.idx.msk [tilespmem:v0+s11+$0x0], $0xffff;
	_ =	sdelay $0x4  }
0x135: {  	vm8 =	vgt.f32 v5, $-1.150300030e+00;
	vm9 =	vgt.f32 v5, $-6.744999880e-01  }
0x136: {  	vm10 =	vgt.f32 v5, $-3.185999990e-01;
	v6 =	vsel vm8, $0x1, v1;
	v7 =	vsel vm9, $0x1, v1  }
0x137: {  	vm11 =	vgt.f32 v5, $0.0e+00;
	v6 =	vadd.s32 v7, v6;
	v7 =	vsel vm10, $0x1, v1  }
0x138: {  	vm12 =	vgt.f32 v5, $3.185999990e-01;
	v6 =	vadd.s32 v7, v6;
	v7 =	vsel vm11, $0x1, v1  }
0x139: {  	vm13 =	vgt.f32 v5, $6.744999880e-01;
	v6 =	vadd.s32 v7, v6;
	v7 =	vsel vm12, $0x1, v1  }
0x13a: {  	vm14 =	vgt.f32 v5, $1.150300030e+00;
	v6 =	vadd.s32 v7, v6;
	v7 =	vsel vm13, $0x1, v1  }
0x13b: {  	v5 =	vadd.s32 v7, v6;
	v6 =	vsel vm14, $0x1, v1  }
0x13c: {  	v5 =	vadd.s32 v6, v5  }
0x13d: {  	[tilespmem:$0x18140] =	vst v5  }
0x13e: {  	v5 =	vld.idx.msk [tilespmem:v2+s11+$0x0], $0xffff;
	_ =	sdelay $0x4  }
0x13f: {  	vm15 =	vgt.f32 v5, $-1.150300030e+00;
	vm4 =	vgt.f32 v5, $-6.744999880e-01  }
0x140: {  	vm5 =	vgt.f32 v5, $-3.185999990e-01;
	v6 =	vsel vm15, $0x1, v1;
	v7 =	vsel vm4, $0x1, v1  }
0x141: {  	vm6 =	vgt.f32 v5, $0.0e+00;
	v6 =	vadd.s32 v7, v6;
	v7 =	vsel vm5, $0x1, v1  }
0x142: {  	vm7 =	vgt.f32 v5, $3.185999990e-01;
	v6 =	vadd.s32 v7, v6;
	v7 =	vsel vm6, $0x1, v1  }
0x143: {  	vm8 =	vgt.f32 v5, $6.744999880e-01;
	v6 =	vadd.s32 v7, v6;
	v7 =	vsel vm7, $0x1, v1  }
0x144: {  	vm9 =	vgt.f32 v5, $1.150300030e+00;
	v6 =	vadd.s32 v7, v6;
	v7 =	vsel vm8, $0x1, v1  }
0x145: {  	v5 =	vadd.s32 v7, v6;
	v6 =	vsel vm9, $0x1, v1  }
0x146: {  	v5 =	vadd.s32 v6, v5  }
0x147: {  	[tilespmem:$0x18150] =	vst v5  }
0x148: {  	v5 =	vld.idx.msk [tilespmem:v3+s11+$0x0], $0xffff;
	_ =	sdelay $0x4  }
0x149: {  	vm10 =	vgt.f32 v5, $-1.150300030e+00;
	vm11 =	vgt.f32 v5, $-6.744999880e-01  }
0x14a: {  	vm12 =	vgt.f32 v5, $-3.185999990e-01;
	v6 =	vsel vm10, $0x1, v1;
	v7 =	vsel vm11, $0x1, v1  }
0x14b: {  	vm13 =	vgt.f32 v5, $0.0e+00;
	v6 =	vadd.s32 v7, v6;
	v7 =	vsel vm12, $0x1, v1  }
0x14c: {  	vm14 =	vgt.f32 v5, $3.185999990e-01;
	v6 =	vadd.s32 v7, v6;
	v7 =	vsel vm13, $0x1, v1  }
0x14d: {  	vm15 =	vgt.f32 v5, $6.744999880e-01;
	v6 =	vadd.s32 v7, v6;
	v7 =	vsel vm14, $0x1, v1  }
0x14e: {  	vm4 =	vgt.f32 v5, $1.150300030e+00;
	v6 =	vadd.s32 v7, v6;
	v7 =	vsel vm15, $0x1, v1  }
0x14f: {  	v5 =	vadd.s32 v7, v6;
	v6 =	vsel vm4, $0x1, v1  }
0x150: {  	v5 =	vadd.s32 v6, v5  }
0x151: {  	[tilespmem:$0x18160] =	vst v5  }
0x152: {  	v5 =	vld.idx.msk [tilespmem:v4+s11+$0x0], $0xffff;
	_ =	sdelay $0x4  }
0x153: {  	vm5 =	vgt.f32 v5, $-1.150300030e+00;
	vm6 =	vgt.f32 v5, $-6.744999880e-01  }
0x154: {  	vm7 =	vgt.f32 v5, $-3.185999990e-01;
	v6 =	vsel vm5, $0x1, v1;
	v7 =	vsel vm6, $0x1, v1  }
0x155: {  	vm8 =	vgt.f32 v5, $0.0e+00;
	v6 =	vadd.s32 v7, v6;
	v7 =	vsel vm7, $0x1, v1  }
0x156: {  	vm9 =	vgt.f32 v5, $3.185999990e-01;
	v6 =	vadd.s32 v7, v6;
	v7 =	vsel vm8, $0x1, v1  }
0x157: {  	vm10 =	vgt.f32 v5, $6.744999880e-01;
	v6 =	vadd.s32 v7, v6;
	v7 =	vsel vm9, $0x1, v1  }
0x158: {  	vm11 =	vgt.f32 v5, $1.150300030e+00;
	v6 =	vadd.s32 v7, v6;
	v7 =	vsel vm10, $0x1, v1  }
0x159: {  	s31 =	sld [smem:$0x7F4];
	v5 =	vadd.s32 v7, v6;
	v6 =	vsel vm11, $0x1, v1  }
0x15a: {  	v5 =	vadd.s32 v6, v5  }
0x15b: {  	s3 =	rddreg [dreg:$0x16];
	[tilespmem:$0x18170] =	vst v5  }
0x15c: {  	[hbm4b:s3+s2] =	stream.linear.scatter [tilespmem:s31], [sflag:$0xD], $0x40, $0x38;
	[tilespmem:$0x18400] =	vst v63  }
0x15d: {  	_ =	swait.ge [sflag:s24], $0x2000  }
0x15e: {  	[sflag:s24] =	ssyncset.done $0x0  }
0x15f: {  	[sflag:s24] =	ssyncadd.s32 $0xFFFFE000  }
0x160: {  	v5 =	vld.idx.msk [tilespmem:v0+s12+$0x0], $0xffff;
	_ =	sdelay $0x4  }
0x161: {  	vm12 =	vgt.f32 v5, $-1.150300030e+00;
	vm13 =	vgt.f32 v5, $-6.744999880e-01  }
0x162: {  	vm14 =	vgt.f32 v5, $-3.185999990e-01;
	v6 =	vsel vm12, $0x1, v1;
	v7 =	vsel vm13, $0x1, v1  }
0x163: {  	vm15 =	vgt.f32 v5, $0.0e+00;
	v6 =	vadd.s32 v7, v6;
	v7 =	vsel vm14, $0x1, v1  }
0x164: {  	vm4 =	vgt.f32 v5, $3.185999990e-01;
	v6 =	vadd.s32 v7, v6;
	v7 =	vsel vm15, $0x1, v1  }
0x165: {  	vm5 =	vgt.f32 v5, $6.744999880e-01;
	v6 =	vadd.s32 v7, v6;
	v7 =	vsel vm4, $0x1, v1  }
0x166: {  	vm6 =	vgt.f32 v5, $1.150300030e+00;
	v6 =	vadd.s32 v7, v6;
	v7 =	vsel vm5, $0x1, v1  }
0x167: {  	v5 =	vadd.s32 v7, v6;
	v6 =	vsel vm6, $0x1, v1  }
0x168: {  	v5 =	vadd.s32 v6, v5  }
0x169: {  	[tilespmem:$0x18180] =	vst v5  }
0x16a: {  	v5 =	vld.idx.msk [tilespmem:v2+s12+$0x0], $0xffff;
	_ =	sdelay $0x4  }
0x16b: {  	vm7 =	vgt.f32 v5, $-1.150300030e+00;
	vm8 =	vgt.f32 v5, $-6.744999880e-01  }
0x16c: {  	vm9 =	vgt.f32 v5, $-3.185999990e-01;
	v6 =	vsel vm7, $0x1, v1;
	v7 =	vsel vm8, $0x1, v1  }
0x16d: {  	vm10 =	vgt.f32 v5, $0.0e+00;
	v6 =	vadd.s32 v7, v6;
	v7 =	vsel vm9, $0x1, v1  }
0x16e: {  	vm11 =	vgt.f32 v5, $3.185999990e-01;
	v6 =	vadd.s32 v7, v6;
	v7 =	vsel vm10, $0x1, v1  }
0x16f: {  	vm12 =	vgt.f32 v5, $6.744999880e-01;
	v6 =	vadd.s32 v7, v6;
	v7 =	vsel vm11, $0x1, v1  }
0x170: {  	vm13 =	vgt.f32 v5, $1.150300030e+00;
	v6 =	vadd.s32 v7, v6;
	v7 =	vsel vm12, $0x1, v1  }
0x171: {  	v5 =	vadd.s32 v7, v6;
	v6 =	vsel vm13, $0x1, v1  }
0x172: {  	v5 =	vadd.s32 v6, v5  }
0x173: {  	[tilespmem:$0x18190] =	vst v5  }
0x174: {  	v5 =	vld.idx.msk [tilespmem:v3+s12+$0x0], $0xffff;
	_ =	sdelay $0x4  }
0x175: {  	vm14 =	vgt.f32 v5, $-1.150300030e+00;
	vm15 =	vgt.f32 v5, $-6.744999880e-01  }
0x176: {  	vm4 =	vgt.f32 v5, $-3.185999990e-01;
	v6 =	vsel vm14, $0x1, v1;
	v7 =	vsel vm15, $0x1, v1  }
0x177: {  	vm5 =	vgt.f32 v5, $0.0e+00;
	v6 =	vadd.s32 v7, v6;
	v7 =	vsel vm4, $0x1, v1  }
0x178: {  	vm6 =	vgt.f32 v5, $3.185999990e-01;
	v6 =	vadd.s32 v7, v6;
	v7 =	vsel vm5, $0x1, v1  }
0x179: {  	vm7 =	vgt.f32 v5, $6.744999880e-01;
	v6 =	vadd.s32 v7, v6;
	v7 =	vsel vm6, $0x1, v1  }
0x17a: {  	vm8 =	vgt.f32 v5, $1.150300030e+00;
	v6 =	vadd.s32 v7, v6;
	v7 =	vsel vm7, $0x1, v1  }
0x17b: {  	v5 =	vadd.s32 v7, v6;
	v6 =	vsel vm8, $0x1, v1  }
0x17c: {  	v5 =	vadd.s32 v6, v5  }
0x17d: {  	[tilespmem:$0x181A0] =	vst v5  }
0x17e: {  	v5 =	vld.idx.msk [tilespmem:v4+s12+$0x0], $0xffff;
	_ =	sdelay $0x4  }
0x17f: {  	vm9 =	vgt.f32 v5, $-1.150300030e+00;
	vm10 =	vgt.f32 v5, $-6.744999880e-01  }
0x180: {  	vm11 =	vgt.f32 v5, $-3.185999990e-01;
	v6 =	vsel vm9, $0x1, v1;
	v7 =	vsel vm10, $0x1, v1  }
0x181: {  	vm12 =	vgt.f32 v5, $0.0e+00;
	v6 =	vadd.s32 v7, v6;
	v7 =	vsel vm11, $0x1, v1  }
0x182: {  	vm13 =	vgt.f32 v5, $3.185999990e-01;
	v6 =	vadd.s32 v7, v6;
	v7 =	vsel vm12, $0x1, v1  }
0x183: {  	vm14 =	vgt.f32 v5, $6.744999880e-01;
	v6 =	vadd.s32 v7, v6;
	v7 =	vsel vm13, $0x1, v1  }
0x184: {  	vm15 =	vgt.f32 v5, $1.150300030e+00;
	v6 =	vadd.s32 v7, v6;
	v7 =	vsel vm14, $0x1, v1  }
0x185: {  	s31 =	sld [smem:$0x7F5];
	v5 =	vadd.s32 v7, v6;
	v6 =	vsel vm15, $0x1, v1  }
0x186: {  	v5 =	vadd.s32 v6, v5  }
0x187: {  	s3 =	rddreg [dreg:$0x17];
	[tilespmem:$0x181B0] =	vst v5  }
0x188: {  	[hbm4b:s3+s2] =	stream.linear.scatter [tilespmem:s31], [sflag:$0xD], $0x40, $0x38;
	[tilespmem:$0x18400] =	vst v63  }
0x189: {  	_ =	swait.ge [sflag:s25], $0x2000  }
0x18a: {  	[sflag:s25] =	ssyncset.done $0x0  }
0x18b: {  	[sflag:s25] =	ssyncadd.s32 $0xFFFFE000  }
0x18c: {  	v5 =	vld.idx.msk [tilespmem:v0+s13+$0x0], $0xffff;
	_ =	sdelay $0x4  }
0x18d: {  	vm4 =	vgt.f32 v5, $-1.150300030e+00;
	vm5 =	vgt.f32 v5, $-6.744999880e-01  }
0x18e: {  	vm6 =	vgt.f32 v5, $-3.185999990e-01;
	v6 =	vsel vm4, $0x1, v1;
	v7 =	vsel vm5, $0x1, v1  }
0x18f: {  	vm7 =	vgt.f32 v5, $0.0e+00;
	v6 =	vadd.s32 v7, v6;
	v7 =	vsel vm6, $0x1, v1  }
0x190: {  	vm8 =	vgt.f32 v5, $3.185999990e-01;
	v6 =	vadd.s32 v7, v6;
	v7 =	vsel vm7, $0x1, v1  }
0x191: {  	vm9 =	vgt.f32 v5, $6.744999880e-01;
	v6 =	vadd.s32 v7, v6;
	v7 =	vsel vm8, $0x1, v1  }
0x192: {  	vm10 =	vgt.f32 v5, $1.150300030e+00;
	v6 =	vadd.s32 v7, v6;
	v7 =	vsel vm9, $0x1, v1  }
0x193: {  	v5 =	vadd.s32 v7, v6;
	v6 =	vsel vm10, $0x1, v1  }
0x194: {  	v5 =	vadd.s32 v6, v5  }
0x195: {  	[tilespmem:$0x181C0] =	vst v5  }
0x196: {  	v5 =	vld.idx.msk [tilespmem:v2+s13+$0x0], $0xffff;
	_ =	sdelay $0x4  }
0x197: {  	vm11 =	vgt.f32 v5, $-1.150300030e+00;
	vm12 =	vgt.f32 v5, $-6.744999880e-01  }
0x198: {  	vm13 =	vgt.f32 v5, $-3.185999990e-01;
	v6 =	vsel vm11, $0x1, v1;
	v7 =	vsel vm12, $0x1, v1  }
0x199: {  	vm14 =	vgt.f32 v5, $0.0e+00;
	v6 =	vadd.s32 v7, v6;
	v7 =	vsel vm13, $0x1, v1  }
0x19a: {  	vm15 =	vgt.f32 v5, $3.185999990e-01;
	v6 =	vadd.s32 v7, v6;
	v7 =	vsel vm14, $0x1, v1  }
0x19b: {  	vm4 =	vgt.f32 v5, $6.744999880e-01;
	v6 =	vadd.s32 v7, v6;
	v7 =	vsel vm15, $0x1, v1  }
0x19c: {  	vm5 =	vgt.f32 v5, $1.150300030e+00;
	v6 =	vadd.s32 v7, v6;
	v7 =	vsel vm4, $0x1, v1  }
0x19d: {  	v5 =	vadd.s32 v7, v6;
	v6 =	vsel vm5, $0x1, v1  }
0x19e: {  	v5 =	vadd.s32 v6, v5  }
0x19f: {  	[tilespmem:$0x181D0] =	vst v5  }
0x1a0: {  	v5 =	vld.idx.msk [tilespmem:v3+s13+$0x0], $0xffff;
	_ =	sdelay $0x4  }
0x1a1: {  	vm6 =	vgt.f32 v5, $-1.150300030e+00;
	vm7 =	vgt.f32 v5, $-6.744999880e-01  }
0x1a2: {  	vm8 =	vgt.f32 v5, $-3.185999990e-01;
	v6 =	vsel vm6, $0x1, v1;
	v7 =	vsel vm7, $0x1, v1  }
0x1a3: {  	vm9 =	vgt.f32 v5, $0.0e+00;
	v6 =	vadd.s32 v7, v6;
	v7 =	vsel vm8, $0x1, v1  }
0x1a4: {  	vm10 =	vgt.f32 v5, $3.185999990e-01;
	v6 =	vadd.s32 v7, v6;
	v7 =	vsel vm9, $0x1, v1  }
0x1a5: {  	vm11 =	vgt.f32 v5, $6.744999880e-01;
	v6 =	vadd.s32 v7, v6;
	v7 =	vsel vm10, $0x1, v1  }
0x1a6: {  	vm12 =	vgt.f32 v5, $1.150300030e+00;
	v6 =	vadd.s32 v7, v6;
	v7 =	vsel vm11, $0x1, v1  }
0x1a7: {  	v5 =	vadd.s32 v7, v6;
	v6 =	vsel vm12, $0x1, v1  }
0x1a8: {  	v5 =	vadd.s32 v6, v5  }
0x1a9: {  	[tilespmem:$0x181E0] =	vst v5  }
0x1aa: {  	v5 =	vld.idx.msk [tilespmem:v4+s13+$0x0], $0xffff;
	_ =	sdelay $0x4  }
0x1ab: {  	vm13 =	vgt.f32 v5, $-1.150300030e+00;
	vm14 =	vgt.f32 v5, $-6.744999880e-01  }
0x1ac: {  	vm15 =	vgt.f32 v5, $-3.185999990e-01;
	v6 =	vsel vm13, $0x1, v1;
	v7 =	vsel vm14, $0x1, v1  }
0x1ad: {  	vm4 =	vgt.f32 v5, $0.0e+00;
	v6 =	vadd.s32 v7, v6;
	v7 =	vsel vm15, $0x1, v1  }
0x1ae: {  	vm5 =	vgt.f32 v5, $3.185999990e-01;
	v6 =	vadd.s32 v7, v6;
	v7 =	vsel vm4, $0x1, v1  }
0x1af: {  	vm6 =	vgt.f32 v5, $6.744999880e-01;
	v6 =	vadd.s32 v7, v6;
	v7 =	vsel vm5, $0x1, v1  }
0x1b0: {  	vm7 =	vgt.f32 v5, $1.150300030e+00;
	v6 =	vadd.s32 v7, v6;
	v7 =	vsel vm6, $0x1, v1  }
0x1b1: {  	s31 =	sld [smem:$0x7F6];
	v5 =	vadd.s32 v7, v6;
	v6 =	vsel vm7, $0x1, v1  }
0x1b2: {  	v5 =	vadd.s32 v6, v5  }
0x1b3: {  	s3 =	rddreg [dreg:$0x18];
	[tilespmem:$0x181F0] =	vst v5  }
0x1b4: {  	[hbm4b:s3+s2] =	stream.linear.scatter [tilespmem:s31], [sflag:$0xD], $0x40, $0x38;
	[tilespmem:$0x18400] =	vst v63  }
0x1b5: {  	_ =	swait.ge [sflag:s26], $0x2000  }
0x1b6: {  	[sflag:s26] =	ssyncset.done $0x0  }
0x1b7: {  	[sflag:s26] =	ssyncadd.s32 $0xFFFFE000  }
0x1b8: {  	v5 =	vld.idx.msk [tilespmem:v0+s14+$0x0], $0xffff;
	_ =	sdelay $0x4  }
0x1b9: {  	vm8 =	vgt.f32 v5, $-1.150300030e+00;
	vm9 =	vgt.f32 v5, $-6.744999880e-01  }
0x1ba: {  	vm10 =	vgt.f32 v5, $-3.185999990e-01;
	v6 =	vsel vm8, $0x1, v1;
	v7 =	vsel vm9, $0x1, v1  }
0x1bb: {  	vm11 =	vgt.f32 v5, $0.0e+00;
	v6 =	vadd.s32 v7, v6;
	v7 =	vsel vm10, $0x1, v1  }
0x1bc: {  	vm12 =	vgt.f32 v5, $3.185999990e-01;
	v6 =	vadd.s32 v7, v6;
	v7 =	vsel vm11, $0x1, v1  }
0x1bd: {  	vm13 =	vgt.f32 v5, $6.744999880e-01;
	v6 =	vadd.s32 v7, v6;
	v7 =	vsel vm12, $0x1, v1  }
0x1be: {  	vm14 =	vgt.f32 v5, $1.150300030e+00;
	v6 =	vadd.s32 v7, v6;
	v7 =	vsel vm13, $0x1, v1  }
0x1bf: {  	v5 =	vadd.s32 v7, v6;
	v6 =	vsel vm14, $0x1, v1  }
0x1c0: {  	v5 =	vadd.s32 v6, v5  }
0x1c1: {  	[tilespmem:$0x18200] =	vst v5  }
0x1c2: {  	v5 =	vld.idx.msk [tilespmem:v2+s14+$0x0], $0xffff;
	_ =	sdelay $0x4  }
0x1c3: {  	vm15 =	vgt.f32 v5, $-1.150300030e+00;
	vm4 =	vgt.f32 v5, $-6.744999880e-01  }
0x1c4: {  	vm5 =	vgt.f32 v5, $-3.185999990e-01;
	v6 =	vsel vm15, $0x1, v1;
	v7 =	vsel vm4, $0x1, v1  }
0x1c5: {  	vm6 =	vgt.f32 v5, $0.0e+00;
	v6 =	vadd.s32 v7, v6;
	v7 =	vsel vm5, $0x1, v1  }
0x1c6: {  	vm7 =	vgt.f32 v5, $3.185999990e-01;
	v6 =	vadd.s32 v7, v6;
	v7 =	vsel vm6, $0x1, v1  }
0x1c7: {  	vm8 =	vgt.f32 v5, $6.744999880e-01;
	v6 =	vadd.s32 v7, v6;
	v7 =	vsel vm7, $0x1, v1  }
0x1c8: {  	vm9 =	vgt.f32 v5, $1.150300030e+00;
	v6 =	vadd.s32 v7, v6;
	v7 =	vsel vm8, $0x1, v1  }
0x1c9: {  	v5 =	vadd.s32 v7, v6;
	v6 =	vsel vm9, $0x1, v1  }
0x1ca: {  	v5 =	vadd.s32 v6, v5  }
0x1cb: {  	[tilespmem:$0x18210] =	vst v5  }
0x1cc: {  	v5 =	vld.idx.msk [tilespmem:v3+s14+$0x0], $0xffff;
	_ =	sdelay $0x4  }
0x1cd: {  	vm10 =	vgt.f32 v5, $-1.150300030e+00;
	vm11 =	vgt.f32 v5, $-6.744999880e-01  }
0x1ce: {  	vm12 =	vgt.f32 v5, $-3.185999990e-01;
	v6 =	vsel vm10, $0x1, v1;
	v7 =	vsel vm11, $0x1, v1  }
0x1cf: {  	vm13 =	vgt.f32 v5, $0.0e+00;
	v6 =	vadd.s32 v7, v6;
	v7 =	vsel vm12, $0x1, v1  }
0x1d0: {  	vm14 =	vgt.f32 v5, $3.185999990e-01;
	v6 =	vadd.s32 v7, v6;
	v7 =	vsel vm13, $0x1, v1  }
0x1d1: {  	vm15 =	vgt.f32 v5, $6.744999880e-01;
	v6 =	vadd.s32 v7, v6;
	v7 =	vsel vm14, $0x1, v1  }
0x1d2: {  	vm4 =	vgt.f32 v5, $1.150300030e+00;
	v6 =	vadd.s32 v7, v6;
	v7 =	vsel vm15, $0x1, v1  }
0x1d3: {  	v5 =	vadd.s32 v7, v6;
	v6 =	vsel vm4, $0x1, v1  }
0x1d4: {  	v5 =	vadd.s32 v6, v5  }
0x1d5: {  	[tilespmem:$0x18220] =	vst v5  }
0x1d6: {  	v5 =	vld.idx.msk [tilespmem:v4+s14+$0x0], $0xffff;
	_ =	sdelay $0x4  }
0x1d7: {  	vm5 =	vgt.f32 v5, $-1.150300030e+00;
	vm6 =	vgt.f32 v5, $-6.744999880e-01  }
0x1d8: {  	vm7 =	vgt.f32 v5, $-3.185999990e-01;
	v6 =	vsel vm5, $0x1, v1;
	v7 =	vsel vm6, $0x1, v1  }
0x1d9: {  	vm8 =	vgt.f32 v5, $0.0e+00;
	v6 =	vadd.s32 v7, v6;
	v7 =	vsel vm7, $0x1, v1  }
0x1da: {  	vm9 =	vgt.f32 v5, $3.185999990e-01;
	v6 =	vadd.s32 v7, v6;
	v7 =	vsel vm8, $0x1, v1  }
0x1db: {  	vm10 =	vgt.f32 v5, $6.744999880e-01;
	v6 =	vadd.s32 v7, v6;
	v7 =	vsel vm9, $0x1, v1  }
0x1dc: {  	vm11 =	vgt.f32 v5, $1.150300030e+00;
	v6 =	vadd.s32 v7, v6;
	v7 =	vsel vm10, $0x1, v1  }
0x1dd: {  	s31 =	sld [smem:$0x7F7];
	v5 =	vadd.s32 v7, v6;
	v6 =	vsel vm11, $0x1, v1  }
0x1de: {  	v5 =	vadd.s32 v6, v5  }
0x1df: {  	s3 =	rddreg [dreg:$0x19];
	[tilespmem:$0x18230] =	vst v5  }
0x1e0: {  	[hbm4b:s3+s2] =	stream.linear.scatter [tilespmem:s31], [sflag:$0xD], $0x40, $0x38;
	[tilespmem:$0x18400] =	vst v63  }
0x1e1: {  	_ =	swait.ge [sflag:s28], $0x2000  }
0x1e2: {  	[sflag:s28] =	ssyncset.done $0x0  }
0x1e3: {  	[sflag:s28] =	ssyncadd.s32 $0xFFFFE000  }
0x1e4: {  	v5 =	vld.idx.msk [tilespmem:v0+s15+$0x0], $0xffff;
	_ =	sdelay $0x4  }
0x1e5: {  	vm12 =	vgt.f32 v5, $-1.150300030e+00;
	vm13 =	vgt.f32 v5, $-6.744999880e-01  }
0x1e6: {  	vm14 =	vgt.f32 v5, $-3.185999990e-01;
	v6 =	vsel vm12, $0x1, v1;
	v7 =	vsel vm13, $0x1, v1  }
0x1e7: {  	vm15 =	vgt.f32 v5, $0.0e+00;
	v6 =	vadd.s32 v7, v6;
	v7 =	vsel vm14, $0x1, v1  }
0x1e8: {  	vm4 =	vgt.f32 v5, $3.185999990e-01;
	v6 =	vadd.s32 v7, v6;
	v7 =	vsel vm15, $0x1, v1  }
0x1e9: {  	vm5 =	vgt.f32 v5, $6.744999880e-01;
	v6 =	vadd.s32 v7, v6;
	v7 =	vsel vm4, $0x1, v1  }
0x1ea: {  	vm6 =	vgt.f32 v5, $1.150300030e+00;
	v6 =	vadd.s32 v7, v6;
	v7 =	vsel vm5, $0x1, v1  }
0x1eb: {  	v5 =	vadd.s32 v7, v6;
	v6 =	vsel vm6, $0x1, v1  }
0x1ec: {  	v5 =	vadd.s32 v6, v5  }
0x1ed: {  	[tilespmem:$0x18240] =	vst v5  }
0x1ee: {  	v5 =	vld.idx.msk [tilespmem:v2+s15+$0x0], $0xffff;
	_ =	sdelay $0x4  }
0x1ef: {  	vm7 =	vgt.f32 v5, $-1.150300030e+00;
	vm8 =	vgt.f32 v5, $-6.744999880e-01  }
0x1f0: {  	vm9 =	vgt.f32 v5, $-3.185999990e-01;
	v6 =	vsel vm7, $0x1, v1;
	v7 =	vsel vm8, $0x1, v1  }
0x1f1: {  	vm10 =	vgt.f32 v5, $0.0e+00;
	v6 =	vadd.s32 v7, v6;
	v7 =	vsel vm9, $0x1, v1  }
0x1f2: {  	vm11 =	vgt.f32 v5, $3.185999990e-01;
	v6 =	vadd.s32 v7, v6;
	v7 =	vsel vm10, $0x1, v1  }
0x1f3: {  	vm12 =	vgt.f32 v5, $6.744999880e-01;
	v6 =	vadd.s32 v7, v6;
	v7 =	vsel vm11, $0x1, v1  }
0x1f4: {  	vm13 =	vgt.f32 v5, $1.150300030e+00;
	v6 =	vadd.s32 v7, v6;
	v7 =	vsel vm12, $0x1, v1  }
0x1f5: {  	v5 =	vadd.s32 v7, v6;
	v6 =	vsel vm13, $0x1, v1  }
0x1f6: {  	v5 =	vadd.s32 v6, v5  }
0x1f7: {  	[tilespmem:$0x18250] =	vst v5  }
0x1f8: {  	v5 =	vld.idx.msk [tilespmem:v3+s15+$0x0], $0xffff;
	_ =	sdelay $0x4  }
0x1f9: {  	vm14 =	vgt.f32 v5, $-1.150300030e+00;
	vm15 =	vgt.f32 v5, $-6.744999880e-01  }
0x1fa: {  	vm4 =	vgt.f32 v5, $-3.185999990e-01;
	v6 =	vsel vm14, $0x1, v1;
	v7 =	vsel vm15, $0x1, v1  }
0x1fb: {  	vm5 =	vgt.f32 v5, $0.0e+00;
	v6 =	vadd.s32 v7, v6;
	v7 =	vsel vm4, $0x1, v1  }
0x1fc: {  	vm6 =	vgt.f32 v5, $3.185999990e-01;
	v6 =	vadd.s32 v7, v6;
	v7 =	vsel vm5, $0x1, v1  }
0x1fd: {  	vm7 =	vgt.f32 v5, $6.744999880e-01;
	v6 =	vadd.s32 v7, v6;
	v7 =	vsel vm6, $0x1, v1  }
0x1fe: {  	vm8 =	vgt.f32 v5, $1.150300030e+00;
	v6 =	vadd.s32 v7, v6;
	v7 =	vsel vm7, $0x1, v1  }
0x1ff: {  	v5 =	vadd.s32 v7, v6;
	v6 =	vsel vm8, $0x1, v1  }
0x200: {  	v5 =	vadd.s32 v6, v5  }
0x201: {  	[tilespmem:$0x18260] =	vst v5  }
0x202: {  	v5 =	vld.idx.msk [tilespmem:v4+s15+$0x0], $0xffff;
	_ =	sdelay $0x4  }
0x203: {  	vm9 =	vgt.f32 v5, $-1.150300030e+00;
	vm10 =	vgt.f32 v5, $-6.744999880e-01  }
0x204: {  	vm11 =	vgt.f32 v5, $-3.185999990e-01;
	v6 =	vsel vm9, $0x1, v1;
	v7 =	vsel vm10, $0x1, v1  }
0x205: {  	vm12 =	vgt.f32 v5, $0.0e+00;
	v6 =	vadd.s32 v7, v6;
	v7 =	vsel vm11, $0x1, v1  }
0x206: {  	vm13 =	vgt.f32 v5, $3.185999990e-01;
	v6 =	vadd.s32 v7, v6;
	v7 =	vsel vm12, $0x1, v1  }
0x207: {  	vm14 =	vgt.f32 v5, $6.744999880e-01;
	v6 =	vadd.s32 v7, v6;
	v7 =	vsel vm13, $0x1, v1  }
0x208: {  	vm15 =	vgt.f32 v5, $1.150300030e+00;
	v6 =	vadd.s32 v7, v6;
	v7 =	vsel vm14, $0x1, v1  }
0x209: {  	s31 =	sld [smem:$0x7F8];
	v5 =	vadd.s32 v7, v6;
	v6 =	vsel vm15, $0x1, v1  }
0x20a: {  	v5 =	vadd.s32 v6, v5  }
0x20b: {  	s3 =	rddreg [dreg:$0x1a];
	[tilespmem:$0x18270] =	vst v5  }
0x20c: {  	[hbm4b:s3+s2] =	stream.linear.scatter [tilespmem:s31], [sflag:$0xD], $0x40, $0x38;
	[tilespmem:$0x18400] =	vst v63  }
0x20d: {  	_ =	swait.ge [sflag:s29], $0x2000  }
0x20e: {  	[sflag:s29] =	ssyncset.done $0x0  }
0x20f: {  	[sflag:s29] =	ssyncadd.s32 $0xFFFFE000  }
0x210: {  	v5 =	vld.idx.msk [tilespmem:v0+s16+$0x0], $0xffff;
	_ =	sdelay $0x4  }
0x211: {  	vm4 =	vgt.f32 v5, $-1.150300030e+00;
	vm5 =	vgt.f32 v5, $-6.744999880e-01  }
0x212: {  	vm6 =	vgt.f32 v5, $-3.185999990e-01;
	v6 =	vsel vm4, $0x1, v1;
	v7 =	vsel vm5, $0x1, v1  }
0x213: {  	vm7 =	vgt.f32 v5, $0.0e+00;
	v6 =	vadd.s32 v7, v6;
	v7 =	vsel vm6, $0x1, v1  }
0x214: {  	vm8 =	vgt.f32 v5, $3.185999990e-01;
	v6 =	vadd.s32 v7, v6;
	v7 =	vsel vm7, $0x1, v1  }
0x215: {  	vm9 =	vgt.f32 v5, $6.744999880e-01;
	v6 =	vadd.s32 v7, v6;
	v7 =	vsel vm8, $0x1, v1  }
0x216: {  	vm10 =	vgt.f32 v5, $1.150300030e+00;
	v6 =	vadd.s32 v7, v6;
	v7 =	vsel vm9, $0x1, v1  }
0x217: {  	v5 =	vadd.s32 v7, v6;
	v6 =	vsel vm10, $0x1, v1  }
0x218: {  	v5 =	vadd.s32 v6, v5  }
0x219: {  	[tilespmem:$0x18280] =	vst v5  }
0x21a: {  	v5 =	vld.idx.msk [tilespmem:v2+s16+$0x0], $0xffff;
	_ =	sdelay $0x4  }
0x21b: {  	vm11 =	vgt.f32 v5, $-1.150300030e+00;
	vm12 =	vgt.f32 v5, $-6.744999880e-01  }
0x21c: {  	vm13 =	vgt.f32 v5, $-3.185999990e-01;
	v6 =	vsel vm11, $0x1, v1;
	v7 =	vsel vm12, $0x1, v1  }
0x21d: {  	vm14 =	vgt.f32 v5, $0.0e+00;
	v6 =	vadd.s32 v7, v6;
	v7 =	vsel vm13, $0x1, v1  }
0x21e: {  	vm15 =	vgt.f32 v5, $3.185999990e-01;
	v6 =	vadd.s32 v7, v6;
	v7 =	vsel vm14, $0x1, v1  }
0x21f: {  	vm4 =	vgt.f32 v5, $6.744999880e-01;
	v6 =	vadd.s32 v7, v6;
	v7 =	vsel vm15, $0x1, v1  }
0x220: {  	vm5 =	vgt.f32 v5, $1.150300030e+00;
	v6 =	vadd.s32 v7, v6;
	v7 =	vsel vm4, $0x1, v1  }
0x221: {  	v5 =	vadd.s32 v7, v6;
	v6 =	vsel vm5, $0x1, v1  }
0x222: {  	v5 =	vadd.s32 v6, v5  }
0x223: {  	[tilespmem:$0x18290] =	vst v5  }
0x224: {  	v5 =	vld.idx.msk [tilespmem:v3+s16+$0x0], $0xffff;
	_ =	sdelay $0x4  }
0x225: {  	vm6 =	vgt.f32 v5, $-1.150300030e+00;
	vm7 =	vgt.f32 v5, $-6.744999880e-01  }
0x226: {  	vm8 =	vgt.f32 v5, $-3.185999990e-01;
	v6 =	vsel vm6, $0x1, v1;
	v7 =	vsel vm7, $0x1, v1  }
0x227: {  	vm9 =	vgt.f32 v5, $0.0e+00;
	v6 =	vadd.s32 v7, v6;
	v7 =	vsel vm8, $0x1, v1  }
0x228: {  	vm10 =	vgt.f32 v5, $3.185999990e-01;
	v6 =	vadd.s32 v7, v6;
	v7 =	vsel vm9, $0x1, v1  }
0x229: {  	vm11 =	vgt.f32 v5, $6.744999880e-01;
	v6 =	vadd.s32 v7, v6;
	v7 =	vsel vm10, $0x1, v1  }
0x22a: {  	vm12 =	vgt.f32 v5, $1.150300030e+00;
	v6 =	vadd.s32 v7, v6;
	v7 =	vsel vm11, $0x1, v1  }
0x22b: {  	v5 =	vadd.s32 v7, v6;
	v6 =	vsel vm12, $0x1, v1  }
0x22c: {  	v5 =	vadd.s32 v6, v5  }
0x22d: {  	[tilespmem:$0x182A0] =	vst v5  }
0x22e: {  	v5 =	vld.idx.msk [tilespmem:v4+s16+$0x0], $0xffff;
	_ =	sdelay $0x4  }
0x22f: {  	vm13 =	vgt.f32 v5, $-1.150300030e+00;
	vm14 =	vgt.f32 v5, $-6.744999880e-01  }
0x230: {  	vm15 =	vgt.f32 v5, $-3.185999990e-01;
	v6 =	vsel vm13, $0x1, v1;
	v7 =	vsel vm14, $0x1, v1  }
0x231: {  	vm4 =	vgt.f32 v5, $0.0e+00;
	v6 =	vadd.s32 v7, v6;
	v7 =	vsel vm15, $0x1, v1  }
0x232: {  	vm5 =	vgt.f32 v5, $3.185999990e-01;
	v6 =	vadd.s32 v7, v6;
	v7 =	vsel vm4, $0x1, v1  }
0x233: {  	vm6 =	vgt.f32 v5, $6.744999880e-01;
	v6 =	vadd.s32 v7, v6;
	v7 =	vsel vm5, $0x1, v1  }
0x234: {  	vm7 =	vgt.f32 v5, $1.150300030e+00;
	v6 =	vadd.s32 v7, v6;
	v7 =	vsel vm6, $0x1, v1  }
0x235: {  	s31 =	sld [smem:$0x7F9];
	v5 =	vadd.s32 v7, v6;
	v6 =	vsel vm7, $0x1, v1  }
0x236: {  	v5 =	vadd.s32 v6, v5  }
0x237: {  	s3 =	rddreg [dreg:$0x1b];
	[tilespmem:$0x182B0] =	vst v5  }
0x238: {  	[hbm4b:s3+s2] =	stream.linear.scatter [tilespmem:s31], [sflag:$0xD], $0x40, $0x38;
	[tilespmem:$0x18400] =	vst v63  }
0x239: {  	_ =	swait.ge [sflag:s30], $0x2000  }
0x23a: {  	[sflag:s30] =	ssyncset.done $0x0  }
0x23b: {  	[sflag:s30] =	ssyncadd.s32 $0xFFFFE000  }
0x23c: {  	v5 =	vld.idx.msk [tilespmem:v0+s17+$0x0], $0xffff;
	_ =	sdelay $0x4  }
0x23d: {  	vm8 =	vgt.f32 v5, $-1.150300030e+00;
	vm9 =	vgt.f32 v5, $-6.744999880e-01  }
0x23e: {  	vm10 =	vgt.f32 v5, $-3.185999990e-01;
	v6 =	vsel vm8, $0x1, v1;
	v7 =	vsel vm9, $0x1, v1  }
0x23f: {  	vm11 =	vgt.f32 v5, $0.0e+00;
	v6 =	vadd.s32 v7, v6;
	v7 =	vsel vm10, $0x1, v1  }
0x240: {  	vm12 =	vgt.f32 v5, $3.185999990e-01;
	v6 =	vadd.s32 v7, v6;
	v7 =	vsel vm11, $0x1, v1  }
0x241: {  	vm13 =	vgt.f32 v5, $6.744999880e-01;
	v6 =	vadd.s32 v7, v6;
	v7 =	vsel vm12, $0x1, v1  }
0x242: {  	vm14 =	vgt.f32 v5, $1.150300030e+00;
	v6 =	vadd.s32 v7, v6;
	v7 =	vsel vm13, $0x1, v1  }
0x243: {  	v5 =	vadd.s32 v7, v6;
	v6 =	vsel vm14, $0x1, v1  }
0x244: {  	v5 =	vadd.s32 v6, v5  }
0x245: {  	[tilespmem:$0x182C0] =	vst v5  }
0x246: {  	v5 =	vld.idx.msk [tilespmem:v2+s17+$0x0], $0xffff;
	_ =	sdelay $0x4  }
0x247: {  	vm15 =	vgt.f32 v5, $-1.150300030e+00;
	vm4 =	vgt.f32 v5, $-6.744999880e-01  }
0x248: {  	vm5 =	vgt.f32 v5, $-3.185999990e-01;
	v6 =	vsel vm15, $0x1, v1;
	v7 =	vsel vm4, $0x1, v1  }
0x249: {  	vm6 =	vgt.f32 v5, $0.0e+00;
	v6 =	vadd.s32 v7, v6;
	v7 =	vsel vm5, $0x1, v1  }
0x24a: {  	vm7 =	vgt.f32 v5, $3.185999990e-01;
	v6 =	vadd.s32 v7, v6;
	v7 =	vsel vm6, $0x1, v1  }
0x24b: {  	vm8 =	vgt.f32 v5, $6.744999880e-01;
	v6 =	vadd.s32 v7, v6;
	v7 =	vsel vm7, $0x1, v1  }
0x24c: {  	vm9 =	vgt.f32 v5, $1.150300030e+00;
	v6 =	vadd.s32 v7, v6;
	v7 =	vsel vm8, $0x1, v1  }
0x24d: {  	v5 =	vadd.s32 v7, v6;
	v6 =	vsel vm9, $0x1, v1  }
0x24e: {  	v5 =	vadd.s32 v6, v5  }
0x24f: {  	[tilespmem:$0x182D0] =	vst v5  }
0x250: {  	v5 =	vld.idx.msk [tilespmem:v3+s17+$0x0], $0xffff;
	_ =	sdelay $0x4  }
0x251: {  	vm10 =	vgt.f32 v5, $-1.150300030e+00;
	vm11 =	vgt.f32 v5, $-6.744999880e-01  }
0x252: {  	vm12 =	vgt.f32 v5, $-3.185999990e-01;
	v6 =	vsel vm10, $0x1, v1;
	v7 =	vsel vm11, $0x1, v1  }
0x253: {  	vm13 =	vgt.f32 v5, $0.0e+00;
	v6 =	vadd.s32 v7, v6;
	v7 =	vsel vm12, $0x1, v1  }
0x254: {  	vm14 =	vgt.f32 v5, $3.185999990e-01;
	v6 =	vadd.s32 v7, v6;
	v7 =	vsel vm13, $0x1, v1  }
0x255: {  	vm15 =	vgt.f32 v5, $6.744999880e-01;
	v6 =	vadd.s32 v7, v6;
	v7 =	vsel vm14, $0x1, v1  }
0x256: {  	vm4 =	vgt.f32 v5, $1.150300030e+00;
	v6 =	vadd.s32 v7, v6;
	v7 =	vsel vm15, $0x1, v1  }
0x257: {  	v5 =	vadd.s32 v7, v6;
	v6 =	vsel vm4, $0x1, v1  }
0x258: {  	v5 =	vadd.s32 v6, v5  }
0x259: {  	[tilespmem:$0x182E0] =	vst v5  }
0x25a: {  	v5 =	vld.idx.msk [tilespmem:v4+s17+$0x0], $0xffff;
	_ =	sdelay $0x4  }
0x25b: {  	vm5 =	vgt.f32 v5, $-1.150300030e+00;
	vm6 =	vgt.f32 v5, $-6.744999880e-01  }
0x25c: {  	vm7 =	vgt.f32 v5, $-3.185999990e-01;
	v6 =	vsel vm5, $0x1, v1;
	v7 =	vsel vm6, $0x1, v1  }
0x25d: {  	vm8 =	vgt.f32 v5, $0.0e+00;
	v6 =	vadd.s32 v7, v6;
	v7 =	vsel vm7, $0x1, v1  }
0x25e: {  	vm9 =	vgt.f32 v5, $3.185999990e-01;
	v6 =	vadd.s32 v7, v6;
	v7 =	vsel vm8, $0x1, v1  }
0x25f: {  	vm10 =	vgt.f32 v5, $6.744999880e-01;
	v6 =	vadd.s32 v7, v6;
	v7 =	vsel vm9, $0x1, v1  }
0x260: {  	vm11 =	vgt.f32 v5, $1.150300030e+00;
	v6 =	vadd.s32 v7, v6;
	v7 =	vsel vm10, $0x1, v1  }
0x261: {  	s31 =	sld [smem:$0x7FA];
	v5 =	vadd.s32 v7, v6;
	v6 =	vsel vm11, $0x1, v1  }
0x262: {  	v5 =	vadd.s32 v6, v5  }
0x263: {  	s3 =	rddreg [dreg:$0x1c];
	[tilespmem:$0x182F0] =	vst v5  }
0x264: {  	[hbm4b:s3+s2] =	stream.linear.scatter [tilespmem:s31], [sflag:$0xD], $0x40, $0x38;
	[tilespmem:$0x18400] =	vst v63  }
0x265: {  	_ =	swait.ge [sflag:s18], $0x2000  }
0x266: {  	[sflag:s18] =	ssyncset.done $0x0  }
0x267: {  	[sflag:s18] =	ssyncadd.s32 $0xFFFFE000  }
0x268: {  	v5 =	vld.idx.msk [tilespmem:v0+s2+$0x0], $0xffff;
	_ =	sdelay $0x4  }
0x269: {  	vm12 =	vgt.f32 v5, $-1.150300030e+00;
	vm13 =	vgt.f32 v5, $-6.744999880e-01  }
0x26a: {  	vm14 =	vgt.f32 v5, $-3.185999990e-01;
	v6 =	vsel vm12, $0x1, v1;
	v7 =	vsel vm13, $0x1, v1  }
0x26b: {  	vm15 =	vgt.f32 v5, $0.0e+00;
	v6 =	vadd.s32 v7, v6;
	v7 =	vsel vm14, $0x1, v1  }
0x26c: {  	vm4 =	vgt.f32 v5, $3.185999990e-01;
	v6 =	vadd.s32 v7, v6;
	v7 =	vsel vm15, $0x1, v1  }
0x26d: {  	vm5 =	vgt.f32 v5, $6.744999880e-01;
	v6 =	vadd.s32 v7, v6;
	v7 =	vsel vm4, $0x1, v1  }
0x26e: {  	vm6 =	vgt.f32 v5, $1.150300030e+00;
	v6 =	vadd.s32 v7, v6;
	v7 =	vsel vm5, $0x1, v1  }
0x26f: {  	v5 =	vadd.s32 v7, v6;
	v6 =	vsel vm6, $0x1, v1  }
0x270: {  	v5 =	vadd.s32 v6, v5  }
0x271: {  	[tilespmem:$0x18300] =	vst v5  }
0x272: {  	v5 =	vld.idx.msk [tilespmem:v2+s2+$0x0], $0xffff;
	_ =	sdelay $0x4  }
0x273: {  	vm7 =	vgt.f32 v5, $-1.150300030e+00;
	vm8 =	vgt.f32 v5, $-6.744999880e-01  }
0x274: {  	vm9 =	vgt.f32 v5, $-3.185999990e-01;
	v6 =	vsel vm7, $0x1, v1;
	v7 =	vsel vm8, $0x1, v1  }
0x275: {  	vm10 =	vgt.f32 v5, $0.0e+00;
	v6 =	vadd.s32 v7, v6;
	v7 =	vsel vm9, $0x1, v1  }
0x276: {  	vm11 =	vgt.f32 v5, $3.185999990e-01;
	v6 =	vadd.s32 v7, v6;
	v7 =	vsel vm10, $0x1, v1  }
0x277: {  	vm12 =	vgt.f32 v5, $6.744999880e-01;
	v6 =	vadd.s32 v7, v6;
	v7 =	vsel vm11, $0x1, v1  }
0x278: {  	vm13 =	vgt.f32 v5, $1.150300030e+00;
	v6 =	vadd.s32 v7, v6;
	v7 =	vsel vm12, $0x1, v1  }
0x279: {  	v5 =	vadd.s32 v7, v6;
	v6 =	vsel vm13, $0x1, v1  }
0x27a: {  	v5 =	vadd.s32 v6, v5  }
0x27b: {  	[tilespmem:$0x18310] =	vst v5  }
0x27c: {  	v5 =	vld.idx.msk [tilespmem:v3+s2+$0x0], $0xffff;
	_ =	sdelay $0x4  }
0x27d: {  	vm14 =	vgt.f32 v5, $-1.150300030e+00;
	vm15 =	vgt.f32 v5, $-6.744999880e-01  }
0x27e: {  	vm4 =	vgt.f32 v5, $-3.185999990e-01;
	v6 =	vsel vm14, $0x1, v1;
	v7 =	vsel vm15, $0x1, v1  }
0x27f: {  	vm5 =	vgt.f32 v5, $0.0e+00;
	v6 =	vadd.s32 v7, v6;
	v7 =	vsel vm4, $0x1, v1  }
0x280: {  	vm6 =	vgt.f32 v5, $3.185999990e-01;
	v6 =	vadd.s32 v7, v6;
	v7 =	vsel vm5, $0x1, v1  }
0x281: {  	vm7 =	vgt.f32 v5, $6.744999880e-01;
	v6 =	vadd.s32 v7, v6;
	v7 =	vsel vm6, $0x1, v1  }
0x282: {  	vm8 =	vgt.f32 v5, $1.150300030e+00;
	v6 =	vadd.s32 v7, v6;
	v7 =	vsel vm7, $0x1, v1  }
0x283: {  	v5 =	vadd.s32 v7, v6;
	v6 =	vsel vm8, $0x1, v1  }
0x284: {  	v5 =	vadd.s32 v6, v5  }
0x285: {  	[tilespmem:$0x18320] =	vst v5  }
0x286: {  	v5 =	vld.idx.msk [tilespmem:v4+s2+$0x0], $0xffff;
	_ =	sdelay $0x4  }
0x287: {  	vm9 =	vgt.f32 v5, $-1.150300030e+00;
	vm10 =	vgt.f32 v5, $-6.744999880e-01  }
0x288: {  	vm11 =	vgt.f32 v5, $-3.185999990e-01;
	v6 =	vsel vm9, $0x1, v1;
	v7 =	vsel vm10, $0x1, v1  }
0x289: {  	vm12 =	vgt.f32 v5, $0.0e+00;
	v6 =	vadd.s32 v7, v6;
	v7 =	vsel vm11, $0x1, v1  }
0x28a: {  	vm13 =	vgt.f32 v5, $3.185999990e-01;
	v6 =	vadd.s32 v7, v6;
	v7 =	vsel vm12, $0x1, v1  }
0x28b: {  	vm14 =	vgt.f32 v5, $6.744999880e-01;
	v6 =	vadd.s32 v7, v6;
	v7 =	vsel vm13, $0x1, v1  }
0x28c: {  	vm15 =	vgt.f32 v5, $1.150300030e+00;
	v6 =	vadd.s32 v7, v6;
	v7 =	vsel vm14, $0x1, v1  }
0x28d: {  	s31 =	sld [smem:$0x7FB];
	v5 =	vadd.s32 v7, v6;
	v6 =	vsel vm15, $0x1, v1  }
0x28e: {  	v5 =	vadd.s32 v6, v5  }
0x28f: {  	s3 =	rddreg [dreg:$0x1d];
	[tilespmem:$0x18330] =	vst v5  }
0x290: {  	[hbm4b:s3+s2] =	stream.linear.scatter [tilespmem:s31], [sflag:$0xD], $0x40, $0x38;
	[tilespmem:$0x18400] =	vst v63  }
0x291: {  	_ =	swait.ge [sflag:s19], $0x2000  }
0x292: {  	[sflag:s19] =	ssyncset.done $0x0  }
0x293: {  	[sflag:s19] =	ssyncadd.s32 $0xFFFFE000  }
0x294: {  	v5 =	vld.idx.msk [tilespmem:v0+s7+$0x0], $0xffff;
	_ =	sdelay $0x4  }
0x295: {  	vm4 =	vgt.f32 v5, $-1.150300030e+00;
	vm5 =	vgt.f32 v5, $-6.744999880e-01  }
0x296: {  	vm6 =	vgt.f32 v5, $-3.185999990e-01;
	v6 =	vsel vm4, $0x1, v1;
	v7 =	vsel vm5, $0x1, v1  }
0x297: {  	vm7 =	vgt.f32 v5, $0.0e+00;
	v6 =	vadd.s32 v7, v6;
	v7 =	vsel vm6, $0x1, v1  }
0x298: {  	vm8 =	vgt.f32 v5, $3.185999990e-01;
	v6 =	vadd.s32 v7, v6;
	v7 =	vsel vm7, $0x1, v1  }
0x299: {  	vm9 =	vgt.f32 v5, $6.744999880e-01;
	v6 =	vadd.s32 v7, v6;
	v7 =	vsel vm8, $0x1, v1  }
0x29a: {  	vm10 =	vgt.f32 v5, $1.150300030e+00;
	v6 =	vadd.s32 v7, v6;
	v7 =	vsel vm9, $0x1, v1  }
0x29b: {  	v5 =	vadd.s32 v7, v6;
	v6 =	vsel vm10, $0x1, v1  }
0x29c: {  	v5 =	vadd.s32 v6, v5  }
0x29d: {  	[tilespmem:$0x18340] =	vst v5  }
0x29e: {  	v5 =	vld.idx.msk [tilespmem:v2+s7+$0x0], $0xffff;
	_ =	sdelay $0x4  }
0x29f: {  	vm11 =	vgt.f32 v5, $-1.150300030e+00;
	vm12 =	vgt.f32 v5, $-6.744999880e-01  }
0x2a0: {  	vm13 =	vgt.f32 v5, $-3.185999990e-01;
	v6 =	vsel vm11, $0x1, v1;
	v7 =	vsel vm12, $0x1, v1  }
0x2a1: {  	vm14 =	vgt.f32 v5, $0.0e+00;
	v6 =	vadd.s32 v7, v6;
	v7 =	vsel vm13, $0x1, v1  }
0x2a2: {  	vm15 =	vgt.f32 v5, $3.185999990e-01;
	v6 =	vadd.s32 v7, v6;
	v7 =	vsel vm14, $0x1, v1  }
0x2a3: {  	vm4 =	vgt.f32 v5, $6.744999880e-01;
	v6 =	vadd.s32 v7, v6;
	v7 =	vsel vm15, $0x1, v1  }
0x2a4: {  	vm5 =	vgt.f32 v5, $1.150300030e+00;
	v6 =	vadd.s32 v7, v6;
	v7 =	vsel vm4, $0x1, v1  }
0x2a5: {  	v5 =	vadd.s32 v7, v6;
	v6 =	vsel vm5, $0x1, v1  }
0x2a6: {  	v5 =	vadd.s32 v6, v5  }
0x2a7: {  	[tilespmem:$0x18350] =	vst v5  }
0x2a8: {  	v5 =	vld.idx.msk [tilespmem:v3+s7+$0x0], $0xffff;
	_ =	sdelay $0x4  }
0x2a9: {  	vm6 =	vgt.f32 v5, $-1.150300030e+00;
	vm7 =	vgt.f32 v5, $-6.744999880e-01  }
0x2aa: {  	vm8 =	vgt.f32 v5, $-3.185999990e-01;
	v6 =	vsel vm6, $0x1, v1;
	v7 =	vsel vm7, $0x1, v1  }
0x2ab: {  	vm9 =	vgt.f32 v5, $0.0e+00;
	v6 =	vadd.s32 v7, v6;
	v7 =	vsel vm8, $0x1, v1  }
0x2ac: {  	vm10 =	vgt.f32 v5, $3.185999990e-01;
	v6 =	vadd.s32 v7, v6;
	v7 =	vsel vm9, $0x1, v1  }
0x2ad: {  	vm11 =	vgt.f32 v5, $6.744999880e-01;
	v6 =	vadd.s32 v7, v6;
	v7 =	vsel vm10, $0x1, v1  }
0x2ae: {  	vm12 =	vgt.f32 v5, $1.150300030e+00;
	v6 =	vadd.s32 v7, v6;
	v7 =	vsel vm11, $0x1, v1  }
0x2af: {  	v5 =	vadd.s32 v7, v6;
	v6 =	vsel vm12, $0x1, v1  }
0x2b0: {  	v5 =	vadd.s32 v6, v5  }
0x2b1: {  	[tilespmem:$0x18360] =	vst v5  }
0x2b2: {  	v5 =	vld.idx.msk [tilespmem:v4+s7+$0x0], $0xffff;
	_ =	sdelay $0x4  }
0x2b3: {  	vm13 =	vgt.f32 v5, $-1.150300030e+00;
	vm14 =	vgt.f32 v5, $-6.744999880e-01  }
0x2b4: {  	vm15 =	vgt.f32 v5, $-3.185999990e-01;
	v6 =	vsel vm13, $0x1, v1;
	v7 =	vsel vm14, $0x1, v1  }
0x2b5: {  	vm4 =	vgt.f32 v5, $0.0e+00;
	v6 =	vadd.s32 v7, v6;
	v7 =	vsel vm15, $0x1, v1  }
0x2b6: {  	vm5 =	vgt.f32 v5, $3.185999990e-01;
	v6 =	vadd.s32 v7, v6;
	v7 =	vsel vm4, $0x1, v1  }
0x2b7: {  	vm6 =	vgt.f32 v5, $6.744999880e-01;
	v6 =	vadd.s32 v7, v6;
	v7 =	vsel vm5, $0x1, v1  }
0x2b8: {  	vm7 =	vgt.f32 v5, $1.150300030e+00;
	v6 =	vadd.s32 v7, v6;
	v7 =	vsel vm6, $0x1, v1  }
0x2b9: {  	s31 =	sld [smem:$0x7FC];
	v5 =	vadd.s32 v7, v6;
	v6 =	vsel vm7, $0x1, v1  }
0x2ba: {  	v5 =	vadd.s32 v6, v5  }
0x2bb: {  	s3 =	rddreg [dreg:$0x1e];
	[tilespmem:$0x18370] =	vst v5  }
0x2bc: {  	[hbm4b:s3+s2] =	stream.linear.scatter [tilespmem:s31], [sflag:$0xD], $0x40, $0x38;
	[tilespmem:$0x18400] =	vst v63  }
0x2bd: {  	_ =	swait.ge [sflag:s20], $0x2000  }
0x2be: {  	[sflag:s20] =	ssyncset.done $0x0  }
0x2bf: {  	[sflag:s20] =	ssyncadd.s32 $0xFFFFE000  }
0x2c0: {  	v5 =	vld.idx.msk [tilespmem:v0+s8+$0x0], $0xffff;
	_ =	sdelay $0x4  }
0x2c1: {  	vm8 =	vgt.f32 v5, $-1.150300030e+00;
	vm9 =	vgt.f32 v5, $-6.744999880e-01  }
0x2c2: {  	vm10 =	vgt.f32 v5, $-3.185999990e-01;
	v6 =	vsel vm8, $0x1, v1;
	v7 =	vsel vm9, $0x1, v1  }
0x2c3: {  	vm11 =	vgt.f32 v5, $0.0e+00;
	v6 =	vadd.s32 v7, v6;
	v7 =	vsel vm10, $0x1, v1  }
0x2c4: {  	vm12 =	vgt.f32 v5, $3.185999990e-01;
	v6 =	vadd.s32 v7, v6;
	v7 =	vsel vm11, $0x1, v1  }
0x2c5: {  	vm13 =	vgt.f32 v5, $6.744999880e-01;
	v6 =	vadd.s32 v7, v6;
	v7 =	vsel vm12, $0x1, v1  }
0x2c6: {  	vm14 =	vgt.f32 v5, $1.150300030e+00;
	v6 =	vadd.s32 v7, v6;
	v7 =	vsel vm13, $0x1, v1  }
0x2c7: {  	v5 =	vadd.s32 v7, v6;
	v6 =	vsel vm14, $0x1, v1  }
0x2c8: {  	v5 =	vadd.s32 v6, v5  }
0x2c9: {  	[tilespmem:$0x18380] =	vst v5  }
0x2ca: {  	v5 =	vld.idx.msk [tilespmem:v2+s8+$0x0], $0xffff;
	_ =	sdelay $0x4  }
0x2cb: {  	vm15 =	vgt.f32 v5, $-1.150300030e+00;
	vm4 =	vgt.f32 v5, $-6.744999880e-01  }
0x2cc: {  	vm5 =	vgt.f32 v5, $-3.185999990e-01;
	v6 =	vsel vm15, $0x1, v1;
	v7 =	vsel vm4, $0x1, v1  }
0x2cd: {  	vm6 =	vgt.f32 v5, $0.0e+00;
	v6 =	vadd.s32 v7, v6;
	v7 =	vsel vm5, $0x1, v1  }
0x2ce: {  	vm7 =	vgt.f32 v5, $3.185999990e-01;
	v6 =	vadd.s32 v7, v6;
	v7 =	vsel vm6, $0x1, v1  }
0x2cf: {  	vm8 =	vgt.f32 v5, $6.744999880e-01;
	v6 =	vadd.s32 v7, v6;
	v7 =	vsel vm7, $0x1, v1  }
0x2d0: {  	vm9 =	vgt.f32 v5, $1.150300030e+00;
	v6 =	vadd.s32 v7, v6;
	v7 =	vsel vm8, $0x1, v1  }
0x2d1: {  	v5 =	vadd.s32 v7, v6;
	v6 =	vsel vm9, $0x1, v1  }
0x2d2: {  	v5 =	vadd.s32 v6, v5  }
0x2d3: {  	[tilespmem:$0x18390] =	vst v5  }
0x2d4: {  	v5 =	vld.idx.msk [tilespmem:v3+s8+$0x0], $0xffff;
	_ =	sdelay $0x4  }
0x2d5: {  	vm10 =	vgt.f32 v5, $-1.150300030e+00;
	vm11 =	vgt.f32 v5, $-6.744999880e-01  }
0x2d6: {  	vm12 =	vgt.f32 v5, $-3.185999990e-01;
	v6 =	vsel vm10, $0x1, v1;
	v7 =	vsel vm11, $0x1, v1  }
0x2d7: {  	vm13 =	vgt.f32 v5, $0.0e+00;
	v6 =	vadd.s32 v7, v6;
	v7 =	vsel vm12, $0x1, v1  }
0x2d8: {  	vm14 =	vgt.f32 v5, $3.185999990e-01;
	v6 =	vadd.s32 v7, v6;
	v7 =	vsel vm13, $0x1, v1  }
0x2d9: {  	vm15 =	vgt.f32 v5, $6.744999880e-01;
	v6 =	vadd.s32 v7, v6;
	v7 =	vsel vm14, $0x1, v1  }
0x2da: {  	vm4 =	vgt.f32 v5, $1.150300030e+00;
	v6 =	vadd.s32 v7, v6;
	v7 =	vsel vm15, $0x1, v1  }
0x2db: {  	v5 =	vadd.s32 v7, v6;
	v6 =	vsel vm4, $0x1, v1  }
0x2dc: {  	v5 =	vadd.s32 v6, v5  }
0x2dd: {  	[tilespmem:$0x183A0] =	vst v5  }
0x2de: {  	v5 =	vld.idx.msk [tilespmem:v4+s8+$0x0], $0xffff;
	_ =	sdelay $0x4  }
0x2df: {  	vm5 =	vgt.f32 v5, $-1.150300030e+00;
	vm6 =	vgt.f32 v5, $-6.744999880e-01  }
0x2e0: {  	vm7 =	vgt.f32 v5, $-3.185999990e-01;
	v6 =	vsel vm5, $0x1, v1;
	v7 =	vsel vm6, $0x1, v1  }
0x2e1: {  	vm8 =	vgt.f32 v5, $0.0e+00;
	v6 =	vadd.s32 v7, v6;
	v7 =	vsel vm7, $0x1, v1  }
0x2e2: {  	vm9 =	vgt.f32 v5, $3.185999990e-01;
	v6 =	vadd.s32 v7, v6;
	v7 =	vsel vm8, $0x1, v1  }
0x2e3: {  	vm10 =	vgt.f32 v5, $6.744999880e-01;
	v6 =	vadd.s32 v7, v6;
	v7 =	vsel vm9, $0x1, v1  }
0x2e4: {  	vm11 =	vgt.f32 v5, $1.150300030e+00;
	v6 =	vadd.s32 v7, v6;
	v7 =	vsel vm10, $0x1, v1  }
0x2e5: {  	s31 =	sld [smem:$0x7FD];
	v5 =	vadd.s32 v7, v6;
	v6 =	vsel vm11, $0x1, v1  }
0x2e6: {  	v5 =	vadd.s32 v6, v5  }
0x2e7: {  	s3 =	rddreg [dreg:$0x1f];
	[tilespmem:$0x183B0] =	vst v5  }
0x2e8: {  	[hbm4b:s3+s2] =	stream.linear.scatter [tilespmem:s31], [sflag:$0xD], $0x40, $0x38;
	[tilespmem:$0x18400] =	vst v63  }
0x2e9: {  	_ =	swait.ge [sflag:s21], $0x2000  }
0x2ea: {  	[sflag:s21] =	ssyncset.done $0x0  }
0x2eb: {  	[sflag:s21] =	ssyncadd.s32 $0xFFFFE000  }
0x2ec: {  	v5 =	vld.idx.msk [tilespmem:v0+s9+$0x0], $0xffff;
	_ =	sdelay $0x4  }
0x2ed: {  	vm12 =	vgt.f32 v5, $-1.150300030e+00;
	vm13 =	vgt.f32 v5, $-6.744999880e-01  }
0x2ee: {  	vm14 =	vgt.f32 v5, $-3.185999990e-01;
	v6 =	vsel vm12, $0x1, v1;
	v7 =	vsel vm13, $0x1, v1  }
0x2ef: {  	vm15 =	vgt.f32 v5, $0.0e+00;
	v6 =	vadd.s32 v7, v6;
	v7 =	vsel vm14, $0x1, v1  }
0x2f0: {  	vm4 =	vgt.f32 v5, $3.185999990e-01;
	v6 =	vadd.s32 v7, v6;
	v7 =	vsel vm15, $0x1, v1  }
0x2f1: {  	vm5 =	vgt.f32 v5, $6.744999880e-01;
	v6 =	vadd.s32 v7, v6;
	v7 =	vsel vm4, $0x1, v1  }
0x2f2: {  	vm6 =	vgt.f32 v5, $1.150300030e+00;
	v6 =	vadd.s32 v7, v6;
	v7 =	vsel vm5, $0x1, v1  }
0x2f3: {  	v5 =	vadd.s32 v7, v6;
	v6 =	vsel vm6, $0x1, v1  }
0x2f4: {  	v5 =	vadd.s32 v6, v5  }
0x2f5: {  	[tilespmem:$0x183C0] =	vst v5  }
0x2f6: {  	v5 =	vld.idx.msk [tilespmem:v2+s9+$0x0], $0xffff;
	_ =	sdelay $0x4  }
0x2f7: {  	vm7 =	vgt.f32 v5, $-1.150300030e+00;
	vm8 =	vgt.f32 v5, $-6.744999880e-01  }
0x2f8: {  	vm9 =	vgt.f32 v5, $-3.185999990e-01;
	v6 =	vsel vm7, $0x1, v1;
	v7 =	vsel vm8, $0x1, v1  }
0x2f9: {  	vm10 =	vgt.f32 v5, $0.0e+00;
	v6 =	vadd.s32 v7, v6;
	v7 =	vsel vm9, $0x1, v1  }
0x2fa: {  	vm11 =	vgt.f32 v5, $3.185999990e-01;
	v6 =	vadd.s32 v7, v6;
	v7 =	vsel vm10, $0x1, v1  }
0x2fb: {  	vm12 =	vgt.f32 v5, $6.744999880e-01;
	v6 =	vadd.s32 v7, v6;
	v7 =	vsel vm11, $0x1, v1  }
0x2fc: {  	vm13 =	vgt.f32 v5, $1.150300030e+00;
	v6 =	vadd.s32 v7, v6;
	v7 =	vsel vm12, $0x1, v1  }
0x2fd: {  	v5 =	vadd.s32 v7, v6;
	v6 =	vsel vm13, $0x1, v1  }
0x2fe: {  	v5 =	vadd.s32 v6, v5  }
0x2ff: {  	[tilespmem:$0x183D0] =	vst v5  }
0x300: {  	v5 =	vld.idx.msk [tilespmem:v3+s9+$0x0], $0xffff;
	_ =	sdelay $0x4  }
0x301: {  	vm14 =	vgt.f32 v5, $-1.150300030e+00;
	vm15 =	vgt.f32 v5, $-6.744999880e-01  }
0x302: {  	vm4 =	vgt.f32 v5, $-3.185999990e-01;
	v6 =	vsel vm14, $0x1, v1;
	v7 =	vsel vm15, $0x1, v1  }
0x303: {  	vm5 =	vgt.f32 v5, $0.0e+00;
	v6 =	vadd.s32 v7, v6;
	v7 =	vsel vm4, $0x1, v1  }
0x304: {  	vm6 =	vgt.f32 v5, $3.185999990e-01;
	v6 =	vadd.s32 v7, v6;
	v7 =	vsel vm5, $0x1, v1  }
0x305: {  	vm7 =	vgt.f32 v5, $6.744999880e-01;
	v6 =	vadd.s32 v7, v6;
	v7 =	vsel vm6, $0x1, v1  }
0x306: {  	vm8 =	vgt.f32 v5, $1.150300030e+00;
	v6 =	vadd.s32 v7, v6;
	v7 =	vsel vm7, $0x1, v1  }
0x307: {  	v5 =	vadd.s32 v7, v6;
	v6 =	vsel vm8, $0x1, v1  }
0x308: {  	v5 =	vadd.s32 v6, v5  }
0x309: {  	[tilespmem:$0x183E0] =	vst v5  }
0x30a: {  	v5 =	vld.idx.msk [tilespmem:v4+s9+$0x0], $0xffff;
	_ =	sdelay $0x4  }
0x30b: {  	vm9 =	vgt.f32 v5, $-1.150300030e+00;
	vm10 =	vgt.f32 v5, $-6.744999880e-01  }
0x30c: {  	vm11 =	vgt.f32 v5, $-3.185999990e-01;
	v6 =	vsel vm9, $0x1, v1;
	v7 =	vsel vm10, $0x1, v1  }
0x30d: {  	vm12 =	vgt.f32 v5, $0.0e+00;
	v6 =	vadd.s32 v7, v6;
	v7 =	vsel vm11, $0x1, v1  }
0x30e: {  	vm13 =	vgt.f32 v5, $3.185999990e-01;
	v6 =	vadd.s32 v7, v6;
	v7 =	vsel vm12, $0x1, v1  }
0x30f: {  	vm14 =	vgt.f32 v5, $6.744999880e-01;
	v6 =	vadd.s32 v7, v6;
	v7 =	vsel vm13, $0x1, v1  }
0x310: {  	vm15 =	vgt.f32 v5, $1.150300030e+00;
	v6 =	vadd.s32 v7, v6;
	v7 =	vsel vm14, $0x1, v1  }
0x311: {  	s3 =	sld [smem:$0x7EE];
	v5 =	vadd.s32 v7, v6;
	v6 =	vsel vm15, $0x1, v1  }
0x312: {  	v5 =	vadd.s32 v6, v5  }
0x313: {  	s31 =	simm.s32 $0x183C0;
	[tilespmem:$0x183F0] =	vst v5  }
0x314: {  	[hbm4b:s3+s2] =	stream.linear.scatter [tilespmem:s31], [sflag:$0xD], $0x40, $0x38;
	[tilespmem:$0x18400] =	vst v63  }
0x315: {  	_ =	swait.ge [sflag:s1], $0x40  }
0x316: {  	[sflag:s1] =	ssyncset.done $0x0  }
0x317: {  	[sflag:s1] =	ssyncadd.s32 $0xFFFFFFC0  }
0x318: {  	_ =	swait.ge [sflag:s1], $0x40  }
0x319: {  	[sflag:s1] =	ssyncset.done $0x0  }
0x31a: {  	[sflag:s1] =	ssyncadd.s32 $0xFFFFFFC0  }
0x31b: {  	_ =	swait.ge [sflag:s1], $0x40  }
0x31c: {  	[sflag:s1] =	ssyncset.done $0x0  }
0x31d: {  	[sflag:s1] =	ssyncadd.s32 $0xFFFFFFC0  }
0x31e: {  	_ =	swait.ge [sflag:s1], $0x40  }
0x31f: {  	[sflag:s1] =	ssyncset.done $0x0  }
0x320: {  	[sflag:s1] =	ssyncadd.s32 $0xFFFFFFC0  }
0x321: {  	_ =	swait.ge [sflag:s1], $0x40  }
0x322: {  	[sflag:s1] =	ssyncset.done $0x0  }
0x323: {  	[sflag:s1] =	ssyncadd.s32 $0xFFFFFFC0  }
0x324: {  	_ =	swait.ge [sflag:s1], $0x40  }
0x325: {  	[sflag:s1] =	ssyncset.done $0x0  }
0x326: {  	[sflag:s1] =	ssyncadd.s32 $0xFFFFFFC0  }
0x327: {  	_ =	swait.ge [sflag:s1], $0x40  }
0x328: {  	[sflag:s1] =	ssyncset.done $0x0  }
0x329: {  	[sflag:s1] =	ssyncadd.s32 $0xFFFFFFC0  }
0x32a: {  	_ =	swait.ge [sflag:s1], $0x40  }
0x32b: {  	[sflag:s1] =	ssyncset.done $0x0  }
0x32c: {  	[sflag:s1] =	ssyncadd.s32 $0xFFFFFFC0  }
0x32d: {  	_ =	swait.ge [sflag:s1], $0x40  }
0x32e: {  	[sflag:s1] =	ssyncset.done $0x0  }
0x32f: {  	[sflag:s1] =	ssyncadd.s32 $0xFFFFFFC0  }
0x330: {  	_ =	swait.ge [sflag:s1], $0x40  }
0x331: {  	[sflag:s1] =	ssyncset.done $0x0  }
0x332: {  	[sflag:s1] =	ssyncadd.s32 $0xFFFFFFC0  }
0x333: {  	_ =	swait.ge [sflag:s1], $0x40  }
0x334: {  	[sflag:s1] =	ssyncset.done $0x0  }
0x335: {  	[sflag:s1] =	ssyncadd.s32 $0xFFFFFFC0  }
0x336: {  	_ =	swait.ge [sflag:s1], $0x40  }
0x337: {  	[sflag:s1] =	ssyncset.done $0x0  }
0x338: {  	[sflag:s1] =	ssyncadd.s32 $0xFFFFFFC0  }
0x339: {  	_ =	swait.ge [sflag:s1], $0x40  }
0x33a: {  	[sflag:s1] =	ssyncset.done $0x0  }
0x33b: {  	[sflag:s1] =	ssyncadd.s32 $0xFFFFFFC0  }
0x33c: {  	_ =	swait.ge [sflag:s1], $0x40  }
0x33d: {  	[sflag:s1] =	ssyncset.done $0x0  }
0x33e: {  	[sflag:s1] =	ssyncadd.s32 $0xFFFFFFC0  }
0x33f: {  	p0 =	sne.s32 s5, $0x1;
	_ =	swait.ge [sflag:s1], $0x40  }
.Ltmp0:
0x340: {  	[sflag:s1] =	ssyncset.done $0x0;
	(pc) =	sbr.rel @p0 .LBB2_1-.Ltmp0, $4  }
0x341: {  	[sflag:s1] =	ssyncadd.s32 $0xFFFFFFC0  }
0x342: {  	_ =	swait.ge [sflag:s1], $0x40  }
0x343: {  	[sflag:s1] =	ssyncset.done $0x0  }
0x344: {  	s5 =	sadd.s32 $0xFFFFFFFF, s5;
	[sflag:s1] =	ssyncadd.s32 $0xFFFFFFC0  }
0x345: {  	_ =	sfence.sel $0x180000  }
0x346: {  	[bflag:$0x0] =	sbarrier.arrive $0xFFFF  }
0x347: {  	_ =	strace $0x90000047  }
0x348: {  	s0 =	stileid.u32;
	[bflag:$0x2] =	sbarrier.arrive $0xFFFF  }
0x349: {  	p0 =	sne.s32 s0, $0x0;
	s0 =	rddreg [dreg:$0x2]  }
0x34a: {  	s0 =	sadd.s32 @!p0 $0x100000, s0  }
0x34b: {  	[sflag:s0] =	ssyncadd.tile.s32 @!p0 $0x1;
	_ =	shalt  }
.Lfunc_end2:
_tile_overlayer_lowered:
.L_overlay_start_2:
0x34c: {  	(tag) =	ssettag $0x2  }
0x34d: {  	s0 =	rddreg [dreg:$0x0];
	s2 =	stileid.u32  }
0x34e: {  	s1 =	rddreg [dreg:$0x1];
	p0 =	sne.s32 s2, $0x0  }
0x34f: {  	s3 =	rddreg [dreg:$0x2];
	[bflag:$0x3] =	sbarrier.arrive $0xFFFF;
	s2 =	simm.s32 @!p0 $0x1C0E  }
0x350: {  	[timem:s3], [sflag:s2] =	dma.local @!p0 [hbm:s0], s1  }
0x351: {  	s0 =	simm.s32 @!p0 $0xE  }
0x352: {  	_ =	swait.ge @!p0 [sflag:s0], s1  }
0x353: {  	s1 =	ssub.s32 @!p0 $0x0, s1;
	[sflag:s0] =	ssyncset.done @!p0 $0x0  }
0x354: {  	[sflag:s0] =	ssyncadd.s32 @!p0 s1  }
0x355: {  	[bflag:$0x3] =	sbarrier.arrive $0xFFFF  }
0x356: {  	_ =	shalt  }

</sc_bundles>
